<compile_context>
chip_gen: v7x
topology: tpu7x:2x2x1
jax: 0.10.2.dev20260603
libtpu: 0.0.44.dev20260713+nightly
codegen_flags: <defaults>
</compile_context>

<pallas_src>
import functools

import jax
import jax.numpy as jnp
from jax import lax
from jax.experimental import pallas as pl
from jax.experimental.pallas import tpu as pltpu
from jax.experimental.pallas import tpu_sc as plsc

N = 10000
E = 320000
H = 128
NC, NS, L = 2, 16, 16
NW = NC * NS
CH = 128
CPW = 80
EP = NW * CPW * CH
ND = 10240
TN = 2048
NT = ND // TN
TE = 4096
PREC = lax.Precision.HIGHEST

f32 = jnp.float32


def _dot(a, b):
    return lax.dot_general(a, b, (((a.ndim - 1,), (0,)), ((), ())),
                           preferred_element_type=f32, precision=PREC)


def _dot_t(a, b):
    return lax.dot_general(a, b, (((0,), (0,)), ((), ())),
                           preferred_element_type=f32, precision=PREC)



def _enc_body(s_ref, w0, b0, w1, b1, w2, b2, out_ref):
    h = jnp.maximum(_dot(s_ref[...], w0[...]) + b0[...], 0.0)
    h = jnp.maximum(_dot(h, w1[...]) + b1[...], 0.0)
    out_ref[...] = _dot(h, w2[...]) + b2[...]


def _front_body(xa_ref, npm_ref, emb_ref, out_ref, z_ref):
    ph = pl.program_id(0)
    t = pl.program_id(1)
    logits = _dot(xa_ref[...], npm_ref[...])
    w = jnp.exp(logits)

    @pl.when(ph == 0)
    def _():
        zt = jnp.sum(w, axis=1, keepdims=True)

        @pl.when(t == 0)
        def _():
            z_ref[...] = zt

        @pl.when(t > 0)
        def _():
            z_ref[...] = z_ref[...] + zt

    @pl.when(ph == 1)
    def _():
        wn = (w / z_ref[...]).astype(jnp.bfloat16)
        out_ref[...] = lax.dot_general(
            wn, emb_ref[...].astype(jnp.bfloat16), (((0,), (0,)), ((), ())),
            preferred_element_type=f32)


def _ab_body(lat_ref, w1a, w1b, b1, a_ref, b_ref):
    latv = lat_ref[...]
    a_ref[...] = _dot(latv, w1a[...]) + b1[...]
    b_ref[...] = _dot(latv, w1b[...])


def _h2_body(g_ref, w2, b2, out_ref):
    gb = g_ref[...].astype(jnp.bfloat16)
    wb = w2[...].astype(jnp.bfloat16)
    h = lax.dot_general(gb, wb, (((1,), (0,)), ((), ())),
                        preferred_element_type=f32)
    out_ref[...] = jnp.maximum(h + b2[...], 0.0)


def _node_body(s2_ref, c2_ref, lat_ref, w3, b3, nw1a, nw1b, nb1, nw2, nb2,
               nw3, nb3, out_ref):
    s_sum = s2_ref[0] + s2_ref[1]
    counts = c2_ref[0] + c2_ref[1]
    inbox = _dot(s_sum, w3[...]) + counts * b3[...]
    latv = lat_ref[...]
    u = jnp.maximum(_dot(latv, nw1a[...]) + _dot(inbox, nw1b[...]) + nb1[...], 0.0)
    u = jnp.maximum(_dot(u, nw2[...]) + nb2[...], 0.0)
    out_ref[...] = latv + _dot(u, nw3[...]) + nb3[...]


def _back_body(qa_ref, npm_ref, lat_ref, d1z, d1q, db1, d2w, db2, d3w, db3,
               out_ref, z_ref, zacc_ref):
    ph = pl.program_id(0)
    t = pl.program_id(1)
    logits = _dot(qa_ref[...], npm_ref[...])
    w = jnp.exp(logits)

    @pl.when(ph == 0)
    def _():
        zt = jnp.sum(w, axis=1, keepdims=True)

        @pl.when(t == 0)
        def _():
            z_ref[...] = zt

        @pl.when(t > 0)
        def _():
            z_ref[...] = z_ref[...] + zt

    @pl.when(ph == 1)
    def _():
        contrib = lax.dot_general(
            w.astype(jnp.bfloat16), lat_ref[...].astype(jnp.bfloat16),
            (((1,), (0,)), ((), ())), preferred_element_type=f32)

        @pl.when(t == 0)
        def _():
            zacc_ref[...] = contrib

        @pl.when(t > 0)
        def _():
            zacc_ref[...] = zacc_ref[...] + contrib

        @pl.when(t == NT - 1)
        def _():
            z = zacc_ref[...] / z_ref[...]
            h = jnp.maximum(_dot(z, d1z[...]) + _dot(qa_ref[...], d1q[...])
                            + db1[...], 0.0)
            h = jnp.maximum(_dot(h, d2w[...]) + db2[...], 0.0)
            out_ref[...] = _dot(h, d3w[...]) + db3[...]



X0 = 118
NPAIR = 160


X0 = 118
NPAIR = 160
HW = H // 2


X0 = 118
NPAIR = 160


def _gather_body(a_hbm, b_hbm, ridx_hbm, sidx_hbm, g_hbm,
                 idxr_v, idxs_v, ra0, rb0, ra1, rb1, sa0, sb0, sa1, sb1):
    cid = lax.axis_index("c")
    sid = lax.axis_index("s")
    base_pair = sid * NPAIR
    pltpu.sync_copy(ridx_hbm.at[pl.ds(base_pair, NPAIR)], idxr_v)
    pltpu.sync_copy(sidx_hbm.at[pl.ds(base_pair, NPAIR)], idxs_v)

    loc0 = cid * X0
    count = jnp.where(cid == 0, X0, NPAIR - X0)

    ras, rbs = (ra0, ra1), (rb0, rb1)
    sas, sbs = (sa0, sa1), (sb0, sb1)

    def start(c_local, slot):
        pltpu.async_copy(a_hbm.at[idxr_v.at[loc0 + c_local]], ras[slot],
                         sas[slot])
        pltpu.async_copy(b_hbm.at[idxs_v.at[loc0 + c_local]], rbs[slot],
                         sbs[slot])

    start(0, 0)

    def pair(j, carry):
        for b in range(2):
            cur = 2 * j + b
            nxt = cur + 1
            slot = b
            other = 1 - b

            @pl.when(nxt < count)
            def _():
                start(nxt, other)

            pltpu.make_async_copy(a_hbm.at[idxr_v.at[loc0 + cur]], ras[slot],
                                  sas[slot]).wait()
            pltpu.make_async_copy(b_hbm.at[idxs_v.at[loc0 + cur]], rbs[slot],
                                  sbs[slot]).wait()
            ra, rb = ras[slot], rbs[slot]

            def row(i, c2):
                for c in range(H // L):
                    sl = pl.ds(c * L, L)
                    ra[i, sl] = jnp.maximum(ra[i, sl] + rb[i, sl], 0.0)
                return c2

            lax.fori_loop(0, CH, row, 0)
            pltpu.sync_copy(ra,
                            g_hbm.at[pl.ds((base_pair + loc0 + cur) * CH, CH)])
        return carry

    lax.fori_loop(0, count // 2, pair, 0)


def _scatter_body(h2_hbm, ridx_hbm, zeros_hbm, s2_out, s_sh,
                  idx_v, r0, r1, s0, s1):
    cid = lax.axis_index("c")
    sid = lax.axis_index("s")
    wid = sid * NC + cid
    c0 = wid * CPW
    rows_per_tile = ND // NS
    lo = sid * rows_per_tile

    pltpu.sync_copy(ridx_hbm.at[pl.ds(c0, CPW)], idx_v)
    pltpu.sync_copy(zeros_hbm.at[pl.ds(lo, rows_per_tile)],
                    s_sh.at[pl.ds(lo, rows_per_tile)])
    plsc.subcore_barrier()

    rs = (r0, r1)
    ss = (s0, s1)

    def start(c_local, slot):
        pltpu.async_copy(h2_hbm.at[pl.ds((c0 + c_local) * CH, CH)],
                         rs[slot], ss[slot])

    start(0, 0)

    def pair(j, carry):
        for b in range(2):
            cur = j + b
            nxt = cur + 1
            slot = b
            other = 1 - b

            @pl.when(nxt < CPW)
            def _():
                start(nxt, other)

            pltpu.make_async_copy(h2_hbm.at[pl.ds((c0 + cur) * CH, CH)],
                                  rs[slot], ss[slot]).wait()
            pltpu.sync_copy(rs[slot], s_sh.at[idx_v.at[cur]], add=True)
        return carry

    lax.fori_loop(0, CPW // 2, lambda jj, c: pair(jj * 2, c), 0)
    plsc.subcore_barrier()

    pltpu.sync_copy(s_sh.at[pl.ds(lo, rows_per_tile)],
                    s2_out.at[cid, pl.ds(lo, rows_per_tile)])


def _counts_body(ridx_hbm, zeros_hbm, ones_hbm, c_out, c_sh, idx_v, ones_v):
    cid = lax.axis_index("c")
    sid = lax.axis_index("s")
    wid = sid * NC + cid
    c0 = wid * CPW
    rows_per_tile = ND // NS
    lo = sid * rows_per_tile

    pltpu.sync_copy(ridx_hbm.at[pl.ds(c0, CPW)], idx_v)
    pltpu.sync_copy(ones_hbm, ones_v)
    pltpu.sync_copy(zeros_hbm.at[pl.ds(lo, rows_per_tile)],
                    c_sh.at[pl.ds(lo, rows_per_tile)])
    plsc.subcore_barrier()

    def chunk2(j, carry):
        pltpu.sync_copy(ones_v, c_sh.at[idx_v.at[j]], add=True)
        return carry

    lax.fori_loop(0, CPW, chunk2, 0)
    plsc.subcore_barrier()
    pltpu.sync_copy(c_sh.at[pl.ds(lo, rows_per_tile)],
                    c_out.at[cid, pl.ds(lo, rows_per_tile)])



def _row(b):
    return b.reshape(1, -1).astype(f32)


def kernel(x, s, q, node_pos, senders, receivers, params):
    P = x.shape[1]
    Q = q.shape[1]
    x2, s2, q2 = x[0].astype(f32), s[0].astype(f32), q[0].astype(f32)
    np32 = node_pos.astype(f32)
    r32 = receivers.astype(jnp.int32)
    s32 = senders.astype(jnp.int32)

    npm = jnp.concatenate([2.0 * np32.T,
                           -jnp.sum(np32 * np32, axis=1)[None, :],
                           jnp.zeros((4, N), f32)], axis=0)
    npm_pad = jnp.zeros((8, ND - N), f32).at[3, :].set(-1e30)
    npm = jnp.concatenate([npm, npm_pad], axis=1)
    xa = jnp.concatenate([x2, jnp.ones((P, 1), f32), jnp.zeros((P, 4), f32)], axis=1)
    qa = jnp.concatenate([q2, jnp.ones((Q, 1), f32), jnp.zeros((Q, 4), f32)], axis=1)

    pad = EP - E
    r_g = jnp.concatenate([r32, jnp.zeros((pad,), jnp.int32)]).reshape(EP // CH, CH)
    s_g = jnp.concatenate([s32, jnp.zeros((pad,), jnp.int32)]).reshape(EP // CH, CH)
    r_sc = jnp.concatenate([r32, jnp.full((pad,), N, jnp.int32)]).reshape(EP // CH, CH)

    zeros_nd = jnp.zeros((ND, H), f32)

    enc = params["enc"]
    dec = params["dec"]

    mesh = plsc.VectorSubcoreMesh(core_axis_name="c", subcore_axis_name="s",
                                  num_cores=NC, num_subcores=NS)

    gather_call = pl.kernel(
        _gather_body,
        out_type=jax.ShapeDtypeStruct((EP, H), f32),
        mesh=mesh,
        scratch_types=[
            pltpu.VMEM((NPAIR, CH), jnp.int32),
            pltpu.VMEM((NPAIR, CH), jnp.int32),
            pltpu.VMEM((CH, H), f32),
            pltpu.VMEM((CH, H), f32),
            pltpu.VMEM((CH, H), f32),
            pltpu.VMEM((CH, H), f32),
            pltpu.SemaphoreType.DMA,
            pltpu.SemaphoreType.DMA,
            pltpu.SemaphoreType.DMA,
            pltpu.SemaphoreType.DMA,
        ],
    )

    scatter_call = pl.kernel(
        _scatter_body,
        out_type=jax.ShapeDtypeStruct((NC, ND, H), f32),
        mesh=mesh,
        scratch_types=[
            pltpu.VMEM_SHARED((ND, H), f32),
            pltpu.VMEM((CPW, CH), jnp.int32),
            pltpu.VMEM((CH, H), f32),
            pltpu.VMEM((CH, H), f32),
            pltpu.SemaphoreType.DMA,
            pltpu.SemaphoreType.DMA,
        ],
    )

    counts_call = pl.kernel(
        _counts_body,
        out_type=jax.ShapeDtypeStruct((NC, ND, H), f32),
        mesh=mesh,
        scratch_types=[
            pltpu.VMEM_SHARED((ND, H), f32),
            pltpu.VMEM((CPW, CH), jnp.int32),
            pltpu.VMEM((CH, H), f32),
        ],
    )
    counts_parts = counts_call(r_sc, zeros_nd, jnp.ones((CH, H), f32))
    counts2 = counts_parts[:, :, :1]

    emb = pl.pallas_call(
        _enc_body,
        out_shape=jax.ShapeDtypeStruct((P, H), f32),
    )(s2, enc[0][0], _row(enc[0][1]), enc[1][0], _row(enc[1][1]),
      enc[2][0], _row(enc[2][1]))

    latents = pl.pallas_call(
        _front_body,
        grid=(2, NT),
        in_specs=[
            pl.BlockSpec((P, 8), lambda ph, t: (0, 0)),
            pl.BlockSpec((8, TN), lambda ph, t: (0, t)),
            pl.BlockSpec((P, H), lambda ph, t: (0, 0)),
        ],
        out_specs=pl.BlockSpec((TN, H), lambda ph, t: (t, 0)),
        out_shape=jax.ShapeDtypeStruct((ND, H), f32),
        scratch_shapes=[pltpu.VMEM((P, 1), f32)],
    )(xa, npm, emb)

    for bi, bp in enumerate(params["blocks"]):
        (w1, b1), (w2, b2), (w3, b3) = bp["msg"]
        (nw1, nb1), (nw2, nb2), (nw3, nb3) = bp["node"]
        w1a, w1b = w1[:H], w1[H:]
        nw1a, nw1b = nw1[:H], nw1[H:]

        a_nodes, b_nodes = pl.pallas_call(
            _ab_body,
            grid=(NT,),
            in_specs=[
                pl.BlockSpec((TN, H), lambda t: (t, 0)),
                pl.BlockSpec((H, H), lambda t: (0, 0)),
                pl.BlockSpec((H, H), lambda t: (0, 0)),
                pl.BlockSpec((1, H), lambda t: (0, 0)),
            ],
            out_specs=[pl.BlockSpec((TN, H), lambda t: (t, 0)),
                       pl.BlockSpec((TN, H), lambda t: (t, 0))],
            out_shape=[jax.ShapeDtypeStruct((ND, H), f32),
                       jax.ShapeDtypeStruct((ND, H), f32)],
        )(latents, w1a, w1b, _row(b1))

        g_edges = gather_call(a_nodes, b_nodes, r_g, s_g)

        h2 = pl.pallas_call(
            _h2_body,
            grid=(EP // TE,),
            in_specs=[
                pl.BlockSpec((TE, H), lambda t: (t, 0)),
                pl.BlockSpec((H, H), lambda t: (0, 0)),
                pl.BlockSpec((1, H), lambda t: (0, 0)),
            ],
            out_specs=pl.BlockSpec((TE, H), lambda t: (t, 0)),
            out_shape=jax.ShapeDtypeStruct((EP, H), f32),
        )(g_edges, w2, _row(b2))

        s2_parts = scatter_call(h2, r_sc, zeros_nd)

        latents = pl.pallas_call(
            _node_body,
            grid=(NT,),
            in_specs=[
                pl.BlockSpec((NC, TN, H), lambda t: (0, t, 0)),
                pl.BlockSpec((NC, TN, 1), lambda t: (0, t, 0)),
                pl.BlockSpec((TN, H), lambda t: (t, 0)),
                pl.BlockSpec((H, H), lambda t: (0, 0)),
                pl.BlockSpec((1, H), lambda t: (0, 0)),
                pl.BlockSpec((H, H), lambda t: (0, 0)),
                pl.BlockSpec((H, H), lambda t: (0, 0)),
                pl.BlockSpec((1, H), lambda t: (0, 0)),
                pl.BlockSpec((H, H), lambda t: (0, 0)),
                pl.BlockSpec((1, H), lambda t: (0, 0)),
                pl.BlockSpec((H, H), lambda t: (0, 0)),
                pl.BlockSpec((1, H), lambda t: (0, 0)),
            ],
            out_specs=pl.BlockSpec((TN, H), lambda t: (t, 0)),
            out_shape=jax.ShapeDtypeStruct((ND, H), f32),
        )(s2_parts, counts2, latents,
          w3, _row(b3), nw1a, nw1b, _row(nb1), nw2, _row(nb2), nw3, _row(nb3))

    d1 = dec[0][0]
    d1z = d1[:H]
    d1q = jnp.concatenate([d1[H:], jnp.zeros((5, H), f32)], axis=0)

    out = pl.pallas_call(
        _back_body,
        grid=(2, NT),
        in_specs=[
            pl.BlockSpec((Q, 8), lambda ph, t: (0, 0)),
            pl.BlockSpec((8, TN), lambda ph, t: (0, t)),
            pl.BlockSpec((TN, H), lambda ph, t: (t, 0)),
            pl.BlockSpec((H, H), lambda ph, t: (0, 0)),
            pl.BlockSpec((8, H), lambda ph, t: (0, 0)),
            pl.BlockSpec((1, H), lambda ph, t: (0, 0)),
            pl.BlockSpec((H, H), lambda ph, t: (0, 0)),
            pl.BlockSpec((1, H), lambda ph, t: (0, 0)),
            pl.BlockSpec((H, 8), lambda ph, t: (0, 0)),
            pl.BlockSpec((1, 8), lambda ph, t: (0, 0)),
        ],
        out_specs=pl.BlockSpec((Q, 8), lambda ph, t: (0, 0)),
        out_shape=jax.ShapeDtypeStruct((Q, 8), f32),
        scratch_shapes=[pltpu.VMEM((Q, 1), f32), pltpu.VMEM((Q, H), f32)],
    )(qa, npm, latents, d1z, d1q, _row(dec[0][1]), dec[1][0], _row(dec[1][1]),
      dec[2][0], _row(dec[2][1]))

    return out[None]

# --- scband reference (transcript-rebuilt; emitter-appended) ---
"""Pipeline reference for scband-gen-31731218382879 (READ-ONLY COPY).

The authoritative reference and input builder live on the scoring server;
editing this copy changes nothing except your own understanding.
"""

import jax, jax.numpy as jnp
import numpy as np

N_NODES = 10000
N_EDGES = 320000
HID = 128
IN_SIZE = 3
OUT_SIZE = 8
NUM_LAYERS = 2
STEPS = 3
NP_ = 1024
NQ = 2048


def init_mlp(key, din, dout, dh, l):
    dims = [din] + [dh] * l + [dout]
    keys = jax.random.split(key, len(dims) - 1)
    return [(jax.random.normal(k, (dims[i], dims[i + 1]), jnp.float32) * 0.05,
             jnp.zeros((dims[i + 1],), jnp.float32)) for i, k in enumerate(keys)]


def mlp_apply(params, x):
    for W, b in params[:-1]:
        x = jax.nn.relu(x @ W + b)
    W, b = params[-1]
    return x @ W + b


def g_scores(pts, node_pos):
    # soft assignment of points to graph nodes (graph_structure module)
    d2 = (jnp.sum(pts ** 2, -1, keepdims=True)
          - 2.0 * pts @ node_pos.T
          + jnp.sum(node_pos ** 2, -1)[None, None, :])
    return jax.nn.softmax(-d2, axis=-1)


def setup_inputs(seed: int = 0):
    key = jax.random.key(seed)
    ks = jax.random.split(key, 9)
    x = jax.random.normal(ks[0], (1, NP_, IN_SIZE), jnp.float32)
    s = jax.random.normal(ks[1], (1, NP_, OUT_SIZE), jnp.float32)
    q = jax.random.normal(ks[2], (1, NQ, IN_SIZE), jnp.float32)
    node_pos = jax.random.normal(ks[3], (N_NODES, IN_SIZE), jnp.float32)
    senders = jax.random.randint(ks[4], (N_EDGES,), 0, N_NODES)
    receivers = jax.random.randint(ks[5], (N_EDGES,), 0, N_NODES)
    params = {
        "enc": init_mlp(ks[6], OUT_SIZE, HID, HID, NUM_LAYERS),
        "dec": init_mlp(ks[7], HID + IN_SIZE, OUT_SIZE, HID, NUM_LAYERS),
        "blocks": [{"msg": init_mlp(jax.random.fold_in(ks[8], 2 * i), 2 * HID, HID, HID, NUM_LAYERS),
                    "node": init_mlp(jax.random.fold_in(ks[8], 2 * i + 1), 2 * HID, HID, HID, NUM_LAYERS)}
                   for i in range(STEPS)],
    }
    return {"x": x, "s": s, "q": q, "node_pos": node_pos,
            "senders": senders, "receivers": receivers, "params": params}


def gn_block(latents, senders, receivers, bp):
    recv = latents[:, receivers]
    send = latents[:, senders]
    messages = mlp_apply(bp["msg"], jnp.concatenate([recv, send], axis=-1))
    inbox = jnp.zeros_like(latents).at[:, receivers].add(messages)
    return latents + mlp_apply(bp["node"], jnp.concatenate([latents, inbox], axis=-1))


def reference(x, s, q, node_pos, senders, receivers, params):
    scores = g_scores(x, node_pos)
    emb = mlp_apply(params["enc"], s)
    latents = jnp.einsum("bpn,bph->bnh", scores, emb)
    for bp in params["blocks"]:
        latents = gn_block(latents, senders, receivers, bp)
    scores_q = g_scores(q, node_pos)
    z = jnp.einsum("bqn,bnh->bqh", scores_q, latents)
    return mlp_apply(params["dec"], jnp.concatenate([z, q], axis=-1))

if __name__ == "__main__":
    import jax
    _d = setup_inputs()
    print(jax.jit(kernel)(*tuple(_d.values())))

</pallas_src>

<mosaic_0001>
#map = affine_map<(d0, d1) -> (0, 0)>
#map1 = affine_map<(d0, d1) -> (0, 0, 0)>
module attributes {stable_mosaic.version = 14 : i64} {
  func.func @_counts_body(%arg0: i32, %arg1: i32, %arg2: memref<2560x128xi32, #tpu.memory_space<hbm>>, %arg3: memref<10240x128xf32, #tpu.memory_space<hbm>>, %arg4: memref<128x128xf32, #tpu.memory_space<hbm>>, %arg5: memref<2x10240x128xf32, #tpu.memory_space<hbm>>, %arg6: memref<10240x128xf32, #tpu.memory_space<vmem_shared>>, %arg7: memref<80x128xi32, #tpu.memory_space<vmem>>, %arg8: memref<128x128xf32, #tpu.memory_space<vmem>>) attributes {dimension_semantics = [#tpu.dimension_semantics<core_parallel>, #tpu.dimension_semantics<subcore_parallel>], iteration_bounds = array<i64: 2, 16>, scalar_prefetch = 0 : i64, scratch_operands = 3 : i64, tpu.core_type = #tpu.core_type<sc_vector_subcore>, window_params = [{transform_indices = #map}, {transform_indices = #map}, {transform_indices = #map}, {transform_indices = #map1}]} {
    %mul3A = arith.constant 2 : i32
    %mul3A_0 = arith.muli %arg1, %mul3A : i32
    %add3A = arith.addi %mul3A_0, %arg0 : i32
    %mul3A_1 = arith.constant 80 : i32
    %mul3A_2 = arith.muli %add3A, %mul3A_1 : i32
    %mul3A_3 = arith.constant 640 : i32
    %mul3A_4 = arith.muli %arg1, %mul3A_3 : i32
    "tpu.region"() ({
      %run_scoped3A = tpu.sem_alloc : memref<!tpu.dma_semaphore, #tpu.memory_space<semaphore_mem>>
      %dma_start3A = arith.constant 0 : i32
      %dma_start3A_11 = tpu.memref_slice %arg2[%mul3A_2, %dma_start3A] : memref<2560x128xi32, #tpu.memory_space<hbm>> -> memref<80x128xi32, #tpu.memory_space<hbm>>
      %dma_start3A_12 = arith.constant 0 : i32
      %dma_start3A_13 = tpu.memref_slice %arg2[%mul3A_2, %dma_start3A_12] : memref<2560x128xi32, #tpu.memory_space<hbm>> -> memref<80x128xi32, #tpu.memory_space<hbm>>
      tpu.enqueue_dma source(%dma_start3A_13 : memref<80x128xi32, #tpu.memory_space<hbm>>) target(%arg7 : memref<80x128xi32, #tpu.memory_space<vmem>>) target_semaphore(%run_scoped3A : memref<!tpu.dma_semaphore, #tpu.memory_space<semaphore_mem>>)
      %dma_wait3A = arith.constant 0 : i32
      %dma_wait3A_14 = tpu.memref_slice %arg2[%mul3A_2, %dma_wait3A] : memref<2560x128xi32, #tpu.memory_space<hbm>> -> memref<80x128xi32, #tpu.memory_space<hbm>>
      %dma_wait3A_15 = arith.constant 0 : i32
      %dma_wait3A_16 = tpu.memref_slice %arg2[%mul3A_2, %dma_wait3A_15] : memref<2560x128xi32, #tpu.memory_space<hbm>> -> memref<80x128xi32, #tpu.memory_space<hbm>>
      tpu.wait_dma2 semaphore(%run_scoped3A : memref<!tpu.dma_semaphore, #tpu.memory_space<semaphore_mem>>) src(%dma_wait3A_16 : memref<80x128xi32, #tpu.memory_space<hbm>>) dst(%arg7 : memref<80x128xi32, #tpu.memory_space<vmem>>)
      tpu.yield
    }) : () -> ()
    "tpu.region"() ({
      %run_scoped3A = tpu.sem_alloc : memref<!tpu.dma_semaphore, #tpu.memory_space<semaphore_mem>>
      tpu.enqueue_dma source(%arg4 : memref<128x128xf32, #tpu.memory_space<hbm>>) target(%arg8 : memref<128x128xf32, #tpu.memory_space<vmem>>) target_semaphore(%run_scoped3A : memref<!tpu.dma_semaphore, #tpu.memory_space<semaphore_mem>>)
      tpu.wait_dma2 semaphore(%run_scoped3A : memref<!tpu.dma_semaphore, #tpu.memory_space<semaphore_mem>>) src(%arg4 : memref<128x128xf32, #tpu.memory_space<hbm>>) dst(%arg8 : memref<128x128xf32, #tpu.memory_space<vmem>>)
      tpu.yield
    }) : () -> ()
    "tpu.region"() ({
      %run_scoped3A = tpu.sem_alloc : memref<!tpu.dma_semaphore, #tpu.memory_space<semaphore_mem>>
      %dma_start3A = arith.constant 0 : i32
      %dma_start3A_11 = tpu.memref_slice %arg6[%mul3A_4, %dma_start3A] : memref<10240x128xf32, #tpu.memory_space<vmem_shared>> -> memref<640x128xf32, #tpu.memory_space<vmem_shared>>
      %dma_start3A_12 = arith.constant 0 : i32
      %dma_start3A_13 = tpu.memref_slice %arg3[%mul3A_4, %dma_start3A_12] : memref<10240x128xf32, #tpu.memory_space<hbm>> -> memref<640x128xf32, #tpu.memory_space<hbm>>
      tpu.enqueue_dma source(%dma_start3A_13 : memref<640x128xf32, #tpu.memory_space<hbm>>) target(%dma_start3A_11 : memref<640x128xf32, #tpu.memory_space<vmem_shared>>) target_semaphore(%run_scoped3A : memref<!tpu.dma_semaphore, #tpu.memory_space<semaphore_mem>>)
      %dma_wait3A = arith.constant 0 : i32
      %dma_wait3A_14 = tpu.memref_slice %arg6[%mul3A_4, %dma_wait3A] : memref<10240x128xf32, #tpu.memory_space<vmem_shared>> -> memref<640x128xf32, #tpu.memory_space<vmem_shared>>
      %dma_wait3A_15 = arith.constant 0 : i32
      %dma_wait3A_16 = tpu.memref_slice %arg3[%mul3A_4, %dma_wait3A_15] : memref<10240x128xf32, #tpu.memory_space<hbm>> -> memref<640x128xf32, #tpu.memory_space<hbm>>
      tpu.wait_dma2 semaphore(%run_scoped3A : memref<!tpu.dma_semaphore, #tpu.memory_space<semaphore_mem>>) src(%dma_wait3A_16 : memref<640x128xf32, #tpu.memory_space<hbm>>) dst(%dma_wait3A_14 : memref<640x128xf32, #tpu.memory_space<vmem_shared>>)
      tpu.yield
    }) : () -> ()
    %barrier3A = arith.constant 0 : index
    tpu.barrier barrier_id(%barrier3A)
    %scan3A = arith.constant 0 : i32
    %scan3A_5 = arith.constant 0 : i32
    %scan3A_6 = arith.constant 80 : i32
    %scan3A_7 = arith.addi %scan3A_5, %scan3A_6 : i32
    %scan3A_8 = arith.constant 1 : i32
    scf.for %scan3A_11 = %scan3A_5 to %scan3A_7 step %scan3A_8  : i32 {
      "tpu.region"() ({
        %run_scoped3A = tpu.sem_alloc : memref<!tpu.dma_semaphore, #tpu.memory_space<semaphore_mem>>
        %dma_start3A = arith.constant 0 : i32
        %dma_start3A_12 = tpu.memref_slice %arg7[%scan3A_11, %dma_start3A] : memref<80x128xi32, #tpu.memory_space<vmem>> -> memref<1x128xi32, #tpu.memory_space<vmem>>
        %dma_start3A_13 = tpu.memref_squeeze %dma_start3A_12 : memref<1x128xi32, #tpu.memory_space<vmem>> -> memref<128xi32, #tpu.memory_space<vmem>>
        %dma_start3A_14 = arith.constant 0 : i32
        %dma_start3A_15 = arith.constant 0 : i32
        %dma_start3A_16 = tpu.memref_slice %arg6[%dma_start3A_14, %dma_start3A_15] : memref<10240x128xf32, #tpu.memory_space<vmem_shared>> -> memref<10240x128xf32, #tpu.memory_space<vmem_shared>>
        tpu.enqueue_indirect_dma source(%arg8 : memref<128x128xf32, #tpu.memory_space<vmem>>) target(%dma_start3A_16 : memref<10240x128xf32, #tpu.memory_space<vmem_shared>>) offsets(%dma_start3A_13 : memref<128xi32, #tpu.memory_space<vmem>>) semaphore(%run_scoped3A : memref<!tpu.dma_semaphore, #tpu.memory_space<semaphore_mem>>) {add = true}
        %dma_wait3A = arith.constant 0 : i32
        %dma_wait3A_17 = tpu.memref_slice %arg7[%scan3A_11, %dma_wait3A] : memref<80x128xi32, #tpu.memory_space<vmem>> -> memref<1x128xi32, #tpu.memory_space<vmem>>
        %dma_wait3A_18 = tpu.memref_squeeze %dma_wait3A_17 : memref<1x128xi32, #tpu.memory_space<vmem>> -> memref<128xi32, #tpu.memory_space<vmem>>
        %dma_wait3A_19 = arith.constant 0 : i32
        %dma_wait3A_20 = arith.constant 0 : i32
        %dma_wait3A_21 = tpu.memref_slice %arg6[%dma_wait3A_19, %dma_wait3A_20] : memref<10240x128xf32, #tpu.memory_space<vmem_shared>> -> memref<10240x128xf32, #tpu.memory_space<vmem_shared>>
        tpu.wait_indirect_dma semaphore(%run_scoped3A : memref<!tpu.dma_semaphore, #tpu.memory_space<semaphore_mem>>) src(%arg8 : memref<128x128xf32, #tpu.memory_space<vmem>>) dst(%dma_wait3A_21 : memref<10240x128xf32, #tpu.memory_space<vmem_shared>>)
        tpu.yield
      }) : () -> ()
    }
    %scan3A_9 = arith.constant 80 : i32
    %barrier3A_10 = arith.constant 0 : index
    tpu.barrier barrier_id(%barrier3A_10)
    "tpu.region"() ({
      %run_scoped3A = tpu.sem_alloc : memref<!tpu.dma_semaphore, #tpu.memory_space<semaphore_mem>>
      %dma_start3A = arith.constant 0 : i32
      %dma_start3A_11 = tpu.memref_slice %arg5[%arg0, %mul3A_4, %dma_start3A] : memref<2x10240x128xf32, #tpu.memory_space<hbm>> -> memref<1x640x128xf32, #tpu.memory_space<hbm>>
      %dma_start3A_12 = tpu.memref_squeeze %dma_start3A_11 : memref<1x640x128xf32, #tpu.memory_space<hbm>> -> memref<640x128xf32, #tpu.memory_space<hbm>>
      %dma_start3A_13 = arith.constant 0 : i32
      %dma_start3A_14 = tpu.memref_slice %arg6[%mul3A_4, %dma_start3A_13] : memref<10240x128xf32, #tpu.memory_space<vmem_shared>> -> memref<640x128xf32, #tpu.memory_space<vmem_shared>>
      tpu.enqueue_dma source(%dma_start3A_14 : memref<640x128xf32, #tpu.memory_space<vmem_shared>>) target(%dma_start3A_12 : memref<640x128xf32, #tpu.memory_space<hbm>>) target_semaphore(%run_scoped3A : memref<!tpu.dma_semaphore, #tpu.memory_space<semaphore_mem>>)
      %dma_wait3A = arith.constant 0 : i32
      %dma_wait3A_15 = tpu.memref_slice %arg5[%arg0, %mul3A_4, %dma_wait3A] : memref<2x10240x128xf32, #tpu.memory_space<hbm>> -> memref<1x640x128xf32, #tpu.memory_space<hbm>>
      %dma_wait3A_16 = tpu.memref_squeeze %dma_wait3A_15 : memref<1x640x128xf32, #tpu.memory_space<hbm>> -> memref<640x128xf32, #tpu.memory_space<hbm>>
      %dma_wait3A_17 = arith.constant 0 : i32
      %dma_wait3A_18 = tpu.memref_slice %arg6[%mul3A_4, %dma_wait3A_17] : memref<10240x128xf32, #tpu.memory_space<vmem_shared>> -> memref<640x128xf32, #tpu.memory_space<vmem_shared>>
      tpu.wait_dma2 semaphore(%run_scoped3A : memref<!tpu.dma_semaphore, #tpu.memory_space<semaphore_mem>>) src(%dma_wait3A_18 : memref<640x128xf32, #tpu.memory_space<vmem_shared>>) dst(%dma_wait3A_16 : memref<640x128xf32, #tpu.memory_space<hbm>>)
      tpu.yield
    }) : () -> ()
    return
  }
}

#map = affine_map<(d0, d1) -> (0, 0)>
#map1 = affine_map<(d0, d1) -> (0, 0, 0)>
module attributes {stable_mosaic.version = 14 : i64} {
  func.func @_scatter_body(%arg0: i32, %arg1: i32, %arg2: memref<327680x128xf32, #tpu.memory_space<hbm>>, %arg3: memref<2560x128xi32, #tpu.memory_space<hbm>>, %arg4: memref<10240x128xf32, #tpu.memory_space<hbm>>, %arg5: memref<2x10240x128xf32, #tpu.memory_space<hbm>>, %arg6: memref<10240x128xf32, #tpu.memory_space<vmem_shared>>, %arg7: memref<80x128xi32, #tpu.memory_space<vmem>>, %arg8: memref<128x128xf32, #tpu.memory_space<vmem>>, %arg9: memref<128x128xf32, #tpu.memory_space<vmem>>, %arg10: memref<!tpu.dma_semaphore, #tpu.memory_space<semaphore_mem>>, %arg11: memref<!tpu.dma_semaphore, #tpu.memory_space<semaphore_mem>>) attributes {dimension_semantics = [#tpu.dimension_semantics<core_parallel>, #tpu.dimension_semantics<subcore_parallel>], iteration_bounds = array<i64: 2, 16>, scalar_prefetch = 0 : i64, scratch_operands = 6 : i64, tpu.core_type = #tpu.core_type<sc_vector_subcore>, window_params = [{transform_indices = #map}, {transform_indices = #map}, {transform_indices = #map}, {transform_indices = #map1}]} {
    %mul3A = arith.constant 2 : i32
    %mul3A_0 = arith.muli %arg1, %mul3A : i32
    %add3A = arith.addi %mul3A_0, %arg0 : i32
    %mul3A_1 = arith.constant 80 : i32
    %mul3A_2 = arith.muli %add3A, %mul3A_1 : i32
    %mul3A_3 = arith.constant 640 : i32
    %mul3A_4 = arith.muli %arg1, %mul3A_3 : i32
    "tpu.region"() ({
      %run_scoped3A = tpu.sem_alloc : memref<!tpu.dma_semaphore, #tpu.memory_space<semaphore_mem>>
      %dma_start3A_18 = arith.constant 0 : i32
      %dma_start3A_19 = tpu.memref_slice %arg3[%mul3A_2, %dma_start3A_18] : memref<2560x128xi32, #tpu.memory_space<hbm>> -> memref<80x128xi32, #tpu.memory_space<hbm>>
      %dma_start3A_20 = arith.constant 0 : i32
      %dma_start3A_21 = tpu.memref_slice %arg3[%mul3A_2, %dma_start3A_20] : memref<2560x128xi32, #tpu.memory_space<hbm>> -> memref<80x128xi32, #tpu.memory_space<hbm>>
      tpu.enqueue_dma source(%dma_start3A_21 : memref<80x128xi32, #tpu.memory_space<hbm>>) target(%arg7 : memref<80x128xi32, #tpu.memory_space<vmem>>) target_semaphore(%run_scoped3A : memref<!tpu.dma_semaphore, #tpu.memory_space<semaphore_mem>>)
      %dma_wait3A = arith.constant 0 : i32
      %dma_wait3A_22 = tpu.memref_slice %arg3[%mul3A_2, %dma_wait3A] : memref<2560x128xi32, #tpu.memory_space<hbm>> -> memref<80x128xi32, #tpu.memory_space<hbm>>
      %dma_wait3A_23 = arith.constant 0 : i32
      %dma_wait3A_24 = tpu.memref_slice %arg3[%mul3A_2, %dma_wait3A_23] : memref<2560x128xi32, #tpu.memory_space<hbm>> -> memref<80x128xi32, #tpu.memory_space<hbm>>
      tpu.wait_dma2 semaphore(%run_scoped3A : memref<!tpu.dma_semaphore, #tpu.memory_space<semaphore_mem>>) src(%dma_wait3A_24 : memref<80x128xi32, #tpu.memory_space<hbm>>) dst(%arg7 : memref<80x128xi32, #tpu.memory_space<vmem>>)
      tpu.yield
    }) : () -> ()
    "tpu.region"() ({
      %run_scoped3A = tpu.sem_alloc : memref<!tpu.dma_semaphore, #tpu.memory_space<semaphore_mem>>
      %dma_start3A_18 = arith.constant 0 : i32
      %dma_start3A_19 = tpu.memref_slice %arg6[%mul3A_4, %dma_start3A_18] : memref<10240x128xf32, #tpu.memory_space<vmem_shared>> -> memref<640x128xf32, #tpu.memory_space<vmem_shared>>
      %dma_start3A_20 = arith.constant 0 : i32
      %dma_start3A_21 = tpu.memref_slice %arg4[%mul3A_4, %dma_start3A_20] : memref<10240x128xf32, #tpu.memory_space<hbm>> -> memref<640x128xf32, #tpu.memory_space<hbm>>
      tpu.enqueue_dma source(%dma_start3A_21 : memref<640x128xf32, #tpu.memory_space<hbm>>) target(%dma_start3A_19 : memref<640x128xf32, #tpu.memory_space<vmem_shared>>) target_semaphore(%run_scoped3A : memref<!tpu.dma_semaphore, #tpu.memory_space<semaphore_mem>>)
      %dma_wait3A = arith.constant 0 : i32
      %dma_wait3A_22 = tpu.memref_slice %arg6[%mul3A_4, %dma_wait3A] : memref<10240x128xf32, #tpu.memory_space<vmem_shared>> -> memref<640x128xf32, #tpu.memory_space<vmem_shared>>
      %dma_wait3A_23 = arith.constant 0 : i32
      %dma_wait3A_24 = tpu.memref_slice %arg4[%mul3A_4, %dma_wait3A_23] : memref<10240x128xf32, #tpu.memory_space<hbm>> -> memref<640x128xf32, #tpu.memory_space<hbm>>
      tpu.wait_dma2 semaphore(%run_scoped3A : memref<!tpu.dma_semaphore, #tpu.memory_space<semaphore_mem>>) src(%dma_wait3A_24 : memref<640x128xf32, #tpu.memory_space<hbm>>) dst(%dma_wait3A_22 : memref<640x128xf32, #tpu.memory_space<vmem_shared>>)
      tpu.yield
    }) : () -> ()
    %barrier3A = arith.constant 0 : index
    tpu.barrier barrier_id(%barrier3A)
    %add3A_5 = arith.constant 0 : i32
    %add3A_6 = arith.addi %mul3A_2, %add3A_5 : i32
    %mul3A_7 = arith.constant 128 : i32
    %mul3A_8 = arith.muli %add3A_6, %mul3A_7 : i32
    %dma_start3A = arith.constant 0 : i32
    %dma_start3A_9 = tpu.memref_slice %arg2[%mul3A_8, %dma_start3A] : memref<327680x128xf32, #tpu.memory_space<hbm>> -> memref<128x128xf32, #tpu.memory_space<hbm>>
    %dma_start3A_10 = arith.constant 0 : i32
    %dma_start3A_11 = tpu.memref_slice %arg2[%mul3A_8, %dma_start3A_10] : memref<327680x128xf32, #tpu.memory_space<hbm>> -> memref<128x128xf32, #tpu.memory_space<hbm>>
    tpu.enqueue_dma source(%dma_start3A_11 : memref<128x128xf32, #tpu.memory_space<hbm>>) target(%arg8 : memref<128x128xf32, #tpu.memory_space<vmem>>) target_semaphore(%arg10 : memref<!tpu.dma_semaphore, #tpu.memory_space<semaphore_mem>>)
    %scan3A = arith.constant 0 : i32
    %scan3A_12 = arith.constant 0 : i32
    %scan3A_13 = arith.constant 40 : i32
    %scan3A_14 = arith.addi %scan3A_12, %scan3A_13 : i32
    %scan3A_15 = arith.constant 1 : i32
    scf.for %scan3A_18 = %scan3A_12 to %scan3A_14 step %scan3A_15  : i32 {
      %mul3A_19 = arith.constant 2 : i32
      %mul3A_20 = arith.muli %scan3A_18, %mul3A_19 : i32
      %add3A_21 = arith.constant 0 : i32
      %add3A_22 = arith.addi %mul3A_20, %add3A_21 : i32
      %add3A_23 = arith.constant 1 : i32
      %add3A_24 = arith.addi %add3A_22, %add3A_23 : i32
      %lt3A = arith.constant 80 : i32
      %lt3A_25 = arith.cmpi slt, %add3A_24, %lt3A : i32
      %convert_element_type3A = arith.extui %lt3A_25 : i1 to i32
      %cond3A = arith.constant 0 : i32
      %cond3A_26 = arith.cmpi ne, %convert_element_type3A, %cond3A : i32
      scf.if %cond3A_26 {
        %add3A_49 = arith.addi %mul3A_2, %add3A_24 : i32
        %mul3A_50 = arith.constant 128 : i32
        %mul3A_51 = arith.muli %add3A_49, %mul3A_50 : i32
        %dma_start3A_52 = arith.constant 0 : i32
        %dma_start3A_53 = tpu.memref_slice %arg2[%mul3A_51, %dma_start3A_52] : memref<327680x128xf32, #tpu.memory_space<hbm>> -> memref<128x128xf32, #tpu.memory_space<hbm>>
        %dma_start3A_54 = arith.constant 0 : i32
        %dma_start3A_55 = tpu.memref_slice %arg2[%mul3A_51, %dma_start3A_54] : memref<327680x128xf32, #tpu.memory_space<hbm>> -> memref<128x128xf32, #tpu.memory_space<hbm>>
        tpu.enqueue_dma source(%dma_start3A_55 : memref<128x128xf32, #tpu.memory_space<hbm>>) target(%arg9 : memref<128x128xf32, #tpu.memory_space<vmem>>) target_semaphore(%arg11 : memref<!tpu.dma_semaphore, #tpu.memory_space<semaphore_mem>>)
      } else {
      }
      %add3A_27 = arith.addi %mul3A_2, %add3A_22 : i32
      %mul3A_28 = arith.constant 128 : i32
      %mul3A_29 = arith.muli %add3A_27, %mul3A_28 : i32
      %dma_wait3A = arith.constant 0 : i32
      %dma_wait3A_30 = tpu.memref_slice %arg2[%mul3A_29, %dma_wait3A] : memref<327680x128xf32, #tpu.memory_space<hbm>> -> memref<128x128xf32, #tpu.memory_space<hbm>>
      %dma_wait3A_31 = arith.constant 0 : i32
      %dma_wait3A_32 = tpu.memref_slice %arg2[%mul3A_29, %dma_wait3A_31] : memref<327680x128xf32, #tpu.memory_space<hbm>> -> memref<128x128xf32, #tpu.memory_space<hbm>>
      tpu.wait_dma2 semaphore(%arg10 : memref<!tpu.dma_semaphore, #tpu.memory_space<semaphore_mem>>) src(%dma_wait3A_32 : memref<128x128xf32, #tpu.memory_space<hbm>>) dst(%arg8 : memref<128x128xf32, #tpu.memory_space<vmem>>)
      "tpu.region"() ({
        %run_scoped3A = tpu.sem_alloc : memref<!tpu.dma_semaphore, #tpu.memory_space<semaphore_mem>>
        %dma_start3A_49 = arith.constant 0 : i32
        %dma_start3A_50 = tpu.memref_slice %arg7[%add3A_22, %dma_start3A_49] : memref<80x128xi32, #tpu.memory_space<vmem>> -> memref<1x128xi32, #tpu.memory_space<vmem>>
        %dma_start3A_51 = tpu.memref_squeeze %dma_start3A_50 : memref<1x128xi32, #tpu.memory_space<vmem>> -> memref<128xi32, #tpu.memory_space<vmem>>
        %dma_start3A_52 = arith.constant 0 : i32
        %dma_start3A_53 = arith.constant 0 : i32
        %dma_start3A_54 = tpu.memref_slice %arg6[%dma_start3A_52, %dma_start3A_53] : memref<10240x128xf32, #tpu.memory_space<vmem_shared>> -> memref<10240x128xf32, #tpu.memory_space<vmem_shared>>
        tpu.enqueue_indirect_dma source(%arg8 : memref<128x128xf32, #tpu.memory_space<vmem>>) target(%dma_start3A_54 : memref<10240x128xf32, #tpu.memory_space<vmem_shared>>) offsets(%dma_start3A_51 : memref<128xi32, #tpu.memory_space<vmem>>) semaphore(%run_scoped3A : memref<!tpu.dma_semaphore, #tpu.memory_space<semaphore_mem>>) {add = true}
        %dma_wait3A_55 = arith.constant 0 : i32
        %dma_wait3A_56 = tpu.memref_slice %arg7[%add3A_22, %dma_wait3A_55] : memref<80x128xi32, #tpu.memory_space<vmem>> -> memref<1x128xi32, #tpu.memory_space<vmem>>
        %dma_wait3A_57 = tpu.memref_squeeze %dma_wait3A_56 : memref<1x128xi32, #tpu.memory_space<vmem>> -> memref<128xi32, #tpu.memory_space<vmem>>
        %dma_wait3A_58 = arith.constant 0 : i32
        %dma_wait3A_59 = arith.constant 0 : i32
        %dma_wait3A_60 = tpu.memref_slice %arg6[%dma_wait3A_58, %dma_wait3A_59] : memref<10240x128xf32, #tpu.memory_space<vmem_shared>> -> memref<10240x128xf32, #tpu.memory_space<vmem_shared>>
        tpu.wait_indirect_dma semaphore(%run_scoped3A : memref<!tpu.dma_semaphore, #tpu.memory_space<semaphore_mem>>) src(%arg8 : memref<128x128xf32, #tpu.memory_space<vmem>>) dst(%dma_wait3A_60 : memref<10240x128xf32, #tpu.memory_space<vmem_shared>>)
        tpu.yield
      }) : () -> ()
      %add3A_33 = arith.constant 1 : i32
      %add3A_34 = arith.addi %mul3A_20, %add3A_33 : i32
      %add3A_35 = arith.constant 1 : i32
      %add3A_36 = arith.addi %add3A_34, %add3A_35 : i32
      %lt3A_37 = arith.constant 80 : i32
      %lt3A_38 = arith.cmpi slt, %add3A_36, %lt3A_37 : i32
      %convert_element_type3A_39 = arith.extui %lt3A_38 : i1 to i32
      %cond3A_40 = arith.constant 0 : i32
      %cond3A_41 = arith.cmpi ne, %convert_element_type3A_39, %cond3A_40 : i32
      scf.if %cond3A_41 {
        %add3A_49 = arith.addi %mul3A_2, %add3A_36 : i32
        %mul3A_50 = arith.constant 128 : i32
        %mul3A_51 = arith.muli %add3A_49, %mul3A_50 : i32
        %dma_start3A_52 = arith.constant 0 : i32
        %dma_start3A_53 = tpu.memref_slice %arg2[%mul3A_51, %dma_start3A_52] : memref<327680x128xf32, #tpu.memory_space<hbm>> -> memref<128x128xf32, #tpu.memory_space<hbm>>
        %dma_start3A_54 = arith.constant 0 : i32
        %dma_start3A_55 = tpu.memref_slice %arg2[%mul3A_51, %dma_start3A_54] : memref<327680x128xf32, #tpu.memory_space<hbm>> -> memref<128x128xf32, #tpu.memory_space<hbm>>
        tpu.enqueue_dma source(%dma_start3A_55 : memref<128x128xf32, #tpu.memory_space<hbm>>) target(%arg8 : memref<128x128xf32, #tpu.memory_space<vmem>>) target_semaphore(%arg10 : memref<!tpu.dma_semaphore, #tpu.memory_space<semaphore_mem>>)
      } else {
      }
      %add3A_42 = arith.addi %mul3A_2, %add3A_34 : i32
      %mul3A_43 = arith.constant 128 : i32
      %mul3A_44 = arith.muli %add3A_42, %mul3A_43 : i32
      %dma_wait3A_45 = arith.constant 0 : i32
      %dma_wait3A_46 = tpu.memref_slice %arg2[%mul3A_44, %dma_wait3A_45] : memref<327680x128xf32, #tpu.memory_space<hbm>> -> memref<128x128xf32, #tpu.memory_space<hbm>>
      %dma_wait3A_47 = arith.constant 0 : i32
      %dma_wait3A_48 = tpu.memref_slice %arg2[%mul3A_44, %dma_wait3A_47] : memref<327680x128xf32, #tpu.memory_space<hbm>> -> memref<128x128xf32, #tpu.memory_space<hbm>>
      tpu.wait_dma2 semaphore(%arg11 : memref<!tpu.dma_semaphore, #tpu.memory_space<semaphore_mem>>) src(%dma_wait3A_48 : memref<128x128xf32, #tpu.memory_space<hbm>>) dst(%arg9 : memref<128x128xf32, #tpu.memory_space<vmem>>)
      "tpu.region"() ({
        %run_scoped3A = tpu.sem_alloc : memref<!tpu.dma_semaphore, #tpu.memory_space<semaphore_mem>>
        %dma_start3A_49 = arith.constant 0 : i32
        %dma_start3A_50 = tpu.memref_slice %arg7[%add3A_34, %dma_start3A_49] : memref<80x128xi32, #tpu.memory_space<vmem>> -> memref<1x128xi32, #tpu.memory_space<vmem>>
        %dma_start3A_51 = tpu.memref_squeeze %dma_start3A_50 : memref<1x128xi32, #tpu.memory_space<vmem>> -> memref<128xi32, #tpu.memory_space<vmem>>
        %dma_start3A_52 = arith.constant 0 : i32
        %dma_start3A_53 = arith.constant 0 : i32
        %dma_start3A_54 = tpu.memref_slice %arg6[%dma_start3A_52, %dma_start3A_53] : memref<10240x128xf32, #tpu.memory_space<vmem_shared>> -> memref<10240x128xf32, #tpu.memory_space<vmem_shared>>
        tpu.enqueue_indirect_dma source(%arg9 : memref<128x128xf32, #tpu.memory_space<vmem>>) target(%dma_start3A_54 : memref<10240x128xf32, #tpu.memory_space<vmem_shared>>) offsets(%dma_start3A_51 : memref<128xi32, #tpu.memory_space<vmem>>) semaphore(%run_scoped3A : memref<!tpu.dma_semaphore, #tpu.memory_space<semaphore_mem>>) {add = true}
        %dma_wait3A_55 = arith.constant 0 : i32
        %dma_wait3A_56 = tpu.memref_slice %arg7[%add3A_34, %dma_wait3A_55] : memref<80x128xi32, #tpu.memory_space<vmem>> -> memref<1x128xi32, #tpu.memory_space<vmem>>
        %dma_wait3A_57 = tpu.memref_squeeze %dma_wait3A_56 : memref<1x128xi32, #tpu.memory_space<vmem>> -> memref<128xi32, #tpu.memory_space<vmem>>
        %dma_wait3A_58 = arith.constant 0 : i32
        %dma_wait3A_59 = arith.constant 0 : i32
        %dma_wait3A_60 = tpu.memref_slice %arg6[%dma_wait3A_58, %dma_wait3A_59] : memref<10240x128xf32, #tpu.memory_space<vmem_shared>> -> memref<10240x128xf32, #tpu.memory_space<vmem_shared>>
        tpu.wait_indirect_dma semaphore(%run_scoped3A : memref<!tpu.dma_semaphore, #tpu.memory_space<semaphore_mem>>) src(%arg9 : memref<128x128xf32, #tpu.memory_space<vmem>>) dst(%dma_wait3A_60 : memref<10240x128xf32, #tpu.memory_space<vmem_shared>>)
        tpu.yield
      }) : () -> ()
    }
    %scan3A_16 = arith.constant 40 : i32
    %barrier3A_17 = arith.constant 0 : index
    tpu.barrier barrier_id(%barrier3A_17)
    "tpu.region"() ({
      %run_scoped3A = tpu.sem_alloc : memref<!tpu.dma_semaphore, #tpu.memory_space<semaphore_mem>>
      %dma_start3A_18 = arith.constant 0 : i32
      %dma_start3A_19 = tpu.memref_slice %arg5[%arg0, %mul3A_4, %dma_start3A_18] : memref<2x10240x128xf32, #tpu.memory_space<hbm>> -> memref<1x640x128xf32, #tpu.memory_space<hbm>>
      %dma_start3A_20 = tpu.memref_squeeze %dma_start3A_19 : memref<1x640x128xf32, #tpu.memory_space<hbm>> -> memref<640x128xf32, #tpu.memory_space<hbm>>
      %dma_start3A_21 = arith.constant 0 : i32
      %dma_start3A_22 = tpu.memref_slice %arg6[%mul3A_4, %dma_start3A_21] : memref<10240x128xf32, #tpu.memory_space<vmem_shared>> -> memref<640x128xf32, #tpu.memory_space<vmem_shared>>
      tpu.enqueue_dma source(%dma_start3A_22 : memref<640x128xf32, #tpu.memory_space<vmem_shared>>) target(%dma_start3A_20 : memref<640x128xf32, #tpu.memory_space<hbm>>) target_semaphore(%run_scoped3A : memref<!tpu.dma_semaphore, #tpu.memory_space<semaphore_mem>>)
      %dma_wait3A = arith.constant 0 : i32
      %dma_wait3A_23 = tpu.memref_slice %arg5[%arg0, %mul3A_4, %dma_wait3A] : memref<2x10240x128xf32, #tpu.memory_space<hbm>> -> memref<1x640x128xf32, #tpu.memory_space<hbm>>
      %dma_wait3A_24 = tpu.memref_squeeze %dma_wait3A_23 : memref<1x640x128xf32, #tpu.memory_space<hbm>> -> memref<640x128xf32, #tpu.memory_space<hbm>>
      %dma_wait3A_25 = arith.constant 0 : i32
      %dma_wait3A_26 = tpu.memref_slice %arg6[%mul3A_4, %dma_wait3A_25] : memref<10240x128xf32, #tpu.memory_space<vmem_shared>> -> memref<640x128xf32, #tpu.memory_space<vmem_shared>>
      tpu.wait_dma2 semaphore(%run_scoped3A : memref<!tpu.dma_semaphore, #tpu.memory_space<semaphore_mem>>) src(%dma_wait3A_26 : memref<640x128xf32, #tpu.memory_space<vmem_shared>>) dst(%dma_wait3A_24 : memref<640x128xf32, #tpu.memory_space<hbm>>)
      tpu.yield
    }) : () -> ()
    return
  }
}

#map = affine_map<(d0, d1) -> (0, 0)>
module attributes {stable_mosaic.version = 14 : i64} {
  func.func @_gather_body(%arg0: i32, %arg1: i32, %arg2: memref<10240x128xf32, #tpu.memory_space<hbm>>, %arg3: memref<10240x128xf32, #tpu.memory_space<hbm>>, %arg4: memref<2560x128xi32, #tpu.memory_space<hbm>>, %arg5: memref<2560x128xi32, #tpu.memory_space<hbm>>, %arg6: memref<327680x128xf32, #tpu.memory_space<hbm>>, %arg7: memref<160x128xi32, #tpu.memory_space<vmem>>, %arg8: memref<160x128xi32, #tpu.memory_space<vmem>>, %arg9: memref<128x128xf32, #tpu.memory_space<vmem>>, %arg10: memref<128x128xf32, #tpu.memory_space<vmem>>, %arg11: memref<128x128xf32, #tpu.memory_space<vmem>>, %arg12: memref<128x128xf32, #tpu.memory_space<vmem>>, %arg13: memref<!tpu.dma_semaphore, #tpu.memory_space<semaphore_mem>>, %arg14: memref<!tpu.dma_semaphore, #tpu.memory_space<semaphore_mem>>, %arg15: memref<!tpu.dma_semaphore, #tpu.memory_space<semaphore_mem>>, %arg16: memref<!tpu.dma_semaphore, #tpu.memory_space<semaphore_mem>>) attributes {dimension_semantics = [#tpu.dimension_semantics<core_parallel>, #tpu.dimension_semantics<subcore_parallel>], iteration_bounds = array<i64: 2, 16>, scalar_prefetch = 0 : i64, scratch_operands = 10 : i64, tpu.core_type = #tpu.core_type<sc_vector_subcore>, window_params = [{transform_indices = #map}, {transform_indices = #map}, {transform_indices = #map}, {transform_indices = #map}, {transform_indices = #map}]} {
    %mul3A = arith.constant 160 : i32
    %mul3A_0 = arith.muli %arg1, %mul3A : i32
    "tpu.region"() ({
      %run_scoped3A = tpu.sem_alloc : memref<!tpu.dma_semaphore, #tpu.memory_space<semaphore_mem>>
      %dma_start3A_46 = arith.constant 0 : i32
      %dma_start3A_47 = tpu.memref_slice %arg4[%mul3A_0, %dma_start3A_46] : memref<2560x128xi32, #tpu.memory_space<hbm>> -> memref<160x128xi32, #tpu.memory_space<hbm>>
      %dma_start3A_48 = arith.constant 0 : i32
      %dma_start3A_49 = tpu.memref_slice %arg4[%mul3A_0, %dma_start3A_48] : memref<2560x128xi32, #tpu.memory_space<hbm>> -> memref<160x128xi32, #tpu.memory_space<hbm>>
      tpu.enqueue_dma source(%dma_start3A_49 : memref<160x128xi32, #tpu.memory_space<hbm>>) target(%arg7 : memref<160x128xi32, #tpu.memory_space<vmem>>) target_semaphore(%run_scoped3A : memref<!tpu.dma_semaphore, #tpu.memory_space<semaphore_mem>>)
      %dma_wait3A = arith.constant 0 : i32
      %dma_wait3A_50 = tpu.memref_slice %arg4[%mul3A_0, %dma_wait3A] : memref<2560x128xi32, #tpu.memory_space<hbm>> -> memref<160x128xi32, #tpu.memory_space<hbm>>
      %dma_wait3A_51 = arith.constant 0 : i32
      %dma_wait3A_52 = tpu.memref_slice %arg4[%mul3A_0, %dma_wait3A_51] : memref<2560x128xi32, #tpu.memory_space<hbm>> -> memref<160x128xi32, #tpu.memory_space<hbm>>
      tpu.wait_dma2 semaphore(%run_scoped3A : memref<!tpu.dma_semaphore, #tpu.memory_space<semaphore_mem>>) src(%dma_wait3A_52 : memref<160x128xi32, #tpu.memory_space<hbm>>) dst(%arg7 : memref<160x128xi32, #tpu.memory_space<vmem>>)
      tpu.yield
    }) : () -> ()
    "tpu.region"() ({
      %run_scoped3A = tpu.sem_alloc : memref<!tpu.dma_semaphore, #tpu.memory_space<semaphore_mem>>
      %dma_start3A_46 = arith.constant 0 : i32
      %dma_start3A_47 = tpu.memref_slice %arg5[%mul3A_0, %dma_start3A_46] : memref<2560x128xi32, #tpu.memory_space<hbm>> -> memref<160x128xi32, #tpu.memory_space<hbm>>
      %dma_start3A_48 = arith.constant 0 : i32
      %dma_start3A_49 = tpu.memref_slice %arg5[%mul3A_0, %dma_start3A_48] : memref<2560x128xi32, #tpu.memory_space<hbm>> -> memref<160x128xi32, #tpu.memory_space<hbm>>
      tpu.enqueue_dma source(%dma_start3A_49 : memref<160x128xi32, #tpu.memory_space<hbm>>) target(%arg8 : memref<160x128xi32, #tpu.memory_space<vmem>>) target_semaphore(%run_scoped3A : memref<!tpu.dma_semaphore, #tpu.memory_space<semaphore_mem>>)
      %dma_wait3A = arith.constant 0 : i32
      %dma_wait3A_50 = tpu.memref_slice %arg5[%mul3A_0, %dma_wait3A] : memref<2560x128xi32, #tpu.memory_space<hbm>> -> memref<160x128xi32, #tpu.memory_space<hbm>>
      %dma_wait3A_51 = arith.constant 0 : i32
      %dma_wait3A_52 = tpu.memref_slice %arg5[%mul3A_0, %dma_wait3A_51] : memref<2560x128xi32, #tpu.memory_space<hbm>> -> memref<160x128xi32, #tpu.memory_space<hbm>>
      tpu.wait_dma2 semaphore(%run_scoped3A : memref<!tpu.dma_semaphore, #tpu.memory_space<semaphore_mem>>) src(%dma_wait3A_52 : memref<160x128xi32, #tpu.memory_space<hbm>>) dst(%arg8 : memref<160x128xi32, #tpu.memory_space<vmem>>)
      tpu.yield
    }) : () -> ()
    %mul3A_1 = arith.constant 118 : i32
    %mul3A_2 = arith.muli %arg0, %mul3A_1 : i32
    %eq3A = arith.constant 0 : i32
    %eq3A_3 = arith.cmpi eq, %arg0, %eq3A : i32
    %jit3A = arith.constant 118 : i32
    %jit3A_4 = arith.constant 42 : i32
    %select_n3A = arith.select %eq3A_3, %jit3A, %jit3A_4 : i32
    %add3A = arith.constant 0 : i32
    %add3A_5 = arith.addi %mul3A_2, %add3A : i32
    %dma_start3A = arith.constant 0 : i32
    %dma_start3A_6 = tpu.memref_slice %arg7[%add3A_5, %dma_start3A] : memref<160x128xi32, #tpu.memory_space<vmem>> -> memref<1x128xi32, #tpu.memory_space<vmem>>
    %dma_start3A_7 = tpu.memref_squeeze %dma_start3A_6 : memref<1x128xi32, #tpu.memory_space<vmem>> -> memref<128xi32, #tpu.memory_space<vmem>>
    %dma_start3A_8 = arith.constant 0 : i32
    %dma_start3A_9 = arith.constant 0 : i32
    %dma_start3A_10 = tpu.memref_slice %arg2[%dma_start3A_8, %dma_start3A_9] : memref<10240x128xf32, #tpu.memory_space<hbm>> -> memref<10240x128xf32, #tpu.memory_space<hbm>>
    tpu.enqueue_indirect_dma source(%dma_start3A_10 : memref<10240x128xf32, #tpu.memory_space<hbm>>) target(%arg9 : memref<128x128xf32, #tpu.memory_space<vmem>>) offsets(%dma_start3A_7 : memref<128xi32, #tpu.memory_space<vmem>>) semaphore(%arg13 : memref<!tpu.dma_semaphore, #tpu.memory_space<semaphore_mem>>)
    %add3A_11 = arith.constant 0 : i32
    %add3A_12 = arith.addi %mul3A_2, %add3A_11 : i32
    %dma_start3A_13 = arith.constant 0 : i32
    %dma_start3A_14 = tpu.memref_slice %arg8[%add3A_12, %dma_start3A_13] : memref<160x128xi32, #tpu.memory_space<vmem>> -> memref<1x128xi32, #tpu.memory_space<vmem>>
    %dma_start3A_15 = tpu.memref_squeeze %dma_start3A_14 : memref<1x128xi32, #tpu.memory_space<vmem>> -> memref<128xi32, #tpu.memory_space<vmem>>
    %dma_start3A_16 = arith.constant 0 : i32
    %dma_start3A_17 = arith.constant 0 : i32
    %dma_start3A_18 = tpu.memref_slice %arg3[%dma_start3A_16, %dma_start3A_17] : memref<10240x128xf32, #tpu.memory_space<hbm>> -> memref<10240x128xf32, #tpu.memory_space<hbm>>
    tpu.enqueue_indirect_dma source(%dma_start3A_18 : memref<10240x128xf32, #tpu.memory_space<hbm>>) target(%arg10 : memref<128x128xf32, #tpu.memory_space<vmem>>) offsets(%dma_start3A_15 : memref<128xi32, #tpu.memory_space<vmem>>) semaphore(%arg14 : memref<!tpu.dma_semaphore, #tpu.memory_space<semaphore_mem>>)
    %jit3A_19 = arith.constant 2 : i32
    %div3A = arith.divsi %select_n3A, %jit3A_19 : i32
    %sign3A = arith.constant 0 : i32
    %sign3A_20 = arith.cmpi sgt, %select_n3A, %sign3A : i32
    %sign3A_21 = arith.extui %sign3A_20 : i1 to i32
    %sign3A_22 = arith.constant 0 : i32
    %sign3A_23 = arith.cmpi slt, %select_n3A, %sign3A_22 : i32
    %sign3A_24 = arith.extui %sign3A_23 : i1 to i32
    %sign3A_25 = arith.subi %sign3A_21, %sign3A_24 : i32
    %sign3A_26 = arith.constant 0 : i32
    %sign3A_27 = arith.cmpi sgt, %jit3A_19, %sign3A_26 : i32
    %sign3A_28 = arith.extui %sign3A_27 : i1 to i32
    %sign3A_29 = arith.constant 0 : i32
    %sign3A_30 = arith.cmpi slt, %jit3A_19, %sign3A_29 : i32
    %sign3A_31 = arith.extui %sign3A_30 : i1 to i32
    %sign3A_32 = arith.subi %sign3A_28, %sign3A_31 : i32
    %ne3A = arith.cmpi ne, %sign3A_25, %sign3A_32 : i32
    %rem3A = arith.remsi %select_n3A, %jit3A_19 : i32
    %ne3A_33 = arith.constant 0 : i32
    %ne3A_34 = arith.cmpi ne, %rem3A, %ne3A_33 : i32
    %and3A = arith.andi %ne3A, %ne3A_34 : i1
    %sub3A = arith.constant 1 : i32
    %sub3A_35 = arith.subi %div3A, %sub3A : i32
    %select_n3A_36 = arith.select %and3A, %sub3A_35, %div3A : i32
    %while3A = arith.constant 0 : i32
    %while3A_37 = arith.constant 0 : i32
    %while3A_38 = arith.subi %select_n3A_36, %while3A_37 : i32
    %while3A_39 = arith.addi %while3A_37, %while3A_38 : i32
    %while3A_40 = arith.constant 1 : i32
    %while3A_41 = arith.divsi %while3A_38, %while3A_40 : i32
    %while3A_42 = arith.muli %while3A_41, %while3A_40 : i32
    %while3A_43 = arith.addi %while3A_37, %while3A_42 : i32
    %while3A_44 = arith.constant 1 : i32
    scf.for %while3A_46 = %while3A_37 to %while3A_43 step %while3A_44  : i32 {
      %mul3A_47 = arith.constant 2 : i32
      %mul3A_48 = arith.muli %mul3A_47, %while3A_46 : i32
      %add3A_49 = arith.constant 0 : i32
      %add3A_50 = arith.addi %mul3A_48, %add3A_49 : i32
      %add3A_51 = arith.constant 1 : i32
      %add3A_52 = arith.addi %add3A_50, %add3A_51 : i32
      %lt3A = arith.cmpi slt, %add3A_52, %select_n3A : i32
      %convert_element_type3A = arith.extui %lt3A : i1 to i32
      %cond3A = arith.constant 0 : i32
      %cond3A_53 = arith.cmpi ne, %convert_element_type3A, %cond3A : i32
      scf.if %cond3A_53 {
        %add3A_110 = arith.addi %mul3A_2, %add3A_52 : i32
        %dma_start3A_111 = arith.constant 0 : i32
        %dma_start3A_112 = tpu.memref_slice %arg7[%add3A_110, %dma_start3A_111] : memref<160x128xi32, #tpu.memory_space<vmem>> -> memref<1x128xi32, #tpu.memory_space<vmem>>
        %dma_start3A_113 = tpu.memref_squeeze %dma_start3A_112 : memref<1x128xi32, #tpu.memory_space<vmem>> -> memref<128xi32, #tpu.memory_space<vmem>>
        %dma_start3A_114 = arith.constant 0 : i32
        %dma_start3A_115 = arith.constant 0 : i32
        %dma_start3A_116 = tpu.memref_slice %arg2[%dma_start3A_114, %dma_start3A_115] : memref<10240x128xf32, #tpu.memory_space<hbm>> -> memref<10240x128xf32, #tpu.memory_space<hbm>>
        tpu.enqueue_indirect_dma source(%dma_start3A_116 : memref<10240x128xf32, #tpu.memory_space<hbm>>) target(%arg11 : memref<128x128xf32, #tpu.memory_space<vmem>>) offsets(%dma_start3A_113 : memref<128xi32, #tpu.memory_space<vmem>>) semaphore(%arg15 : memref<!tpu.dma_semaphore, #tpu.memory_space<semaphore_mem>>)
        %add3A_117 = arith.addi %mul3A_2, %add3A_52 : i32
        %dma_start3A_118 = arith.constant 0 : i32
        %dma_start3A_119 = tpu.memref_slice %arg8[%add3A_117, %dma_start3A_118] : memref<160x128xi32, #tpu.memory_space<vmem>> -> memref<1x128xi32, #tpu.memory_space<vmem>>
        %dma_start3A_120 = tpu.memref_squeeze %dma_start3A_119 : memref<1x128xi32, #tpu.memory_space<vmem>> -> memref<128xi32, #tpu.memory_space<vmem>>
        %dma_start3A_121 = arith.constant 0 : i32
        %dma_start3A_122 = arith.constant 0 : i32
        %dma_start3A_123 = tpu.memref_slice %arg3[%dma_start3A_121, %dma_start3A_122] : memref<10240x128xf32, #tpu.memory_space<hbm>> -> memref<10240x128xf32, #tpu.memory_space<hbm>>
        tpu.enqueue_indirect_dma source(%dma_start3A_123 : memref<10240x128xf32, #tpu.memory_space<hbm>>) target(%arg12 : memref<128x128xf32, #tpu.memory_space<vmem>>) offsets(%dma_start3A_120 : memref<128xi32, #tpu.memory_space<vmem>>) semaphore(%arg16 : memref<!tpu.dma_semaphore, #tpu.memory_space<semaphore_mem>>)
      } else {
      }
      %add3A_54 = arith.addi %mul3A_2, %add3A_50 : i32
      %dma_wait3A = arith.constant 0 : i32
      %dma_wait3A_55 = tpu.memref_slice %arg7[%add3A_54, %dma_wait3A] : memref<160x128xi32, #tpu.memory_space<vmem>> -> memref<1x128xi32, #tpu.memory_space<vmem>>
      %dma_wait3A_56 = tpu.memref_squeeze %dma_wait3A_55 : memref<1x128xi32, #tpu.memory_space<vmem>> -> memref<128xi32, #tpu.memory_space<vmem>>
      %dma_wait3A_57 = arith.constant 0 : i32
      %dma_wait3A_58 = arith.constant 0 : i32
      %dma_wait3A_59 = tpu.memref_slice %arg2[%dma_wait3A_57, %dma_wait3A_58] : memref<10240x128xf32, #tpu.memory_space<hbm>> -> memref<10240x128xf32, #tpu.memory_space<hbm>>
      tpu.wait_indirect_dma semaphore(%arg13 : memref<!tpu.dma_semaphore, #tpu.memory_space<semaphore_mem>>) src(%dma_wait3A_59 : memref<10240x128xf32, #tpu.memory_space<hbm>>) dst(%arg9 : memref<128x128xf32, #tpu.memory_space<vmem>>)
      %add3A_60 = arith.addi %mul3A_2, %add3A_50 : i32
      %dma_wait3A_61 = arith.constant 0 : i32
      %dma_wait3A_62 = tpu.memref_slice %arg8[%add3A_60, %dma_wait3A_61] : memref<160x128xi32, #tpu.memory_space<vmem>> -> memref<1x128xi32, #tpu.memory_space<vmem>>
      %dma_wait3A_63 = tpu.memref_squeeze %dma_wait3A_62 : memref<1x128xi32, #tpu.memory_space<vmem>> -> memref<128xi32, #tpu.memory_space<vmem>>
      %dma_wait3A_64 = arith.constant 0 : i32
      %dma_wait3A_65 = arith.constant 0 : i32
      %dma_wait3A_66 = tpu.memref_slice %arg3[%dma_wait3A_64, %dma_wait3A_65] : memref<10240x128xf32, #tpu.memory_space<hbm>> -> memref<10240x128xf32, #tpu.memory_space<hbm>>
      tpu.wait_indirect_dma semaphore(%arg14 : memref<!tpu.dma_semaphore, #tpu.memory_space<semaphore_mem>>) src(%dma_wait3A_66 : memref<10240x128xf32, #tpu.memory_space<hbm>>) dst(%arg10 : memref<128x128xf32, #tpu.memory_space<vmem>>)
      %scan3A = arith.constant 0 : i32
      %scan3A_67 = arith.constant 0 : i32
      %scan3A_68 = arith.constant 128 : i32
      %scan3A_69 = arith.addi %scan3A_67, %scan3A_68 : i32
      %scan3A_70 = arith.constant 1 : i32
      scf.for %scan3A_110 = %scan3A_67 to %scan3A_69 step %scan3A_70  : i32 {
        %get3A = arith.index_cast %scan3A_110 : i32 to index
        %get3A_111 = arith.constant 0 : index
        %get3A_112 = tpu.vector_load %arg9[%get3A, %get3A_111] {strides = array<i32>} : memref<128x128xf32, #tpu.memory_space<vmem>>, vector<1x16xf32>,
        %get3A_113 = vector.shape_cast %get3A_112 : vector<1x16xf32> to vector<16xf32>
        %get3A_114 = arith.index_cast %scan3A_110 : i32 to index
        %get3A_115 = arith.constant 0 : index
        %get3A_116 = tpu.vector_load %arg10[%get3A_114, %get3A_115] {strides = array<i32>} : memref<128x128xf32, #tpu.memory_space<vmem>>, vector<1x16xf32>,
        %get3A_117 = vector.shape_cast %get3A_116 : vector<1x16xf32> to vector<16xf32>
        %add3A_118 = arith.addf %get3A_113, %get3A_117 : vector<16xf32>
        %max3A = arith.constant 0.000000e+00 : f32
        %max3A_119 = vector.broadcast %max3A : f32 to vector<16xf32>
        %max3A_120 = arith.maximumf %add3A_118, %max3A_119 : vector<16xf32>
        %swap3A = arith.index_cast %scan3A_110 : i32 to index
        %swap3A_121 = arith.constant 0 : index
        %swap3A_122 = tpu.vector_load %arg9[%swap3A, %swap3A_121] {strides = array<i32>} : memref<128x128xf32, #tpu.memory_space<vmem>>, vector<1x16xf32>,
        %swap3A_123 = vector.shape_cast %swap3A_122 : vector<1x16xf32> to vector<16xf32>
        %swap3A_124 = vector.shape_cast %max3A_120 : vector<16xf32> to vector<1x16xf32>
        tpu.vector_store %arg9[%swap3A, %swap3A_121], %swap3A_124 {strides = array<i32>} : memref<128x128xf32, #tpu.memory_space<vmem>>, vector<1x16xf32>,
        %get3A_125 = arith.index_cast %scan3A_110 : i32 to index
        %get3A_126 = arith.constant 16 : index
        %get3A_127 = tpu.vector_load %arg9[%get3A_125, %get3A_126] {strides = array<i32>} : memref<128x128xf32, #tpu.memory_space<vmem>>, vector<1x16xf32>,
        %get3A_128 = vector.shape_cast %get3A_127 : vector<1x16xf32> to vector<16xf32>
        %get3A_129 = arith.index_cast %scan3A_110 : i32 to index
        %get3A_130 = arith.constant 16 : index
        %get3A_131 = tpu.vector_load %arg10[%get3A_129, %get3A_130] {strides = array<i32>} : memref<128x128xf32, #tpu.memory_space<vmem>>, vector<1x16xf32>,
        %get3A_132 = vector.shape_cast %get3A_131 : vector<1x16xf32> to vector<16xf32>
        %add3A_133 = arith.addf %get3A_128, %get3A_132 : vector<16xf32>
        %max3A_134 = arith.constant 0.000000e+00 : f32
        %max3A_135 = vector.broadcast %max3A_134 : f32 to vector<16xf32>
        %max3A_136 = arith.maximumf %add3A_133, %max3A_135 : vector<16xf32>
        %swap3A_137 = arith.index_cast %scan3A_110 : i32 to index
        %swap3A_138 = arith.constant 16 : index
        %swap3A_139 = tpu.vector_load %arg9[%swap3A_137, %swap3A_138] {strides = array<i32>} : memref<128x128xf32, #tpu.memory_space<vmem>>, vector<1x16xf32>,
        %swap3A_140 = vector.shape_cast %swap3A_139 : vector<1x16xf32> to vector<16xf32>
        %swap3A_141 = vector.shape_cast %max3A_136 : vector<16xf32> to vector<1x16xf32>
        tpu.vector_store %arg9[%swap3A_137, %swap3A_138], %swap3A_141 {strides = array<i32>} : memref<128x128xf32, #tpu.memory_space<vmem>>, vector<1x16xf32>,
        %get3A_142 = arith.index_cast %scan3A_110 : i32 to index
        %get3A_143 = arith.constant 32 : index
        %get3A_144 = tpu.vector_load %arg9[%get3A_142, %get3A_143] {strides = array<i32>} : memref<128x128xf32, #tpu.memory_space<vmem>>, vector<1x16xf32>,
        %get3A_145 = vector.shape_cast %get3A_144 : vector<1x16xf32> to vector<16xf32>
        %get3A_146 = arith.index_cast %scan3A_110 : i32 to index
        %get3A_147 = arith.constant 32 : index
        %get3A_148 = tpu.vector_load %arg10[%get3A_146, %get3A_147] {strides = array<i32>} : memref<128x128xf32, #tpu.memory_space<vmem>>, vector<1x16xf32>,
        %get3A_149 = vector.shape_cast %get3A_148 : vector<1x16xf32> to vector<16xf32>
        %add3A_150 = arith.addf %get3A_145, %get3A_149 : vector<16xf32>
        %max3A_151 = arith.constant 0.000000e+00 : f32
        %max3A_152 = vector.broadcast %max3A_151 : f32 to vector<16xf32>
        %max3A_153 = arith.maximumf %add3A_150, %max3A_152 : vector<16xf32>
        %swap3A_154 = arith.index_cast %scan3A_110 : i32 to index
        %swap3A_155 = arith.constant 32 : index
        %swap3A_156 = tpu.vector_load %arg9[%swap3A_154, %swap3A_155] {strides = array<i32>} : memref<128x128xf32, #tpu.memory_space<vmem>>, vector<1x16xf32>,
        %swap3A_157 = vector.shape_cast %swap3A_156 : vector<1x16xf32> to vector<16xf32>
        %swap3A_158 = vector.shape_cast %max3A_153 : vector<16xf32> to vector<1x16xf32>
        tpu.vector_store %arg9[%swap3A_154, %swap3A_155], %swap3A_158 {strides = array<i32>} : memref<128x128xf32, #tpu.memory_space<vmem>>, vector<1x16xf32>,
        %get3A_159 = arith.index_cast %scan3A_110 : i32 to index
        %get3A_160 = arith.constant 48 : index
        %get3A_161 = tpu.vector_load %arg9[%get3A_159, %get3A_160] {strides = array<i32>} : memref<128x128xf32, #tpu.memory_space<vmem>>, vector<1x16xf32>,
        %get3A_162 = vector.shape_cast %get3A_161 : vector<1x16xf32> to vector<16xf32>
        %get3A_163 = arith.index_cast %scan3A_110 : i32 to index
        %get3A_164 = arith.constant 48 : index
        %get3A_165 = tpu.vector_load %arg10[%get3A_163, %get3A_164] {strides = array<i32>} : memref<128x128xf32, #tpu.memory_space<vmem>>, vector<1x16xf32>,
        %get3A_166 = vector.shape_cast %get3A_165 : vector<1x16xf32> to vector<16xf32>
        %add3A_167 = arith.addf %get3A_162, %get3A_166 : vector<16xf32>
        %max3A_168 = arith.constant 0.000000e+00 : f32
        %max3A_169 = vector.broadcast %max3A_168 : f32 to vector<16xf32>
        %max3A_170 = arith.maximumf %add3A_167, %max3A_169 : vector<16xf32>
        %swap3A_171 = arith.index_cast %scan3A_110 : i32 to index
        %swap3A_172 = arith.constant 48 : index
        %swap3A_173 = tpu.vector_load %arg9[%swap3A_171, %swap3A_172] {strides = array<i32>} : memref<128x128xf32, #tpu.memory_space<vmem>>, vector<1x16xf32>,
        %swap3A_174 = vector.shape_cast %swap3A_173 : vector<1x16xf32> to vector<16xf32>
        %swap3A_175 = vector.shape_cast %max3A_170 : vector<16xf32> to vector<1x16xf32>
        tpu.vector_store %arg9[%swap3A_171, %swap3A_172], %swap3A_175 {strides = array<i32>} : memref<128x128xf32, #tpu.memory_space<vmem>>, vector<1x16xf32>,
        %get3A_176 = arith.index_cast %scan3A_110 : i32 to index
        %get3A_177 = arith.constant 64 : index
        %get3A_178 = tpu.vector_load %arg9[%get3A_176, %get3A_177] {strides = array<i32>} : memref<128x128xf32, #tpu.memory_space<vmem>>, vector<1x16xf32>,
        %get3A_179 = vector.shape_cast %get3A_178 : vector<1x16xf32> to vector<16xf32>
        %get3A_180 = arith.index_cast %scan3A_110 : i32 to index
        %get3A_181 = arith.constant 64 : index
        %get3A_182 = tpu.vector_load %arg10[%get3A_180, %get3A_181] {strides = array<i32>} : memref<128x128xf32, #tpu.memory_space<vmem>>, vector<1x16xf32>,
        %get3A_183 = vector.shape_cast %get3A_182 : vector<1x16xf32> to vector<16xf32>
        %add3A_184 = arith.addf %get3A_179, %get3A_183 : vector<16xf32>
        %max3A_185 = arith.constant 0.000000e+00 : f32
        %max3A_186 = vector.broadcast %max3A_185 : f32 to vector<16xf32>
        %max3A_187 = arith.maximumf %add3A_184, %max3A_186 : vector<16xf32>
        %swap3A_188 = arith.index_cast %scan3A_110 : i32 to index
        %swap3A_189 = arith.constant 64 : index
        %swap3A_190 = tpu.vector_load %arg9[%swap3A_188, %swap3A_189] {strides = array<i32>} : memref<128x128xf32, #tpu.memory_space<vmem>>, vector<1x16xf32>,
        %swap3A_191 = vector.shape_cast %swap3A_190 : vector<1x16xf32> to vector<16xf32>
        %swap3A_192 = vector.shape_cast %max3A_187 : vector<16xf32> to vector<1x16xf32>
        tpu.vector_store %arg9[%swap3A_188, %swap3A_189], %swap3A_192 {strides = array<i32>} : memref<128x128xf32, #tpu.memory_space<vmem>>, vector<1x16xf32>,
        %get3A_193 = arith.index_cast %scan3A_110 : i32 to index
        %get3A_194 = arith.constant 80 : index
        %get3A_195 = tpu.vector_load %arg9[%get3A_193, %get3A_194] {strides = array<i32>} : memref<128x128xf32, #tpu.memory_space<vmem>>, vector<1x16xf32>,
        %get3A_196 = vector.shape_cast %get3A_195 : vector<1x16xf32> to vector<16xf32>
        %get3A_197 = arith.index_cast %scan3A_110 : i32 to index
        %get3A_198 = arith.constant 80 : index
        %get3A_199 = tpu.vector_load %arg10[%get3A_197, %get3A_198] {strides = array<i32>} : memref<128x128xf32, #tpu.memory_space<vmem>>, vector<1x16xf32>,
        %get3A_200 = vector.shape_cast %get3A_199 : vector<1x16xf32> to vector<16xf32>
        %add3A_201 = arith.addf %get3A_196, %get3A_200 : vector<16xf32>
        %max3A_202 = arith.constant 0.000000e+00 : f32
        %max3A_203 = vector.broadcast %max3A_202 : f32 to vector<16xf32>
        %max3A_204 = arith.maximumf %add3A_201, %max3A_203 : vector<16xf32>
        %swap3A_205 = arith.index_cast %scan3A_110 : i32 to index
        %swap3A_206 = arith.constant 80 : index
        %swap3A_207 = tpu.vector_load %arg9[%swap3A_205, %swap3A_206] {strides = array<i32>} : memref<128x128xf32, #tpu.memory_space<vmem>>, vector<1x16xf32>,
        %swap3A_208 = vector.shape_cast %swap3A_207 : vector<1x16xf32> to vector<16xf32>
        %swap3A_209 = vector.shape_cast %max3A_204 : vector<16xf32> to vector<1x16xf32>
        tpu.vector_store %arg9[%swap3A_205, %swap3A_206], %swap3A_209 {strides = array<i32>} : memref<128x128xf32, #tpu.memory_space<vmem>>, vector<1x16xf32>,
        %get3A_210 = arith.index_cast %scan3A_110 : i32 to index
        %get3A_211 = arith.constant 96 : index
        %get3A_212 = tpu.vector_load %arg9[%get3A_210, %get3A_211] {strides = array<i32>} : memref<128x128xf32, #tpu.memory_space<vmem>>, vector<1x16xf32>,
        %get3A_213 = vector.shape_cast %get3A_212 : vector<1x16xf32> to vector<16xf32>
        %get3A_214 = arith.index_cast %scan3A_110 : i32 to index
        %get3A_215 = arith.constant 96 : index
        %get3A_216 = tpu.vector_load %arg10[%get3A_214, %get3A_215] {strides = array<i32>} : memref<128x128xf32, #tpu.memory_space<vmem>>, vector<1x16xf32>,
        %get3A_217 = vector.shape_cast %get3A_216 : vector<1x16xf32> to vector<16xf32>
        %add3A_218 = arith.addf %get3A_213, %get3A_217 : vector<16xf32>
        %max3A_219 = arith.constant 0.000000e+00 : f32
        %max3A_220 = vector.broadcast %max3A_219 : f32 to vector<16xf32>
        %max3A_221 = arith.maximumf %add3A_218, %max3A_220 : vector<16xf32>
        %swap3A_222 = arith.index_cast %scan3A_110 : i32 to index
        %swap3A_223 = arith.constant 96 : index
        %swap3A_224 = tpu.vector_load %arg9[%swap3A_222, %swap3A_223] {strides = array<i32>} : memref<128x128xf32, #tpu.memory_space<vmem>>, vector<1x16xf32>,
        %swap3A_225 = vector.shape_cast %swap3A_224 : vector<1x16xf32> to vector<16xf32>
        %swap3A_226 = vector.shape_cast %max3A_221 : vector<16xf32> to vector<1x16xf32>
        tpu.vector_store %arg9[%swap3A_222, %swap3A_223], %swap3A_226 {strides = array<i32>} : memref<128x128xf32, #tpu.memory_space<vmem>>, vector<1x16xf32>,
        %get3A_227 = arith.index_cast %scan3A_110 : i32 to index
        %get3A_228 = arith.constant 112 : index
        %get3A_229 = tpu.vector_load %arg9[%get3A_227, %get3A_228] {strides = array<i32>} : memref<128x128xf32, #tpu.memory_space<vmem>>, vector<1x16xf32>,
        %get3A_230 = vector.shape_cast %get3A_229 : vector<1x16xf32> to vector<16xf32>
        %get3A_231 = arith.index_cast %scan3A_110 : i32 to index
        %get3A_232 = arith.constant 112 : index
        %get3A_233 = tpu.vector_load %arg10[%get3A_231, %get3A_232] {strides = array<i32>} : memref<128x128xf32, #tpu.memory_space<vmem>>, vector<1x16xf32>,
        %get3A_234 = vector.shape_cast %get3A_233 : vector<1x16xf32> to vector<16xf32>
        %add3A_235 = arith.addf %get3A_230, %get3A_234 : vector<16xf32>
        %max3A_236 = arith.constant 0.000000e+00 : f32
        %max3A_237 = vector.broadcast %max3A_236 : f32 to vector<16xf32>
        %max3A_238 = arith.maximumf %add3A_235, %max3A_237 : vector<16xf32>
        %swap3A_239 = arith.index_cast %scan3A_110 : i32 to index
        %swap3A_240 = arith.constant 112 : index
        %swap3A_241 = tpu.vector_load %arg9[%swap3A_239, %swap3A_240] {strides = array<i32>} : memref<128x128xf32, #tpu.memory_space<vmem>>, vector<1x16xf32>,
        %swap3A_242 = vector.shape_cast %swap3A_241 : vector<1x16xf32> to vector<16xf32>
        %swap3A_243 = vector.shape_cast %max3A_238 : vector<16xf32> to vector<1x16xf32>
        tpu.vector_store %arg9[%swap3A_239, %swap3A_240], %swap3A_243 {strides = array<i32>} : memref<128x128xf32, #tpu.memory_space<vmem>>, vector<1x16xf32>,
      }
      %scan3A_71 = arith.constant 128 : i32
      %add3A_72 = arith.addi %mul3A_0, %mul3A_2 : i32
      %add3A_73 = arith.addi %add3A_72, %add3A_50 : i32
      %mul3A_74 = arith.constant 128 : i32
      %mul3A_75 = arith.muli %add3A_73, %mul3A_74 : i32
      "tpu.region"() ({
        %run_scoped3A = tpu.sem_alloc : memref<!tpu.dma_semaphore, #tpu.memory_space<semaphore_mem>>
        %dma_start3A_110 = arith.constant 0 : i32
        %dma_start3A_111 = tpu.memref_slice %arg6[%mul3A_75, %dma_start3A_110] : memref<327680x128xf32, #tpu.memory_space<hbm>> -> memref<128x128xf32, #tpu.memory_space<hbm>>
        %dma_start3A_112 = arith.constant 0 : i32
        %dma_start3A_113 = tpu.memref_slice %arg6[%mul3A_75, %dma_start3A_112] : memref<327680x128xf32, #tpu.memory_space<hbm>> -> memref<128x128xf32, #tpu.memory_space<hbm>>
        tpu.enqueue_dma source(%arg9 : memref<128x128xf32, #tpu.memory_space<vmem>>) target(%dma_start3A_113 : memref<128x128xf32, #tpu.memory_space<hbm>>) target_semaphore(%run_scoped3A : memref<!tpu.dma_semaphore, #tpu.memory_space<semaphore_mem>>)
        %dma_wait3A_114 = arith.constant 0 : i32
        %dma_wait3A_115 = tpu.memref_slice %arg6[%mul3A_75, %dma_wait3A_114] : memref<327680x128xf32, #tpu.memory_space<hbm>> -> memref<128x128xf32, #tpu.memory_space<hbm>>
        %dma_wait3A_116 = arith.constant 0 : i32
        %dma_wait3A_117 = tpu.memref_slice %arg6[%mul3A_75, %dma_wait3A_116] : memref<327680x128xf32, #tpu.memory_space<hbm>> -> memref<128x128xf32, #tpu.memory_space<hbm>>
        tpu.wait_dma2 semaphore(%run_scoped3A : memref<!tpu.dma_semaphore, #tpu.memory_space<semaphore_mem>>) src(%arg9 : memref<128x128xf32, #tpu.memory_space<vmem>>) dst(%dma_wait3A_117 : memref<128x128xf32, #tpu.memory_space<hbm>>)
        tpu.yield
      }) : () -> ()
      %mul3A_76 = arith.constant 2 : i32
      %mul3A_77 = arith.muli %mul3A_76, %while3A_46 : i32
      %add3A_78 = arith.constant 1 : i32
      %add3A_79 = arith.addi %mul3A_77, %add3A_78 : i32
      %add3A_80 = arith.constant 1 : i32
      %add3A_81 = arith.addi %add3A_79, %add3A_80 : i32
      %lt3A_82 = arith.cmpi slt, %add3A_81, %select_n3A : i32
      %convert_element_type3A_83 = arith.extui %lt3A_82 : i1 to i32
      %cond3A_84 = arith.constant 0 : i32
      %cond3A_85 = arith.cmpi ne, %convert_element_type3A_83, %cond3A_84 : i32
      scf.if %cond3A_85 {
        %add3A_110 = arith.addi %mul3A_2, %add3A_81 : i32
        %dma_start3A_111 = arith.constant 0 : i32
        %dma_start3A_112 = tpu.memref_slice %arg7[%add3A_110, %dma_start3A_111] : memref<160x128xi32, #tpu.memory_space<vmem>> -> memref<1x128xi32, #tpu.memory_space<vmem>>
        %dma_start3A_113 = tpu.memref_squeeze %dma_start3A_112 : memref<1x128xi32, #tpu.memory_space<vmem>> -> memref<128xi32, #tpu.memory_space<vmem>>
        %dma_start3A_114 = arith.constant 0 : i32
        %dma_start3A_115 = arith.constant 0 : i32
        %dma_start3A_116 = tpu.memref_slice %arg2[%dma_start3A_114, %dma_start3A_115] : memref<10240x128xf32, #tpu.memory_space<hbm>> -> memref<10240x128xf32, #tpu.memory_space<hbm>>
        tpu.enqueue_indirect_dma source(%dma_start3A_116 : memref<10240x128xf32, #tpu.memory_space<hbm>>) target(%arg9 : memref<128x128xf32, #tpu.memory_space<vmem>>) offsets(%dma_start3A_113 : memref<128xi32, #tpu.memory_space<vmem>>) semaphore(%arg13 : memref<!tpu.dma_semaphore, #tpu.memory_space<semaphore_mem>>)
        %add3A_117 = arith.addi %mul3A_2, %add3A_81 : i32
        %dma_start3A_118 = arith.constant 0 : i32
        %dma_start3A_119 = tpu.memref_slice %arg8[%add3A_117, %dma_start3A_118] : memref<160x128xi32, #tpu.memory_space<vmem>> -> memref<1x128xi32, #tpu.memory_space<vmem>>
        %dma_start3A_120 = tpu.memref_squeeze %dma_start3A_119 : memref<1x128xi32, #tpu.memory_space<vmem>> -> memref<128xi32, #tpu.memory_space<vmem>>
        %dma_start3A_121 = arith.constant 0 : i32
        %dma_start3A_122 = arith.constant 0 : i32
        %dma_start3A_123 = tpu.memref_slice %arg3[%dma_start3A_121, %dma_start3A_122] : memref<10240x128xf32, #tpu.memory_space<hbm>> -> memref<10240x128xf32, #tpu.memory_space<hbm>>
        tpu.enqueue_indirect_dma source(%dma_start3A_123 : memref<10240x128xf32, #tpu.memory_space<hbm>>) target(%arg10 : memref<128x128xf32, #tpu.memory_space<vmem>>) offsets(%dma_start3A_120 : memref<128xi32, #tpu.memory_space<vmem>>) semaphore(%arg14 : memref<!tpu.dma_semaphore, #tpu.memory_space<semaphore_mem>>)
      } else {
      }
      %add3A_86 = arith.addi %mul3A_2, %add3A_79 : i32
      %dma_wait3A_87 = arith.constant 0 : i32
      %dma_wait3A_88 = tpu.memref_slice %arg7[%add3A_86, %dma_wait3A_87] : memref<160x128xi32, #tpu.memory_space<vmem>> -> memref<1x128xi32, #tpu.memory_space<vmem>>
      %dma_wait3A_89 = tpu.memref_squeeze %dma_wait3A_88 : memref<1x128xi32, #tpu.memory_space<vmem>> -> memref<128xi32, #tpu.memory_space<vmem>>
      %dma_wait3A_90 = arith.constant 0 : i32
      %dma_wait3A_91 = arith.constant 0 : i32
      %dma_wait3A_92 = tpu.memref_slice %arg2[%dma_wait3A_90, %dma_wait3A_91] : memref<10240x128xf32, #tpu.memory_space<hbm>> -> memref<10240x128xf32, #tpu.memory_space<hbm>>
      tpu.wait_indirect_dma semaphore(%arg15 : memref<!tpu.dma_semaphore, #tpu.memory_space<semaphore_mem>>) src(%dma_wait3A_92 : memref<10240x128xf32, #tpu.memory_space<hbm>>) dst(%arg11 : memref<128x128xf32, #tpu.memory_space<vmem>>)
      %add3A_93 = arith.addi %mul3A_2, %add3A_79 : i32
      %dma_wait3A_94 = arith.constant 0 : i32
      %dma_wait3A_95 = tpu.memref_slice %arg8[%add3A_93, %dma_wait3A_94] : memref<160x128xi32, #tpu.memory_space<vmem>> -> memref<1x128xi32, #tpu.memory_space<vmem>>
      %dma_wait3A_96 = tpu.memref_squeeze %dma_wait3A_95 : memref<1x128xi32, #tpu.memory_space<vmem>> -> memref<128xi32, #tpu.memory_space<vmem>>
      %dma_wait3A_97 = arith.constant 0 : i32
      %dma_wait3A_98 = arith.constant 0 : i32
      %dma_wait3A_99 = tpu.memref_slice %arg3[%dma_wait3A_97, %dma_wait3A_98] : memref<10240x128xf32, #tpu.memory_space<hbm>> -> memref<10240x128xf32, #tpu.memory_space<hbm>>
      tpu.wait_indirect_dma semaphore(%arg16 : memref<!tpu.dma_semaphore, #tpu.memory_space<semaphore_mem>>) src(%dma_wait3A_99 : memref<10240x128xf32, #tpu.memory_space<hbm>>) dst(%arg12 : memref<128x128xf32, #tpu.memory_space<vmem>>)
      %scan3A_100 = arith.constant 0 : i32
      %scan3A_101 = arith.constant 0 : i32
      %scan3A_102 = arith.constant 128 : i32
      %scan3A_103 = arith.addi %scan3A_101, %scan3A_102 : i32
      %scan3A_104 = arith.constant 1 : i32
      scf.for %scan3A_110 = %scan3A_101 to %scan3A_103 step %scan3A_104  : i32 {
        %get3A = arith.index_cast %scan3A_110 : i32 to index
        %get3A_111 = arith.constant 0 : index
        %get3A_112 = tpu.vector_load %arg11[%get3A, %get3A_111] {strides = array<i32>} : memref<128x128xf32, #tpu.memory_space<vmem>>, vector<1x16xf32>,
        %get3A_113 = vector.shape_cast %get3A_112 : vector<1x16xf32> to vector<16xf32>
        %get3A_114 = arith.index_cast %scan3A_110 : i32 to index
        %get3A_115 = arith.constant 0 : index
        %get3A_116 = tpu.vector_load %arg12[%get3A_114, %get3A_115] {strides = array<i32>} : memref<128x128xf32, #tpu.memory_space<vmem>>, vector<1x16xf32>,
        %get3A_117 = vector.shape_cast %get3A_116 : vector<1x16xf32> to vector<16xf32>
        %add3A_118 = arith.addf %get3A_113, %get3A_117 : vector<16xf32>
        %max3A = arith.constant 0.000000e+00 : f32
        %max3A_119 = vector.broadcast %max3A : f32 to vector<16xf32>
        %max3A_120 = arith.maximumf %add3A_118, %max3A_119 : vector<16xf32>
        %swap3A = arith.index_cast %scan3A_110 : i32 to index
        %swap3A_121 = arith.constant 0 : index
        %swap3A_122 = tpu.vector_load %arg11[%swap3A, %swap3A_121] {strides = array<i32>} : memref<128x128xf32, #tpu.memory_space<vmem>>, vector<1x16xf32>,
        %swap3A_123 = vector.shape_cast %swap3A_122 : vector<1x16xf32> to vector<16xf32>
        %swap3A_124 = vector.shape_cast %max3A_120 : vector<16xf32> to vector<1x16xf32>
        tpu.vector_store %arg11[%swap3A, %swap3A_121], %swap3A_124 {strides = array<i32>} : memref<128x128xf32, #tpu.memory_space<vmem>>, vector<1x16xf32>,
        %get3A_125 = arith.index_cast %scan3A_110 : i32 to index
        %get3A_126 = arith.constant 16 : index
        %get3A_127 = tpu.vector_load %arg11[%get3A_125, %get3A_126] {strides = array<i32>} : memref<128x128xf32, #tpu.memory_space<vmem>>, vector<1x16xf32>,
        %get3A_128 = vector.shape_cast %get3A_127 : vector<1x16xf32> to vector<16xf32>
        %get3A_129 = arith.index_cast %scan3A_110 : i32 to index
        %get3A_130 = arith.constant 16 : index
        %get3A_131 = tpu.vector_load %arg12[%get3A_129, %get3A_130] {strides = array<i32>} : memref<128x128xf32, #tpu.memory_space<vmem>>, vector<1x16xf32>,
        %get3A_132 = vector.shape_cast %get3A_131 : vector<1x16xf32> to vector<16xf32>
        %add3A_133 = arith.addf %get3A_128, %get3A_132 : vector<16xf32>
        %max3A_134 = arith.constant 0.000000e+00 : f32
        %max3A_135 = vector.broadcast %max3A_134 : f32 to vector<16xf32>
        %max3A_136 = arith.maximumf %add3A_133, %max3A_135 : vector<16xf32>
        %swap3A_137 = arith.index_cast %scan3A_110 : i32 to index
        %swap3A_138 = arith.constant 16 : index
        %swap3A_139 = tpu.vector_load %arg11[%swap3A_137, %swap3A_138] {strides = array<i32>} : memref<128x128xf32, #tpu.memory_space<vmem>>, vector<1x16xf32>,
        %swap3A_140 = vector.shape_cast %swap3A_139 : vector<1x16xf32> to vector<16xf32>
        %swap3A_141 = vector.shape_cast %max3A_136 : vector<16xf32> to vector<1x16xf32>
        tpu.vector_store %arg11[%swap3A_137, %swap3A_138], %swap3A_141 {strides = array<i32>} : memref<128x128xf32, #tpu.memory_space<vmem>>, vector<1x16xf32>,
        %get3A_142 = arith.index_cast %scan3A_110 : i32 to index
        %get3A_143 = arith.constant 32 : index
        %get3A_144 = tpu.vector_load %arg11[%get3A_142, %get3A_143] {strides = array<i32>} : memref<128x128xf32, #tpu.memory_space<vmem>>, vector<1x16xf32>,
        %get3A_145 = vector.shape_cast %get3A_144 : vector<1x16xf32> to vector<16xf32>
        %get3A_146 = arith.index_cast %scan3A_110 : i32 to index
        %get3A_147 = arith.constant 32 : index
        %get3A_148 = tpu.vector_load %arg12[%get3A_146, %get3A_147] {strides = array<i32>} : memref<128x128xf32, #tpu.memory_space<vmem>>, vector<1x16xf32>,
        %get3A_149 = vector.shape_cast %get3A_148 : vector<1x16xf32> to vector<16xf32>
        %add3A_150 = arith.addf %get3A_145, %get3A_149 : vector<16xf32>
        %max3A_151 = arith.constant 0.000000e+00 : f32
        %max3A_152 = vector.broadcast %max3A_151 : f32 to vector<16xf32>
        %max3A_153 = arith.maximumf %add3A_150, %max3A_152 : vector<16xf32>
        %swap3A_154 = arith.index_cast %scan3A_110 : i32 to index
        %swap3A_155 = arith.constant 32 : index
        %swap3A_156 = tpu.vector_load %arg11[%swap3A_154, %swap3A_155] {strides = array<i32>} : memref<128x128xf32, #tpu.memory_space<vmem>>, vector<1x16xf32>,
        %swap3A_157 = vector.shape_cast %swap3A_156 : vector<1x16xf32> to vector<16xf32>
        %swap3A_158 = vector.shape_cast %max3A_153 : vector<16xf32> to vector<1x16xf32>
        tpu.vector_store %arg11[%swap3A_154, %swap3A_155], %swap3A_158 {strides = array<i32>} : memref<128x128xf32, #tpu.memory_space<vmem>>, vector<1x16xf32>,
        %get3A_159 = arith.index_cast %scan3A_110 : i32 to index
        %get3A_160 = arith.constant 48 : index
        %get3A_161 = tpu.vector_load %arg11[%get3A_159, %get3A_160] {strides = array<i32>} : memref<128x128xf32, #tpu.memory_space<vmem>>, vector<1x16xf32>,
        %get3A_162 = vector.shape_cast %get3A_161 : vector<1x16xf32> to vector<16xf32>
        %get3A_163 = arith.index_cast %scan3A_110 : i32 to index
        %get3A_164 = arith.constant 48 : index
        %get3A_165 = tpu.vector_load %arg12[%get3A_163, %get3A_164] {strides = array<i32>} : memref<128x128xf32, #tpu.memory_space<vmem>>, vector<1x16xf32>,
        %get3A_166 = vector.shape_cast %get3A_165 : vector<1x16xf32> to vector<16xf32>
        %add3A_167 = arith.addf %get3A_162, %get3A_166 : vector<16xf32>
        %max3A_168 = arith.constant 0.000000e+00 : f32
        %max3A_169 = vector.broadcast %max3A_168 : f32 to vector<16xf32>
        %max3A_170 = arith.maximumf %add3A_167, %max3A_169 : vector<16xf32>
        %swap3A_171 = arith.index_cast %scan3A_110 : i32 to index
        %swap3A_172 = arith.constant 48 : index
        %swap3A_173 = tpu.vector_load %arg11[%swap3A_171, %swap3A_172] {strides = array<i32>} : memref<128x128xf32, #tpu.memory_space<vmem>>, vector<1x16xf32>,
        %swap3A_174 = vector.shape_cast %swap3A_173 : vector<1x16xf32> to vector<16xf32>
        %swap3A_175 = vector.shape_cast %max3A_170 : vector<16xf32> to vector<1x16xf32>
        tpu.vector_store %arg11[%swap3A_171, %swap3A_172], %swap3A_175 {strides = array<i32>} : memref<128x128xf32, #tpu.memory_space<vmem>>, vector<1x16xf32>,
        %get3A_176 = arith.index_cast %scan3A_110 : i32 to index
        %get3A_177 = arith.constant 64 : index
        %get3A_178 = tpu.vector_load %arg11[%get3A_176, %get3A_177] {strides = array<i32>} : memref<128x128xf32, #tpu.memory_space<vmem>>, vector<1x16xf32>,
        %get3A_179 = vector.shape_cast %get3A_178 : vector<1x16xf32> to vector<16xf32>
        %get3A_180 = arith.index_cast %scan3A_110 : i32 to index
        %get3A_181 = arith.constant 64 : index
        %get3A_182 = tpu.vector_load %arg12[%get3A_180, %get3A_181] {strides = array<i32>} : memref<128x128xf32, #tpu.memory_space<vmem>>, vector<1x16xf32>,
        %get3A_183 = vector.shape_cast %get3A_182 : vector<1x16xf32> to vector<16xf32>
        %add3A_184 = arith.addf %get3A_179, %get3A_183 : vector<16xf32>
        %max3A_185 = arith.constant 0.000000e+00 : f32
        %max3A_186 = vector.broadcast %max3A_185 : f32 to vector<16xf32>
        %max3A_187 = arith.maximumf %add3A_184, %max3A_186 : vector<16xf32>
        %swap3A_188 = arith.index_cast %scan3A_110 : i32 to index
        %swap3A_189 = arith.constant 64 : index
        %swap3A_190 = tpu.vector_load %arg11[%swap3A_188, %swap3A_189] {strides = array<i32>} : memref<128x128xf32, #tpu.memory_space<vmem>>, vector<1x16xf32>,
        %swap3A_191 = vector.shape_cast %swap3A_190 : vector<1x16xf32> to vector<16xf32>
        %swap3A_192 = vector.shape_cast %max3A_187 : vector<16xf32> to vector<1x16xf32>
        tpu.vector_store %arg11[%swap3A_188, %swap3A_189], %swap3A_192 {strides = array<i32>} : memref<128x128xf32, #tpu.memory_space<vmem>>, vector<1x16xf32>,
        %get3A_193 = arith.index_cast %scan3A_110 : i32 to index
        %get3A_194 = arith.constant 80 : index
        %get3A_195 = tpu.vector_load %arg11[%get3A_193, %get3A_194] {strides = array<i32>} : memref<128x128xf32, #tpu.memory_space<vmem>>, vector<1x16xf32>,
        %get3A_196 = vector.shape_cast %get3A_195 : vector<1x16xf32> to vector<16xf32>
        %get3A_197 = arith.index_cast %scan3A_110 : i32 to index
        %get3A_198 = arith.constant 80 : index
        %get3A_199 = tpu.vector_load %arg12[%get3A_197, %get3A_198] {strides = array<i32>} : memref<128x128xf32, #tpu.memory_space<vmem>>, vector<1x16xf32>,
        %get3A_200 = vector.shape_cast %get3A_199 : vector<1x16xf32> to vector<16xf32>
        %add3A_201 = arith.addf %get3A_196, %get3A_200 : vector<16xf32>
        %max3A_202 = arith.constant 0.000000e+00 : f32
        %max3A_203 = vector.broadcast %max3A_202 : f32 to vector<16xf32>
        %max3A_204 = arith.maximumf %add3A_201, %max3A_203 : vector<16xf32>
        %swap3A_205 = arith.index_cast %scan3A_110 : i32 to index
        %swap3A_206 = arith.constant 80 : index
        %swap3A_207 = tpu.vector_load %arg11[%swap3A_205, %swap3A_206] {strides = array<i32>} : memref<128x128xf32, #tpu.memory_space<vmem>>, vector<1x16xf32>,
        %swap3A_208 = vector.shape_cast %swap3A_207 : vector<1x16xf32> to vector<16xf32>
        %swap3A_209 = vector.shape_cast %max3A_204 : vector<16xf32> to vector<1x16xf32>
        tpu.vector_store %arg11[%swap3A_205, %swap3A_206], %swap3A_209 {strides = array<i32>} : memref<128x128xf32, #tpu.memory_space<vmem>>, vector<1x16xf32>,
        %get3A_210 = arith.index_cast %scan3A_110 : i32 to index
        %get3A_211 = arith.constant 96 : index
        %get3A_212 = tpu.vector_load %arg11[%get3A_210, %get3A_211] {strides = array<i32>} : memref<128x128xf32, #tpu.memory_space<vmem>>, vector<1x16xf32>,
        %get3A_213 = vector.shape_cast %get3A_212 : vector<1x16xf32> to vector<16xf32>
        %get3A_214 = arith.index_cast %scan3A_110 : i32 to index
        %get3A_215 = arith.constant 96 : index
        %get3A_216 = tpu.vector_load %arg12[%get3A_214, %get3A_215] {strides = array<i32>} : memref<128x128xf32, #tpu.memory_space<vmem>>, vector<1x16xf32>,
        %get3A_217 = vector.shape_cast %get3A_216 : vector<1x16xf32> to vector<16xf32>
        %add3A_218 = arith.addf %get3A_213, %get3A_217 : vector<16xf32>
        %max3A_219 = arith.constant 0.000000e+00 : f32
        %max3A_220 = vector.broadcast %max3A_219 : f32 to vector<16xf32>
        %max3A_221 = arith.maximumf %add3A_218, %max3A_220 : vector<16xf32>
        %swap3A_222 = arith.index_cast %scan3A_110 : i32 to index
        %swap3A_223 = arith.constant 96 : index
        %swap3A_224 = tpu.vector_load %arg11[%swap3A_222, %swap3A_223] {strides = array<i32>} : memref<128x128xf32, #tpu.memory_space<vmem>>, vector<1x16xf32>,
        %swap3A_225 = vector.shape_cast %swap3A_224 : vector<1x16xf32> to vector<16xf32>
        %swap3A_226 = vector.shape_cast %max3A_221 : vector<16xf32> to vector<1x16xf32>
        tpu.vector_store %arg11[%swap3A_222, %swap3A_223], %swap3A_226 {strides = array<i32>} : memref<128x128xf32, #tpu.memory_space<vmem>>, vector<1x16xf32>,
        %get3A_227 = arith.index_cast %scan3A_110 : i32 to index
        %get3A_228 = arith.constant 112 : index
        %get3A_229 = tpu.vector_load %arg11[%get3A_227, %get3A_228] {strides = array<i32>} : memref<128x128xf32, #tpu.memory_space<vmem>>, vector<1x16xf32>,
        %get3A_230 = vector.shape_cast %get3A_229 : vector<1x16xf32> to vector<16xf32>
        %get3A_231 = arith.index_cast %scan3A_110 : i32 to index
        %get3A_232 = arith.constant 112 : index
        %get3A_233 = tpu.vector_load %arg12[%get3A_231, %get3A_232] {strides = array<i32>} : memref<128x128xf32, #tpu.memory_space<vmem>>, vector<1x16xf32>,
        %get3A_234 = vector.shape_cast %get3A_233 : vector<1x16xf32> to vector<16xf32>
        %add3A_235 = arith.addf %get3A_230, %get3A_234 : vector<16xf32>
        %max3A_236 = arith.constant 0.000000e+00 : f32
        %max3A_237 = vector.broadcast %max3A_236 : f32 to vector<16xf32>
        %max3A_238 = arith.maximumf %add3A_235, %max3A_237 : vector<16xf32>
        %swap3A_239 = arith.index_cast %scan3A_110 : i32 to index
        %swap3A_240 = arith.constant 112 : index
        %swap3A_241 = tpu.vector_load %arg11[%swap3A_239, %swap3A_240] {strides = array<i32>} : memref<128x128xf32, #tpu.memory_space<vmem>>, vector<1x16xf32>,
        %swap3A_242 = vector.shape_cast %swap3A_241 : vector<1x16xf32> to vector<16xf32>
        %swap3A_243 = vector.shape_cast %max3A_238 : vector<16xf32> to vector<1x16xf32>
        tpu.vector_store %arg11[%swap3A_239, %swap3A_240], %swap3A_243 {strides = array<i32>} : memref<128x128xf32, #tpu.memory_space<vmem>>, vector<1x16xf32>,
      }
      %scan3A_105 = arith.constant 128 : i32
      %add3A_106 = arith.addi %mul3A_0, %mul3A_2 : i32
      %add3A_107 = arith.addi %add3A_106, %add3A_79 : i32
      %mul3A_108 = arith.constant 128 : i32
      %mul3A_109 = arith.muli %add3A_107, %mul3A_108 : i32
      "tpu.region"() ({
        %run_scoped3A = tpu.sem_alloc : memref<!tpu.dma_semaphore, #tpu.memory_space<semaphore_mem>>
        %dma_start3A_110 = arith.constant 0 : i32
        %dma_start3A_111 = tpu.memref_slice %arg6[%mul3A_109, %dma_start3A_110] : memref<327680x128xf32, #tpu.memory_space<hbm>> -> memref<128x128xf32, #tpu.memory_space<hbm>>
        %dma_start3A_112 = arith.constant 0 : i32
        %dma_start3A_113 = tpu.memref_slice %arg6[%mul3A_109, %dma_start3A_112] : memref<327680x128xf32, #tpu.memory_space<hbm>> -> memref<128x128xf32, #tpu.memory_space<hbm>>
        tpu.enqueue_dma source(%arg11 : memref<128x128xf32, #tpu.memory_space<vmem>>) target(%dma_start3A_113 : memref<128x128xf32, #tpu.memory_space<hbm>>) target_semaphore(%run_scoped3A : memref<!tpu.dma_semaphore, #tpu.memory_space<semaphore_mem>>)
        %dma_wait3A_114 = arith.constant 0 : i32
        %dma_wait3A_115 = tpu.memref_slice %arg6[%mul3A_109, %dma_wait3A_114] : memref<327680x128xf32, #tpu.memory_space<hbm>> -> memref<128x128xf32, #tpu.memory_space<hbm>>
        %dma_wait3A_116 = arith.constant 0 : i32
        %dma_wait3A_117 = tpu.memref_slice %arg6[%mul3A_109, %dma_wait3A_116] : memref<327680x128xf32, #tpu.memory_space<hbm>> -> memref<128x128xf32, #tpu.memory_space<hbm>>
        tpu.wait_dma2 semaphore(%run_scoped3A : memref<!tpu.dma_semaphore, #tpu.memory_space<semaphore_mem>>) src(%arg11 : memref<128x128xf32, #tpu.memory_space<vmem>>) dst(%dma_wait3A_117 : memref<128x128xf32, #tpu.memory_space<hbm>>)
        tpu.yield
      }) : () -> ()
    }
    %while3A_45 = arith.constant 1 : i32
    scf.for %while3A_46 = %while3A_43 to %while3A_39 step %while3A_45  : i32 {
      %mul3A_47 = arith.constant 2 : i32
      %mul3A_48 = arith.muli %mul3A_47, %while3A_46 : i32
      %add3A_49 = arith.constant 0 : i32
      %add3A_50 = arith.addi %mul3A_48, %add3A_49 : i32
      %add3A_51 = arith.constant 1 : i32
      %add3A_52 = arith.addi %add3A_50, %add3A_51 : i32
      %lt3A = arith.cmpi slt, %add3A_52, %select_n3A : i32
      %convert_element_type3A = arith.extui %lt3A : i1 to i32
      %cond3A = arith.constant 0 : i32
      %cond3A_53 = arith.cmpi ne, %convert_element_type3A, %cond3A : i32
      scf.if %cond3A_53 {
        %add3A_110 = arith.addi %mul3A_2, %add3A_52 : i32
        %dma_start3A_111 = arith.constant 0 : i32
        %dma_start3A_112 = tpu.memref_slice %arg7[%add3A_110, %dma_start3A_111] : memref<160x128xi32, #tpu.memory_space<vmem>> -> memref<1x128xi32, #tpu.memory_space<vmem>>
        %dma_start3A_113 = tpu.memref_squeeze %dma_start3A_112 : memref<1x128xi32, #tpu.memory_space<vmem>> -> memref<128xi32, #tpu.memory_space<vmem>>
        %dma_start3A_114 = arith.constant 0 : i32
        %dma_start3A_115 = arith.constant 0 : i32
        %dma_start3A_116 = tpu.memref_slice %arg2[%dma_start3A_114, %dma_start3A_115] : memref<10240x128xf32, #tpu.memory_space<hbm>> -> memref<10240x128xf32, #tpu.memory_space<hbm>>
        tpu.enqueue_indirect_dma source(%dma_start3A_116 : memref<10240x128xf32, #tpu.memory_space<hbm>>) target(%arg11 : memref<128x128xf32, #tpu.memory_space<vmem>>) offsets(%dma_start3A_113 : memref<128xi32, #tpu.memory_space<vmem>>) semaphore(%arg15 : memref<!tpu.dma_semaphore, #tpu.memory_space<semaphore_mem>>)
        %add3A_117 = arith.addi %mul3A_2, %add3A_52 : i32
        %dma_start3A_118 = arith.constant 0 : i32
        %dma_start3A_119 = tpu.memref_slice %arg8[%add3A_117, %dma_start3A_118] : memref<160x128xi32, #tpu.memory_space<vmem>> -> memref<1x128xi32, #tpu.memory_space<vmem>>
        %dma_start3A_120 = tpu.memref_squeeze %dma_start3A_119 : memref<1x128xi32, #tpu.memory_space<vmem>> -> memref<128xi32, #tpu.memory_space<vmem>>
        %dma_start3A_121 = arith.constant 0 : i32
        %dma_start3A_122 = arith.constant 0 : i32
        %dma_start3A_123 = tpu.memref_slice %arg3[%dma_start3A_121, %dma_start3A_122] : memref<10240x128xf32, #tpu.memory_space<hbm>> -> memref<10240x128xf32, #tpu.memory_space<hbm>>
        tpu.enqueue_indirect_dma source(%dma_start3A_123 : memref<10240x128xf32, #tpu.memory_space<hbm>>) target(%arg12 : memref<128x128xf32, #tpu.memory_space<vmem>>) offsets(%dma_start3A_120 : memref<128xi32, #tpu.memory_space<vmem>>) semaphore(%arg16 : memref<!tpu.dma_semaphore, #tpu.memory_space<semaphore_mem>>)
      } else {
      }
      %add3A_54 = arith.addi %mul3A_2, %add3A_50 : i32
      %dma_wait3A = arith.constant 0 : i32
      %dma_wait3A_55 = tpu.memref_slice %arg7[%add3A_54, %dma_wait3A] : memref<160x128xi32, #tpu.memory_space<vmem>> -> memref<1x128xi32, #tpu.memory_space<vmem>>
      %dma_wait3A_56 = tpu.memref_squeeze %dma_wait3A_55 : memref<1x128xi32, #tpu.memory_space<vmem>> -> memref<128xi32, #tpu.memory_space<vmem>>
      %dma_wait3A_57 = arith.constant 0 : i32
      %dma_wait3A_58 = arith.constant 0 : i32
      %dma_wait3A_59 = tpu.memref_slice %arg2[%dma_wait3A_57, %dma_wait3A_58] : memref<10240x128xf32, #tpu.memory_space<hbm>> -> memref<10240x128xf32, #tpu.memory_space<hbm>>
      tpu.wait_indirect_dma semaphore(%arg13 : memref<!tpu.dma_semaphore, #tpu.memory_space<semaphore_mem>>) src(%dma_wait3A_59 : memref<10240x128xf32, #tpu.memory_space<hbm>>) dst(%arg9 : memref<128x128xf32, #tpu.memory_space<vmem>>)
      %add3A_60 = arith.addi %mul3A_2, %add3A_50 : i32
      %dma_wait3A_61 = arith.constant 0 : i32
      %dma_wait3A_62 = tpu.memref_slice %arg8[%add3A_60, %dma_wait3A_61] : memref<160x128xi32, #tpu.memory_space<vmem>> -> memref<1x128xi32, #tpu.memory_space<vmem>>
      %dma_wait3A_63 = tpu.memref_squeeze %dma_wait3A_62 : memref<1x128xi32, #tpu.memory_space<vmem>> -> memref<128xi32, #tpu.memory_space<vmem>>
      %dma_wait3A_64 = arith.constant 0 : i32
      %dma_wait3A_65 = arith.constant 0 : i32
      %dma_wait3A_66 = tpu.memref_slice %arg3[%dma_wait3A_64, %dma_wait3A_65] : memref<10240x128xf32, #tpu.memory_space<hbm>> -> memref<10240x128xf32, #tpu.memory_space<hbm>>
      tpu.wait_indirect_dma semaphore(%arg14 : memref<!tpu.dma_semaphore, #tpu.memory_space<semaphore_mem>>) src(%dma_wait3A_66 : memref<10240x128xf32, #tpu.memory_space<hbm>>) dst(%arg10 : memref<128x128xf32, #tpu.memory_space<vmem>>)
      %scan3A = arith.constant 0 : i32
      %scan3A_67 = arith.constant 0 : i32
      %scan3A_68 = arith.constant 128 : i32
      %scan3A_69 = arith.addi %scan3A_67, %scan3A_68 : i32
      %scan3A_70 = arith.constant 1 : i32
      scf.for %scan3A_110 = %scan3A_67 to %scan3A_69 step %scan3A_70  : i32 {
        %get3A = arith.index_cast %scan3A_110 : i32 to index
        %get3A_111 = arith.constant 0 : index
        %get3A_112 = tpu.vector_load %arg9[%get3A, %get3A_111] {strides = array<i32>} : memref<128x128xf32, #tpu.memory_space<vmem>>, vector<1x16xf32>,
        %get3A_113 = vector.shape_cast %get3A_112 : vector<1x16xf32> to vector<16xf32>
        %get3A_114 = arith.index_cast %scan3A_110 : i32 to index
        %get3A_115 = arith.constant 0 : index
        %get3A_116 = tpu.vector_load %arg10[%get3A_114, %get3A_115] {strides = array<i32>} : memref<128x128xf32, #tpu.memory_space<vmem>>, vector<1x16xf32>,
        %get3A_117 = vector.shape_cast %get3A_116 : vector<1x16xf32> to vector<16xf32>
        %add3A_118 = arith.addf %get3A_113, %get3A_117 : vector<16xf32>
        %max3A = arith.constant 0.000000e+00 : f32
        %max3A_119 = vector.broadcast %max3A : f32 to vector<16xf32>
        %max3A_120 = arith.maximumf %add3A_118, %max3A_119 : vector<16xf32>
        %swap3A = arith.index_cast %scan3A_110 : i32 to index
        %swap3A_121 = arith.constant 0 : index
        %swap3A_122 = tpu.vector_load %arg9[%swap3A, %swap3A_121] {strides = array<i32>} : memref<128x128xf32, #tpu.memory_space<vmem>>, vector<1x16xf32>,
        %swap3A_123 = vector.shape_cast %swap3A_122 : vector<1x16xf32> to vector<16xf32>
        %swap3A_124 = vector.shape_cast %max3A_120 : vector<16xf32> to vector<1x16xf32>
        tpu.vector_store %arg9[%swap3A, %swap3A_121], %swap3A_124 {strides = array<i32>} : memref<128x128xf32, #tpu.memory_space<vmem>>, vector<1x16xf32>,
        %get3A_125 = arith.index_cast %scan3A_110 : i32 to index
        %get3A_126 = arith.constant 16 : index
        %get3A_127 = tpu.vector_load %arg9[%get3A_125, %get3A_126] {strides = array<i32>} : memref<128x128xf32, #tpu.memory_space<vmem>>, vector<1x16xf32>,
        %get3A_128 = vector.shape_cast %get3A_127 : vector<1x16xf32> to vector<16xf32>
        %get3A_129 = arith.index_cast %scan3A_110 : i32 to index
        %get3A_130 = arith.constant 16 : index
        %get3A_131 = tpu.vector_load %arg10[%get3A_129, %get3A_130] {strides = array<i32>} : memref<128x128xf32, #tpu.memory_space<vmem>>, vector<1x16xf32>,
        %get3A_132 = vector.shape_cast %get3A_131 : vector<1x16xf32> to vector<16xf32>
        %add3A_133 = arith.addf %get3A_128, %get3A_132 : vector<16xf32>
        %max3A_134 = arith.constant 0.000000e+00 : f32
        %max3A_135 = vector.broadcast %max3A_134 : f32 to vector<16xf32>
        %max3A_136 = arith.maximumf %add3A_133, %max3A_135 : vector<16xf32>
        %swap3A_137 = arith.index_cast %scan3A_110 : i32 to index
        %swap3A_138 = arith.constant 16 : index
        %swap3A_139 = tpu.vector_load %arg9[%swap3A_137, %swap3A_138] {strides = array<i32>} : memref<128x128xf32, #tpu.memory_space<vmem>>, vector<1x16xf32>,
        %swap3A_140 = vector.shape_cast %swap3A_139 : vector<1x16xf32> to vector<16xf32>
        %swap3A_141 = vector.shape_cast %max3A_136 : vector<16xf32> to vector<1x16xf32>
        tpu.vector_store %arg9[%swap3A_137, %swap3A_138], %swap3A_141 {strides = array<i32>} : memref<128x128xf32, #tpu.memory_space<vmem>>, vector<1x16xf32>,
        %get3A_142 = arith.index_cast %scan3A_110 : i32 to index
        %get3A_143 = arith.constant 32 : index
        %get3A_144 = tpu.vector_load %arg9[%get3A_142, %get3A_143] {strides = array<i32>} : memref<128x128xf32, #tpu.memory_space<vmem>>, vector<1x16xf32>,
        %get3A_145 = vector.shape_cast %get3A_144 : vector<1x16xf32> to vector<16xf32>
        %get3A_146 = arith.index_cast %scan3A_110 : i32 to index
        %get3A_147 = arith.constant 32 : index
        %get3A_148 = tpu.vector_load %arg10[%get3A_146, %get3A_147] {strides = array<i32>} : memref<128x128xf32, #tpu.memory_space<vmem>>, vector<1x16xf32>,
        %get3A_149 = vector.shape_cast %get3A_148 : vector<1x16xf32> to vector<16xf32>
        %add3A_150 = arith.addf %get3A_145, %get3A_149 : vector<16xf32>
        %max3A_151 = arith.constant 0.000000e+00 : f32
        %max3A_152 = vector.broadcast %max3A_151 : f32 to vector<16xf32>
        %max3A_153 = arith.maximumf %add3A_150, %max3A_152 : vector<16xf32>
        %swap3A_154 = arith.index_cast %scan3A_110 : i32 to index
        %swap3A_155 = arith.constant 32 : index
        %swap3A_156 = tpu.vector_load %arg9[%swap3A_154, %swap3A_155] {strides = array<i32>} : memref<128x128xf32, #tpu.memory_space<vmem>>, vector<1x16xf32>,
        %swap3A_157 = vector.shape_cast %swap3A_156 : vector<1x16xf32> to vector<16xf32>
        %swap3A_158 = vector.shape_cast %max3A_153 : vector<16xf32> to vector<1x16xf32>
        tpu.vector_store %arg9[%swap3A_154, %swap3A_155], %swap3A_158 {strides = array<i32>} : memref<128x128xf32, #tpu.memory_space<vmem>>, vector<1x16xf32>,
        %get3A_159 = arith.index_cast %scan3A_110 : i32 to index
        %get3A_160 = arith.constant 48 : index
        %get3A_161 = tpu.vector_load %arg9[%get3A_159, %get3A_160] {strides = array<i32>} : memref<128x128xf32, #tpu.memory_space<vmem>>, vector<1x16xf32>,
        %get3A_162 = vector.shape_cast %get3A_161 : vector<1x16xf32> to vector<16xf32>
        %get3A_163 = arith.index_cast %scan3A_110 : i32 to index
        %get3A_164 = arith.constant 48 : index
        %get3A_165 = tpu.vector_load %arg10[%get3A_163, %get3A_164] {strides = array<i32>} : memref<128x128xf32, #tpu.memory_space<vmem>>, vector<1x16xf32>,
        %get3A_166 = vector.shape_cast %get3A_165 : vector<1x16xf32> to vector<16xf32>
        %add3A_167 = arith.addf %get3A_162, %get3A_166 : vector<16xf32>
        %max3A_168 = arith.constant 0.000000e+00 : f32
        %max3A_169 = vector.broadcast %max3A_168 : f32 to vector<16xf32>
        %max3A_170 = arith.maximumf %add3A_167, %max3A_169 : vector<16xf32>
        %swap3A_171 = arith.index_cast %scan3A_110 : i32 to index
        %swap3A_172 = arith.constant 48 : index
        %swap3A_173 = tpu.vector_load %arg9[%swap3A_171, %swap3A_172] {strides = array<i32>} : memref<128x128xf32, #tpu.memory_space<vmem>>, vector<1x16xf32>,
        %swap3A_174 = vector.shape_cast %swap3A_173 : vector<1x16xf32> to vector<16xf32>
        %swap3A_175 = vector.shape_cast %max3A_170 : vector<16xf32> to vector<1x16xf32>
        tpu.vector_store %arg9[%swap3A_171, %swap3A_172], %swap3A_175 {strides = array<i32>} : memref<128x128xf32, #tpu.memory_space<vmem>>, vector<1x16xf32>,
        %get3A_176 = arith.index_cast %scan3A_110 : i32 to index
        %get3A_177 = arith.constant 64 : index
        %get3A_178 = tpu.vector_load %arg9[%get3A_176, %get3A_177] {strides = array<i32>} : memref<128x128xf32, #tpu.memory_space<vmem>>, vector<1x16xf32>,
        %get3A_179 = vector.shape_cast %get3A_178 : vector<1x16xf32> to vector<16xf32>
        %get3A_180 = arith.index_cast %scan3A_110 : i32 to index
        %get3A_181 = arith.constant 64 : index
        %get3A_182 = tpu.vector_load %arg10[%get3A_180, %get3A_181] {strides = array<i32>} : memref<128x128xf32, #tpu.memory_space<vmem>>, vector<1x16xf32>,
        %get3A_183 = vector.shape_cast %get3A_182 : vector<1x16xf32> to vector<16xf32>
        %add3A_184 = arith.addf %get3A_179, %get3A_183 : vector<16xf32>
        %max3A_185 = arith.constant 0.000000e+00 : f32
        %max3A_186 = vector.broadcast %max3A_185 : f32 to vector<16xf32>
        %max3A_187 = arith.maximumf %add3A_184, %max3A_186 : vector<16xf32>
        %swap3A_188 = arith.index_cast %scan3A_110 : i32 to index
        %swap3A_189 = arith.constant 64 : index
        %swap3A_190 = tpu.vector_load %arg9[%swap3A_188, %swap3A_189] {strides = array<i32>} : memref<128x128xf32, #tpu.memory_space<vmem>>, vector<1x16xf32>,
        %swap3A_191 = vector.shape_cast %swap3A_190 : vector<1x16xf32> to vector<16xf32>
        %swap3A_192 = vector.shape_cast %max3A_187 : vector<16xf32> to vector<1x16xf32>
        tpu.vector_store %arg9[%swap3A_188, %swap3A_189], %swap3A_192 {strides = array<i32>} : memref<128x128xf32, #tpu.memory_space<vmem>>, vector<1x16xf32>,
        %get3A_193 = arith.index_cast %scan3A_110 : i32 to index
        %get3A_194 = arith.constant 80 : index
        %get3A_195 = tpu.vector_load %arg9[%get3A_193, %get3A_194] {strides = array<i32>} : memref<128x128xf32, #tpu.memory_space<vmem>>, vector<1x16xf32>,
        %get3A_196 = vector.shape_cast %get3A_195 : vector<1x16xf32> to vector<16xf32>
        %get3A_197 = arith.index_cast %scan3A_110 : i32 to index
        %get3A_198 = arith.constant 80 : index
        %get3A_199 = tpu.vector_load %arg10[%get3A_197, %get3A_198] {strides = array<i32>} : memref<128x128xf32, #tpu.memory_space<vmem>>, vector<1x16xf32>,
        %get3A_200 = vector.shape_cast %get3A_199 : vector<1x16xf32> to vector<16xf32>
        %add3A_201 = arith.addf %get3A_196, %get3A_200 : vector<16xf32>
        %max3A_202 = arith.constant 0.000000e+00 : f32
        %max3A_203 = vector.broadcast %max3A_202 : f32 to vector<16xf32>
        %max3A_204 = arith.maximumf %add3A_201, %max3A_203 : vector<16xf32>
        %swap3A_205 = arith.index_cast %scan3A_110 : i32 to index
        %swap3A_206 = arith.constant 80 : index
        %swap3A_207 = tpu.vector_load %arg9[%swap3A_205, %swap3A_206] {strides = array<i32>} : memref<128x128xf32, #tpu.memory_space<vmem>>, vector<1x16xf32>,
        %swap3A_208 = vector.shape_cast %swap3A_207 : vector<1x16xf32> to vector<16xf32>
        %swap3A_209 = vector.shape_cast %max3A_204 : vector<16xf32> to vector<1x16xf32>
        tpu.vector_store %arg9[%swap3A_205, %swap3A_206], %swap3A_209 {strides = array<i32>} : memref<128x128xf32, #tpu.memory_space<vmem>>, vector<1x16xf32>,
        %get3A_210 = arith.index_cast %scan3A_110 : i32 to index
        %get3A_211 = arith.constant 96 : index
        %get3A_212 = tpu.vector_load %arg9[%get3A_210, %get3A_211] {strides = array<i32>} : memref<128x128xf32, #tpu.memory_space<vmem>>, vector<1x16xf32>,
        %get3A_213 = vector.shape_cast %get3A_212 : vector<1x16xf32> to vector<16xf32>
        %get3A_214 = arith.index_cast %scan3A_110 : i32 to index
        %get3A_215 = arith.constant 96 : index
        %get3A_216 = tpu.vector_load %arg10[%get3A_214, %get3A_215] {strides = array<i32>} : memref<128x128xf32, #tpu.memory_space<vmem>>, vector<1x16xf32>,
        %get3A_217 = vector.shape_cast %get3A_216 : vector<1x16xf32> to vector<16xf32>
        %add3A_218 = arith.addf %get3A_213, %get3A_217 : vector<16xf32>
        %max3A_219 = arith.constant 0.000000e+00 : f32
        %max3A_220 = vector.broadcast %max3A_219 : f32 to vector<16xf32>
        %max3A_221 = arith.maximumf %add3A_218, %max3A_220 : vector<16xf32>
        %swap3A_222 = arith.index_cast %scan3A_110 : i32 to index
        %swap3A_223 = arith.constant 96 : index
        %swap3A_224 = tpu.vector_load %arg9[%swap3A_222, %swap3A_223] {strides = array<i32>} : memref<128x128xf32, #tpu.memory_space<vmem>>, vector<1x16xf32>,
        %swap3A_225 = vector.shape_cast %swap3A_224 : vector<1x16xf32> to vector<16xf32>
        %swap3A_226 = vector.shape_cast %max3A_221 : vector<16xf32> to vector<1x16xf32>
        tpu.vector_store %arg9[%swap3A_222, %swap3A_223], %swap3A_226 {strides = array<i32>} : memref<128x128xf32, #tpu.memory_space<vmem>>, vector<1x16xf32>,
        %get3A_227 = arith.index_cast %scan3A_110 : i32 to index
        %get3A_228 = arith.constant 112 : index
        %get3A_229 = tpu.vector_load %arg9[%get3A_227, %get3A_228] {strides = array<i32>} : memref<128x128xf32, #tpu.memory_space<vmem>>, vector<1x16xf32>,
        %get3A_230 = vector.shape_cast %get3A_229 : vector<1x16xf32> to vector<16xf32>
        %get3A_231 = arith.index_cast %scan3A_110 : i32 to index
        %get3A_232 = arith.constant 112 : index
        %get3A_233 = tpu.vector_load %arg10[%get3A_231, %get3A_232] {strides = array<i32>} : memref<128x128xf32, #tpu.memory_space<vmem>>, vector<1x16xf32>,
        %get3A_234 = vector.shape_cast %get3A_233 : vector<1x16xf32> to vector<16xf32>
        %add3A_235 = arith.addf %get3A_230, %get3A_234 : vector<16xf32>
        %max3A_236 = arith.constant 0.000000e+00 : f32
        %max3A_237 = vector.broadcast %max3A_236 : f32 to vector<16xf32>
        %max3A_238 = arith.maximumf %add3A_235, %max3A_237 : vector<16xf32>
        %swap3A_239 = arith.index_cast %scan3A_110 : i32 to index
        %swap3A_240 = arith.constant 112 : index
        %swap3A_241 = tpu.vector_load %arg9[%swap3A_239, %swap3A_240] {strides = array<i32>} : memref<128x128xf32, #tpu.memory_space<vmem>>, vector<1x16xf32>,
        %swap3A_242 = vector.shape_cast %swap3A_241 : vector<1x16xf32> to vector<16xf32>
        %swap3A_243 = vector.shape_cast %max3A_238 : vector<16xf32> to vector<1x16xf32>
        tpu.vector_store %arg9[%swap3A_239, %swap3A_240], %swap3A_243 {strides = array<i32>} : memref<128x128xf32, #tpu.memory_space<vmem>>, vector<1x16xf32>,
      }
      %scan3A_71 = arith.constant 128 : i32
      %add3A_72 = arith.addi %mul3A_0, %mul3A_2 : i32
      %add3A_73 = arith.addi %add3A_72, %add3A_50 : i32
      %mul3A_74 = arith.constant 128 : i32
      %mul3A_75 = arith.muli %add3A_73, %mul3A_74 : i32
      "tpu.region"() ({
        %run_scoped3A = tpu.sem_alloc : memref<!tpu.dma_semaphore, #tpu.memory_space<semaphore_mem>>
        %dma_start3A_110 = arith.constant 0 : i32
        %dma_start3A_111 = tpu.memref_slice %arg6[%mul3A_75, %dma_start3A_110] : memref<327680x128xf32, #tpu.memory_space<hbm>> -> memref<128x128xf32, #tpu.memory_space<hbm>>
        %dma_start3A_112 = arith.constant 0 : i32
        %dma_start3A_113 = tpu.memref_slice %arg6[%mul3A_75, %dma_start3A_112] : memref<327680x128xf32, #tpu.memory_space<hbm>> -> memref<128x128xf32, #tpu.memory_space<hbm>>
        tpu.enqueue_dma source(%arg9 : memref<128x128xf32, #tpu.memory_space<vmem>>) target(%dma_start3A_113 : memref<128x128xf32, #tpu.memory_space<hbm>>) target_semaphore(%run_scoped3A : memref<!tpu.dma_semaphore, #tpu.memory_space<semaphore_mem>>)
        %dma_wait3A_114 = arith.constant 0 : i32
        %dma_wait3A_115 = tpu.memref_slice %arg6[%mul3A_75, %dma_wait3A_114] : memref<327680x128xf32, #tpu.memory_space<hbm>> -> memref<128x128xf32, #tpu.memory_space<hbm>>
        %dma_wait3A_116 = arith.constant 0 : i32
        %dma_wait3A_117 = tpu.memref_slice %arg6[%mul3A_75, %dma_wait3A_116] : memref<327680x128xf32, #tpu.memory_space<hbm>> -> memref<128x128xf32, #tpu.memory_space<hbm>>
        tpu.wait_dma2 semaphore(%run_scoped3A : memref<!tpu.dma_semaphore, #tpu.memory_space<semaphore_mem>>) src(%arg9 : memref<128x128xf32, #tpu.memory_space<vmem>>) dst(%dma_wait3A_117 : memref<128x128xf32, #tpu.memory_space<hbm>>)
        tpu.yield
      }) : () -> ()
      %mul3A_76 = arith.constant 2 : i32
      %mul3A_77 = arith.muli %mul3A_76, %while3A_46 : i32
      %add3A_78 = arith.constant 1 : i32
      %add3A_79 = arith.addi %mul3A_77, %add3A_78 : i32
      %add3A_80 = arith.constant 1 : i32
      %add3A_81 = arith.addi %add3A_79, %add3A_80 : i32
      %lt3A_82 = arith.cmpi slt, %add3A_81, %select_n3A : i32
      %convert_element_type3A_83 = arith.extui %lt3A_82 : i1 to i32
      %cond3A_84 = arith.constant 0 : i32
      %cond3A_85 = arith.cmpi ne, %convert_element_type3A_83, %cond3A_84 : i32
      scf.if %cond3A_85 {
        %add3A_110 = arith.addi %mul3A_2, %add3A_81 : i32
        %dma_start3A_111 = arith.constant 0 : i32
        %dma_start3A_112 = tpu.memref_slice %arg7[%add3A_110, %dma_start3A_111] : memref<160x128xi32, #tpu.memory_space<vmem>> -> memref<1x128xi32, #tpu.memory_space<vmem>>
        %dma_start3A_113 = tpu.memref_squeeze %dma_start3A_112 : memref<1x128xi32, #tpu.memory_space<vmem>> -> memref<128xi32, #tpu.memory_space<vmem>>
        %dma_start3A_114 = arith.constant 0 : i32
        %dma_start3A_115 = arith.constant 0 : i32
        %dma_start3A_116 = tpu.memref_slice %arg2[%dma_start3A_114, %dma_start3A_115] : memref<10240x128xf32, #tpu.memory_space<hbm>> -> memref<10240x128xf32, #tpu.memory_space<hbm>>
        tpu.enqueue_indirect_dma source(%dma_start3A_116 : memref<10240x128xf32, #tpu.memory_space<hbm>>) target(%arg9 : memref<128x128xf32, #tpu.memory_space<vmem>>) offsets(%dma_start3A_113 : memref<128xi32, #tpu.memory_space<vmem>>) semaphore(%arg13 : memref<!tpu.dma_semaphore, #tpu.memory_space<semaphore_mem>>)
        %add3A_117 = arith.addi %mul3A_2, %add3A_81 : i32
        %dma_start3A_118 = arith.constant 0 : i32
        %dma_start3A_119 = tpu.memref_slice %arg8[%add3A_117, %dma_start3A_118] : memref<160x128xi32, #tpu.memory_space<vmem>> -> memref<1x128xi32, #tpu.memory_space<vmem>>
        %dma_start3A_120 = tpu.memref_squeeze %dma_start3A_119 : memref<1x128xi32, #tpu.memory_space<vmem>> -> memref<128xi32, #tpu.memory_space<vmem>>
        %dma_start3A_121 = arith.constant 0 : i32
        %dma_start3A_122 = arith.constant 0 : i32
        %dma_start3A_123 = tpu.memref_slice %arg3[%dma_start3A_121, %dma_start3A_122] : memref<10240x128xf32, #tpu.memory_space<hbm>> -> memref<10240x128xf32, #tpu.memory_space<hbm>>
        tpu.enqueue_indirect_dma source(%dma_start3A_123 : memref<10240x128xf32, #tpu.memory_space<hbm>>) target(%arg10 : memref<128x128xf32, #tpu.memory_space<vmem>>) offsets(%dma_start3A_120 : memref<128xi32, #tpu.memory_space<vmem>>) semaphore(%arg14 : memref<!tpu.dma_semaphore, #tpu.memory_space<semaphore_mem>>)
      } else {
      }
      %add3A_86 = arith.addi %mul3A_2, %add3A_79 : i32
      %dma_wait3A_87 = arith.constant 0 : i32
      %dma_wait3A_88 = tpu.memref_slice %arg7[%add3A_86, %dma_wait3A_87] : memref<160x128xi32, #tpu.memory_space<vmem>> -> memref<1x128xi32, #tpu.memory_space<vmem>>
      %dma_wait3A_89 = tpu.memref_squeeze %dma_wait3A_88 : memref<1x128xi32, #tpu.memory_space<vmem>> -> memref<128xi32, #tpu.memory_space<vmem>>
      %dma_wait3A_90 = arith.constant 0 : i32
      %dma_wait3A_91 = arith.constant 0 : i32
      %dma_wait3A_92 = tpu.memref_slice %arg2[%dma_wait3A_90, %dma_wait3A_91] : memref<10240x128xf32, #tpu.memory_space<hbm>> -> memref<10240x128xf32, #tpu.memory_space<hbm>>
      tpu.wait_indirect_dma semaphore(%arg15 : memref<!tpu.dma_semaphore, #tpu.memory_space<semaphore_mem>>) src(%dma_wait3A_92 : memref<10240x128xf32, #tpu.memory_space<hbm>>) dst(%arg11 : memref<128x128xf32, #tpu.memory_space<vmem>>)
      %add3A_93 = arith.addi %mul3A_2, %add3A_79 : i32
      %dma_wait3A_94 = arith.constant 0 : i32
      %dma_wait3A_95 = tpu.memref_slice %arg8[%add3A_93, %dma_wait3A_94] : memref<160x128xi32, #tpu.memory_space<vmem>> -> memref<1x128xi32, #tpu.memory_space<vmem>>
      %dma_wait3A_96 = tpu.memref_squeeze %dma_wait3A_95 : memref<1x128xi32, #tpu.memory_space<vmem>> -> memref<128xi32, #tpu.memory_space<vmem>>
      %dma_wait3A_97 = arith.constant 0 : i32
      %dma_wait3A_98 = arith.constant 0 : i32
      %dma_wait3A_99 = tpu.memref_slice %arg3[%dma_wait3A_97, %dma_wait3A_98] : memref<10240x128xf32, #tpu.memory_space<hbm>> -> memref<10240x128xf32, #tpu.memory_space<hbm>>
      tpu.wait_indirect_dma semaphore(%arg16 : memref<!tpu.dma_semaphore, #tpu.memory_space<semaphore_mem>>) src(%dma_wait3A_99 : memref<10240x128xf32, #tpu.memory_space<hbm>>) dst(%arg12 : memref<128x128xf32, #tpu.memory_space<vmem>>)
      %scan3A_100 = arith.constant 0 : i32
      %scan3A_101 = arith.constant 0 : i32
      %scan3A_102 = arith.constant 128 : i32
      %scan3A_103 = arith.addi %scan3A_101, %scan3A_102 : i32
      %scan3A_104 = arith.constant 1 : i32
      scf.for %scan3A_110 = %scan3A_101 to %scan3A_103 step %scan3A_104  : i32 {
        %get3A = arith.index_cast %scan3A_110 : i32 to index
        %get3A_111 = arith.constant 0 : index
        %get3A_112 = tpu.vector_load %arg11[%get3A, %get3A_111] {strides = array<i32>} : memref<128x128xf32, #tpu.memory_space<vmem>>, vector<1x16xf32>,
        %get3A_113 = vector.shape_cast %get3A_112 : vector<1x16xf32> to vector<16xf32>
        %get3A_114 = arith.index_cast %scan3A_110 : i32 to index
        %get3A_115 = arith.constant 0 : index
        %get3A_116 = tpu.vector_load %arg12[%get3A_114, %get3A_115] {strides = array<i32>} : memref<128x128xf32, #tpu.memory_space<vmem>>, vector<1x16xf32>,
        %get3A_117 = vector.shape_cast %get3A_116 : vector<1x16xf32> to vector<16xf32>
        %add3A_118 = arith.addf %get3A_113, %get3A_117 : vector<16xf32>
        %max3A = arith.constant 0.000000e+00 : f32
        %max3A_119 = vector.broadcast %max3A : f32 to vector<16xf32>
        %max3A_120 = arith.maximumf %add3A_118, %max3A_119 : vector<16xf32>
        %swap3A = arith.index_cast %scan3A_110 : i32 to index
        %swap3A_121 = arith.constant 0 : index
        %swap3A_122 = tpu.vector_load %arg11[%swap3A, %swap3A_121] {strides = array<i32>} : memref<128x128xf32, #tpu.memory_space<vmem>>, vector<1x16xf32>,
        %swap3A_123 = vector.shape_cast %swap3A_122 : vector<1x16xf32> to vector<16xf32>
        %swap3A_124 = vector.shape_cast %max3A_120 : vector<16xf32> to vector<1x16xf32>
        tpu.vector_store %arg11[%swap3A, %swap3A_121], %swap3A_124 {strides = array<i32>} : memref<128x128xf32, #tpu.memory_space<vmem>>, vector<1x16xf32>,
        %get3A_125 = arith.index_cast %scan3A_110 : i32 to index
        %get3A_126 = arith.constant 16 : index
        %get3A_127 = tpu.vector_load %arg11[%get3A_125, %get3A_126] {strides = array<i32>} : memref<128x128xf32, #tpu.memory_space<vmem>>, vector<1x16xf32>,
        %get3A_128 = vector.shape_cast %get3A_127 : vector<1x16xf32> to vector<16xf32>
        %get3A_129 = arith.index_cast %scan3A_110 : i32 to index
        %get3A_130 = arith.constant 16 : index
        %get3A_131 = tpu.vector_load %arg12[%get3A_129, %get3A_130] {strides = array<i32>} : memref<128x128xf32, #tpu.memory_space<vmem>>, vector<1x16xf32>,
        %get3A_132 = vector.shape_cast %get3A_131 : vector<1x16xf32> to vector<16xf32>
        %add3A_133 = arith.addf %get3A_128, %get3A_132 : vector<16xf32>
        %max3A_134 = arith.constant 0.000000e+00 : f32
        %max3A_135 = vector.broadcast %max3A_134 : f32 to vector<16xf32>
        %max3A_136 = arith.maximumf %add3A_133, %max3A_135 : vector<16xf32>
        %swap3A_137 = arith.index_cast %scan3A_110 : i32 to index
        %swap3A_138 = arith.constant 16 : index
        %swap3A_139 = tpu.vector_load %arg11[%swap3A_137, %swap3A_138] {strides = array<i32>} : memref<128x128xf32, #tpu.memory_space<vmem>>, vector<1x16xf32>,
        %swap3A_140 = vector.shape_cast %swap3A_139 : vector<1x16xf32> to vector<16xf32>
        %swap3A_141 = vector.shape_cast %max3A_136 : vector<16xf32> to vector<1x16xf32>
        tpu.vector_store %arg11[%swap3A_137, %swap3A_138], %swap3A_141 {strides = array<i32>} : memref<128x128xf32, #tpu.memory_space<vmem>>, vector<1x16xf32>,
        %get3A_142 = arith.index_cast %scan3A_110 : i32 to index
        %get3A_143 = arith.constant 32 : index
        %get3A_144 = tpu.vector_load %arg11[%get3A_142, %get3A_143] {strides = array<i32>} : memref<128x128xf32, #tpu.memory_space<vmem>>, vector<1x16xf32>,
        %get3A_145 = vector.shape_cast %get3A_144 : vector<1x16xf32> to vector<16xf32>
        %get3A_146 = arith.index_cast %scan3A_110 : i32 to index
        %get3A_147 = arith.constant 32 : index
        %get3A_148 = tpu.vector_load %arg12[%get3A_146, %get3A_147] {strides = array<i32>} : memref<128x128xf32, #tpu.memory_space<vmem>>, vector<1x16xf32>,
        %get3A_149 = vector.shape_cast %get3A_148 : vector<1x16xf32> to vector<16xf32>
        %add3A_150 = arith.addf %get3A_145, %get3A_149 : vector<16xf32>
        %max3A_151 = arith.constant 0.000000e+00 : f32
        %max3A_152 = vector.broadcast %max3A_151 : f32 to vector<16xf32>
        %max3A_153 = arith.maximumf %add3A_150, %max3A_152 : vector<16xf32>
        %swap3A_154 = arith.index_cast %scan3A_110 : i32 to index
        %swap3A_155 = arith.constant 32 : index
        %swap3A_156 = tpu.vector_load %arg11[%swap3A_154, %swap3A_155] {strides = array<i32>} : memref<128x128xf32, #tpu.memory_space<vmem>>, vector<1x16xf32>,
        %swap3A_157 = vector.shape_cast %swap3A_156 : vector<1x16xf32> to vector<16xf32>
        %swap3A_158 = vector.shape_cast %max3A_153 : vector<16xf32> to vector<1x16xf32>
        tpu.vector_store %arg11[%swap3A_154, %swap3A_155], %swap3A_158 {strides = array<i32>} : memref<128x128xf32, #tpu.memory_space<vmem>>, vector<1x16xf32>,
        %get3A_159 = arith.index_cast %scan3A_110 : i32 to index
        %get3A_160 = arith.constant 48 : index
        %get3A_161 = tpu.vector_load %arg11[%get3A_159, %get3A_160] {strides = array<i32>} : memref<128x128xf32, #tpu.memory_space<vmem>>, vector<1x16xf32>,
        %get3A_162 = vector.shape_cast %get3A_161 : vector<1x16xf32> to vector<16xf32>
        %get3A_163 = arith.index_cast %scan3A_110 : i32 to index
        %get3A_164 = arith.constant 48 : index
        %get3A_165 = tpu.vector_load %arg12[%get3A_163, %get3A_164] {strides = array<i32>} : memref<128x128xf32, #tpu.memory_space<vmem>>, vector<1x16xf32>,
        %get3A_166 = vector.shape_cast %get3A_165 : vector<1x16xf32> to vector<16xf32>
        %add3A_167 = arith.addf %get3A_162, %get3A_166 : vector<16xf32>
        %max3A_168 = arith.constant 0.000000e+00 : f32
        %max3A_169 = vector.broadcast %max3A_168 : f32 to vector<16xf32>
        %max3A_170 = arith.maximumf %add3A_167, %max3A_169 : vector<16xf32>
        %swap3A_171 = arith.index_cast %scan3A_110 : i32 to index
        %swap3A_172 = arith.constant 48 : index
        %swap3A_173 = tpu.vector_load %arg11[%swap3A_171, %swap3A_172] {strides = array<i32>} : memref<128x128xf32, #tpu.memory_space<vmem>>, vector<1x16xf32>,
        %swap3A_174 = vector.shape_cast %swap3A_173 : vector<1x16xf32> to vector<16xf32>
        %swap3A_175 = vector.shape_cast %max3A_170 : vector<16xf32> to vector<1x16xf32>
        tpu.vector_store %arg11[%swap3A_171, %swap3A_172], %swap3A_175 {strides = array<i32>} : memref<128x128xf32, #tpu.memory_space<vmem>>, vector<1x16xf32>,
        %get3A_176 = arith.index_cast %scan3A_110 : i32 to index
        %get3A_177 = arith.constant 64 : index
        %get3A_178 = tpu.vector_load %arg11[%get3A_176, %get3A_177] {strides = array<i32>} : memref<128x128xf32, #tpu.memory_space<vmem>>, vector<1x16xf32>,
        %get3A_179 = vector.shape_cast %get3A_178 : vector<1x16xf32> to vector<16xf32>
        %get3A_180 = arith.index_cast %scan3A_110 : i32 to index
        %get3A_181 = arith.constant 64 : index
        %get3A_182 = tpu.vector_load %arg12[%get3A_180, %get3A_181] {strides = array<i32>} : memref<128x128xf32, #tpu.memory_space<vmem>>, vector<1x16xf32>,
        %get3A_183 = vector.shape_cast %get3A_182 : vector<1x16xf32> to vector<16xf32>
        %add3A_184 = arith.addf %get3A_179, %get3A_183 : vector<16xf32>
        %max3A_185 = arith.constant 0.000000e+00 : f32
        %max3A_186 = vector.broadcast %max3A_185 : f32 to vector<16xf32>
        %max3A_187 = arith.maximumf %add3A_184, %max3A_186 : vector<16xf32>
        %swap3A_188 = arith.index_cast %scan3A_110 : i32 to index
        %swap3A_189 = arith.constant 64 : index
        %swap3A_190 = tpu.vector_load %arg11[%swap3A_188, %swap3A_189] {strides = array<i32>} : memref<128x128xf32, #tpu.memory_space<vmem>>, vector<1x16xf32>,
        %swap3A_191 = vector.shape_cast %swap3A_190 : vector<1x16xf32> to vector<16xf32>
        %swap3A_192 = vector.shape_cast %max3A_187 : vector<16xf32> to vector<1x16xf32>
        tpu.vector_store %arg11[%swap3A_188, %swap3A_189], %swap3A_192 {strides = array<i32>} : memref<128x128xf32, #tpu.memory_space<vmem>>, vector<1x16xf32>,
        %get3A_193 = arith.index_cast %scan3A_110 : i32 to index
        %get3A_194 = arith.constant 80 : index
        %get3A_195 = tpu.vector_load %arg11[%get3A_193, %get3A_194] {strides = array<i32>} : memref<128x128xf32, #tpu.memory_space<vmem>>, vector<1x16xf32>,
        %get3A_196 = vector.shape_cast %get3A_195 : vector<1x16xf32> to vector<16xf32>
        %get3A_197 = arith.index_cast %scan3A_110 : i32 to index
        %get3A_198 = arith.constant 80 : index
        %get3A_199 = tpu.vector_load %arg12[%get3A_197, %get3A_198] {strides = array<i32>} : memref<128x128xf32, #tpu.memory_space<vmem>>, vector<1x16xf32>,
        %get3A_200 = vector.shape_cast %get3A_199 : vector<1x16xf32> to vector<16xf32>
        %add3A_201 = arith.addf %get3A_196, %get3A_200 : vector<16xf32>
        %max3A_202 = arith.constant 0.000000e+00 : f32
        %max3A_203 = vector.broadcast %max3A_202 : f32 to vector<16xf32>
        %max3A_204 = arith.maximumf %add3A_201, %max3A_203 : vector<16xf32>
        %swap3A_205 = arith.index_cast %scan3A_110 : i32 to index
        %swap3A_206 = arith.constant 80 : index
        %swap3A_207 = tpu.vector_load %arg11[%swap3A_205, %swap3A_206] {strides = array<i32>} : memref<128x128xf32, #tpu.memory_space<vmem>>, vector<1x16xf32>,
        %swap3A_208 = vector.shape_cast %swap3A_207 : vector<1x16xf32> to vector<16xf32>
        %swap3A_209 = vector.shape_cast %max3A_204 : vector<16xf32> to vector<1x16xf32>
        tpu.vector_store %arg11[%swap3A_205, %swap3A_206], %swap3A_209 {strides = array<i32>} : memref<128x128xf32, #tpu.memory_space<vmem>>, vector<1x16xf32>,
        %get3A_210 = arith.index_cast %scan3A_110 : i32 to index
        %get3A_211 = arith.constant 96 : index
        %get3A_212 = tpu.vector_load %arg11[%get3A_210, %get3A_211] {strides = array<i32>} : memref<128x128xf32, #tpu.memory_space<vmem>>, vector<1x16xf32>,
        %get3A_213 = vector.shape_cast %get3A_212 : vector<1x16xf32> to vector<16xf32>
        %get3A_214 = arith.index_cast %scan3A_110 : i32 to index
        %get3A_215 = arith.constant 96 : index
        %get3A_216 = tpu.vector_load %arg12[%get3A_214, %get3A_215] {strides = array<i32>} : memref<128x128xf32, #tpu.memory_space<vmem>>, vector<1x16xf32>,
        %get3A_217 = vector.shape_cast %get3A_216 : vector<1x16xf32> to vector<16xf32>
        %add3A_218 = arith.addf %get3A_213, %get3A_217 : vector<16xf32>
        %max3A_219 = arith.constant 0.000000e+00 : f32
        %max3A_220 = vector.broadcast %max3A_219 : f32 to vector<16xf32>
        %max3A_221 = arith.maximumf %add3A_218, %max3A_220 : vector<16xf32>
        %swap3A_222 = arith.index_cast %scan3A_110 : i32 to index
        %swap3A_223 = arith.constant 96 : index
        %swap3A_224 = tpu.vector_load %arg11[%swap3A_222, %swap3A_223] {strides = array<i32>} : memref<128x128xf32, #tpu.memory_space<vmem>>, vector<1x16xf32>,
        %swap3A_225 = vector.shape_cast %swap3A_224 : vector<1x16xf32> to vector<16xf32>
        %swap3A_226 = vector.shape_cast %max3A_221 : vector<16xf32> to vector<1x16xf32>
        tpu.vector_store %arg11[%swap3A_222, %swap3A_223], %swap3A_226 {strides = array<i32>} : memref<128x128xf32, #tpu.memory_space<vmem>>, vector<1x16xf32>,
        %get3A_227 = arith.index_cast %scan3A_110 : i32 to index
        %get3A_228 = arith.constant 112 : index
        %get3A_229 = tpu.vector_load %arg11[%get3A_227, %get3A_228] {strides = array<i32>} : memref<128x128xf32, #tpu.memory_space<vmem>>, vector<1x16xf32>,
        %get3A_230 = vector.shape_cast %get3A_229 : vector<1x16xf32> to vector<16xf32>
        %get3A_231 = arith.index_cast %scan3A_110 : i32 to index
        %get3A_232 = arith.constant 112 : index
        %get3A_233 = tpu.vector_load %arg12[%get3A_231, %get3A_232] {strides = array<i32>} : memref<128x128xf32, #tpu.memory_space<vmem>>, vector<1x16xf32>,
        %get3A_234 = vector.shape_cast %get3A_233 : vector<1x16xf32> to vector<16xf32>
        %add3A_235 = arith.addf %get3A_230, %get3A_234 : vector<16xf32>
        %max3A_236 = arith.constant 0.000000e+00 : f32
        %max3A_237 = vector.broadcast %max3A_236 : f32 to vector<16xf32>
        %max3A_238 = arith.maximumf %add3A_235, %max3A_237 : vector<16xf32>
        %swap3A_239 = arith.index_cast %scan3A_110 : i32 to index
        %swap3A_240 = arith.constant 112 : index
        %swap3A_241 = tpu.vector_load %arg11[%swap3A_239, %swap3A_240] {strides = array<i32>} : memref<128x128xf32, #tpu.memory_space<vmem>>, vector<1x16xf32>,
        %swap3A_242 = vector.shape_cast %swap3A_241 : vector<1x16xf32> to vector<16xf32>
        %swap3A_243 = vector.shape_cast %max3A_238 : vector<16xf32> to vector<1x16xf32>
        tpu.vector_store %arg11[%swap3A_239, %swap3A_240], %swap3A_243 {strides = array<i32>} : memref<128x128xf32, #tpu.memory_space<vmem>>, vector<1x16xf32>,
      }
      %scan3A_105 = arith.constant 128 : i32
      %add3A_106 = arith.addi %mul3A_0, %mul3A_2 : i32
      %add3A_107 = arith.addi %add3A_106, %add3A_79 : i32
      %mul3A_108 = arith.constant 128 : i32
      %mul3A_109 = arith.muli %add3A_107, %mul3A_108 : i32
      "tpu.region"() ({
        %run_scoped3A = tpu.sem_alloc : memref<!tpu.dma_semaphore, #tpu.memory_space<semaphore_mem>>
        %dma_start3A_110 = arith.constant 0 : i32
        %dma_start3A_111 = tpu.memref_slice %arg6[%mul3A_109, %dma_start3A_110] : memref<327680x128xf32, #tpu.memory_space<hbm>> -> memref<128x128xf32, #tpu.memory_space<hbm>>
        %dma_start3A_112 = arith.constant 0 : i32
        %dma_start3A_113 = tpu.memref_slice %arg6[%mul3A_109, %dma_start3A_112] : memref<327680x128xf32, #tpu.memory_space<hbm>> -> memref<128x128xf32, #tpu.memory_space<hbm>>
        tpu.enqueue_dma source(%arg11 : memref<128x128xf32, #tpu.memory_space<vmem>>) target(%dma_start3A_113 : memref<128x128xf32, #tpu.memory_space<hbm>>) target_semaphore(%run_scoped3A : memref<!tpu.dma_semaphore, #tpu.memory_space<semaphore_mem>>)
        %dma_wait3A_114 = arith.constant 0 : i32
        %dma_wait3A_115 = tpu.memref_slice %arg6[%mul3A_109, %dma_wait3A_114] : memref<327680x128xf32, #tpu.memory_space<hbm>> -> memref<128x128xf32, #tpu.memory_space<hbm>>
        %dma_wait3A_116 = arith.constant 0 : i32
        %dma_wait3A_117 = tpu.memref_slice %arg6[%mul3A_109, %dma_wait3A_116] : memref<327680x128xf32, #tpu.memory_space<hbm>> -> memref<128x128xf32, #tpu.memory_space<hbm>>
        tpu.wait_dma2 semaphore(%run_scoped3A : memref<!tpu.dma_semaphore, #tpu.memory_space<semaphore_mem>>) src(%arg11 : memref<128x128xf32, #tpu.memory_space<vmem>>) dst(%dma_wait3A_117 : memref<128x128xf32, #tpu.memory_space<hbm>>)
        tpu.yield
      }) : () -> ()
    }
    return
  }
}

#map = affine_map<(d0, d1) -> (0, 0)>
module attributes {stable_mosaic.version = 14 : i64} {
  func.func @_gather_body(%arg0: i32, %arg1: i32, %arg2: memref<10240x128xf32, #tpu.memory_space<hbm>>, %arg3: memref<10240x128xf32, #tpu.memory_space<hbm>>, %arg4: memref<2560x128xi32, #tpu.memory_space<hbm>>, %arg5: memref<2560x128xi32, #tpu.memory_space<hbm>>, %arg6: memref<327680x128xf32, #tpu.memory_space<hbm>>, %arg7: memref<160x128xi32, #tpu.memory_space<vmem>>, %arg8: memref<160x128xi32, #tpu.memory_space<vmem>>, %arg9: memref<128x128xf32, #tpu.memory_space<vmem>>, %arg10: memref<128x128xf32, #tpu.memory_space<vmem>>, %arg11: memref<128x128xf32, #tpu.memory_space<vmem>>, %arg12: memref<128x128xf32, #tpu.memory_space<vmem>>, %arg13: memref<!tpu.dma_semaphore, #tpu.memory_space<semaphore_mem>>, %arg14: memref<!tpu.dma_semaphore, #tpu.memory_space<semaphore_mem>>, %arg15: memref<!tpu.dma_semaphore, #tpu.memory_space<semaphore_mem>>, %arg16: memref<!tpu.dma_semaphore, #tpu.memory_space<semaphore_mem>>) attributes {dimension_semantics = [#tpu.dimension_semantics<core_parallel>, #tpu.dimension_semantics<subcore_parallel>], iteration_bounds = array<i64: 2, 16>, scalar_prefetch = 0 : i64, scratch_operands = 10 : i64, tpu.core_type = #tpu.core_type<sc_vector_subcore>, window_params = [{transform_indices = #map}, {transform_indices = #map}, {transform_indices = #map}, {transform_indices = #map}, {transform_indices = #map}]} {
    %mul3A = arith.constant 160 : i32
    %mul3A_0 = arith.muli %arg1, %mul3A : i32
    "tpu.region"() ({
      %run_scoped3A = tpu.sem_alloc : memref<!tpu.dma_semaphore, #tpu.memory_space<semaphore_mem>>
      %dma_start3A_46 = arith.constant 0 : i32
      %dma_start3A_47 = tpu.memref_slice %arg4[%mul3A_0, %dma_start3A_46] : memref<2560x128xi32, #tpu.memory_space<hbm>> -> memref<160x128xi32, #tpu.memory_space<hbm>>
      %dma_start3A_48 = arith.constant 0 : i32
      %dma_start3A_49 = tpu.memref_slice %arg4[%mul3A_0, %dma_start3A_48] : memref<2560x128xi32, #tpu.memory_space<hbm>> -> memref<160x128xi32, #tpu.memory_space<hbm>>
      tpu.enqueue_dma source(%dma_start3A_49 : memref<160x128xi32, #tpu.memory_space<hbm>>) target(%arg7 : memref<160x128xi32, #tpu.memory_space<vmem>>) target_semaphore(%run_scoped3A : memref<!tpu.dma_semaphore, #tpu.memory_space<semaphore_mem>>)
      %dma_wait3A = arith.constant 0 : i32
      %dma_wait3A_50 = tpu.memref_slice %arg4[%mul3A_0, %dma_wait3A] : memref<2560x128xi32, #tpu.memory_space<hbm>> -> memref<160x128xi32, #tpu.memory_space<hbm>>
      %dma_wait3A_51 = arith.constant 0 : i32
      %dma_wait3A_52 = tpu.memref_slice %arg4[%mul3A_0, %dma_wait3A_51] : memref<2560x128xi32, #tpu.memory_space<hbm>> -> memref<160x128xi32, #tpu.memory_space<hbm>>
      tpu.wait_dma2 semaphore(%run_scoped3A : memref<!tpu.dma_semaphore, #tpu.memory_space<semaphore_mem>>) src(%dma_wait3A_52 : memref<160x128xi32, #tpu.memory_space<hbm>>) dst(%arg7 : memref<160x128xi32, #tpu.memory_space<vmem>>)
      tpu.yield
    }) : () -> ()
    "tpu.region"() ({
      %run_scoped3A = tpu.sem_alloc : memref<!tpu.dma_semaphore, #tpu.memory_space<semaphore_mem>>
      %dma_start3A_46 = arith.constant 0 : i32
      %dma_start3A_47 = tpu.memref_slice %arg5[%mul3A_0, %dma_start3A_46] : memref<2560x128xi32, #tpu.memory_space<hbm>> -> memref<160x128xi32, #tpu.memory_space<hbm>>
      %dma_start3A_48 = arith.constant 0 : i32
      %dma_start3A_49 = tpu.memref_slice %arg5[%mul3A_0, %dma_start3A_48] : memref<2560x128xi32, #tpu.memory_space<hbm>> -> memref<160x128xi32, #tpu.memory_space<hbm>>
      tpu.enqueue_dma source(%dma_start3A_49 : memref<160x128xi32, #tpu.memory_space<hbm>>) target(%arg8 : memref<160x128xi32, #tpu.memory_space<vmem>>) target_semaphore(%run_scoped3A : memref<!tpu.dma_semaphore, #tpu.memory_space<semaphore_mem>>)
      %dma_wait3A = arith.constant 0 : i32
      %dma_wait3A_50 = tpu.memref_slice %arg5[%mul3A_0, %dma_wait3A] : memref<2560x128xi32, #tpu.memory_space<hbm>> -> memref<160x128xi32, #tpu.memory_space<hbm>>
      %dma_wait3A_51 = arith.constant 0 : i32
      %dma_wait3A_52 = tpu.memref_slice %arg5[%mul3A_0, %dma_wait3A_51] : memref<2560x128xi32, #tpu.memory_space<hbm>> -> memref<160x128xi32, #tpu.memory_space<hbm>>
      tpu.wait_dma2 semaphore(%run_scoped3A : memref<!tpu.dma_semaphore, #tpu.memory_space<semaphore_mem>>) src(%dma_wait3A_52 : memref<160x128xi32, #tpu.memory_space<hbm>>) dst(%arg8 : memref<160x128xi32, #tpu.memory_space<vmem>>)
      tpu.yield
    }) : () -> ()
    %mul3A_1 = arith.constant 118 : i32
    %mul3A_2 = arith.muli %arg0, %mul3A_1 : i32
    %eq3A = arith.constant 0 : i32
    %eq3A_3 = arith.cmpi eq, %arg0, %eq3A : i32
    %jit3A = arith.constant 118 : i32
    %jit3A_4 = arith.constant 42 : i32
    %select_n3A = arith.select %eq3A_3, %jit3A, %jit3A_4 : i32
    %add3A = arith.constant 0 : i32
    %add3A_5 = arith.addi %mul3A_2, %add3A : i32
    %dma_start3A = arith.constant 0 : i32
    %dma_start3A_6 = tpu.memref_slice %arg7[%add3A_5, %dma_start3A] : memref<160x128xi32, #tpu.memory_space<vmem>> -> memref<1x128xi32, #tpu.memory_space<vmem>>
    %dma_start3A_7 = tpu.memref_squeeze %dma_start3A_6 : memref<1x128xi32, #tpu.memory_space<vmem>> -> memref<128xi32, #tpu.memory_space<vmem>>
    %dma_start3A_8 = arith.constant 0 : i32
    %dma_start3A_9 = arith.constant 0 : i32
    %dma_start3A_10 = tpu.memref_slice %arg2[%dma_start3A_8, %dma_start3A_9] : memref<10240x128xf32, #tpu.memory_space<hbm>> -> memref<10240x128xf32, #tpu.memory_space<hbm>>
    tpu.enqueue_indirect_dma source(%dma_start3A_10 : memref<10240x128xf32, #tpu.memory_space<hbm>>) target(%arg9 : memref<128x128xf32, #tpu.memory_space<vmem>>) offsets(%dma_start3A_7 : memref<128xi32, #tpu.memory_space<vmem>>) semaphore(%arg13 : memref<!tpu.dma_semaphore, #tpu.memory_space<semaphore_mem>>)
    %add3A_11 = arith.constant 0 : i32
    %add3A_12 = arith.addi %mul3A_2, %add3A_11 : i32
    %dma_start3A_13 = arith.constant 0 : i32
    %dma_start3A_14 = tpu.memref_slice %arg8[%add3A_12, %dma_start3A_13] : memref<160x128xi32, #tpu.memory_space<vmem>> -> memref<1x128xi32, #tpu.memory_space<vmem>>
    %dma_start3A_15 = tpu.memref_squeeze %dma_start3A_14 : memref<1x128xi32, #tpu.memory_space<vmem>> -> memref<128xi32, #tpu.memory_space<vmem>>
    %dma_start3A_16 = arith.constant 0 : i32
    %dma_start3A_17 = arith.constant 0 : i32
    %dma_start3A_18 = tpu.memref_slice %arg3[%dma_start3A_16, %dma_start3A_17] : memref<10240x128xf32, #tpu.memory_space<hbm>> -> memref<10240x128xf32, #tpu.memory_space<hbm>>
    tpu.enqueue_indirect_dma source(%dma_start3A_18 : memref<10240x128xf32, #tpu.memory_space<hbm>>) target(%arg10 : memref<128x128xf32, #tpu.memory_space<vmem>>) offsets(%dma_start3A_15 : memref<128xi32, #tpu.memory_space<vmem>>) semaphore(%arg14 : memref<!tpu.dma_semaphore, #tpu.memory_space<semaphore_mem>>)
    %jit3A_19 = arith.constant 2 : i32
    %div3A = arith.divsi %select_n3A, %jit3A_19 : i32
    %sign3A = arith.constant 0 : i32
    %sign3A_20 = arith.cmpi sgt, %select_n3A, %sign3A : i32
    %sign3A_21 = arith.extui %sign3A_20 : i1 to i32
    %sign3A_22 = arith.constant 0 : i32
    %sign3A_23 = arith.cmpi slt, %select_n3A, %sign3A_22 : i32
    %sign3A_24 = arith.extui %sign3A_23 : i1 to i32
    %sign3A_25 = arith.subi %sign3A_21, %sign3A_24 : i32
    %sign3A_26 = arith.constant 0 : i32
    %sign3A_27 = arith.cmpi sgt, %jit3A_19, %sign3A_26 : i32
    %sign3A_28 = arith.extui %sign3A_27 : i1 to i32
    %sign3A_29 = arith.constant 0 : i32
    %sign3A_30 = arith.cmpi slt, %jit3A_19, %sign3A_29 : i32
    %sign3A_31 = arith.extui %sign3A_30 : i1 to i32
    %sign3A_32 = arith.subi %sign3A_28, %sign3A_31 : i32
    %ne3A = arith.cmpi ne, %sign3A_25, %sign3A_32 : i32
    %rem3A = arith.remsi %select_n3A, %jit3A_19 : i32
    %ne3A_33 = arith.constant 0 : i32
    %ne3A_34 = arith.cmpi ne, %rem3A, %ne3A_33 : i32
    %and3A = arith.andi %ne3A, %ne3A_34 : i1
    %sub3A = arith.constant 1 : i32
    %sub3A_35 = arith.subi %div3A, %sub3A : i32
    %select_n3A_36 = arith.select %and3A, %sub3A_35, %div3A : i32
    %while3A = arith.constant 0 : i32
    %while3A_37 = arith.constant 0 : i32
    %while3A_38 = arith.subi %select_n3A_36, %while3A_37 : i32
    %while3A_39 = arith.addi %while3A_37, %while3A_38 : i32
    %while3A_40 = arith.constant 1 : i32
    %while3A_41 = arith.divsi %while3A_38, %while3A_40 : i32
    %while3A_42 = arith.muli %while3A_41, %while3A_40 : i32
    %while3A_43 = arith.addi %while3A_37, %while3A_42 : i32
    %while3A_44 = arith.constant 1 : i32
    scf.for %while3A_46 = %while3A_37 to %while3A_43 step %while3A_44  : i32 {
      %mul3A_47 = arith.constant 2 : i32
      %mul3A_48 = arith.muli %mul3A_47, %while3A_46 : i32
      %add3A_49 = arith.constant 0 : i32
      %add3A_50 = arith.addi %mul3A_48, %add3A_49 : i32
      %add3A_51 = arith.constant 1 : i32
      %add3A_52 = arith.addi %add3A_50, %add3A_51 : i32
      %lt3A = arith.cmpi slt, %add3A_52, %select_n3A : i32
      %convert_element_type3A = arith.extui %lt3A : i1 to i32
      %cond3A = arith.constant 0 : i32
      %cond3A_53 = arith.cmpi ne, %convert_element_type3A, %cond3A : i32
      scf.if %cond3A_53 {
        %add3A_110 = arith.addi %mul3A_2, %add3A_52 : i32
        %dma_start3A_111 = arith.constant 0 : i32
        %dma_start3A_112 = tpu.memref_slice %arg7[%add3A_110, %dma_start3A_111] : memref<160x128xi32, #tpu.memory_space<vmem>> -> memref<1x128xi32, #tpu.memory_space<vmem>>
        %dma_start3A_113 = tpu.memref_squeeze %dma_start3A_112 : memref<1x128xi32, #tpu.memory_space<vmem>> -> memref<128xi32, #tpu.memory_space<vmem>>
        %dma_start3A_114 = arith.constant 0 : i32
        %dma_start3A_115 = arith.constant 0 : i32
        %dma_start3A_116 = tpu.memref_slice %arg2[%dma_start3A_114, %dma_start3A_115] : memref<10240x128xf32, #tpu.memory_space<hbm>> -> memref<10240x128xf32, #tpu.memory_space<hbm>>
        tpu.enqueue_indirect_dma source(%dma_start3A_116 : memref<10240x128xf32, #tpu.memory_space<hbm>>) target(%arg11 : memref<128x128xf32, #tpu.memory_space<vmem>>) offsets(%dma_start3A_113 : memref<128xi32, #tpu.memory_space<vmem>>) semaphore(%arg15 : memref<!tpu.dma_semaphore, #tpu.memory_space<semaphore_mem>>)
        %add3A_117 = arith.addi %mul3A_2, %add3A_52 : i32
        %dma_start3A_118 = arith.constant 0 : i32
        %dma_start3A_119 = tpu.memref_slice %arg8[%add3A_117, %dma_start3A_118] : memref<160x128xi32, #tpu.memory_space<vmem>> -> memref<1x128xi32, #tpu.memory_space<vmem>>
        %dma_start3A_120 = tpu.memref_squeeze %dma_start3A_119 : memref<1x128xi32, #tpu.memory_space<vmem>> -> memref<128xi32, #tpu.memory_space<vmem>>
        %dma_start3A_121 = arith.constant 0 : i32
        %dma_start3A_122 = arith.constant 0 : i32
        %dma_start3A_123 = tpu.memref_slice %arg3[%dma_start3A_121, %dma_start3A_122] : memref<10240x128xf32, #tpu.memory_space<hbm>> -> memref<10240x128xf32, #tpu.memory_space<hbm>>
        tpu.enqueue_indirect_dma source(%dma_start3A_123 : memref<10240x128xf32, #tpu.memory_space<hbm>>) target(%arg12 : memref<128x128xf32, #tpu.memory_space<vmem>>) offsets(%dma_start3A_120 : memref<128xi32, #tpu.memory_space<vmem>>) semaphore(%arg16 : memref<!tpu.dma_semaphore, #tpu.memory_space<semaphore_mem>>)
      } else {
      }
      %add3A_54 = arith.addi %mul3A_2, %add3A_50 : i32
      %dma_wait3A = arith.constant 0 : i32
      %dma_wait3A_55 = tpu.memref_slice %arg7[%add3A_54, %dma_wait3A] : memref<160x128xi32, #tpu.memory_space<vmem>> -> memref<1x128xi32, #tpu.memory_space<vmem>>
      %dma_wait3A_56 = tpu.memref_squeeze %dma_wait3A_55 : memref<1x128xi32, #tpu.memory_space<vmem>> -> memref<128xi32, #tpu.memory_space<vmem>>
      %dma_wait3A_57 = arith.constant 0 : i32
      %dma_wait3A_58 = arith.constant 0 : i32
      %dma_wait3A_59 = tpu.memref_slice %arg2[%dma_wait3A_57, %dma_wait3A_58] : memref<10240x128xf32, #tpu.memory_space<hbm>> -> memref<10240x128xf32, #tpu.memory_space<hbm>>
      tpu.wait_indirect_dma semaphore(%arg13 : memref<!tpu.dma_semaphore, #tpu.memory_space<semaphore_mem>>) src(%dma_wait3A_59 : memref<10240x128xf32, #tpu.memory_space<hbm>>) dst(%arg9 : memref<128x128xf32, #tpu.memory_space<vmem>>)
      %add3A_60 = arith.addi %mul3A_2, %add3A_50 : i32
      %dma_wait3A_61 = arith.constant 0 : i32
      %dma_wait3A_62 = tpu.memref_slice %arg8[%add3A_60, %dma_wait3A_61] : memref<160x128xi32, #tpu.memory_space<vmem>> -> memref<1x128xi32, #tpu.memory_space<vmem>>
      %dma_wait3A_63 = tpu.memref_squeeze %dma_wait3A_62 : memref<1x128xi32, #tpu.memory_space<vmem>> -> memref<128xi32, #tpu.memory_space<vmem>>
      %dma_wait3A_64 = arith.constant 0 : i32
      %dma_wait3A_65 = arith.constant 0 : i32
      %dma_wait3A_66 = tpu.memref_slice %arg3[%dma_wait3A_64, %dma_wait3A_65] : memref<10240x128xf32, #tpu.memory_space<hbm>> -> memref<10240x128xf32, #tpu.memory_space<hbm>>
      tpu.wait_indirect_dma semaphore(%arg14 : memref<!tpu.dma_semaphore, #tpu.memory_space<semaphore_mem>>) src(%dma_wait3A_66 : memref<10240x128xf32, #tpu.memory_space<hbm>>) dst(%arg10 : memref<128x128xf32, #tpu.memory_space<vmem>>)
      %scan3A = arith.constant 0 : i32
      %scan3A_67 = arith.constant 0 : i32
      %scan3A_68 = arith.constant 128 : i32
      %scan3A_69 = arith.addi %scan3A_67, %scan3A_68 : i32
      %scan3A_70 = arith.constant 1 : i32
      scf.for %scan3A_110 = %scan3A_67 to %scan3A_69 step %scan3A_70  : i32 {
        %get3A = arith.index_cast %scan3A_110 : i32 to index
        %get3A_111 = arith.constant 0 : index
        %get3A_112 = tpu.vector_load %arg9[%get3A, %get3A_111] {strides = array<i32>} : memref<128x128xf32, #tpu.memory_space<vmem>>, vector<1x16xf32>,
        %get3A_113 = vector.shape_cast %get3A_112 : vector<1x16xf32> to vector<16xf32>
        %get3A_114 = arith.index_cast %scan3A_110 : i32 to index
        %get3A_115 = arith.constant 0 : index
        %get3A_116 = tpu.vector_load %arg10[%get3A_114, %get3A_115] {strides = array<i32>} : memref<128x128xf32, #tpu.memory_space<vmem>>, vector<1x16xf32>,
        %get3A_117 = vector.shape_cast %get3A_116 : vector<1x16xf32> to vector<16xf32>
        %add3A_118 = arith.addf %get3A_113, %get3A_117 : vector<16xf32>
        %max3A = arith.constant 0.000000e+00 : f32
        %max3A_119 = vector.broadcast %max3A : f32 to vector<16xf32>
        %max3A_120 = arith.maximumf %add3A_118, %max3A_119 : vector<16xf32>
        %swap3A = arith.index_cast %scan3A_110 : i32 to index
        %swap3A_121 = arith.constant 0 : index
        %swap3A_122 = tpu.vector_load %arg9[%swap3A, %swap3A_121] {strides = array<i32>} : memref<128x128xf32, #tpu.memory_space<vmem>>, vector<1x16xf32>,
        %swap3A_123 = vector.shape_cast %swap3A_122 : vector<1x16xf32> to vector<16xf32>
        %swap3A_124 = vector.shape_cast %max3A_120 : vector<16xf32> to vector<1x16xf32>
        tpu.vector_store %arg9[%swap3A, %swap3A_121], %swap3A_124 {strides = array<i32>} : memref<128x128xf32, #tpu.memory_space<vmem>>, vector<1x16xf32>,
        %get3A_125 = arith.index_cast %scan3A_110 : i32 to index
        %get3A_126 = arith.constant 16 : index
        %get3A_127 = tpu.vector_load %arg9[%get3A_125, %get3A_126] {strides = array<i32>} : memref<128x128xf32, #tpu.memory_space<vmem>>, vector<1x16xf32>,
        %get3A_128 = vector.shape_cast %get3A_127 : vector<1x16xf32> to vector<16xf32>
        %get3A_129 = arith.index_cast %scan3A_110 : i32 to index
        %get3A_130 = arith.constant 16 : index
        %get3A_131 = tpu.vector_load %arg10[%get3A_129, %get3A_130] {strides = array<i32>} : memref<128x128xf32, #tpu.memory_space<vmem>>, vector<1x16xf32>,
        %get3A_132 = vector.shape_cast %get3A_131 : vector<1x16xf32> to vector<16xf32>
        %add3A_133 = arith.addf %get3A_128, %get3A_132 : vector<16xf32>
        %max3A_134 = arith.constant 0.000000e+00 : f32
        %max3A_135 = vector.broadcast %max3A_134 : f32 to vector<16xf32>
        %max3A_136 = arith.maximumf %add3A_133, %max3A_135 : vector<16xf32>
        %swap3A_137 = arith.index_cast %scan3A_110 : i32 to index
        %swap3A_138 = arith.constant 16 : index
        %swap3A_139 = tpu.vector_load %arg9[%swap3A_137, %swap3A_138] {strides = array<i32>} : memref<128x128xf32, #tpu.memory_space<vmem>>, vector<1x16xf32>,
        %swap3A_140 = vector.shape_cast %swap3A_139 : vector<1x16xf32> to vector<16xf32>
        %swap3A_141 = vector.shape_cast %max3A_136 : vector<16xf32> to vector<1x16xf32>
        tpu.vector_store %arg9[%swap3A_137, %swap3A_138], %swap3A_141 {strides = array<i32>} : memref<128x128xf32, #tpu.memory_space<vmem>>, vector<1x16xf32>,
        %get3A_142 = arith.index_cast %scan3A_110 : i32 to index
        %get3A_143 = arith.constant 32 : index
        %get3A_144 = tpu.vector_load %arg9[%get3A_142, %get3A_143] {strides = array<i32>} : memref<128x128xf32, #tpu.memory_space<vmem>>, vector<1x16xf32>,
        %get3A_145 = vector.shape_cast %get3A_144 : vector<1x16xf32> to vector<16xf32>
        %get3A_146 = arith.index_cast %scan3A_110 : i32 to index
        %get3A_147 = arith.constant 32 : index
        %get3A_148 = tpu.vector_load %arg10[%get3A_146, %get3A_147] {strides = array<i32>} : memref<128x128xf32, #tpu.memory_space<vmem>>, vector<1x16xf32>,
        %get3A_149 = vector.shape_cast %get3A_148 : vector<1x16xf32> to vector<16xf32>
        %add3A_150 = arith.addf %get3A_145, %get3A_149 : vector<16xf32>
        %max3A_151 = arith.constant 0.000000e+00 : f32
        %max3A_152 = vector.broadcast %max3A_151 : f32 to vector<16xf32>
        %max3A_153 = arith.maximumf %add3A_150, %max3A_152 : vector<16xf32>
        %swap3A_154 = arith.index_cast %scan3A_110 : i32 to index
        %swap3A_155 = arith.constant 32 : index
        %swap3A_156 = tpu.vector_load %arg9[%swap3A_154, %swap3A_155] {strides = array<i32>} : memref<128x128xf32, #tpu.memory_space<vmem>>, vector<1x16xf32>,
        %swap3A_157 = vector.shape_cast %swap3A_156 : vector<1x16xf32> to vector<16xf32>
        %swap3A_158 = vector.shape_cast %max3A_153 : vector<16xf32> to vector<1x16xf32>
        tpu.vector_store %arg9[%swap3A_154, %swap3A_155], %swap3A_158 {strides = array<i32>} : memref<128x128xf32, #tpu.memory_space<vmem>>, vector<1x16xf32>,
        %get3A_159 = arith.index_cast %scan3A_110 : i32 to index
        %get3A_160 = arith.constant 48 : index
        %get3A_161 = tpu.vector_load %arg9[%get3A_159, %get3A_160] {strides = array<i32>} : memref<128x128xf32, #tpu.memory_space<vmem>>, vector<1x16xf32>,
        %get3A_162 = vector.shape_cast %get3A_161 : vector<1x16xf32> to vector<16xf32>
        %get3A_163 = arith.index_cast %scan3A_110 : i32 to index
        %get3A_164 = arith.constant 48 : index
        %get3A_165 = tpu.vector_load %arg10[%get3A_163, %get3A_164] {strides = array<i32>} : memref<128x128xf32, #tpu.memory_space<vmem>>, vector<1x16xf32>,
        %get3A_166 = vector.shape_cast %get3A_165 : vector<1x16xf32> to vector<16xf32>
        %add3A_167 = arith.addf %get3A_162, %get3A_166 : vector<16xf32>
        %max3A_168 = arith.constant 0.000000e+00 : f32
        %max3A_169 = vector.broadcast %max3A_168 : f32 to vector<16xf32>
        %max3A_170 = arith.maximumf %add3A_167, %max3A_169 : vector<16xf32>
        %swap3A_171 = arith.index_cast %scan3A_110 : i32 to index
        %swap3A_172 = arith.constant 48 : index
        %swap3A_173 = tpu.vector_load %arg9[%swap3A_171, %swap3A_172] {strides = array<i32>} : memref<128x128xf32, #tpu.memory_space<vmem>>, vector<1x16xf32>,
        %swap3A_174 = vector.shape_cast %swap3A_173 : vector<1x16xf32> to vector<16xf32>
        %swap3A_175 = vector.shape_cast %max3A_170 : vector<16xf32> to vector<1x16xf32>
        tpu.vector_store %arg9[%swap3A_171, %swap3A_172], %swap3A_175 {strides = array<i32>} : memref<128x128xf32, #tpu.memory_space<vmem>>, vector<1x16xf32>,
        %get3A_176 = arith.index_cast %scan3A_110 : i32 to index
        %get3A_177 = arith.constant 64 : index
        %get3A_178 = tpu.vector_load %arg9[%get3A_176, %get3A_177] {strides = array<i32>} : memref<128x128xf32, #tpu.memory_space<vmem>>, vector<1x16xf32>,
        %get3A_179 = vector.shape_cast %get3A_178 : vector<1x16xf32> to vector<16xf32>
        %get3A_180 = arith.index_cast %scan3A_110 : i32 to index
        %get3A_181 = arith.constant 64 : index
        %get3A_182 = tpu.vector_load %arg10[%get3A_180, %get3A_181] {strides = array<i32>} : memref<128x128xf32, #tpu.memory_space<vmem>>, vector<1x16xf32>,
        %get3A_183 = vector.shape_cast %get3A_182 : vector<1x16xf32> to vector<16xf32>
        %add3A_184 = arith.addf %get3A_179, %get3A_183 : vector<16xf32>
        %max3A_185 = arith.constant 0.000000e+00 : f32
        %max3A_186 = vector.broadcast %max3A_185 : f32 to vector<16xf32>
        %max3A_187 = arith.maximumf %add3A_184, %max3A_186 : vector<16xf32>
        %swap3A_188 = arith.index_cast %scan3A_110 : i32 to index
        %swap3A_189 = arith.constant 64 : index
        %swap3A_190 = tpu.vector_load %arg9[%swap3A_188, %swap3A_189] {strides = array<i32>} : memref<128x128xf32, #tpu.memory_space<vmem>>, vector<1x16xf32>,
        %swap3A_191 = vector.shape_cast %swap3A_190 : vector<1x16xf32> to vector<16xf32>
        %swap3A_192 = vector.shape_cast %max3A_187 : vector<16xf32> to vector<1x16xf32>
        tpu.vector_store %arg9[%swap3A_188, %swap3A_189], %swap3A_192 {strides = array<i32>} : memref<128x128xf32, #tpu.memory_space<vmem>>, vector<1x16xf32>,
        %get3A_193 = arith.index_cast %scan3A_110 : i32 to index
        %get3A_194 = arith.constant 80 : index
        %get3A_195 = tpu.vector_load %arg9[%get3A_193, %get3A_194] {strides = array<i32>} : memref<128x128xf32, #tpu.memory_space<vmem>>, vector<1x16xf32>,
        %get3A_196 = vector.shape_cast %get3A_195 : vector<1x16xf32> to vector<16xf32>
        %get3A_197 = arith.index_cast %scan3A_110 : i32 to index
        %get3A_198 = arith.constant 80 : index
        %get3A_199 = tpu.vector_load %arg10[%get3A_197, %get3A_198] {strides = array<i32>} : memref<128x128xf32, #tpu.memory_space<vmem>>, vector<1x16xf32>,
        %get3A_200 = vector.shape_cast %get3A_199 : vector<1x16xf32> to vector<16xf32>
        %add3A_201 = arith.addf %get3A_196, %get3A_200 : vector<16xf32>
        %max3A_202 = arith.constant 0.000000e+00 : f32
        %max3A_203 = vector.broadcast %max3A_202 : f32 to vector<16xf32>
        %max3A_204 = arith.maximumf %add3A_201, %max3A_203 : vector<16xf32>
        %swap3A_205 = arith.index_cast %scan3A_110 : i32 to index
        %swap3A_206 = arith.constant 80 : index
        %swap3A_207 = tpu.vector_load %arg9[%swap3A_205, %swap3A_206] {strides = array<i32>} : memref<128x128xf32, #tpu.memory_space<vmem>>, vector<1x16xf32>,
        %swap3A_208 = vector.shape_cast %swap3A_207 : vector<1x16xf32> to vector<16xf32>
        %swap3A_209 = vector.shape_cast %max3A_204 : vector<16xf32> to vector<1x16xf32>
        tpu.vector_store %arg9[%swap3A_205, %swap3A_206], %swap3A_209 {strides = array<i32>} : memref<128x128xf32, #tpu.memory_space<vmem>>, vector<1x16xf32>,
        %get3A_210 = arith.index_cast %scan3A_110 : i32 to index
        %get3A_211 = arith.constant 96 : index
        %get3A_212 = tpu.vector_load %arg9[%get3A_210, %get3A_211] {strides = array<i32>} : memref<128x128xf32, #tpu.memory_space<vmem>>, vector<1x16xf32>,
        %get3A_213 = vector.shape_cast %get3A_212 : vector<1x16xf32> to vector<16xf32>
        %get3A_214 = arith.index_cast %scan3A_110 : i32 to index
        %get3A_215 = arith.constant 96 : index
        %get3A_216 = tpu.vector_load %arg10[%get3A_214, %get3A_215] {strides = array<i32>} : memref<128x128xf32, #tpu.memory_space<vmem>>, vector<1x16xf32>,
        %get3A_217 = vector.shape_cast %get3A_216 : vector<1x16xf32> to vector<16xf32>
        %add3A_218 = arith.addf %get3A_213, %get3A_217 : vector<16xf32>
        %max3A_219 = arith.constant 0.000000e+00 : f32
        %max3A_220 = vector.broadcast %max3A_219 : f32 to vector<16xf32>
        %max3A_221 = arith.maximumf %add3A_218, %max3A_220 : vector<16xf32>
        %swap3A_222 = arith.index_cast %scan3A_110 : i32 to index
        %swap3A_223 = arith.constant 96 : index
        %swap3A_224 = tpu.vector_load %arg9[%swap3A_222, %swap3A_223] {strides = array<i32>} : memref<128x128xf32, #tpu.memory_space<vmem>>, vector<1x16xf32>,
        %swap3A_225 = vector.shape_cast %swap3A_224 : vector<1x16xf32> to vector<16xf32>
        %swap3A_226 = vector.shape_cast %max3A_221 : vector<16xf32> to vector<1x16xf32>
        tpu.vector_store %arg9[%swap3A_222, %swap3A_223], %swap3A_226 {strides = array<i32>} : memref<128x128xf32, #tpu.memory_space<vmem>>, vector<1x16xf32>,
        %get3A_227 = arith.index_cast %scan3A_110 : i32 to index
        %get3A_228 = arith.constant 112 : index
        %get3A_229 = tpu.vector_load %arg9[%get3A_227, %get3A_228] {strides = array<i32>} : memref<128x128xf32, #tpu.memory_space<vmem>>, vector<1x16xf32>,
        %get3A_230 = vector.shape_cast %get3A_229 : vector<1x16xf32> to vector<16xf32>
        %get3A_231 = arith.index_cast %scan3A_110 : i32 to index
        %get3A_232 = arith.constant 112 : index
        %get3A_233 = tpu.vector_load %arg10[%get3A_231, %get3A_232] {strides = array<i32>} : memref<128x128xf32, #tpu.memory_space<vmem>>, vector<1x16xf32>,
        %get3A_234 = vector.shape_cast %get3A_233 : vector<1x16xf32> to vector<16xf32>
        %add3A_235 = arith.addf %get3A_230, %get3A_234 : vector<16xf32>
        %max3A_236 = arith.constant 0.000000e+00 : f32
        %max3A_237 = vector.broadcast %max3A_236 : f32 to vector<16xf32>
        %max3A_238 = arith.maximumf %add3A_235, %max3A_237 : vector<16xf32>
        %swap3A_239 = arith.index_cast %scan3A_110 : i32 to index
        %swap3A_240 = arith.constant 112 : index
        %swap3A_241 = tpu.vector_load %arg9[%swap3A_239, %swap3A_240] {strides = array<i32>} : memref<128x128xf32, #tpu.memory_space<vmem>>, vector<1x16xf32>,
        %swap3A_242 = vector.shape_cast %swap3A_241 : vector<1x16xf32> to vector<16xf32>
        %swap3A_243 = vector.shape_cast %max3A_238 : vector<16xf32> to vector<1x16xf32>
        tpu.vector_store %arg9[%swap3A_239, %swap3A_240], %swap3A_243 {strides = array<i32>} : memref<128x128xf32, #tpu.memory_space<vmem>>, vector<1x16xf32>,
      }
      %scan3A_71 = arith.constant 128 : i32
      %add3A_72 = arith.addi %mul3A_0, %mul3A_2 : i32
      %add3A_73 = arith.addi %add3A_72, %add3A_50 : i32
      %mul3A_74 = arith.constant 128 : i32
      %mul3A_75 = arith.muli %add3A_73, %mul3A_74 : i32
      "tpu.region"() ({
        %run_scoped3A = tpu.sem_alloc : memref<!tpu.dma_semaphore, #tpu.memory_space<semaphore_mem>>
        %dma_start3A_110 = arith.constant 0 : i32
        %dma_start3A_111 = tpu.memref_slice %arg6[%mul3A_75, %dma_start3A_110] : memref<327680x128xf32, #tpu.memory_space<hbm>> -> memref<128x128xf32, #tpu.memory_space<hbm>>
        %dma_start3A_112 = arith.constant 0 : i32
        %dma_start3A_113 = tpu.memref_slice %arg6[%mul3A_75, %dma_start3A_112] : memref<327680x128xf32, #tpu.memory_space<hbm>> -> memref<128x128xf32, #tpu.memory_space<hbm>>
        tpu.enqueue_dma source(%arg9 : memref<128x128xf32, #tpu.memory_space<vmem>>) target(%dma_start3A_113 : memref<128x128xf32, #tpu.memory_space<hbm>>) target_semaphore(%run_scoped3A : memref<!tpu.dma_semaphore, #tpu.memory_space<semaphore_mem>>)
        %dma_wait3A_114 = arith.constant 0 : i32
        %dma_wait3A_115 = tpu.memref_slice %arg6[%mul3A_75, %dma_wait3A_114] : memref<327680x128xf32, #tpu.memory_space<hbm>> -> memref<128x128xf32, #tpu.memory_space<hbm>>
        %dma_wait3A_116 = arith.constant 0 : i32
        %dma_wait3A_117 = tpu.memref_slice %arg6[%mul3A_75, %dma_wait3A_116] : memref<327680x128xf32, #tpu.memory_space<hbm>> -> memref<128x128xf32, #tpu.memory_space<hbm>>
        tpu.wait_dma2 semaphore(%run_scoped3A : memref<!tpu.dma_semaphore, #tpu.memory_space<semaphore_mem>>) src(%arg9 : memref<128x128xf32, #tpu.memory_space<vmem>>) dst(%dma_wait3A_117 : memref<128x128xf32, #tpu.memory_space<hbm>>)
        tpu.yield
      }) : () -> ()
      %mul3A_76 = arith.constant 2 : i32
      %mul3A_77 = arith.muli %mul3A_76, %while3A_46 : i32
      %add3A_78 = arith.constant 1 : i32
      %add3A_79 = arith.addi %mul3A_77, %add3A_78 : i32
      %add3A_80 = arith.constant 1 : i32
      %add3A_81 = arith.addi %add3A_79, %add3A_80 : i32
      %lt3A_82 = arith.cmpi slt, %add3A_81, %select_n3A : i32
      %convert_element_type3A_83 = arith.extui %lt3A_82 : i1 to i32
      %cond3A_84 = arith.constant 0 : i32
      %cond3A_85 = arith.cmpi ne, %convert_element_type3A_83, %cond3A_84 : i32
      scf.if %cond3A_85 {
        %add3A_110 = arith.addi %mul3A_2, %add3A_81 : i32
        %dma_start3A_111 = arith.constant 0 : i32
        %dma_start3A_112 = tpu.memref_slice %arg7[%add3A_110, %dma_start3A_111] : memref<160x128xi32, #tpu.memory_space<vmem>> -> memref<1x128xi32, #tpu.memory_space<vmem>>
        %dma_start3A_113 = tpu.memref_squeeze %dma_start3A_112 : memref<1x128xi32, #tpu.memory_space<vmem>> -> memref<128xi32, #tpu.memory_space<vmem>>
        %dma_start3A_114 = arith.constant 0 : i32
        %dma_start3A_115 = arith.constant 0 : i32
        %dma_start3A_116 = tpu.memref_slice %arg2[%dma_start3A_114, %dma_start3A_115] : memref<10240x128xf32, #tpu.memory_space<hbm>> -> memref<10240x128xf32, #tpu.memory_space<hbm>>
        tpu.enqueue_indirect_dma source(%dma_start3A_116 : memref<10240x128xf32, #tpu.memory_space<hbm>>) target(%arg9 : memref<128x128xf32, #tpu.memory_space<vmem>>) offsets(%dma_start3A_113 : memref<128xi32, #tpu.memory_space<vmem>>) semaphore(%arg13 : memref<!tpu.dma_semaphore, #tpu.memory_space<semaphore_mem>>)
        %add3A_117 = arith.addi %mul3A_2, %add3A_81 : i32
        %dma_start3A_118 = arith.constant 0 : i32
        %dma_start3A_119 = tpu.memref_slice %arg8[%add3A_117, %dma_start3A_118] : memref<160x128xi32, #tpu.memory_space<vmem>> -> memref<1x128xi32, #tpu.memory_space<vmem>>
        %dma_start3A_120 = tpu.memref_squeeze %dma_start3A_119 : memref<1x128xi32, #tpu.memory_space<vmem>> -> memref<128xi32, #tpu.memory_space<vmem>>
        %dma_start3A_121 = arith.constant 0 : i32
        %dma_start3A_122 = arith.constant 0 : i32
        %dma_start3A_123 = tpu.memref_slice %arg3[%dma_start3A_121, %dma_start3A_122] : memref<10240x128xf32, #tpu.memory_space<hbm>> -> memref<10240x128xf32, #tpu.memory_space<hbm>>
        tpu.enqueue_indirect_dma source(%dma_start3A_123 : memref<10240x128xf32, #tpu.memory_space<hbm>>) target(%arg10 : memref<128x128xf32, #tpu.memory_space<vmem>>) offsets(%dma_start3A_120 : memref<128xi32, #tpu.memory_space<vmem>>) semaphore(%arg14 : memref<!tpu.dma_semaphore, #tpu.memory_space<semaphore_mem>>)
      } else {
      }
      %add3A_86 = arith.addi %mul3A_2, %add3A_79 : i32
      %dma_wait3A_87 = arith.constant 0 : i32
      %dma_wait3A_88 = tpu.memref_slice %arg7[%add3A_86, %dma_wait3A_87] : memref<160x128xi32, #tpu.memory_space<vmem>> -> memref<1x128xi32, #tpu.memory_space<vmem>>
      %dma_wait3A_89 = tpu.memref_squeeze %dma_wait3A_88 : memref<1x128xi32, #tpu.memory_space<vmem>> -> memref<128xi32, #tpu.memory_space<vmem>>
      %dma_wait3A_90 = arith.constant 0 : i32
      %dma_wait3A_91 = arith.constant 0 : i32
      %dma_wait3A_92 = tpu.memref_slice %arg2[%dma_wait3A_90, %dma_wait3A_91] : memref<10240x128xf32, #tpu.memory_space<hbm>> -> memref<10240x128xf32, #tpu.memory_space<hbm>>
      tpu.wait_indirect_dma semaphore(%arg15 : memref<!tpu.dma_semaphore, #tpu.memory_space<semaphore_mem>>) src(%dma_wait3A_92 : memref<10240x128xf32, #tpu.memory_space<hbm>>) dst(%arg11 : memref<128x128xf32, #tpu.memory_space<vmem>>)
      %add3A_93 = arith.addi %mul3A_2, %add3A_79 : i32
      %dma_wait3A_94 = arith.constant 0 : i32
      %dma_wait3A_95 = tpu.memref_slice %arg8[%add3A_93, %dma_wait3A_94] : memref<160x128xi32, #tpu.memory_space<vmem>> -> memref<1x128xi32, #tpu.memory_space<vmem>>
      %dma_wait3A_96 = tpu.memref_squeeze %dma_wait3A_95 : memref<1x128xi32, #tpu.memory_space<vmem>> -> memref<128xi32, #tpu.memory_space<vmem>>
      %dma_wait3A_97 = arith.constant 0 : i32
      %dma_wait3A_98 = arith.constant 0 : i32
      %dma_wait3A_99 = tpu.memref_slice %arg3[%dma_wait3A_97, %dma_wait3A_98] : memref<10240x128xf32, #tpu.memory_space<hbm>> -> memref<10240x128xf32, #tpu.memory_space<hbm>>
      tpu.wait_indirect_dma semaphore(%arg16 : memref<!tpu.dma_semaphore, #tpu.memory_space<semaphore_mem>>) src(%dma_wait3A_99 : memref<10240x128xf32, #tpu.memory_space<hbm>>) dst(%arg12 : memref<128x128xf32, #tpu.memory_space<vmem>>)
      %scan3A_100 = arith.constant 0 : i32
      %scan3A_101 = arith.constant 0 : i32
      %scan3A_102 = arith.constant 128 : i32
      %scan3A_103 = arith.addi %scan3A_101, %scan3A_102 : i32
      %scan3A_104 = arith.constant 1 : i32
      scf.for %scan3A_110 = %scan3A_101 to %scan3A_103 step %scan3A_104  : i32 {
        %get3A = arith.index_cast %scan3A_110 : i32 to index
        %get3A_111 = arith.constant 0 : index
        %get3A_112 = tpu.vector_load %arg11[%get3A, %get3A_111] {strides = array<i32>} : memref<128x128xf32, #tpu.memory_space<vmem>>, vector<1x16xf32>,
        %get3A_113 = vector.shape_cast %get3A_112 : vector<1x16xf32> to vector<16xf32>
        %get3A_114 = arith.index_cast %scan3A_110 : i32 to index
        %get3A_115 = arith.constant 0 : index
        %get3A_116 = tpu.vector_load %arg12[%get3A_114, %get3A_115] {strides = array<i32>} : memref<128x128xf32, #tpu.memory_space<vmem>>, vector<1x16xf32>,
        %get3A_117 = vector.shape_cast %get3A_116 : vector<1x16xf32> to vector<16xf32>
        %add3A_118 = arith.addf %get3A_113, %get3A_117 : vector<16xf32>
        %max3A = arith.constant 0.000000e+00 : f32
        %max3A_119 = vector.broadcast %max3A : f32 to vector<16xf32>
        %max3A_120 = arith.maximumf %add3A_118, %max3A_119 : vector<16xf32>
        %swap3A = arith.index_cast %scan3A_110 : i32 to index
        %swap3A_121 = arith.constant 0 : index
        %swap3A_122 = tpu.vector_load %arg11[%swap3A, %swap3A_121] {strides = array<i32>} : memref<128x128xf32, #tpu.memory_space<vmem>>, vector<1x16xf32>,
        %swap3A_123 = vector.shape_cast %swap3A_122 : vector<1x16xf32> to vector<16xf32>
        %swap3A_124 = vector.shape_cast %max3A_120 : vector<16xf32> to vector<1x16xf32>
        tpu.vector_store %arg11[%swap3A, %swap3A_121], %swap3A_124 {strides = array<i32>} : memref<128x128xf32, #tpu.memory_space<vmem>>, vector<1x16xf32>,
        %get3A_125 = arith.index_cast %scan3A_110 : i32 to index
        %get3A_126 = arith.constant 16 : index
        %get3A_127 = tpu.vector_load %arg11[%get3A_125, %get3A_126] {strides = array<i32>} : memref<128x128xf32, #tpu.memory_space<vmem>>, vector<1x16xf32>,
        %get3A_128 = vector.shape_cast %get3A_127 : vector<1x16xf32> to vector<16xf32>
        %get3A_129 = arith.index_cast %scan3A_110 : i32 to index
        %get3A_130 = arith.constant 16 : index
        %get3A_131 = tpu.vector_load %arg12[%get3A_129, %get3A_130] {strides = array<i32>} : memref<128x128xf32, #tpu.memory_space<vmem>>, vector<1x16xf32>,
        %get3A_132 = vector.shape_cast %get3A_131 : vector<1x16xf32> to vector<16xf32>
        %add3A_133 = arith.addf %get3A_128, %get3A_132 : vector<16xf32>
        %max3A_134 = arith.constant 0.000000e+00 : f32
        %max3A_135 = vector.broadcast %max3A_134 : f32 to vector<16xf32>
        %max3A_136 = arith.maximumf %add3A_133, %max3A_135 : vector<16xf32>
        %swap3A_137 = arith.index_cast %scan3A_110 : i32 to index
        %swap3A_138 = arith.constant 16 : index
        %swap3A_139 = tpu.vector_load %arg11[%swap3A_137, %swap3A_138] {strides = array<i32>} : memref<128x128xf32, #tpu.memory_space<vmem>>, vector<1x16xf32>,
        %swap3A_140 = vector.shape_cast %swap3A_139 : vector<1x16xf32> to vector<16xf32>
        %swap3A_141 = vector.shape_cast %max3A_136 : vector<16xf32> to vector<1x16xf32>
        tpu.vector_store %arg11[%swap3A_137, %swap3A_138], %swap3A_141 {strides = array<i32>} : memref<128x128xf32, #tpu.memory_space<vmem>>, vector<1x16xf32>,
        %get3A_142 = arith.index_cast %scan3A_110 : i32 to index
        %get3A_143 = arith.constant 32 : index
        %get3A_144 = tpu.vector_load %arg11[%get3A_142, %get3A_143] {strides = array<i32>} : memref<128x128xf32, #tpu.memory_space<vmem>>, vector<1x16xf32>,
        %get3A_145 = vector.shape_cast %get3A_144 : vector<1x16xf32> to vector<16xf32>
        %get3A_146 = arith.index_cast %scan3A_110 : i32 to index
        %get3A_147 = arith.constant 32 : index
        %get3A_148 = tpu.vector_load %arg12[%get3A_146, %get3A_147] {strides = array<i32>} : memref<128x128xf32, #tpu.memory_space<vmem>>, vector<1x16xf32>,
        %get3A_149 = vector.shape_cast %get3A_148 : vector<1x16xf32> to vector<16xf32>
        %add3A_150 = arith.addf %get3A_145, %get3A_149 : vector<16xf32>
        %max3A_151 = arith.constant 0.000000e+00 : f32
        %max3A_152 = vector.broadcast %max3A_151 : f32 to vector<16xf32>
        %max3A_153 = arith.maximumf %add3A_150, %max3A_152 : vector<16xf32>
        %swap3A_154 = arith.index_cast %scan3A_110 : i32 to index
        %swap3A_155 = arith.constant 32 : index
        %swap3A_156 = tpu.vector_load %arg11[%swap3A_154, %swap3A_155] {strides = array<i32>} : memref<128x128xf32, #tpu.memory_space<vmem>>, vector<1x16xf32>,
        %swap3A_157 = vector.shape_cast %swap3A_156 : vector<1x16xf32> to vector<16xf32>
        %swap3A_158 = vector.shape_cast %max3A_153 : vector<16xf32> to vector<1x16xf32>
        tpu.vector_store %arg11[%swap3A_154, %swap3A_155], %swap3A_158 {strides = array<i32>} : memref<128x128xf32, #tpu.memory_space<vmem>>, vector<1x16xf32>,
        %get3A_159 = arith.index_cast %scan3A_110 : i32 to index
        %get3A_160 = arith.constant 48 : index
        %get3A_161 = tpu.vector_load %arg11[%get3A_159, %get3A_160] {strides = array<i32>} : memref<128x128xf32, #tpu.memory_space<vmem>>, vector<1x16xf32>,
        %get3A_162 = vector.shape_cast %get3A_161 : vector<1x16xf32> to vector<16xf32>
        %get3A_163 = arith.index_cast %scan3A_110 : i32 to index
        %get3A_164 = arith.constant 48 : index
        %get3A_165 = tpu.vector_load %arg12[%get3A_163, %get3A_164] {strides = array<i32>} : memref<128x128xf32, #tpu.memory_space<vmem>>, vector<1x16xf32>,
        %get3A_166 = vector.shape_cast %get3A_165 : vector<1x16xf32> to vector<16xf32>
        %add3A_167 = arith.addf %get3A_162, %get3A_166 : vector<16xf32>
        %max3A_168 = arith.constant 0.000000e+00 : f32
        %max3A_169 = vector.broadcast %max3A_168 : f32 to vector<16xf32>
        %max3A_170 = arith.maximumf %add3A_167, %max3A_169 : vector<16xf32>
        %swap3A_171 = arith.index_cast %scan3A_110 : i32 to index
        %swap3A_172 = arith.constant 48 : index
        %swap3A_173 = tpu.vector_load %arg11[%swap3A_171, %swap3A_172] {strides = array<i32>} : memref<128x128xf32, #tpu.memory_space<vmem>>, vector<1x16xf32>,
        %swap3A_174 = vector.shape_cast %swap3A_173 : vector<1x16xf32> to vector<16xf32>
        %swap3A_175 = vector.shape_cast %max3A_170 : vector<16xf32> to vector<1x16xf32>
        tpu.vector_store %arg11[%swap3A_171, %swap3A_172], %swap3A_175 {strides = array<i32>} : memref<128x128xf32, #tpu.memory_space<vmem>>, vector<1x16xf32>,
        %get3A_176 = arith.index_cast %scan3A_110 : i32 to index
        %get3A_177 = arith.constant 64 : index
        %get3A_178 = tpu.vector_load %arg11[%get3A_176, %get3A_177] {strides = array<i32>} : memref<128x128xf32, #tpu.memory_space<vmem>>, vector<1x16xf32>,
        %get3A_179 = vector.shape_cast %get3A_178 : vector<1x16xf32> to vector<16xf32>
        %get3A_180 = arith.index_cast %scan3A_110 : i32 to index
        %get3A_181 = arith.constant 64 : index
        %get3A_182 = tpu.vector_load %arg12[%get3A_180, %get3A_181] {strides = array<i32>} : memref<128x128xf32, #tpu.memory_space<vmem>>, vector<1x16xf32>,
        %get3A_183 = vector.shape_cast %get3A_182 : vector<1x16xf32> to vector<16xf32>
        %add3A_184 = arith.addf %get3A_179, %get3A_183 : vector<16xf32>
        %max3A_185 = arith.constant 0.000000e+00 : f32
        %max3A_186 = vector.broadcast %max3A_185 : f32 to vector<16xf32>
        %max3A_187 = arith.maximumf %add3A_184, %max3A_186 : vector<16xf32>
        %swap3A_188 = arith.index_cast %scan3A_110 : i32 to index
        %swap3A_189 = arith.constant 64 : index
        %swap3A_190 = tpu.vector_load %arg11[%swap3A_188, %swap3A_189] {strides = array<i32>} : memref<128x128xf32, #tpu.memory_space<vmem>>, vector<1x16xf32>,
        %swap3A_191 = vector.shape_cast %swap3A_190 : vector<1x16xf32> to vector<16xf32>
        %swap3A_192 = vector.shape_cast %max3A_187 : vector<16xf32> to vector<1x16xf32>
        tpu.vector_store %arg11[%swap3A_188, %swap3A_189], %swap3A_192 {strides = array<i32>} : memref<128x128xf32, #tpu.memory_space<vmem>>, vector<1x16xf32>,
        %get3A_193 = arith.index_cast %scan3A_110 : i32 to index
        %get3A_194 = arith.constant 80 : index
        %get3A_195 = tpu.vector_load %arg11[%get3A_193, %get3A_194] {strides = array<i32>} : memref<128x128xf32, #tpu.memory_space<vmem>>, vector<1x16xf32>,
        %get3A_196 = vector.shape_cast %get3A_195 : vector<1x16xf32> to vector<16xf32>
        %get3A_197 = arith.index_cast %scan3A_110 : i32 to index
        %get3A_198 = arith.constant 80 : index
        %get3A_199 = tpu.vector_load %arg12[%get3A_197, %get3A_198] {strides = array<i32>} : memref<128x128xf32, #tpu.memory_space<vmem>>, vector<1x16xf32>,
        %get3A_200 = vector.shape_cast %get3A_199 : vector<1x16xf32> to vector<16xf32>
        %add3A_201 = arith.addf %get3A_196, %get3A_200 : vector<16xf32>
        %max3A_202 = arith.constant 0.000000e+00 : f32
        %max3A_203 = vector.broadcast %max3A_202 : f32 to vector<16xf32>
        %max3A_204 = arith.maximumf %add3A_201, %max3A_203 : vector<16xf32>
        %swap3A_205 = arith.index_cast %scan3A_110 : i32 to index
        %swap3A_206 = arith.constant 80 : index
        %swap3A_207 = tpu.vector_load %arg11[%swap3A_205, %swap3A_206] {strides = array<i32>} : memref<128x128xf32, #tpu.memory_space<vmem>>, vector<1x16xf32>,
        %swap3A_208 = vector.shape_cast %swap3A_207 : vector<1x16xf32> to vector<16xf32>
        %swap3A_209 = vector.shape_cast %max3A_204 : vector<16xf32> to vector<1x16xf32>
        tpu.vector_store %arg11[%swap3A_205, %swap3A_206], %swap3A_209 {strides = array<i32>} : memref<128x128xf32, #tpu.memory_space<vmem>>, vector<1x16xf32>,
        %get3A_210 = arith.index_cast %scan3A_110 : i32 to index
        %get3A_211 = arith.constant 96 : index
        %get3A_212 = tpu.vector_load %arg11[%get3A_210, %get3A_211] {strides = array<i32>} : memref<128x128xf32, #tpu.memory_space<vmem>>, vector<1x16xf32>,
        %get3A_213 = vector.shape_cast %get3A_212 : vector<1x16xf32> to vector<16xf32>
        %get3A_214 = arith.index_cast %scan3A_110 : i32 to index
        %get3A_215 = arith.constant 96 : index
        %get3A_216 = tpu.vector_load %arg12[%get3A_214, %get3A_215] {strides = array<i32>} : memref<128x128xf32, #tpu.memory_space<vmem>>, vector<1x16xf32>,
        %get3A_217 = vector.shape_cast %get3A_216 : vector<1x16xf32> to vector<16xf32>
        %add3A_218 = arith.addf %get3A_213, %get3A_217 : vector<16xf32>
        %max3A_219 = arith.constant 0.000000e+00 : f32
        %max3A_220 = vector.broadcast %max3A_219 : f32 to vector<16xf32>
        %max3A_221 = arith.maximumf %add3A_218, %max3A_220 : vector<16xf32>
        %swap3A_222 = arith.index_cast %scan3A_110 : i32 to index
        %swap3A_223 = arith.constant 96 : index
        %swap3A_224 = tpu.vector_load %arg11[%swap3A_222, %swap3A_223] {strides = array<i32>} : memref<128x128xf32, #tpu.memory_space<vmem>>, vector<1x16xf32>,
        %swap3A_225 = vector.shape_cast %swap3A_224 : vector<1x16xf32> to vector<16xf32>
        %swap3A_226 = vector.shape_cast %max3A_221 : vector<16xf32> to vector<1x16xf32>
        tpu.vector_store %arg11[%swap3A_222, %swap3A_223], %swap3A_226 {strides = array<i32>} : memref<128x128xf32, #tpu.memory_space<vmem>>, vector<1x16xf32>,
        %get3A_227 = arith.index_cast %scan3A_110 : i32 to index
        %get3A_228 = arith.constant 112 : index
        %get3A_229 = tpu.vector_load %arg11[%get3A_227, %get3A_228] {strides = array<i32>} : memref<128x128xf32, #tpu.memory_space<vmem>>, vector<1x16xf32>,
        %get3A_230 = vector.shape_cast %get3A_229 : vector<1x16xf32> to vector<16xf32>
        %get3A_231 = arith.index_cast %scan3A_110 : i32 to index
        %get3A_232 = arith.constant 112 : index
        %get3A_233 = tpu.vector_load %arg12[%get3A_231, %get3A_232] {strides = array<i32>} : memref<128x128xf32, #tpu.memory_space<vmem>>, vector<1x16xf32>,
        %get3A_234 = vector.shape_cast %get3A_233 : vector<1x16xf32> to vector<16xf32>
        %add3A_235 = arith.addf %get3A_230, %get3A_234 : vector<16xf32>
        %max3A_236 = arith.constant 0.000000e+00 : f32
        %max3A_237 = vector.broadcast %max3A_236 : f32 to vector<16xf32>
        %max3A_238 = arith.maximumf %add3A_235, %max3A_237 : vector<16xf32>
        %swap3A_239 = arith.index_cast %scan3A_110 : i32 to index
        %swap3A_240 = arith.constant 112 : index
        %swap3A_241 = tpu.vector_load %arg11[%swap3A_239, %swap3A_240] {strides = array<i32>} : memref<128x128xf32, #tpu.memory_space<vmem>>, vector<1x16xf32>,
        %swap3A_242 = vector.shape_cast %swap3A_241 : vector<1x16xf32> to vector<16xf32>
        %swap3A_243 = vector.shape_cast %max3A_238 : vector<16xf32> to vector<1x16xf32>
        tpu.vector_store %arg11[%swap3A_239, %swap3A_240], %swap3A_243 {strides = array<i32>} : memref<128x128xf32, #tpu.memory_space<vmem>>, vector<1x16xf32>,
      }
      %scan3A_105 = arith.constant 128 : i32
      %add3A_106 = arith.addi %mul3A_0, %mul3A_2 : i32
      %add3A_107 = arith.addi %add3A_106, %add3A_79 : i32
      %mul3A_108 = arith.constant 128 : i32
      %mul3A_109 = arith.muli %add3A_107, %mul3A_108 : i32
      "tpu.region"() ({
        %run_scoped3A = tpu.sem_alloc : memref<!tpu.dma_semaphore, #tpu.memory_space<semaphore_mem>>
        %dma_start3A_110 = arith.constant 0 : i32
        %dma_start3A_111 = tpu.memref_slice %arg6[%mul3A_109, %dma_start3A_110] : memref<327680x128xf32, #tpu.memory_space<hbm>> -> memref<128x128xf32, #tpu.memory_space<hbm>>
        %dma_start3A_112 = arith.constant 0 : i32
        %dma_start3A_113 = tpu.memref_slice %arg6[%mul3A_109, %dma_start3A_112] : memref<327680x128xf32, #tpu.memory_space<hbm>> -> memref<128x128xf32, #tpu.memory_space<hbm>>
        tpu.enqueue_dma source(%arg11 : memref<128x128xf32, #tpu.memory_space<vmem>>) target(%dma_start3A_113 : memref<128x128xf32, #tpu.memory_space<hbm>>) target_semaphore(%run_scoped3A : memref<!tpu.dma_semaphore, #tpu.memory_space<semaphore_mem>>)
        %dma_wait3A_114 = arith.constant 0 : i32
        %dma_wait3A_115 = tpu.memref_slice %arg6[%mul3A_109, %dma_wait3A_114] : memref<327680x128xf32, #tpu.memory_space<hbm>> -> memref<128x128xf32, #tpu.memory_space<hbm>>
        %dma_wait3A_116 = arith.constant 0 : i32
        %dma_wait3A_117 = tpu.memref_slice %arg6[%mul3A_109, %dma_wait3A_116] : memref<327680x128xf32, #tpu.memory_space<hbm>> -> memref<128x128xf32, #tpu.memory_space<hbm>>
        tpu.wait_dma2 semaphore(%run_scoped3A : memref<!tpu.dma_semaphore, #tpu.memory_space<semaphore_mem>>) src(%arg11 : memref<128x128xf32, #tpu.memory_space<vmem>>) dst(%dma_wait3A_117 : memref<128x128xf32, #tpu.memory_space<hbm>>)
        tpu.yield
      }) : () -> ()
    }
    %while3A_45 = arith.constant 1 : i32
    scf.for %while3A_46 = %while3A_43 to %while3A_39 step %while3A_45  : i32 {
      %mul3A_47 = arith.constant 2 : i32
      %mul3A_48 = arith.muli %mul3A_47, %while3A_46 : i32
      %add3A_49 = arith.constant 0 : i32
      %add3A_50 = arith.addi %mul3A_48, %add3A_49 : i32
      %add3A_51 = arith.constant 1 : i32
      %add3A_52 = arith.addi %add3A_50, %add3A_51 : i32
      %lt3A = arith.cmpi slt, %add3A_52, %select_n3A : i32
      %convert_element_type3A = arith.extui %lt3A : i1 to i32
      %cond3A = arith.constant 0 : i32
      %cond3A_53 = arith.cmpi ne, %convert_element_type3A, %cond3A : i32
      scf.if %cond3A_53 {
        %add3A_110 = arith.addi %mul3A_2, %add3A_52 : i32
        %dma_start3A_111 = arith.constant 0 : i32
        %dma_start3A_112 = tpu.memref_slice %arg7[%add3A_110, %dma_start3A_111] : memref<160x128xi32, #tpu.memory_space<vmem>> -> memref<1x128xi32, #tpu.memory_space<vmem>>
        %dma_start3A_113 = tpu.memref_squeeze %dma_start3A_112 : memref<1x128xi32, #tpu.memory_space<vmem>> -> memref<128xi32, #tpu.memory_space<vmem>>
        %dma_start3A_114 = arith.constant 0 : i32
        %dma_start3A_115 = arith.constant 0 : i32
        %dma_start3A_116 = tpu.memref_slice %arg2[%dma_start3A_114, %dma_start3A_115] : memref<10240x128xf32, #tpu.memory_space<hbm>> -> memref<10240x128xf32, #tpu.memory_space<hbm>>
        tpu.enqueue_indirect_dma source(%dma_start3A_116 : memref<10240x128xf32, #tpu.memory_space<hbm>>) target(%arg11 : memref<128x128xf32, #tpu.memory_space<vmem>>) offsets(%dma_start3A_113 : memref<128xi32, #tpu.memory_space<vmem>>) semaphore(%arg15 : memref<!tpu.dma_semaphore, #tpu.memory_space<semaphore_mem>>)
        %add3A_117 = arith.addi %mul3A_2, %add3A_52 : i32
        %dma_start3A_118 = arith.constant 0 : i32
        %dma_start3A_119 = tpu.memref_slice %arg8[%add3A_117, %dma_start3A_118] : memref<160x128xi32, #tpu.memory_space<vmem>> -> memref<1x128xi32, #tpu.memory_space<vmem>>
        %dma_start3A_120 = tpu.memref_squeeze %dma_start3A_119 : memref<1x128xi32, #tpu.memory_space<vmem>> -> memref<128xi32, #tpu.memory_space<vmem>>
        %dma_start3A_121 = arith.constant 0 : i32
        %dma_start3A_122 = arith.constant 0 : i32
        %dma_start3A_123 = tpu.memref_slice %arg3[%dma_start3A_121, %dma_start3A_122] : memref<10240x128xf32, #tpu.memory_space<hbm>> -> memref<10240x128xf32, #tpu.memory_space<hbm>>
        tpu.enqueue_indirect_dma source(%dma_start3A_123 : memref<10240x128xf32, #tpu.memory_space<hbm>>) target(%arg12 : memref<128x128xf32, #tpu.memory_space<vmem>>) offsets(%dma_start3A_120 : memref<128xi32, #tpu.memory_space<vmem>>) semaphore(%arg16 : memref<!tpu.dma_semaphore, #tpu.memory_space<semaphore_mem>>)
      } else {
      }
      %add3A_54 = arith.addi %mul3A_2, %add3A_50 : i32
      %dma_wait3A = arith.constant 0 : i32
      %dma_wait3A_55 = tpu.memref_slice %arg7[%add3A_54, %dma_wait3A] : memref<160x128xi32, #tpu.memory_space<vmem>> -> memref<1x128xi32, #tpu.memory_space<vmem>>
      %dma_wait3A_56 = tpu.memref_squeeze %dma_wait3A_55 : memref<1x128xi32, #tpu.memory_space<vmem>> -> memref<128xi32, #tpu.memory_space<vmem>>
      %dma_wait3A_57 = arith.constant 0 : i32
      %dma_wait3A_58 = arith.constant 0 : i32
      %dma_wait3A_59 = tpu.memref_slice %arg2[%dma_wait3A_57, %dma_wait3A_58] : memref<10240x128xf32, #tpu.memory_space<hbm>> -> memref<10240x128xf32, #tpu.memory_space<hbm>>
      tpu.wait_indirect_dma semaphore(%arg13 : memref<!tpu.dma_semaphore, #tpu.memory_space<semaphore_mem>>) src(%dma_wait3A_59 : memref<10240x128xf32, #tpu.memory_space<hbm>>) dst(%arg9 : memref<128x128xf32, #tpu.memory_space<vmem>>)
      %add3A_60 = arith.addi %mul3A_2, %add3A_50 : i32
      %dma_wait3A_61 = arith.constant 0 : i32
      %dma_wait3A_62 = tpu.memref_slice %arg8[%add3A_60, %dma_wait3A_61] : memref<160x128xi32, #tpu.memory_space<vmem>> -> memref<1x128xi32, #tpu.memory_space<vmem>>
      %dma_wait3A_63 = tpu.memref_squeeze %dma_wait3A_62 : memref<1x128xi32, #tpu.memory_space<vmem>> -> memref<128xi32, #tpu.memory_space<vmem>>
      %dma_wait3A_64 = arith.constant 0 : i32
      %dma_wait3A_65 = arith.constant 0 : i32
      %dma_wait3A_66 = tpu.memref_slice %arg3[%dma_wait3A_64, %dma_wait3A_65] : memref<10240x128xf32, #tpu.memory_space<hbm>> -> memref<10240x128xf32, #tpu.memory_space<hbm>>
      tpu.wait_indirect_dma semaphore(%arg14 : memref<!tpu.dma_semaphore, #tpu.memory_space<semaphore_mem>>) src(%dma_wait3A_66 : memref<10240x128xf32, #tpu.memory_space<hbm>>) dst(%arg10 : memref<128x128xf32, #tpu.memory_space<vmem>>)
      %scan3A = arith.constant 0 : i32
      %scan3A_67 = arith.constant 0 : i32
      %scan3A_68 = arith.constant 128 : i32
      %scan3A_69 = arith.addi %scan3A_67, %scan3A_68 : i32
      %scan3A_70 = arith.constant 1 : i32
      scf.for %scan3A_110 = %scan3A_67 to %scan3A_69 step %scan3A_70  : i32 {
        %get3A = arith.index_cast %scan3A_110 : i32 to index
        %get3A_111 = arith.constant 0 : index
        %get3A_112 = tpu.vector_load %arg9[%get3A, %get3A_111] {strides = array<i32>} : memref<128x128xf32, #tpu.memory_space<vmem>>, vector<1x16xf32>,
        %get3A_113 = vector.shape_cast %get3A_112 : vector<1x16xf32> to vector<16xf32>
        %get3A_114 = arith.index_cast %scan3A_110 : i32 to index
        %get3A_115 = arith.constant 0 : index
        %get3A_116 = tpu.vector_load %arg10[%get3A_114, %get3A_115] {strides = array<i32>} : memref<128x128xf32, #tpu.memory_space<vmem>>, vector<1x16xf32>,
        %get3A_117 = vector.shape_cast %get3A_116 : vector<1x16xf32> to vector<16xf32>
        %add3A_118 = arith.addf %get3A_113, %get3A_117 : vector<16xf32>
        %max3A = arith.constant 0.000000e+00 : f32
        %max3A_119 = vector.broadcast %max3A : f32 to vector<16xf32>
        %max3A_120 = arith.maximumf %add3A_118, %max3A_119 : vector<16xf32>
        %swap3A = arith.index_cast %scan3A_110 : i32 to index
        %swap3A_121 = arith.constant 0 : index
        %swap3A_122 = tpu.vector_load %arg9[%swap3A, %swap3A_121] {strides = array<i32>} : memref<128x128xf32, #tpu.memory_space<vmem>>, vector<1x16xf32>,
        %swap3A_123 = vector.shape_cast %swap3A_122 : vector<1x16xf32> to vector<16xf32>
        %swap3A_124 = vector.shape_cast %max3A_120 : vector<16xf32> to vector<1x16xf32>
        tpu.vector_store %arg9[%swap3A, %swap3A_121], %swap3A_124 {strides = array<i32>} : memref<128x128xf32, #tpu.memory_space<vmem>>, vector<1x16xf32>,
        %get3A_125 = arith.index_cast %scan3A_110 : i32 to index
        %get3A_126 = arith.constant 16 : index
        %get3A_127 = tpu.vector_load %arg9[%get3A_125, %get3A_126] {strides = array<i32>} : memref<128x128xf32, #tpu.memory_space<vmem>>, vector<1x16xf32>,
        %get3A_128 = vector.shape_cast %get3A_127 : vector<1x16xf32> to vector<16xf32>
        %get3A_129 = arith.index_cast %scan3A_110 : i32 to index
        %get3A_130 = arith.constant 16 : index
        %get3A_131 = tpu.vector_load %arg10[%get3A_129, %get3A_130] {strides = array<i32>} : memref<128x128xf32, #tpu.memory_space<vmem>>, vector<1x16xf32>,
        %get3A_132 = vector.shape_cast %get3A_131 : vector<1x16xf32> to vector<16xf32>
        %add3A_133 = arith.addf %get3A_128, %get3A_132 : vector<16xf32>
        %max3A_134 = arith.constant 0.000000e+00 : f32
        %max3A_135 = vector.broadcast %max3A_134 : f32 to vector<16xf32>
        %max3A_136 = arith.maximumf %add3A_133, %max3A_135 : vector<16xf32>
        %swap3A_137 = arith.index_cast %scan3A_110 : i32 to index
        %swap3A_138 = arith.constant 16 : index
        %swap3A_139 = tpu.vector_load %arg9[%swap3A_137, %swap3A_138] {strides = array<i32>} : memref<128x128xf32, #tpu.memory_space<vmem>>, vector<1x16xf32>,
        %swap3A_140 = vector.shape_cast %swap3A_139 : vector<1x16xf32> to vector<16xf32>
        %swap3A_141 = vector.shape_cast %max3A_136 : vector<16xf32> to vector<1x16xf32>
        tpu.vector_store %arg9[%swap3A_137, %swap3A_138], %swap3A_141 {strides = array<i32>} : memref<128x128xf32, #tpu.memory_space<vmem>>, vector<1x16xf32>,
        %get3A_142 = arith.index_cast %scan3A_110 : i32 to index
        %get3A_143 = arith.constant 32 : index
        %get3A_144 = tpu.vector_load %arg9[%get3A_142, %get3A_143] {strides = array<i32>} : memref<128x128xf32, #tpu.memory_space<vmem>>, vector<1x16xf32>,
        %get3A_145 = vector.shape_cast %get3A_144 : vector<1x16xf32> to vector<16xf32>
        %get3A_146 = arith.index_cast %scan3A_110 : i32 to index
        %get3A_147 = arith.constant 32 : index
        %get3A_148 = tpu.vector_load %arg10[%get3A_146, %get3A_147] {strides = array<i32>} : memref<128x128xf32, #tpu.memory_space<vmem>>, vector<1x16xf32>,
        %get3A_149 = vector.shape_cast %get3A_148 : vector<1x16xf32> to vector<16xf32>
        %add3A_150 = arith.addf %get3A_145, %get3A_149 : vector<16xf32>
        %max3A_151 = arith.constant 0.000000e+00 : f32
        %max3A_152 = vector.broadcast %max3A_151 : f32 to vector<16xf32>
        %max3A_153 = arith.maximumf %add3A_150, %max3A_152 : vector<16xf32>
        %swap3A_154 = arith.index_cast %scan3A_110 : i32 to index
        %swap3A_155 = arith.constant 32 : index
        %swap3A_156 = tpu.vector_load %arg9[%swap3A_154, %swap3A_155] {strides = array<i32>} : memref<128x128xf32, #tpu.memory_space<vmem>>, vector<1x16xf32>,
        %swap3A_157 = vector.shape_cast %swap3A_156 : vector<1x16xf32> to vector<16xf32>
        %swap3A_158 = vector.shape_cast %max3A_153 : vector<16xf32> to vector<1x16xf32>
        tpu.vector_store %arg9[%swap3A_154, %swap3A_155], %swap3A_158 {strides = array<i32>} : memref<128x128xf32, #tpu.memory_space<vmem>>, vector<1x16xf32>,
        %get3A_159 = arith.index_cast %scan3A_110 : i32 to index
        %get3A_160 = arith.constant 48 : index
        %get3A_161 = tpu.vector_load %arg9[%get3A_159, %get3A_160] {strides = array<i32>} : memref<128x128xf32, #tpu.memory_space<vmem>>, vector<1x16xf32>,
        %get3A_162 = vector.shape_cast %get3A_161 : vector<1x16xf32> to vector<16xf32>
        %get3A_163 = arith.index_cast %scan3A_110 : i32 to index
        %get3A_164 = arith.constant 48 : index
        %get3A_165 = tpu.vector_load %arg10[%get3A_163, %get3A_164] {strides = array<i32>} : memref<128x128xf32, #tpu.memory_space<vmem>>, vector<1x16xf32>,
        %get3A_166 = vector.shape_cast %get3A_165 : vector<1x16xf32> to vector<16xf32>
        %add3A_167 = arith.addf %get3A_162, %get3A_166 : vector<16xf32>
        %max3A_168 = arith.constant 0.000000e+00 : f32
        %max3A_169 = vector.broadcast %max3A_168 : f32 to vector<16xf32>
        %max3A_170 = arith.maximumf %add3A_167, %max3A_169 : vector<16xf32>
        %swap3A_171 = arith.index_cast %scan3A_110 : i32 to index
        %swap3A_172 = arith.constant 48 : index
        %swap3A_173 = tpu.vector_load %arg9[%swap3A_171, %swap3A_172] {strides = array<i32>} : memref<128x128xf32, #tpu.memory_space<vmem>>, vector<1x16xf32>,
        %swap3A_174 = vector.shape_cast %swap3A_173 : vector<1x16xf32> to vector<16xf32>
        %swap3A_175 = vector.shape_cast %max3A_170 : vector<16xf32> to vector<1x16xf32>
        tpu.vector_store %arg9[%swap3A_171, %swap3A_172], %swap3A_175 {strides = array<i32>} : memref<128x128xf32, #tpu.memory_space<vmem>>, vector<1x16xf32>,
        %get3A_176 = arith.index_cast %scan3A_110 : i32 to index
        %get3A_177 = arith.constant 64 : index
        %get3A_178 = tpu.vector_load %arg9[%get3A_176, %get3A_177] {strides = array<i32>} : memref<128x128xf32, #tpu.memory_space<vmem>>, vector<1x16xf32>,
        %get3A_179 = vector.shape_cast %get3A_178 : vector<1x16xf32> to vector<16xf32>
        %get3A_180 = arith.index_cast %scan3A_110 : i32 to index
        %get3A_181 = arith.constant 64 : index
        %get3A_182 = tpu.vector_load %arg10[%get3A_180, %get3A_181] {strides = array<i32>} : memref<128x128xf32, #tpu.memory_space<vmem>>, vector<1x16xf32>,
        %get3A_183 = vector.shape_cast %get3A_182 : vector<1x16xf32> to vector<16xf32>
        %add3A_184 = arith.addf %get3A_179, %get3A_183 : vector<16xf32>
        %max3A_185 = arith.constant 0.000000e+00 : f32
        %max3A_186 = vector.broadcast %max3A_185 : f32 to vector<16xf32>
        %max3A_187 = arith.maximumf %add3A_184, %max3A_186 : vector<16xf32>
        %swap3A_188 = arith.index_cast %scan3A_110 : i32 to index
        %swap3A_189 = arith.constant 64 : index
        %swap3A_190 = tpu.vector_load %arg9[%swap3A_188, %swap3A_189] {strides = array<i32>} : memref<128x128xf32, #tpu.memory_space<vmem>>, vector<1x16xf32>,
        %swap3A_191 = vector.shape_cast %swap3A_190 : vector<1x16xf32> to vector<16xf32>
        %swap3A_192 = vector.shape_cast %max3A_187 : vector<16xf32> to vector<1x16xf32>
        tpu.vector_store %arg9[%swap3A_188, %swap3A_189], %swap3A_192 {strides = array<i32>} : memref<128x128xf32, #tpu.memory_space<vmem>>, vector<1x16xf32>,
        %get3A_193 = arith.index_cast %scan3A_110 : i32 to index
        %get3A_194 = arith.constant 80 : index
        %get3A_195 = tpu.vector_load %arg9[%get3A_193, %get3A_194] {strides = array<i32>} : memref<128x128xf32, #tpu.memory_space<vmem>>, vector<1x16xf32>,
        %get3A_196 = vector.shape_cast %get3A_195 : vector<1x16xf32> to vector<16xf32>
        %get3A_197 = arith.index_cast %scan3A_110 : i32 to index
        %get3A_198 = arith.constant 80 : index
        %get3A_199 = tpu.vector_load %arg10[%get3A_197, %get3A_198] {strides = array<i32>} : memref<128x128xf32, #tpu.memory_space<vmem>>, vector<1x16xf32>,
        %get3A_200 = vector.shape_cast %get3A_199 : vector<1x16xf32> to vector<16xf32>
        %add3A_201 = arith.addf %get3A_196, %get3A_200 : vector<16xf32>
        %max3A_202 = arith.constant 0.000000e+00 : f32
        %max3A_203 = vector.broadcast %max3A_202 : f32 to vector<16xf32>
        %max3A_204 = arith.maximumf %add3A_201, %max3A_203 : vector<16xf32>
        %swap3A_205 = arith.index_cast %scan3A_110 : i32 to index
        %swap3A_206 = arith.constant 80 : index
        %swap3A_207 = tpu.vector_load %arg9[%swap3A_205, %swap3A_206] {strides = array<i32>} : memref<128x128xf32, #tpu.memory_space<vmem>>, vector<1x16xf32>,
        %swap3A_208 = vector.shape_cast %swap3A_207 : vector<1x16xf32> to vector<16xf32>
        %swap3A_209 = vector.shape_cast %max3A_204 : vector<16xf32> to vector<1x16xf32>
        tpu.vector_store %arg9[%swap3A_205, %swap3A_206], %swap3A_209 {strides = array<i32>} : memref<128x128xf32, #tpu.memory_space<vmem>>, vector<1x16xf32>,
        %get3A_210 = arith.index_cast %scan3A_110 : i32 to index
        %get3A_211 = arith.constant 96 : index
        %get3A_212 = tpu.vector_load %arg9[%get3A_210, %get3A_211] {strides = array<i32>} : memref<128x128xf32, #tpu.memory_space<vmem>>, vector<1x16xf32>,
        %get3A_213 = vector.shape_cast %get3A_212 : vector<1x16xf32> to vector<16xf32>
        %get3A_214 = arith.index_cast %scan3A_110 : i32 to index
        %get3A_215 = arith.constant 96 : index
        %get3A_216 = tpu.vector_load %arg10[%get3A_214, %get3A_215] {strides = array<i32>} : memref<128x128xf32, #tpu.memory_space<vmem>>, vector<1x16xf32>,
        %get3A_217 = vector.shape_cast %get3A_216 : vector<1x16xf32> to vector<16xf32>
        %add3A_218 = arith.addf %get3A_213, %get3A_217 : vector<16xf32>
        %max3A_219 = arith.constant 0.000000e+00 : f32
        %max3A_220 = vector.broadcast %max3A_219 : f32 to vector<16xf32>
        %max3A_221 = arith.maximumf %add3A_218, %max3A_220 : vector<16xf32>
        %swap3A_222 = arith.index_cast %scan3A_110 : i32 to index
        %swap3A_223 = arith.constant 96 : index
        %swap3A_224 = tpu.vector_load %arg9[%swap3A_222, %swap3A_223] {strides = array<i32>} : memref<128x128xf32, #tpu.memory_space<vmem>>, vector<1x16xf32>,
        %swap3A_225 = vector.shape_cast %swap3A_224 : vector<1x16xf32> to vector<16xf32>
        %swap3A_226 = vector.shape_cast %max3A_221 : vector<16xf32> to vector<1x16xf32>
        tpu.vector_store %arg9[%swap3A_222, %swap3A_223], %swap3A_226 {strides = array<i32>} : memref<128x128xf32, #tpu.memory_space<vmem>>, vector<1x16xf32>,
        %get3A_227 = arith.index_cast %scan3A_110 : i32 to index
        %get3A_228 = arith.constant 112 : index
        %get3A_229 = tpu.vector_load %arg9[%get3A_227, %get3A_228] {strides = array<i32>} : memref<128x128xf32, #tpu.memory_space<vmem>>, vector<1x16xf32>,
        %get3A_230 = vector.shape_cast %get3A_229 : vector<1x16xf32> to vector<16xf32>
        %get3A_231 = arith.index_cast %scan3A_110 : i32 to index
        %get3A_232 = arith.constant 112 : index
        %get3A_233 = tpu.vector_load %arg10[%get3A_231, %get3A_232] {strides = array<i32>} : memref<128x128xf32, #tpu.memory_space<vmem>>, vector<1x16xf32>,
        %get3A_234 = vector.shape_cast %get3A_233 : vector<1x16xf32> to vector<16xf32>
        %add3A_235 = arith.addf %get3A_230, %get3A_234 : vector<16xf32>
        %max3A_236 = arith.constant 0.000000e+00 : f32
        %max3A_237 = vector.broadcast %max3A_236 : f32 to vector<16xf32>
        %max3A_238 = arith.maximumf %add3A_235, %max3A_237 : vector<16xf32>
        %swap3A_239 = arith.index_cast %scan3A_110 : i32 to index
        %swap3A_240 = arith.constant 112 : index
        %swap3A_241 = tpu.vector_load %arg9[%swap3A_239, %swap3A_240] {strides = array<i32>} : memref<128x128xf32, #tpu.memory_space<vmem>>, vector<1x16xf32>,
        %swap3A_242 = vector.shape_cast %swap3A_241 : vector<1x16xf32> to vector<16xf32>
        %swap3A_243 = vector.shape_cast %max3A_238 : vector<16xf32> to vector<1x16xf32>
        tpu.vector_store %arg9[%swap3A_239, %swap3A_240], %swap3A_243 {strides = array<i32>} : memref<128x128xf32, #tpu.memory_space<vmem>>, vector<1x16xf32>,
      }
      %scan3A_71 = arith.constant 128 : i32
      %add3A_72 = arith.addi %mul3A_0, %mul3A_2 : i32
      %add3A_73 = arith.addi %add3A_72, %add3A_50 : i32
      %mul3A_74 = arith.constant 128 : i32
      %mul3A_75 = arith.muli %add3A_73, %mul3A_74 : i32
      "tpu.region"() ({
        %run_scoped3A = tpu.sem_alloc : memref<!tpu.dma_semaphore, #tpu.memory_space<semaphore_mem>>
        %dma_start3A_110 = arith.constant 0 : i32
        %dma_start3A_111 = tpu.memref_slice %arg6[%mul3A_75, %dma_start3A_110] : memref<327680x128xf32, #tpu.memory_space<hbm>> -> memref<128x128xf32, #tpu.memory_space<hbm>>
        %dma_start3A_112 = arith.constant 0 : i32
        %dma_start3A_113 = tpu.memref_slice %arg6[%mul3A_75, %dma_start3A_112] : memref<327680x128xf32, #tpu.memory_space<hbm>> -> memref<128x128xf32, #tpu.memory_space<hbm>>
        tpu.enqueue_dma source(%arg9 : memref<128x128xf32, #tpu.memory_space<vmem>>) target(%dma_start3A_113 : memref<128x128xf32, #tpu.memory_space<hbm>>) target_semaphore(%run_scoped3A : memref<!tpu.dma_semaphore, #tpu.memory_space<semaphore_mem>>)
        %dma_wait3A_114 = arith.constant 0 : i32
        %dma_wait3A_115 = tpu.memref_slice %arg6[%mul3A_75, %dma_wait3A_114] : memref<327680x128xf32, #tpu.memory_space<hbm>> -> memref<128x128xf32, #tpu.memory_space<hbm>>
        %dma_wait3A_116 = arith.constant 0 : i32
        %dma_wait3A_117 = tpu.memref_slice %arg6[%mul3A_75, %dma_wait3A_116] : memref<327680x128xf32, #tpu.memory_space<hbm>> -> memref<128x128xf32, #tpu.memory_space<hbm>>
        tpu.wait_dma2 semaphore(%run_scoped3A : memref<!tpu.dma_semaphore, #tpu.memory_space<semaphore_mem>>) src(%arg9 : memref<128x128xf32, #tpu.memory_space<vmem>>) dst(%dma_wait3A_117 : memref<128x128xf32, #tpu.memory_space<hbm>>)
        tpu.yield
      }) : () -> ()
      %mul3A_76 = arith.constant 2 : i32
      %mul3A_77 = arith.muli %mul3A_76, %while3A_46 : i32
      %add3A_78 = arith.constant 1 : i32
      %add3A_79 = arith.addi %mul3A_77, %add3A_78 : i32
      %add3A_80 = arith.constant 1 : i32
      %add3A_81 = arith.addi %add3A_79, %add3A_80 : i32
      %lt3A_82 = arith.cmpi slt, %add3A_81, %select_n3A : i32
      %convert_element_type3A_83 = arith.extui %lt3A_82 : i1 to i32
      %cond3A_84 = arith.constant 0 : i32
      %cond3A_85 = arith.cmpi ne, %convert_element_type3A_83, %cond3A_84 : i32
      scf.if %cond3A_85 {
        %add3A_110 = arith.addi %mul3A_2, %add3A_81 : i32
        %dma_start3A_111 = arith.constant 0 : i32
        %dma_start3A_112 = tpu.memref_slice %arg7[%add3A_110, %dma_start3A_111] : memref<160x128xi32, #tpu.memory_space<vmem>> -> memref<1x128xi32, #tpu.memory_space<vmem>>
        %dma_start3A_113 = tpu.memref_squeeze %dma_start3A_112 : memref<1x128xi32, #tpu.memory_space<vmem>> -> memref<128xi32, #tpu.memory_space<vmem>>
        %dma_start3A_114 = arith.constant 0 : i32
        %dma_start3A_115 = arith.constant 0 : i32
        %dma_start3A_116 = tpu.memref_slice %arg2[%dma_start3A_114, %dma_start3A_115] : memref<10240x128xf32, #tpu.memory_space<hbm>> -> memref<10240x128xf32, #tpu.memory_space<hbm>>
        tpu.enqueue_indirect_dma source(%dma_start3A_116 : memref<10240x128xf32, #tpu.memory_space<hbm>>) target(%arg9 : memref<128x128xf32, #tpu.memory_space<vmem>>) offsets(%dma_start3A_113 : memref<128xi32, #tpu.memory_space<vmem>>) semaphore(%arg13 : memref<!tpu.dma_semaphore, #tpu.memory_space<semaphore_mem>>)
        %add3A_117 = arith.addi %mul3A_2, %add3A_81 : i32
        %dma_start3A_118 = arith.constant 0 : i32
        %dma_start3A_119 = tpu.memref_slice %arg8[%add3A_117, %dma_start3A_118] : memref<160x128xi32, #tpu.memory_space<vmem>> -> memref<1x128xi32, #tpu.memory_space<vmem>>
        %dma_start3A_120 = tpu.memref_squeeze %dma_start3A_119 : memref<1x128xi32, #tpu.memory_space<vmem>> -> memref<128xi32, #tpu.memory_space<vmem>>
        %dma_start3A_121 = arith.constant 0 : i32
        %dma_start3A_122 = arith.constant 0 : i32
        %dma_start3A_123 = tpu.memref_slice %arg3[%dma_start3A_121, %dma_start3A_122] : memref<10240x128xf32, #tpu.memory_space<hbm>> -> memref<10240x128xf32, #tpu.memory_space<hbm>>
        tpu.enqueue_indirect_dma source(%dma_start3A_123 : memref<10240x128xf32, #tpu.memory_space<hbm>>) target(%arg10 : memref<128x128xf32, #tpu.memory_space<vmem>>) offsets(%dma_start3A_120 : memref<128xi32, #tpu.memory_space<vmem>>) semaphore(%arg14 : memref<!tpu.dma_semaphore, #tpu.memory_space<semaphore_mem>>)
      } else {
      }
      %add3A_86 = arith.addi %mul3A_2, %add3A_79 : i32
      %dma_wait3A_87 = arith.constant 0 : i32
      %dma_wait3A_88 = tpu.memref_slice %arg7[%add3A_86, %dma_wait3A_87] : memref<160x128xi32, #tpu.memory_space<vmem>> -> memref<1x128xi32, #tpu.memory_space<vmem>>
      %dma_wait3A_89 = tpu.memref_squeeze %dma_wait3A_88 : memref<1x128xi32, #tpu.memory_space<vmem>> -> memref<128xi32, #tpu.memory_space<vmem>>
      %dma_wait3A_90 = arith.constant 0 : i32
      %dma_wait3A_91 = arith.constant 0 : i32
      %dma_wait3A_92 = tpu.memref_slice %arg2[%dma_wait3A_90, %dma_wait3A_91] : memref<10240x128xf32, #tpu.memory_space<hbm>> -> memref<10240x128xf32, #tpu.memory_space<hbm>>
      tpu.wait_indirect_dma semaphore(%arg15 : memref<!tpu.dma_semaphore, #tpu.memory_space<semaphore_mem>>) src(%dma_wait3A_92 : memref<10240x128xf32, #tpu.memory_space<hbm>>) dst(%arg11 : memref<128x128xf32, #tpu.memory_space<vmem>>)
      %add3A_93 = arith.addi %mul3A_2, %add3A_79 : i32
      %dma_wait3A_94 = arith.constant 0 : i32
      %dma_wait3A_95 = tpu.memref_slice %arg8[%add3A_93, %dma_wait3A_94] : memref<160x128xi32, #tpu.memory_space<vmem>> -> memref<1x128xi32, #tpu.memory_space<vmem>>
      %dma_wait3A_96 = tpu.memref_squeeze %dma_wait3A_95 : memref<1x128xi32, #tpu.memory_space<vmem>> -> memref<128xi32, #tpu.memory_space<vmem>>
      %dma_wait3A_97 = arith.constant 0 : i32
      %dma_wait3A_98 = arith.constant 0 : i32
      %dma_wait3A_99 = tpu.memref_slice %arg3[%dma_wait3A_97, %dma_wait3A_98] : memref<10240x128xf32, #tpu.memory_space<hbm>> -> memref<10240x128xf32, #tpu.memory_space<hbm>>
      tpu.wait_indirect_dma semaphore(%arg16 : memref<!tpu.dma_semaphore, #tpu.memory_space<semaphore_mem>>) src(%dma_wait3A_99 : memref<10240x128xf32, #tpu.memory_space<hbm>>) dst(%arg12 : memref<128x128xf32, #tpu.memory_space<vmem>>)
      %scan3A_100 = arith.constant 0 : i32
      %scan3A_101 = arith.constant 0 : i32
      %scan3A_102 = arith.constant 128 : i32
      %scan3A_103 = arith.addi %scan3A_101, %scan3A_102 : i32
      %scan3A_104 = arith.constant 1 : i32
      scf.for %scan3A_110 = %scan3A_101 to %scan3A_103 step %scan3A_104  : i32 {
        %get3A = arith.index_cast %scan3A_110 : i32 to index
        %get3A_111 = arith.constant 0 : index
        %get3A_112 = tpu.vector_load %arg11[%get3A, %get3A_111] {strides = array<i32>} : memref<128x128xf32, #tpu.memory_space<vmem>>, vector<1x16xf32>,
        %get3A_113 = vector.shape_cast %get3A_112 : vector<1x16xf32> to vector<16xf32>
        %get3A_114 = arith.index_cast %scan3A_110 : i32 to index
        %get3A_115 = arith.constant 0 : index
        %get3A_116 = tpu.vector_load %arg12[%get3A_114, %get3A_115] {strides = array<i32>} : memref<128x128xf32, #tpu.memory_space<vmem>>, vector<1x16xf32>,
        %get3A_117 = vector.shape_cast %get3A_116 : vector<1x16xf32> to vector<16xf32>
        %add3A_118 = arith.addf %get3A_113, %get3A_117 : vector<16xf32>
        %max3A = arith.constant 0.000000e+00 : f32
        %max3A_119 = vector.broadcast %max3A : f32 to vector<16xf32>
        %max3A_120 = arith.maximumf %add3A_118, %max3A_119 : vector<16xf32>
        %swap3A = arith.index_cast %scan3A_110 : i32 to index
        %swap3A_121 = arith.constant 0 : index
        %swap3A_122 = tpu.vector_load %arg11[%swap3A, %swap3A_121] {strides = array<i32>} : memref<128x128xf32, #tpu.memory_space<vmem>>, vector<1x16xf32>,
        %swap3A_123 = vector.shape_cast %swap3A_122 : vector<1x16xf32> to vector<16xf32>
        %swap3A_124 = vector.shape_cast %max3A_120 : vector<16xf32> to vector<1x16xf32>
        tpu.vector_store %arg11[%swap3A, %swap3A_121], %swap3A_124 {strides = array<i32>} : memref<128x128xf32, #tpu.memory_space<vmem>>, vector<1x16xf32>,
        %get3A_125 = arith.index_cast %scan3A_110 : i32 to index
        %get3A_126 = arith.constant 16 : index
        %get3A_127 = tpu.vector_load %arg11[%get3A_125, %get3A_126] {strides = array<i32>} : memref<128x128xf32, #tpu.memory_space<vmem>>, vector<1x16xf32>,
        %get3A_128 = vector.shape_cast %get3A_127 : vector<1x16xf32> to vector<16xf32>
        %get3A_129 = arith.index_cast %scan3A_110 : i32 to index
        %get3A_130 = arith.constant 16 : index
        %get3A_131 = tpu.vector_load %arg12[%get3A_129, %get3A_130] {strides = array<i32>} : memref<128x128xf32, #tpu.memory_space<vmem>>, vector<1x16xf32>,
        %get3A_132 = vector.shape_cast %get3A_131 : vector<1x16xf32> to vector<16xf32>
        %add3A_133 = arith.addf %get3A_128, %get3A_132 : vector<16xf32>
        %max3A_134 = arith.constant 0.000000e+00 : f32
        %max3A_135 = vector.broadcast %max3A_134 : f32 to vector<16xf32>
        %max3A_136 = arith.maximumf %add3A_133, %max3A_135 : vector<16xf32>
        %swap3A_137 = arith.index_cast %scan3A_110 : i32 to index
        %swap3A_138 = arith.constant 16 : index
        %swap3A_139 = tpu.vector_load %arg11[%swap3A_137, %swap3A_138] {strides = array<i32>} : memref<128x128xf32, #tpu.memory_space<vmem>>, vector<1x16xf32>,
        %swap3A_140 = vector.shape_cast %swap3A_139 : vector<1x16xf32> to vector<16xf32>
        %swap3A_141 = vector.shape_cast %max3A_136 : vector<16xf32> to vector<1x16xf32>
        tpu.vector_store %arg11[%swap3A_137, %swap3A_138], %swap3A_141 {strides = array<i32>} : memref<128x128xf32, #tpu.memory_space<vmem>>, vector<1x16xf32>,
        %get3A_142 = arith.index_cast %scan3A_110 : i32 to index
        %get3A_143 = arith.constant 32 : index
        %get3A_144 = tpu.vector_load %arg11[%get3A_142, %get3A_143] {strides = array<i32>} : memref<128x128xf32, #tpu.memory_space<vmem>>, vector<1x16xf32>,
        %get3A_145 = vector.shape_cast %get3A_144 : vector<1x16xf32> to vector<16xf32>
        %get3A_146 = arith.index_cast %scan3A_110 : i32 to index
        %get3A_147 = arith.constant 32 : index
        %get3A_148 = tpu.vector_load %arg12[%get3A_146, %get3A_147] {strides = array<i32>} : memref<128x128xf32, #tpu.memory_space<vmem>>, vector<1x16xf32>,
        %get3A_149 = vector.shape_cast %get3A_148 : vector<1x16xf32> to vector<16xf32>
        %add3A_150 = arith.addf %get3A_145, %get3A_149 : vector<16xf32>
        %max3A_151 = arith.constant 0.000000e+00 : f32
        %max3A_152 = vector.broadcast %max3A_151 : f32 to vector<16xf32>
        %max3A_153 = arith.maximumf %add3A_150, %max3A_152 : vector<16xf32>
        %swap3A_154 = arith.index_cast %scan3A_110 : i32 to index
        %swap3A_155 = arith.constant 32 : index
        %swap3A_156 = tpu.vector_load %arg11[%swap3A_154, %swap3A_155] {strides = array<i32>} : memref<128x128xf32, #tpu.memory_space<vmem>>, vector<1x16xf32>,
        %swap3A_157 = vector.shape_cast %swap3A_156 : vector<1x16xf32> to vector<16xf32>
        %swap3A_158 = vector.shape_cast %max3A_153 : vector<16xf32> to vector<1x16xf32>
        tpu.vector_store %arg11[%swap3A_154, %swap3A_155], %swap3A_158 {strides = array<i32>} : memref<128x128xf32, #tpu.memory_space<vmem>>, vector<1x16xf32>,
        %get3A_159 = arith.index_cast %scan3A_110 : i32 to index
        %get3A_160 = arith.constant 48 : index
        %get3A_161 = tpu.vector_load %arg11[%get3A_159, %get3A_160] {strides = array<i32>} : memref<128x128xf32, #tpu.memory_space<vmem>>, vector<1x16xf32>,
        %get3A_162 = vector.shape_cast %get3A_161 : vector<1x16xf32> to vector<16xf32>
        %get3A_163 = arith.index_cast %scan3A_110 : i32 to index
        %get3A_164 = arith.constant 48 : index
        %get3A_165 = tpu.vector_load %arg12[%get3A_163, %get3A_164] {strides = array<i32>} : memref<128x128xf32, #tpu.memory_space<vmem>>, vector<1x16xf32>,
        %get3A_166 = vector.shape_cast %get3A_165 : vector<1x16xf32> to vector<16xf32>
        %add3A_167 = arith.addf %get3A_162, %get3A_166 : vector<16xf32>
        %max3A_168 = arith.constant 0.000000e+00 : f32
        %max3A_169 = vector.broadcast %max3A_168 : f32 to vector<16xf32>
        %max3A_170 = arith.maximumf %add3A_167, %max3A_169 : vector<16xf32>
        %swap3A_171 = arith.index_cast %scan3A_110 : i32 to index
        %swap3A_172 = arith.constant 48 : index
        %swap3A_173 = tpu.vector_load %arg11[%swap3A_171, %swap3A_172] {strides = array<i32>} : memref<128x128xf32, #tpu.memory_space<vmem>>, vector<1x16xf32>,
        %swap3A_174 = vector.shape_cast %swap3A_173 : vector<1x16xf32> to vector<16xf32>
        %swap3A_175 = vector.shape_cast %max3A_170 : vector<16xf32> to vector<1x16xf32>
        tpu.vector_store %arg11[%swap3A_171, %swap3A_172], %swap3A_175 {strides = array<i32>} : memref<128x128xf32, #tpu.memory_space<vmem>>, vector<1x16xf32>,
        %get3A_176 = arith.index_cast %scan3A_110 : i32 to index
        %get3A_177 = arith.constant 64 : index
        %get3A_178 = tpu.vector_load %arg11[%get3A_176, %get3A_177] {strides = array<i32>} : memref<128x128xf32, #tpu.memory_space<vmem>>, vector<1x16xf32>,
        %get3A_179 = vector.shape_cast %get3A_178 : vector<1x16xf32> to vector<16xf32>
        %get3A_180 = arith.index_cast %scan3A_110 : i32 to index
        %get3A_181 = arith.constant 64 : index
        %get3A_182 = tpu.vector_load %arg12[%get3A_180, %get3A_181] {strides = array<i32>} : memref<128x128xf32, #tpu.memory_space<vmem>>, vector<1x16xf32>,
        %get3A_183 = vector.shape_cast %get3A_182 : vector<1x16xf32> to vector<16xf32>
        %add3A_184 = arith.addf %get3A_179, %get3A_183 : vector<16xf32>
        %max3A_185 = arith.constant 0.000000e+00 : f32
        %max3A_186 = vector.broadcast %max3A_185 : f32 to vector<16xf32>
        %max3A_187 = arith.maximumf %add3A_184, %max3A_186 : vector<16xf32>
        %swap3A_188 = arith.index_cast %scan3A_110 : i32 to index
        %swap3A_189 = arith.constant 64 : index
        %swap3A_190 = tpu.vector_load %arg11[%swap3A_188, %swap3A_189] {strides = array<i32>} : memref<128x128xf32, #tpu.memory_space<vmem>>, vector<1x16xf32>,
        %swap3A_191 = vector.shape_cast %swap3A_190 : vector<1x16xf32> to vector<16xf32>
        %swap3A_192 = vector.shape_cast %max3A_187 : vector<16xf32> to vector<1x16xf32>
        tpu.vector_store %arg11[%swap3A_188, %swap3A_189], %swap3A_192 {strides = array<i32>} : memref<128x128xf32, #tpu.memory_space<vmem>>, vector<1x16xf32>,
        %get3A_193 = arith.index_cast %scan3A_110 : i32 to index
        %get3A_194 = arith.constant 80 : index
        %get3A_195 = tpu.vector_load %arg11[%get3A_193, %get3A_194] {strides = array<i32>} : memref<128x128xf32, #tpu.memory_space<vmem>>, vector<1x16xf32>,
        %get3A_196 = vector.shape_cast %get3A_195 : vector<1x16xf32> to vector<16xf32>
        %get3A_197 = arith.index_cast %scan3A_110 : i32 to index
        %get3A_198 = arith.constant 80 : index
        %get3A_199 = tpu.vector_load %arg12[%get3A_197, %get3A_198] {strides = array<i32>} : memref<128x128xf32, #tpu.memory_space<vmem>>, vector<1x16xf32>,
        %get3A_200 = vector.shape_cast %get3A_199 : vector<1x16xf32> to vector<16xf32>
        %add3A_201 = arith.addf %get3A_196, %get3A_200 : vector<16xf32>
        %max3A_202 = arith.constant 0.000000e+00 : f32
        %max3A_203 = vector.broadcast %max3A_202 : f32 to vector<16xf32>
        %max3A_204 = arith.maximumf %add3A_201, %max3A_203 : vector<16xf32>
        %swap3A_205 = arith.index_cast %scan3A_110 : i32 to index
        %swap3A_206 = arith.constant 80 : index
        %swap3A_207 = tpu.vector_load %arg11[%swap3A_205, %swap3A_206] {strides = array<i32>} : memref<128x128xf32, #tpu.memory_space<vmem>>, vector<1x16xf32>,
        %swap3A_208 = vector.shape_cast %swap3A_207 : vector<1x16xf32> to vector<16xf32>
        %swap3A_209 = vector.shape_cast %max3A_204 : vector<16xf32> to vector<1x16xf32>
        tpu.vector_store %arg11[%swap3A_205, %swap3A_206], %swap3A_209 {strides = array<i32>} : memref<128x128xf32, #tpu.memory_space<vmem>>, vector<1x16xf32>,
        %get3A_210 = arith.index_cast %scan3A_110 : i32 to index
        %get3A_211 = arith.constant 96 : index
        %get3A_212 = tpu.vector_load %arg11[%get3A_210, %get3A_211] {strides = array<i32>} : memref<128x128xf32, #tpu.memory_space<vmem>>, vector<1x16xf32>,
        %get3A_213 = vector.shape_cast %get3A_212 : vector<1x16xf32> to vector<16xf32>
        %get3A_214 = arith.index_cast %scan3A_110 : i32 to index
        %get3A_215 = arith.constant 96 : index
        %get3A_216 = tpu.vector_load %arg12[%get3A_214, %get3A_215] {strides = array<i32>} : memref<128x128xf32, #tpu.memory_space<vmem>>, vector<1x16xf32>,
        %get3A_217 = vector.shape_cast %get3A_216 : vector<1x16xf32> to vector<16xf32>
        %add3A_218 = arith.addf %get3A_213, %get3A_217 : vector<16xf32>
        %max3A_219 = arith.constant 0.000000e+00 : f32
        %max3A_220 = vector.broadcast %max3A_219 : f32 to vector<16xf32>
        %max3A_221 = arith.maximumf %add3A_218, %max3A_220 : vector<16xf32>
        %swap3A_222 = arith.index_cast %scan3A_110 : i32 to index
        %swap3A_223 = arith.constant 96 : index
        %swap3A_224 = tpu.vector_load %arg11[%swap3A_222, %swap3A_223] {strides = array<i32>} : memref<128x128xf32, #tpu.memory_space<vmem>>, vector<1x16xf32>,
        %swap3A_225 = vector.shape_cast %swap3A_224 : vector<1x16xf32> to vector<16xf32>
        %swap3A_226 = vector.shape_cast %max3A_221 : vector<16xf32> to vector<1x16xf32>
        tpu.vector_store %arg11[%swap3A_222, %swap3A_223], %swap3A_226 {strides = array<i32>} : memref<128x128xf32, #tpu.memory_space<vmem>>, vector<1x16xf32>,
        %get3A_227 = arith.index_cast %scan3A_110 : i32 to index
        %get3A_228 = arith.constant 112 : index
        %get3A_229 = tpu.vector_load %arg11[%get3A_227, %get3A_228] {strides = array<i32>} : memref<128x128xf32, #tpu.memory_space<vmem>>, vector<1x16xf32>,
        %get3A_230 = vector.shape_cast %get3A_229 : vector<1x16xf32> to vector<16xf32>
        %get3A_231 = arith.index_cast %scan3A_110 : i32 to index
        %get3A_232 = arith.constant 112 : index
        %get3A_233 = tpu.vector_load %arg12[%get3A_231, %get3A_232] {strides = array<i32>} : memref<128x128xf32, #tpu.memory_space<vmem>>, vector<1x16xf32>,
        %get3A_234 = vector.shape_cast %get3A_233 : vector<1x16xf32> to vector<16xf32>
        %add3A_235 = arith.addf %get3A_230, %get3A_234 : vector<16xf32>
        %max3A_236 = arith.constant 0.000000e+00 : f32
        %max3A_237 = vector.broadcast %max3A_236 : f32 to vector<16xf32>
        %max3A_238 = arith.maximumf %add3A_235, %max3A_237 : vector<16xf32>
        %swap3A_239 = arith.index_cast %scan3A_110 : i32 to index
        %swap3A_240 = arith.constant 112 : index
        %swap3A_241 = tpu.vector_load %arg11[%swap3A_239, %swap3A_240] {strides = array<i32>} : memref<128x128xf32, #tpu.memory_space<vmem>>, vector<1x16xf32>,
        %swap3A_242 = vector.shape_cast %swap3A_241 : vector<1x16xf32> to vector<16xf32>
        %swap3A_243 = vector.shape_cast %max3A_238 : vector<16xf32> to vector<1x16xf32>
        tpu.vector_store %arg11[%swap3A_239, %swap3A_240], %swap3A_243 {strides = array<i32>} : memref<128x128xf32, #tpu.memory_space<vmem>>, vector<1x16xf32>,
      }
      %scan3A_105 = arith.constant 128 : i32
      %add3A_106 = arith.addi %mul3A_0, %mul3A_2 : i32
      %add3A_107 = arith.addi %add3A_106, %add3A_79 : i32
      %mul3A_108 = arith.constant 128 : i32
      %mul3A_109 = arith.muli %add3A_107, %mul3A_108 : i32
      "tpu.region"() ({
        %run_scoped3A = tpu.sem_alloc : memref<!tpu.dma_semaphore, #tpu.memory_space<semaphore_mem>>
        %dma_start3A_110 = arith.constant 0 : i32
        %dma_start3A_111 = tpu.memref_slice %arg6[%mul3A_109, %dma_start3A_110] : memref<327680x128xf32, #tpu.memory_space<hbm>> -> memref<128x128xf32, #tpu.memory_space<hbm>>
        %dma_start3A_112 = arith.constant 0 : i32
        %dma_start3A_113 = tpu.memref_slice %arg6[%mul3A_109, %dma_start3A_112] : memref<327680x128xf32, #tpu.memory_space<hbm>> -> memref<128x128xf32, #tpu.memory_space<hbm>>
        tpu.enqueue_dma source(%arg11 : memref<128x128xf32, #tpu.memory_space<vmem>>) target(%dma_start3A_113 : memref<128x128xf32, #tpu.memory_space<hbm>>) target_semaphore(%run_scoped3A : memref<!tpu.dma_semaphore, #tpu.memory_space<semaphore_mem>>)
        %dma_wait3A_114 = arith.constant 0 : i32
        %dma_wait3A_115 = tpu.memref_slice %arg6[%mul3A_109, %dma_wait3A_114] : memref<327680x128xf32, #tpu.memory_space<hbm>> -> memref<128x128xf32, #tpu.memory_space<hbm>>
        %dma_wait3A_116 = arith.constant 0 : i32
        %dma_wait3A_117 = tpu.memref_slice %arg6[%mul3A_109, %dma_wait3A_116] : memref<327680x128xf32, #tpu.memory_space<hbm>> -> memref<128x128xf32, #tpu.memory_space<hbm>>
        tpu.wait_dma2 semaphore(%run_scoped3A : memref<!tpu.dma_semaphore, #tpu.memory_space<semaphore_mem>>) src(%arg11 : memref<128x128xf32, #tpu.memory_space<vmem>>) dst(%dma_wait3A_117 : memref<128x128xf32, #tpu.memory_space<hbm>>)
        tpu.yield
      }) : () -> ()
    }
    return
  }
}

#map = affine_map<(d0, d1) -> (0, 0)>
#map1 = affine_map<(d0, d1) -> (0, 0, 0)>
module attributes {stable_mosaic.version = 14 : i64} {
  func.func @_scatter_body(%arg0: i32, %arg1: i32, %arg2: memref<327680x128xf32, #tpu.memory_space<hbm>>, %arg3: memref<2560x128xi32, #tpu.memory_space<hbm>>, %arg4: memref<10240x128xf32, #tpu.memory_space<hbm>>, %arg5: memref<2x10240x128xf32, #tpu.memory_space<hbm>>, %arg6: memref<10240x128xf32, #tpu.memory_space<vmem_shared>>, %arg7: memref<80x128xi32, #tpu.memory_space<vmem>>, %arg8: memref<128x128xf32, #tpu.memory_space<vmem>>, %arg9: memref<128x128xf32, #tpu.memory_space<vmem>>, %arg10: memref<!tpu.dma_semaphore, #tpu.memory_space<semaphore_mem>>, %arg11: memref<!tpu.dma_semaphore, #tpu.memory_space<semaphore_mem>>) attributes {dimension_semantics = [#tpu.dimension_semantics<core_parallel>, #tpu.dimension_semantics<subcore_parallel>], iteration_bounds = array<i64: 2, 16>, scalar_prefetch = 0 : i64, scratch_operands = 6 : i64, tpu.core_type = #tpu.core_type<sc_vector_subcore>, window_params = [{transform_indices = #map}, {transform_indices = #map}, {transform_indices = #map}, {transform_indices = #map1}]} {
    %mul3A = arith.constant 2 : i32
    %mul3A_0 = arith.muli %arg1, %mul3A : i32
    %add3A = arith.addi %mul3A_0, %arg0 : i32
    %mul3A_1 = arith.constant 80 : i32
    %mul3A_2 = arith.muli %add3A, %mul3A_1 : i32
    %mul3A_3 = arith.constant 640 : i32
    %mul3A_4 = arith.muli %arg1, %mul3A_3 : i32
    "tpu.region"() ({
      %run_scoped3A = tpu.sem_alloc : memref<!tpu.dma_semaphore, #tpu.memory_space<semaphore_mem>>
      %dma_start3A_18 = arith.constant 0 : i32
      %dma_start3A_19 = tpu.memref_slice %arg3[%mul3A_2, %dma_start3A_18] : memref<2560x128xi32, #tpu.memory_space<hbm>> -> memref<80x128xi32, #tpu.memory_space<hbm>>
      %dma_start3A_20 = arith.constant 0 : i32
      %dma_start3A_21 = tpu.memref_slice %arg3[%mul3A_2, %dma_start3A_20] : memref<2560x128xi32, #tpu.memory_space<hbm>> -> memref<80x128xi32, #tpu.memory_space<hbm>>
      tpu.enqueue_dma source(%dma_start3A_21 : memref<80x128xi32, #tpu.memory_space<hbm>>) target(%arg7 : memref<80x128xi32, #tpu.memory_space<vmem>>) target_semaphore(%run_scoped3A : memref<!tpu.dma_semaphore, #tpu.memory_space<semaphore_mem>>)
      %dma_wait3A = arith.constant 0 : i32
      %dma_wait3A_22 = tpu.memref_slice %arg3[%mul3A_2, %dma_wait3A] : memref<2560x128xi32, #tpu.memory_space<hbm>> -> memref<80x128xi32, #tpu.memory_space<hbm>>
      %dma_wait3A_23 = arith.constant 0 : i32
      %dma_wait3A_24 = tpu.memref_slice %arg3[%mul3A_2, %dma_wait3A_23] : memref<2560x128xi32, #tpu.memory_space<hbm>> -> memref<80x128xi32, #tpu.memory_space<hbm>>
      tpu.wait_dma2 semaphore(%run_scoped3A : memref<!tpu.dma_semaphore, #tpu.memory_space<semaphore_mem>>) src(%dma_wait3A_24 : memref<80x128xi32, #tpu.memory_space<hbm>>) dst(%arg7 : memref<80x128xi32, #tpu.memory_space<vmem>>)
      tpu.yield
    }) : () -> ()
    "tpu.region"() ({
      %run_scoped3A = tpu.sem_alloc : memref<!tpu.dma_semaphore, #tpu.memory_space<semaphore_mem>>
      %dma_start3A_18 = arith.constant 0 : i32
      %dma_start3A_19 = tpu.memref_slice %arg6[%mul3A_4, %dma_start3A_18] : memref<10240x128xf32, #tpu.memory_space<vmem_shared>> -> memref<640x128xf32, #tpu.memory_space<vmem_shared>>
      %dma_start3A_20 = arith.constant 0 : i32
      %dma_start3A_21 = tpu.memref_slice %arg4[%mul3A_4, %dma_start3A_20] : memref<10240x128xf32, #tpu.memory_space<hbm>> -> memref<640x128xf32, #tpu.memory_space<hbm>>
      tpu.enqueue_dma source(%dma_start3A_21 : memref<640x128xf32, #tpu.memory_space<hbm>>) target(%dma_start3A_19 : memref<640x128xf32, #tpu.memory_space<vmem_shared>>) target_semaphore(%run_scoped3A : memref<!tpu.dma_semaphore, #tpu.memory_space<semaphore_mem>>)
      %dma_wait3A = arith.constant 0 : i32
      %dma_wait3A_22 = tpu.memref_slice %arg6[%mul3A_4, %dma_wait3A] : memref<10240x128xf32, #tpu.memory_space<vmem_shared>> -> memref<640x128xf32, #tpu.memory_space<vmem_shared>>
      %dma_wait3A_23 = arith.constant 0 : i32
      %dma_wait3A_24 = tpu.memref_slice %arg4[%mul3A_4, %dma_wait3A_23] : memref<10240x128xf32, #tpu.memory_space<hbm>> -> memref<640x128xf32, #tpu.memory_space<hbm>>
      tpu.wait_dma2 semaphore(%run_scoped3A : memref<!tpu.dma_semaphore, #tpu.memory_space<semaphore_mem>>) src(%dma_wait3A_24 : memref<640x128xf32, #tpu.memory_space<hbm>>) dst(%dma_wait3A_22 : memref<640x128xf32, #tpu.memory_space<vmem_shared>>)
      tpu.yield
    }) : () -> ()
    %barrier3A = arith.constant 0 : index
    tpu.barrier barrier_id(%barrier3A)
    %add3A_5 = arith.constant 0 : i32
    %add3A_6 = arith.addi %mul3A_2, %add3A_5 : i32
    %mul3A_7 = arith.constant 128 : i32
    %mul3A_8 = arith.muli %add3A_6, %mul3A_7 : i32
    %dma_start3A = arith.constant 0 : i32
    %dma_start3A_9 = tpu.memref_slice %arg2[%mul3A_8, %dma_start3A] : memref<327680x128xf32, #tpu.memory_space<hbm>> -> memref<128x128xf32, #tpu.memory_space<hbm>>
    %dma_start3A_10 = arith.constant 0 : i32
    %dma_start3A_11 = tpu.memref_slice %arg2[%mul3A_8, %dma_start3A_10] : memref<327680x128xf32, #tpu.memory_space<hbm>> -> memref<128x128xf32, #tpu.memory_space<hbm>>
    tpu.enqueue_dma source(%dma_start3A_11 : memref<128x128xf32, #tpu.memory_space<hbm>>) target(%arg8 : memref<128x128xf32, #tpu.memory_space<vmem>>) target_semaphore(%arg10 : memref<!tpu.dma_semaphore, #tpu.memory_space<semaphore_mem>>)
    %scan3A = arith.constant 0 : i32
    %scan3A_12 = arith.constant 0 : i32
    %scan3A_13 = arith.constant 40 : i32
    %scan3A_14 = arith.addi %scan3A_12, %scan3A_13 : i32
    %scan3A_15 = arith.constant 1 : i32
    scf.for %scan3A_18 = %scan3A_12 to %scan3A_14 step %scan3A_15  : i32 {
      %mul3A_19 = arith.constant 2 : i32
      %mul3A_20 = arith.muli %scan3A_18, %mul3A_19 : i32
      %add3A_21 = arith.constant 0 : i32
      %add3A_22 = arith.addi %mul3A_20, %add3A_21 : i32
      %add3A_23 = arith.constant 1 : i32
      %add3A_24 = arith.addi %add3A_22, %add3A_23 : i32
      %lt3A = arith.constant 80 : i32
      %lt3A_25 = arith.cmpi slt, %add3A_24, %lt3A : i32
      %convert_element_type3A = arith.extui %lt3A_25 : i1 to i32
      %cond3A = arith.constant 0 : i32
      %cond3A_26 = arith.cmpi ne, %convert_element_type3A, %cond3A : i32
      scf.if %cond3A_26 {
        %add3A_49 = arith.addi %mul3A_2, %add3A_24 : i32
        %mul3A_50 = arith.constant 128 : i32
        %mul3A_51 = arith.muli %add3A_49, %mul3A_50 : i32
        %dma_start3A_52 = arith.constant 0 : i32
        %dma_start3A_53 = tpu.memref_slice %arg2[%mul3A_51, %dma_start3A_52] : memref<327680x128xf32, #tpu.memory_space<hbm>> -> memref<128x128xf32, #tpu.memory_space<hbm>>
        %dma_start3A_54 = arith.constant 0 : i32
        %dma_start3A_55 = tpu.memref_slice %arg2[%mul3A_51, %dma_start3A_54] : memref<327680x128xf32, #tpu.memory_space<hbm>> -> memref<128x128xf32, #tpu.memory_space<hbm>>
        tpu.enqueue_dma source(%dma_start3A_55 : memref<128x128xf32, #tpu.memory_space<hbm>>) target(%arg9 : memref<128x128xf32, #tpu.memory_space<vmem>>) target_semaphore(%arg11 : memref<!tpu.dma_semaphore, #tpu.memory_space<semaphore_mem>>)
      } else {
      }
      %add3A_27 = arith.addi %mul3A_2, %add3A_22 : i32
      %mul3A_28 = arith.constant 128 : i32
      %mul3A_29 = arith.muli %add3A_27, %mul3A_28 : i32
      %dma_wait3A = arith.constant 0 : i32
      %dma_wait3A_30 = tpu.memref_slice %arg2[%mul3A_29, %dma_wait3A] : memref<327680x128xf32, #tpu.memory_space<hbm>> -> memref<128x128xf32, #tpu.memory_space<hbm>>
      %dma_wait3A_31 = arith.constant 0 : i32
      %dma_wait3A_32 = tpu.memref_slice %arg2[%mul3A_29, %dma_wait3A_31] : memref<327680x128xf32, #tpu.memory_space<hbm>> -> memref<128x128xf32, #tpu.memory_space<hbm>>
      tpu.wait_dma2 semaphore(%arg10 : memref<!tpu.dma_semaphore, #tpu.memory_space<semaphore_mem>>) src(%dma_wait3A_32 : memref<128x128xf32, #tpu.memory_space<hbm>>) dst(%arg8 : memref<128x128xf32, #tpu.memory_space<vmem>>)
      "tpu.region"() ({
        %run_scoped3A = tpu.sem_alloc : memref<!tpu.dma_semaphore, #tpu.memory_space<semaphore_mem>>
        %dma_start3A_49 = arith.constant 0 : i32
        %dma_start3A_50 = tpu.memref_slice %arg7[%add3A_22, %dma_start3A_49] : memref<80x128xi32, #tpu.memory_space<vmem>> -> memref<1x128xi32, #tpu.memory_space<vmem>>
        %dma_start3A_51 = tpu.memref_squeeze %dma_start3A_50 : memref<1x128xi32, #tpu.memory_space<vmem>> -> memref<128xi32, #tpu.memory_space<vmem>>
        %dma_start3A_52 = arith.constant 0 : i32
        %dma_start3A_53 = arith.constant 0 : i32
        %dma_start3A_54 = tpu.memref_slice %arg6[%dma_start3A_52, %dma_start3A_53] : memref<10240x128xf32, #tpu.memory_space<vmem_shared>> -> memref<10240x128xf32, #tpu.memory_space<vmem_shared>>
        tpu.enqueue_indirect_dma source(%arg8 : memref<128x128xf32, #tpu.memory_space<vmem>>) target(%dma_start3A_54 : memref<10240x128xf32, #tpu.memory_space<vmem_shared>>) offsets(%dma_start3A_51 : memref<128xi32, #tpu.memory_space<vmem>>) semaphore(%run_scoped3A : memref<!tpu.dma_semaphore, #tpu.memory_space<semaphore_mem>>) {add = true}
        %dma_wait3A_55 = arith.constant 0 : i32
        %dma_wait3A_56 = tpu.memref_slice %arg7[%add3A_22, %dma_wait3A_55] : memref<80x128xi32, #tpu.memory_space<vmem>> -> memref<1x128xi32, #tpu.memory_space<vmem>>
        %dma_wait3A_57 = tpu.memref_squeeze %dma_wait3A_56 : memref<1x128xi32, #tpu.memory_space<vmem>> -> memref<128xi32, #tpu.memory_space<vmem>>
        %dma_wait3A_58 = arith.constant 0 : i32
        %dma_wait3A_59 = arith.constant 0 : i32
        %dma_wait3A_60 = tpu.memref_slice %arg6[%dma_wait3A_58, %dma_wait3A_59] : memref<10240x128xf32, #tpu.memory_space<vmem_shared>> -> memref<10240x128xf32, #tpu.memory_space<vmem_shared>>
        tpu.wait_indirect_dma semaphore(%run_scoped3A : memref<!tpu.dma_semaphore, #tpu.memory_space<semaphore_mem>>) src(%arg8 : memref<128x128xf32, #tpu.memory_space<vmem>>) dst(%dma_wait3A_60 : memref<10240x128xf32, #tpu.memory_space<vmem_shared>>)
        tpu.yield
      }) : () -> ()
      %add3A_33 = arith.constant 1 : i32
      %add3A_34 = arith.addi %mul3A_20, %add3A_33 : i32
      %add3A_35 = arith.constant 1 : i32
      %add3A_36 = arith.addi %add3A_34, %add3A_35 : i32
      %lt3A_37 = arith.constant 80 : i32
      %lt3A_38 = arith.cmpi slt, %add3A_36, %lt3A_37 : i32
      %convert_element_type3A_39 = arith.extui %lt3A_38 : i1 to i32
      %cond3A_40 = arith.constant 0 : i32
      %cond3A_41 = arith.cmpi ne, %convert_element_type3A_39, %cond3A_40 : i32
      scf.if %cond3A_41 {
        %add3A_49 = arith.addi %mul3A_2, %add3A_36 : i32
        %mul3A_50 = arith.constant 128 : i32
        %mul3A_51 = arith.muli %add3A_49, %mul3A_50 : i32
        %dma_start3A_52 = arith.constant 0 : i32
        %dma_start3A_53 = tpu.memref_slice %arg2[%mul3A_51, %dma_start3A_52] : memref<327680x128xf32, #tpu.memory_space<hbm>> -> memref<128x128xf32, #tpu.memory_space<hbm>>
        %dma_start3A_54 = arith.constant 0 : i32
        %dma_start3A_55 = tpu.memref_slice %arg2[%mul3A_51, %dma_start3A_54] : memref<327680x128xf32, #tpu.memory_space<hbm>> -> memref<128x128xf32, #tpu.memory_space<hbm>>
        tpu.enqueue_dma source(%dma_start3A_55 : memref<128x128xf32, #tpu.memory_space<hbm>>) target(%arg8 : memref<128x128xf32, #tpu.memory_space<vmem>>) target_semaphore(%arg10 : memref<!tpu.dma_semaphore, #tpu.memory_space<semaphore_mem>>)
      } else {
      }
      %add3A_42 = arith.addi %mul3A_2, %add3A_34 : i32
      %mul3A_43 = arith.constant 128 : i32
      %mul3A_44 = arith.muli %add3A_42, %mul3A_43 : i32
      %dma_wait3A_45 = arith.constant 0 : i32
      %dma_wait3A_46 = tpu.memref_slice %arg2[%mul3A_44, %dma_wait3A_45] : memref<327680x128xf32, #tpu.memory_space<hbm>> -> memref<128x128xf32, #tpu.memory_space<hbm>>
      %dma_wait3A_47 = arith.constant 0 : i32
      %dma_wait3A_48 = tpu.memref_slice %arg2[%mul3A_44, %dma_wait3A_47] : memref<327680x128xf32, #tpu.memory_space<hbm>> -> memref<128x128xf32, #tpu.memory_space<hbm>>
      tpu.wait_dma2 semaphore(%arg11 : memref<!tpu.dma_semaphore, #tpu.memory_space<semaphore_mem>>) src(%dma_wait3A_48 : memref<128x128xf32, #tpu.memory_space<hbm>>) dst(%arg9 : memref<128x128xf32, #tpu.memory_space<vmem>>)
      "tpu.region"() ({
        %run_scoped3A = tpu.sem_alloc : memref<!tpu.dma_semaphore, #tpu.memory_space<semaphore_mem>>
        %dma_start3A_49 = arith.constant 0 : i32
        %dma_start3A_50 = tpu.memref_slice %arg7[%add3A_34, %dma_start3A_49] : memref<80x128xi32, #tpu.memory_space<vmem>> -> memref<1x128xi32, #tpu.memory_space<vmem>>
        %dma_start3A_51 = tpu.memref_squeeze %dma_start3A_50 : memref<1x128xi32, #tpu.memory_space<vmem>> -> memref<128xi32, #tpu.memory_space<vmem>>
        %dma_start3A_52 = arith.constant 0 : i32
        %dma_start3A_53 = arith.constant 0 : i32
        %dma_start3A_54 = tpu.memref_slice %arg6[%dma_start3A_52, %dma_start3A_53] : memref<10240x128xf32, #tpu.memory_space<vmem_shared>> -> memref<10240x128xf32, #tpu.memory_space<vmem_shared>>
        tpu.enqueue_indirect_dma source(%arg9 : memref<128x128xf32, #tpu.memory_space<vmem>>) target(%dma_start3A_54 : memref<10240x128xf32, #tpu.memory_space<vmem_shared>>) offsets(%dma_start3A_51 : memref<128xi32, #tpu.memory_space<vmem>>) semaphore(%run_scoped3A : memref<!tpu.dma_semaphore, #tpu.memory_space<semaphore_mem>>) {add = true}
        %dma_wait3A_55 = arith.constant 0 : i32
        %dma_wait3A_56 = tpu.memref_slice %arg7[%add3A_34, %dma_wait3A_55] : memref<80x128xi32, #tpu.memory_space<vmem>> -> memref<1x128xi32, #tpu.memory_space<vmem>>
        %dma_wait3A_57 = tpu.memref_squeeze %dma_wait3A_56 : memref<1x128xi32, #tpu.memory_space<vmem>> -> memref<128xi32, #tpu.memory_space<vmem>>
        %dma_wait3A_58 = arith.constant 0 : i32
        %dma_wait3A_59 = arith.constant 0 : i32
        %dma_wait3A_60 = tpu.memref_slice %arg6[%dma_wait3A_58, %dma_wait3A_59] : memref<10240x128xf32, #tpu.memory_space<vmem_shared>> -> memref<10240x128xf32, #tpu.memory_space<vmem_shared>>
        tpu.wait_indirect_dma semaphore(%run_scoped3A : memref<!tpu.dma_semaphore, #tpu.memory_space<semaphore_mem>>) src(%arg9 : memref<128x128xf32, #tpu.memory_space<vmem>>) dst(%dma_wait3A_60 : memref<10240x128xf32, #tpu.memory_space<vmem_shared>>)
        tpu.yield
      }) : () -> ()
    }
    %scan3A_16 = arith.constant 40 : i32
    %barrier3A_17 = arith.constant 0 : index
    tpu.barrier barrier_id(%barrier3A_17)
    "tpu.region"() ({
      %run_scoped3A = tpu.sem_alloc : memref<!tpu.dma_semaphore, #tpu.memory_space<semaphore_mem>>
      %dma_start3A_18 = arith.constant 0 : i32
      %dma_start3A_19 = tpu.memref_slice %arg5[%arg0, %mul3A_4, %dma_start3A_18] : memref<2x10240x128xf32, #tpu.memory_space<hbm>> -> memref<1x640x128xf32, #tpu.memory_space<hbm>>
      %dma_start3A_20 = tpu.memref_squeeze %dma_start3A_19 : memref<1x640x128xf32, #tpu.memory_space<hbm>> -> memref<640x128xf32, #tpu.memory_space<hbm>>
      %dma_start3A_21 = arith.constant 0 : i32
      %dma_start3A_22 = tpu.memref_slice %arg6[%mul3A_4, %dma_start3A_21] : memref<10240x128xf32, #tpu.memory_space<vmem_shared>> -> memref<640x128xf32, #tpu.memory_space<vmem_shared>>
      tpu.enqueue_dma source(%dma_start3A_22 : memref<640x128xf32, #tpu.memory_space<vmem_shared>>) target(%dma_start3A_20 : memref<640x128xf32, #tpu.memory_space<hbm>>) target_semaphore(%run_scoped3A : memref<!tpu.dma_semaphore, #tpu.memory_space<semaphore_mem>>)
      %dma_wait3A = arith.constant 0 : i32
      %dma_wait3A_23 = tpu.memref_slice %arg5[%arg0, %mul3A_4, %dma_wait3A] : memref<2x10240x128xf32, #tpu.memory_space<hbm>> -> memref<1x640x128xf32, #tpu.memory_space<hbm>>
      %dma_wait3A_24 = tpu.memref_squeeze %dma_wait3A_23 : memref<1x640x128xf32, #tpu.memory_space<hbm>> -> memref<640x128xf32, #tpu.memory_space<hbm>>
      %dma_wait3A_25 = arith.constant 0 : i32
      %dma_wait3A_26 = tpu.memref_slice %arg6[%mul3A_4, %dma_wait3A_25] : memref<10240x128xf32, #tpu.memory_space<vmem_shared>> -> memref<640x128xf32, #tpu.memory_space<vmem_shared>>
      tpu.wait_dma2 semaphore(%run_scoped3A : memref<!tpu.dma_semaphore, #tpu.memory_space<semaphore_mem>>) src(%dma_wait3A_26 : memref<640x128xf32, #tpu.memory_space<vmem_shared>>) dst(%dma_wait3A_24 : memref<640x128xf32, #tpu.memory_space<hbm>>)
      tpu.yield
    }) : () -> ()
    return
  }
}

#map = affine_map<(d0, d1) -> (0, 0)>
module attributes {stable_mosaic.version = 14 : i64} {
  func.func @_gather_body(%arg0: i32, %arg1: i32, %arg2: memref<10240x128xf32, #tpu.memory_space<hbm>>, %arg3: memref<10240x128xf32, #tpu.memory_space<hbm>>, %arg4: memref<2560x128xi32, #tpu.memory_space<hbm>>, %arg5: memref<2560x128xi32, #tpu.memory_space<hbm>>, %arg6: memref<327680x128xf32, #tpu.memory_space<hbm>>, %arg7: memref<160x128xi32, #tpu.memory_space<vmem>>, %arg8: memref<160x128xi32, #tpu.memory_space<vmem>>, %arg9: memref<128x128xf32, #tpu.memory_space<vmem>>, %arg10: memref<128x128xf32, #tpu.memory_space<vmem>>, %arg11: memref<128x128xf32, #tpu.memory_space<vmem>>, %arg12: memref<128x128xf32, #tpu.memory_space<vmem>>, %arg13: memref<!tpu.dma_semaphore, #tpu.memory_space<semaphore_mem>>, %arg14: memref<!tpu.dma_semaphore, #tpu.memory_space<semaphore_mem>>, %arg15: memref<!tpu.dma_semaphore, #tpu.memory_space<semaphore_mem>>, %arg16: memref<!tpu.dma_semaphore, #tpu.memory_space<semaphore_mem>>) attributes {dimension_semantics = [#tpu.dimension_semantics<core_parallel>, #tpu.dimension_semantics<subcore_parallel>], iteration_bounds = array<i64: 2, 16>, scalar_prefetch = 0 : i64, scratch_operands = 10 : i64, tpu.core_type = #tpu.core_type<sc_vector_subcore>, window_params = [{transform_indices = #map}, {transform_indices = #map}, {transform_indices = #map}, {transform_indices = #map}, {transform_indices = #map}]} {
    %mul3A = arith.constant 160 : i32
    %mul3A_0 = arith.muli %arg1, %mul3A : i32
    "tpu.region"() ({
      %run_scoped3A = tpu.sem_alloc : memref<!tpu.dma_semaphore, #tpu.memory_space<semaphore_mem>>
      %dma_start3A_46 = arith.constant 0 : i32
      %dma_start3A_47 = tpu.memref_slice %arg4[%mul3A_0, %dma_start3A_46] : memref<2560x128xi32, #tpu.memory_space<hbm>> -> memref<160x128xi32, #tpu.memory_space<hbm>>
      %dma_start3A_48 = arith.constant 0 : i32
      %dma_start3A_49 = tpu.memref_slice %arg4[%mul3A_0, %dma_start3A_48] : memref<2560x128xi32, #tpu.memory_space<hbm>> -> memref<160x128xi32, #tpu.memory_space<hbm>>
      tpu.enqueue_dma source(%dma_start3A_49 : memref<160x128xi32, #tpu.memory_space<hbm>>) target(%arg7 : memref<160x128xi32, #tpu.memory_space<vmem>>) target_semaphore(%run_scoped3A : memref<!tpu.dma_semaphore, #tpu.memory_space<semaphore_mem>>)
      %dma_wait3A = arith.constant 0 : i32
      %dma_wait3A_50 = tpu.memref_slice %arg4[%mul3A_0, %dma_wait3A] : memref<2560x128xi32, #tpu.memory_space<hbm>> -> memref<160x128xi32, #tpu.memory_space<hbm>>
      %dma_wait3A_51 = arith.constant 0 : i32
      %dma_wait3A_52 = tpu.memref_slice %arg4[%mul3A_0, %dma_wait3A_51] : memref<2560x128xi32, #tpu.memory_space<hbm>> -> memref<160x128xi32, #tpu.memory_space<hbm>>
      tpu.wait_dma2 semaphore(%run_scoped3A : memref<!tpu.dma_semaphore, #tpu.memory_space<semaphore_mem>>) src(%dma_wait3A_52 : memref<160x128xi32, #tpu.memory_space<hbm>>) dst(%arg7 : memref<160x128xi32, #tpu.memory_space<vmem>>)
      tpu.yield
    }) : () -> ()
    "tpu.region"() ({
      %run_scoped3A = tpu.sem_alloc : memref<!tpu.dma_semaphore, #tpu.memory_space<semaphore_mem>>
      %dma_start3A_46 = arith.constant 0 : i32
      %dma_start3A_47 = tpu.memref_slice %arg5[%mul3A_0, %dma_start3A_46] : memref<2560x128xi32, #tpu.memory_space<hbm>> -> memref<160x128xi32, #tpu.memory_space<hbm>>
      %dma_start3A_48 = arith.constant 0 : i32
      %dma_start3A_49 = tpu.memref_slice %arg5[%mul3A_0, %dma_start3A_48] : memref<2560x128xi32, #tpu.memory_space<hbm>> -> memref<160x128xi32, #tpu.memory_space<hbm>>
      tpu.enqueue_dma source(%dma_start3A_49 : memref<160x128xi32, #tpu.memory_space<hbm>>) target(%arg8 : memref<160x128xi32, #tpu.memory_space<vmem>>) target_semaphore(%run_scoped3A : memref<!tpu.dma_semaphore, #tpu.memory_space<semaphore_mem>>)
      %dma_wait3A = arith.constant 0 : i32
      %dma_wait3A_50 = tpu.memref_slice %arg5[%mul3A_0, %dma_wait3A] : memref<2560x128xi32, #tpu.memory_space<hbm>> -> memref<160x128xi32, #tpu.memory_space<hbm>>
      %dma_wait3A_51 = arith.constant 0 : i32
      %dma_wait3A_52 = tpu.memref_slice %arg5[%mul3A_0, %dma_wait3A_51] : memref<2560x128xi32, #tpu.memory_space<hbm>> -> memref<160x128xi32, #tpu.memory_space<hbm>>
      tpu.wait_dma2 semaphore(%run_scoped3A : memref<!tpu.dma_semaphore, #tpu.memory_space<semaphore_mem>>) src(%dma_wait3A_52 : memref<160x128xi32, #tpu.memory_space<hbm>>) dst(%arg8 : memref<160x128xi32, #tpu.memory_space<vmem>>)
      tpu.yield
    }) : () -> ()
    %mul3A_1 = arith.constant 118 : i32
    %mul3A_2 = arith.muli %arg0, %mul3A_1 : i32
    %eq3A = arith.constant 0 : i32
    %eq3A_3 = arith.cmpi eq, %arg0, %eq3A : i32
    %jit3A = arith.constant 118 : i32
    %jit3A_4 = arith.constant 42 : i32
    %select_n3A = arith.select %eq3A_3, %jit3A, %jit3A_4 : i32
    %add3A = arith.constant 0 : i32
    %add3A_5 = arith.addi %mul3A_2, %add3A : i32
    %dma_start3A = arith.constant 0 : i32
    %dma_start3A_6 = tpu.memref_slice %arg7[%add3A_5, %dma_start3A] : memref<160x128xi32, #tpu.memory_space<vmem>> -> memref<1x128xi32, #tpu.memory_space<vmem>>
    %dma_start3A_7 = tpu.memref_squeeze %dma_start3A_6 : memref<1x128xi32, #tpu.memory_space<vmem>> -> memref<128xi32, #tpu.memory_space<vmem>>
    %dma_start3A_8 = arith.constant 0 : i32
    %dma_start3A_9 = arith.constant 0 : i32
    %dma_start3A_10 = tpu.memref_slice %arg2[%dma_start3A_8, %dma_start3A_9] : memref<10240x128xf32, #tpu.memory_space<hbm>> -> memref<10240x128xf32, #tpu.memory_space<hbm>>
    tpu.enqueue_indirect_dma source(%dma_start3A_10 : memref<10240x128xf32, #tpu.memory_space<hbm>>) target(%arg9 : memref<128x128xf32, #tpu.memory_space<vmem>>) offsets(%dma_start3A_7 : memref<128xi32, #tpu.memory_space<vmem>>) semaphore(%arg13 : memref<!tpu.dma_semaphore, #tpu.memory_space<semaphore_mem>>)
    %add3A_11 = arith.constant 0 : i32
    %add3A_12 = arith.addi %mul3A_2, %add3A_11 : i32
    %dma_start3A_13 = arith.constant 0 : i32
    %dma_start3A_14 = tpu.memref_slice %arg8[%add3A_12, %dma_start3A_13] : memref<160x128xi32, #tpu.memory_space<vmem>> -> memref<1x128xi32, #tpu.memory_space<vmem>>
    %dma_start3A_15 = tpu.memref_squeeze %dma_start3A_14 : memref<1x128xi32, #tpu.memory_space<vmem>> -> memref<128xi32, #tpu.memory_space<vmem>>
    %dma_start3A_16 = arith.constant 0 : i32
    %dma_start3A_17 = arith.constant 0 : i32
    %dma_start3A_18 = tpu.memref_slice %arg3[%dma_start3A_16, %dma_start3A_17] : memref<10240x128xf32, #tpu.memory_space<hbm>> -> memref<10240x128xf32, #tpu.memory_space<hbm>>
    tpu.enqueue_indirect_dma source(%dma_start3A_18 : memref<10240x128xf32, #tpu.memory_space<hbm>>) target(%arg10 : memref<128x128xf32, #tpu.memory_space<vmem>>) offsets(%dma_start3A_15 : memref<128xi32, #tpu.memory_space<vmem>>) semaphore(%arg14 : memref<!tpu.dma_semaphore, #tpu.memory_space<semaphore_mem>>)
    %jit3A_19 = arith.constant 2 : i32
    %div3A = arith.divsi %select_n3A, %jit3A_19 : i32
    %sign3A = arith.constant 0 : i32
    %sign3A_20 = arith.cmpi sgt, %select_n3A, %sign3A : i32
    %sign3A_21 = arith.extui %sign3A_20 : i1 to i32
    %sign3A_22 = arith.constant 0 : i32
    %sign3A_23 = arith.cmpi slt, %select_n3A, %sign3A_22 : i32
    %sign3A_24 = arith.extui %sign3A_23 : i1 to i32
    %sign3A_25 = arith.subi %sign3A_21, %sign3A_24 : i32
    %sign3A_26 = arith.constant 0 : i32
    %sign3A_27 = arith.cmpi sgt, %jit3A_19, %sign3A_26 : i32
    %sign3A_28 = arith.extui %sign3A_27 : i1 to i32
    %sign3A_29 = arith.constant 0 : i32
    %sign3A_30 = arith.cmpi slt, %jit3A_19, %sign3A_29 : i32
    %sign3A_31 = arith.extui %sign3A_30 : i1 to i32
    %sign3A_32 = arith.subi %sign3A_28, %sign3A_31 : i32
    %ne3A = arith.cmpi ne, %sign3A_25, %sign3A_32 : i32
    %rem3A = arith.remsi %select_n3A, %jit3A_19 : i32
    %ne3A_33 = arith.constant 0 : i32
    %ne3A_34 = arith.cmpi ne, %rem3A, %ne3A_33 : i32
    %and3A = arith.andi %ne3A, %ne3A_34 : i1
    %sub3A = arith.constant 1 : i32
    %sub3A_35 = arith.subi %div3A, %sub3A : i32
    %select_n3A_36 = arith.select %and3A, %sub3A_35, %div3A : i32
    %while3A = arith.constant 0 : i32
    %while3A_37 = arith.constant 0 : i32
    %while3A_38 = arith.subi %select_n3A_36, %while3A_37 : i32
    %while3A_39 = arith.addi %while3A_37, %while3A_38 : i32
    %while3A_40 = arith.constant 1 : i32
    %while3A_41 = arith.divsi %while3A_38, %while3A_40 : i32
    %while3A_42 = arith.muli %while3A_41, %while3A_40 : i32
    %while3A_43 = arith.addi %while3A_37, %while3A_42 : i32
    %while3A_44 = arith.constant 1 : i32
    scf.for %while3A_46 = %while3A_37 to %while3A_43 step %while3A_44  : i32 {
      %mul3A_47 = arith.constant 2 : i32
      %mul3A_48 = arith.muli %mul3A_47, %while3A_46 : i32
      %add3A_49 = arith.constant 0 : i32
      %add3A_50 = arith.addi %mul3A_48, %add3A_49 : i32
      %add3A_51 = arith.constant 1 : i32
      %add3A_52 = arith.addi %add3A_50, %add3A_51 : i32
      %lt3A = arith.cmpi slt, %add3A_52, %select_n3A : i32
      %convert_element_type3A = arith.extui %lt3A : i1 to i32
      %cond3A = arith.constant 0 : i32
      %cond3A_53 = arith.cmpi ne, %convert_element_type3A, %cond3A : i32
      scf.if %cond3A_53 {
        %add3A_110 = arith.addi %mul3A_2, %add3A_52 : i32
        %dma_start3A_111 = arith.constant 0 : i32
        %dma_start3A_112 = tpu.memref_slice %arg7[%add3A_110, %dma_start3A_111] : memref<160x128xi32, #tpu.memory_space<vmem>> -> memref<1x128xi32, #tpu.memory_space<vmem>>
        %dma_start3A_113 = tpu.memref_squeeze %dma_start3A_112 : memref<1x128xi32, #tpu.memory_space<vmem>> -> memref<128xi32, #tpu.memory_space<vmem>>
        %dma_start3A_114 = arith.constant 0 : i32
        %dma_start3A_115 = arith.constant 0 : i32
        %dma_start3A_116 = tpu.memref_slice %arg2[%dma_start3A_114, %dma_start3A_115] : memref<10240x128xf32, #tpu.memory_space<hbm>> -> memref<10240x128xf32, #tpu.memory_space<hbm>>
        tpu.enqueue_indirect_dma source(%dma_start3A_116 : memref<10240x128xf32, #tpu.memory_space<hbm>>) target(%arg11 : memref<128x128xf32, #tpu.memory_space<vmem>>) offsets(%dma_start3A_113 : memref<128xi32, #tpu.memory_space<vmem>>) semaphore(%arg15 : memref<!tpu.dma_semaphore, #tpu.memory_space<semaphore_mem>>)
        %add3A_117 = arith.addi %mul3A_2, %add3A_52 : i32
        %dma_start3A_118 = arith.constant 0 : i32
        %dma_start3A_119 = tpu.memref_slice %arg8[%add3A_117, %dma_start3A_118] : memref<160x128xi32, #tpu.memory_space<vmem>> -> memref<1x128xi32, #tpu.memory_space<vmem>>
        %dma_start3A_120 = tpu.memref_squeeze %dma_start3A_119 : memref<1x128xi32, #tpu.memory_space<vmem>> -> memref<128xi32, #tpu.memory_space<vmem>>
        %dma_start3A_121 = arith.constant 0 : i32
        %dma_start3A_122 = arith.constant 0 : i32
        %dma_start3A_123 = tpu.memref_slice %arg3[%dma_start3A_121, %dma_start3A_122] : memref<10240x128xf32, #tpu.memory_space<hbm>> -> memref<10240x128xf32, #tpu.memory_space<hbm>>
        tpu.enqueue_indirect_dma source(%dma_start3A_123 : memref<10240x128xf32, #tpu.memory_space<hbm>>) target(%arg12 : memref<128x128xf32, #tpu.memory_space<vmem>>) offsets(%dma_start3A_120 : memref<128xi32, #tpu.memory_space<vmem>>) semaphore(%arg16 : memref<!tpu.dma_semaphore, #tpu.memory_space<semaphore_mem>>)
      } else {
      }
      %add3A_54 = arith.addi %mul3A_2, %add3A_50 : i32
      %dma_wait3A = arith.constant 0 : i32
      %dma_wait3A_55 = tpu.memref_slice %arg7[%add3A_54, %dma_wait3A] : memref<160x128xi32, #tpu.memory_space<vmem>> -> memref<1x128xi32, #tpu.memory_space<vmem>>
      %dma_wait3A_56 = tpu.memref_squeeze %dma_wait3A_55 : memref<1x128xi32, #tpu.memory_space<vmem>> -> memref<128xi32, #tpu.memory_space<vmem>>
      %dma_wait3A_57 = arith.constant 0 : i32
      %dma_wait3A_58 = arith.constant 0 : i32
      %dma_wait3A_59 = tpu.memref_slice %arg2[%dma_wait3A_57, %dma_wait3A_58] : memref<10240x128xf32, #tpu.memory_space<hbm>> -> memref<10240x128xf32, #tpu.memory_space<hbm>>
      tpu.wait_indirect_dma semaphore(%arg13 : memref<!tpu.dma_semaphore, #tpu.memory_space<semaphore_mem>>) src(%dma_wait3A_59 : memref<10240x128xf32, #tpu.memory_space<hbm>>) dst(%arg9 : memref<128x128xf32, #tpu.memory_space<vmem>>)
      %add3A_60 = arith.addi %mul3A_2, %add3A_50 : i32
      %dma_wait3A_61 = arith.constant 0 : i32
      %dma_wait3A_62 = tpu.memref_slice %arg8[%add3A_60, %dma_wait3A_61] : memref<160x128xi32, #tpu.memory_space<vmem>> -> memref<1x128xi32, #tpu.memory_space<vmem>>
      %dma_wait3A_63 = tpu.memref_squeeze %dma_wait3A_62 : memref<1x128xi32, #tpu.memory_space<vmem>> -> memref<128xi32, #tpu.memory_space<vmem>>
      %dma_wait3A_64 = arith.constant 0 : i32
      %dma_wait3A_65 = arith.constant 0 : i32
      %dma_wait3A_66 = tpu.memref_slice %arg3[%dma_wait3A_64, %dma_wait3A_65] : memref<10240x128xf32, #tpu.memory_space<hbm>> -> memref<10240x128xf32, #tpu.memory_space<hbm>>
      tpu.wait_indirect_dma semaphore(%arg14 : memref<!tpu.dma_semaphore, #tpu.memory_space<semaphore_mem>>) src(%dma_wait3A_66 : memref<10240x128xf32, #tpu.memory_space<hbm>>) dst(%arg10 : memref<128x128xf32, #tpu.memory_space<vmem>>)
      %scan3A = arith.constant 0 : i32
      %scan3A_67 = arith.constant 0 : i32
      %scan3A_68 = arith.constant 128 : i32
      %scan3A_69 = arith.addi %scan3A_67, %scan3A_68 : i32
      %scan3A_70 = arith.constant 1 : i32
      scf.for %scan3A_110 = %scan3A_67 to %scan3A_69 step %scan3A_70  : i32 {
        %get3A = arith.index_cast %scan3A_110 : i32 to index
        %get3A_111 = arith.constant 0 : index
        %get3A_112 = tpu.vector_load %arg9[%get3A, %get3A_111] {strides = array<i32>} : memref<128x128xf32, #tpu.memory_space<vmem>>, vector<1x16xf32>,
        %get3A_113 = vector.shape_cast %get3A_112 : vector<1x16xf32> to vector<16xf32>
        %get3A_114 = arith.index_cast %scan3A_110 : i32 to index
        %get3A_115 = arith.constant 0 : index
        %get3A_116 = tpu.vector_load %arg10[%get3A_114, %get3A_115] {strides = array<i32>} : memref<128x128xf32, #tpu.memory_space<vmem>>, vector<1x16xf32>,
        %get3A_117 = vector.shape_cast %get3A_116 : vector<1x16xf32> to vector<16xf32>
        %add3A_118 = arith.addf %get3A_113, %get3A_117 : vector<16xf32>
        %max3A = arith.constant 0.000000e+00 : f32
        %max3A_119 = vector.broadcast %max3A : f32 to vector<16xf32>
        %max3A_120 = arith.maximumf %add3A_118, %max3A_119 : vector<16xf32>
        %swap3A = arith.index_cast %scan3A_110 : i32 to index
        %swap3A_121 = arith.constant 0 : index
        %swap3A_122 = tpu.vector_load %arg9[%swap3A, %swap3A_121] {strides = array<i32>} : memref<128x128xf32, #tpu.memory_space<vmem>>, vector<1x16xf32>,
        %swap3A_123 = vector.shape_cast %swap3A_122 : vector<1x16xf32> to vector<16xf32>
        %swap3A_124 = vector.shape_cast %max3A_120 : vector<16xf32> to vector<1x16xf32>
        tpu.vector_store %arg9[%swap3A, %swap3A_121], %swap3A_124 {strides = array<i32>} : memref<128x128xf32, #tpu.memory_space<vmem>>, vector<1x16xf32>,
        %get3A_125 = arith.index_cast %scan3A_110 : i32 to index
        %get3A_126 = arith.constant 16 : index
        %get3A_127 = tpu.vector_load %arg9[%get3A_125, %get3A_126] {strides = array<i32>} : memref<128x128xf32, #tpu.memory_space<vmem>>, vector<1x16xf32>,
        %get3A_128 = vector.shape_cast %get3A_127 : vector<1x16xf32> to vector<16xf32>
        %get3A_129 = arith.index_cast %scan3A_110 : i32 to index
        %get3A_130 = arith.constant 16 : index
        %get3A_131 = tpu.vector_load %arg10[%get3A_129, %get3A_130] {strides = array<i32>} : memref<128x128xf32, #tpu.memory_space<vmem>>, vector<1x16xf32>,
        %get3A_132 = vector.shape_cast %get3A_131 : vector<1x16xf32> to vector<16xf32>
        %add3A_133 = arith.addf %get3A_128, %get3A_132 : vector<16xf32>
        %max3A_134 = arith.constant 0.000000e+00 : f32
        %max3A_135 = vector.broadcast %max3A_134 : f32 to vector<16xf32>
        %max3A_136 = arith.maximumf %add3A_133, %max3A_135 : vector<16xf32>
        %swap3A_137 = arith.index_cast %scan3A_110 : i32 to index
        %swap3A_138 = arith.constant 16 : index
        %swap3A_139 = tpu.vector_load %arg9[%swap3A_137, %swap3A_138] {strides = array<i32>} : memref<128x128xf32, #tpu.memory_space<vmem>>, vector<1x16xf32>,
        %swap3A_140 = vector.shape_cast %swap3A_139 : vector<1x16xf32> to vector<16xf32>
        %swap3A_141 = vector.shape_cast %max3A_136 : vector<16xf32> to vector<1x16xf32>
        tpu.vector_store %arg9[%swap3A_137, %swap3A_138], %swap3A_141 {strides = array<i32>} : memref<128x128xf32, #tpu.memory_space<vmem>>, vector<1x16xf32>,
        %get3A_142 = arith.index_cast %scan3A_110 : i32 to index
        %get3A_143 = arith.constant 32 : index
        %get3A_144 = tpu.vector_load %arg9[%get3A_142, %get3A_143] {strides = array<i32>} : memref<128x128xf32, #tpu.memory_space<vmem>>, vector<1x16xf32>,
        %get3A_145 = vector.shape_cast %get3A_144 : vector<1x16xf32> to vector<16xf32>
        %get3A_146 = arith.index_cast %scan3A_110 : i32 to index
        %get3A_147 = arith.constant 32 : index
        %get3A_148 = tpu.vector_load %arg10[%get3A_146, %get3A_147] {strides = array<i32>} : memref<128x128xf32, #tpu.memory_space<vmem>>, vector<1x16xf32>,
        %get3A_149 = vector.shape_cast %get3A_148 : vector<1x16xf32> to vector<16xf32>
        %add3A_150 = arith.addf %get3A_145, %get3A_149 : vector<16xf32>
        %max3A_151 = arith.constant 0.000000e+00 : f32
        %max3A_152 = vector.broadcast %max3A_151 : f32 to vector<16xf32>
        %max3A_153 = arith.maximumf %add3A_150, %max3A_152 : vector<16xf32>
        %swap3A_154 = arith.index_cast %scan3A_110 : i32 to index
        %swap3A_155 = arith.constant 32 : index
        %swap3A_156 = tpu.vector_load %arg9[%swap3A_154, %swap3A_155] {strides = array<i32>} : memref<128x128xf32, #tpu.memory_space<vmem>>, vector<1x16xf32>,
        %swap3A_157 = vector.shape_cast %swap3A_156 : vector<1x16xf32> to vector<16xf32>
        %swap3A_158 = vector.shape_cast %max3A_153 : vector<16xf32> to vector<1x16xf32>
        tpu.vector_store %arg9[%swap3A_154, %swap3A_155], %swap3A_158 {strides = array<i32>} : memref<128x128xf32, #tpu.memory_space<vmem>>, vector<1x16xf32>,
        %get3A_159 = arith.index_cast %scan3A_110 : i32 to index
        %get3A_160 = arith.constant 48 : index
        %get3A_161 = tpu.vector_load %arg9[%get3A_159, %get3A_160] {strides = array<i32>} : memref<128x128xf32, #tpu.memory_space<vmem>>, vector<1x16xf32>,
        %get3A_162 = vector.shape_cast %get3A_161 : vector<1x16xf32> to vector<16xf32>
        %get3A_163 = arith.index_cast %scan3A_110 : i32 to index
        %get3A_164 = arith.constant 48 : index
        %get3A_165 = tpu.vector_load %arg10[%get3A_163, %get3A_164] {strides = array<i32>} : memref<128x128xf32, #tpu.memory_space<vmem>>, vector<1x16xf32>,
        %get3A_166 = vector.shape_cast %get3A_165 : vector<1x16xf32> to vector<16xf32>
        %add3A_167 = arith.addf %get3A_162, %get3A_166 : vector<16xf32>
        %max3A_168 = arith.constant 0.000000e+00 : f32
        %max3A_169 = vector.broadcast %max3A_168 : f32 to vector<16xf32>
        %max3A_170 = arith.maximumf %add3A_167, %max3A_169 : vector<16xf32>
        %swap3A_171 = arith.index_cast %scan3A_110 : i32 to index
        %swap3A_172 = arith.constant 48 : index
        %swap3A_173 = tpu.vector_load %arg9[%swap3A_171, %swap3A_172] {strides = array<i32>} : memref<128x128xf32, #tpu.memory_space<vmem>>, vector<1x16xf32>,
        %swap3A_174 = vector.shape_cast %swap3A_173 : vector<1x16xf32> to vector<16xf32>
        %swap3A_175 = vector.shape_cast %max3A_170 : vector<16xf32> to vector<1x16xf32>
        tpu.vector_store %arg9[%swap3A_171, %swap3A_172], %swap3A_175 {strides = array<i32>} : memref<128x128xf32, #tpu.memory_space<vmem>>, vector<1x16xf32>,
        %get3A_176 = arith.index_cast %scan3A_110 : i32 to index
        %get3A_177 = arith.constant 64 : index
        %get3A_178 = tpu.vector_load %arg9[%get3A_176, %get3A_177] {strides = array<i32>} : memref<128x128xf32, #tpu.memory_space<vmem>>, vector<1x16xf32>,
        %get3A_179 = vector.shape_cast %get3A_178 : vector<1x16xf32> to vector<16xf32>
        %get3A_180 = arith.index_cast %scan3A_110 : i32 to index
        %get3A_181 = arith.constant 64 : index
        %get3A_182 = tpu.vector_load %arg10[%get3A_180, %get3A_181] {strides = array<i32>} : memref<128x128xf32, #tpu.memory_space<vmem>>, vector<1x16xf32>,
        %get3A_183 = vector.shape_cast %get3A_182 : vector<1x16xf32> to vector<16xf32>
        %add3A_184 = arith.addf %get3A_179, %get3A_183 : vector<16xf32>
        %max3A_185 = arith.constant 0.000000e+00 : f32
        %max3A_186 = vector.broadcast %max3A_185 : f32 to vector<16xf32>
        %max3A_187 = arith.maximumf %add3A_184, %max3A_186 : vector<16xf32>
        %swap3A_188 = arith.index_cast %scan3A_110 : i32 to index
        %swap3A_189 = arith.constant 64 : index
        %swap3A_190 = tpu.vector_load %arg9[%swap3A_188, %swap3A_189] {strides = array<i32>} : memref<128x128xf32, #tpu.memory_space<vmem>>, vector<1x16xf32>,
        %swap3A_191 = vector.shape_cast %swap3A_190 : vector<1x16xf32> to vector<16xf32>
        %swap3A_192 = vector.shape_cast %max3A_187 : vector<16xf32> to vector<1x16xf32>
        tpu.vector_store %arg9[%swap3A_188, %swap3A_189], %swap3A_192 {strides = array<i32>} : memref<128x128xf32, #tpu.memory_space<vmem>>, vector<1x16xf32>,
        %get3A_193 = arith.index_cast %scan3A_110 : i32 to index
        %get3A_194 = arith.constant 80 : index
        %get3A_195 = tpu.vector_load %arg9[%get3A_193, %get3A_194] {strides = array<i32>} : memref<128x128xf32, #tpu.memory_space<vmem>>, vector<1x16xf32>,
        %get3A_196 = vector.shape_cast %get3A_195 : vector<1x16xf32> to vector<16xf32>
        %get3A_197 = arith.index_cast %scan3A_110 : i32 to index
        %get3A_198 = arith.constant 80 : index
        %get3A_199 = tpu.vector_load %arg10[%get3A_197, %get3A_198] {strides = array<i32>} : memref<128x128xf32, #tpu.memory_space<vmem>>, vector<1x16xf32>,
        %get3A_200 = vector.shape_cast %get3A_199 : vector<1x16xf32> to vector<16xf32>
        %add3A_201 = arith.addf %get3A_196, %get3A_200 : vector<16xf32>
        %max3A_202 = arith.constant 0.000000e+00 : f32
        %max3A_203 = vector.broadcast %max3A_202 : f32 to vector<16xf32>
        %max3A_204 = arith.maximumf %add3A_201, %max3A_203 : vector<16xf32>
        %swap3A_205 = arith.index_cast %scan3A_110 : i32 to index
        %swap3A_206 = arith.constant 80 : index
        %swap3A_207 = tpu.vector_load %arg9[%swap3A_205, %swap3A_206] {strides = array<i32>} : memref<128x128xf32, #tpu.memory_space<vmem>>, vector<1x16xf32>,
        %swap3A_208 = vector.shape_cast %swap3A_207 : vector<1x16xf32> to vector<16xf32>
        %swap3A_209 = vector.shape_cast %max3A_204 : vector<16xf32> to vector<1x16xf32>
        tpu.vector_store %arg9[%swap3A_205, %swap3A_206], %swap3A_209 {strides = array<i32>} : memref<128x128xf32, #tpu.memory_space<vmem>>, vector<1x16xf32>,
        %get3A_210 = arith.index_cast %scan3A_110 : i32 to index
        %get3A_211 = arith.constant 96 : index
        %get3A_212 = tpu.vector_load %arg9[%get3A_210, %get3A_211] {strides = array<i32>} : memref<128x128xf32, #tpu.memory_space<vmem>>, vector<1x16xf32>,
        %get3A_213 = vector.shape_cast %get3A_212 : vector<1x16xf32> to vector<16xf32>
        %get3A_214 = arith.index_cast %scan3A_110 : i32 to index
        %get3A_215 = arith.constant 96 : index
        %get3A_216 = tpu.vector_load %arg10[%get3A_214, %get3A_215] {strides = array<i32>} : memref<128x128xf32, #tpu.memory_space<vmem>>, vector<1x16xf32>,
        %get3A_217 = vector.shape_cast %get3A_216 : vector<1x16xf32> to vector<16xf32>
        %add3A_218 = arith.addf %get3A_213, %get3A_217 : vector<16xf32>
        %max3A_219 = arith.constant 0.000000e+00 : f32
        %max3A_220 = vector.broadcast %max3A_219 : f32 to vector<16xf32>
        %max3A_221 = arith.maximumf %add3A_218, %max3A_220 : vector<16xf32>
        %swap3A_222 = arith.index_cast %scan3A_110 : i32 to index
        %swap3A_223 = arith.constant 96 : index
        %swap3A_224 = tpu.vector_load %arg9[%swap3A_222, %swap3A_223] {strides = array<i32>} : memref<128x128xf32, #tpu.memory_space<vmem>>, vector<1x16xf32>,
        %swap3A_225 = vector.shape_cast %swap3A_224 : vector<1x16xf32> to vector<16xf32>
        %swap3A_226 = vector.shape_cast %max3A_221 : vector<16xf32> to vector<1x16xf32>
        tpu.vector_store %arg9[%swap3A_222, %swap3A_223], %swap3A_226 {strides = array<i32>} : memref<128x128xf32, #tpu.memory_space<vmem>>, vector<1x16xf32>,
        %get3A_227 = arith.index_cast %scan3A_110 : i32 to index
        %get3A_228 = arith.constant 112 : index
        %get3A_229 = tpu.vector_load %arg9[%get3A_227, %get3A_228] {strides = array<i32>} : memref<128x128xf32, #tpu.memory_space<vmem>>, vector<1x16xf32>,
        %get3A_230 = vector.shape_cast %get3A_229 : vector<1x16xf32> to vector<16xf32>
        %get3A_231 = arith.index_cast %scan3A_110 : i32 to index
        %get3A_232 = arith.constant 112 : index
        %get3A_233 = tpu.vector_load %arg10[%get3A_231, %get3A_232] {strides = array<i32>} : memref<128x128xf32, #tpu.memory_space<vmem>>, vector<1x16xf32>,
        %get3A_234 = vector.shape_cast %get3A_233 : vector<1x16xf32> to vector<16xf32>
        %add3A_235 = arith.addf %get3A_230, %get3A_234 : vector<16xf32>
        %max3A_236 = arith.constant 0.000000e+00 : f32
        %max3A_237 = vector.broadcast %max3A_236 : f32 to vector<16xf32>
        %max3A_238 = arith.maximumf %add3A_235, %max3A_237 : vector<16xf32>
        %swap3A_239 = arith.index_cast %scan3A_110 : i32 to index
        %swap3A_240 = arith.constant 112 : index
        %swap3A_241 = tpu.vector_load %arg9[%swap3A_239, %swap3A_240] {strides = array<i32>} : memref<128x128xf32, #tpu.memory_space<vmem>>, vector<1x16xf32>,
        %swap3A_242 = vector.shape_cast %swap3A_241 : vector<1x16xf32> to vector<16xf32>
        %swap3A_243 = vector.shape_cast %max3A_238 : vector<16xf32> to vector<1x16xf32>
        tpu.vector_store %arg9[%swap3A_239, %swap3A_240], %swap3A_243 {strides = array<i32>} : memref<128x128xf32, #tpu.memory_space<vmem>>, vector<1x16xf32>,
      }
      %scan3A_71 = arith.constant 128 : i32
      %add3A_72 = arith.addi %mul3A_0, %mul3A_2 : i32
      %add3A_73 = arith.addi %add3A_72, %add3A_50 : i32
      %mul3A_74 = arith.constant 128 : i32
      %mul3A_75 = arith.muli %add3A_73, %mul3A_74 : i32
      "tpu.region"() ({
        %run_scoped3A = tpu.sem_alloc : memref<!tpu.dma_semaphore, #tpu.memory_space<semaphore_mem>>
        %dma_start3A_110 = arith.constant 0 : i32
        %dma_start3A_111 = tpu.memref_slice %arg6[%mul3A_75, %dma_start3A_110] : memref<327680x128xf32, #tpu.memory_space<hbm>> -> memref<128x128xf32, #tpu.memory_space<hbm>>
        %dma_start3A_112 = arith.constant 0 : i32
        %dma_start3A_113 = tpu.memref_slice %arg6[%mul3A_75, %dma_start3A_112] : memref<327680x128xf32, #tpu.memory_space<hbm>> -> memref<128x128xf32, #tpu.memory_space<hbm>>
        tpu.enqueue_dma source(%arg9 : memref<128x128xf32, #tpu.memory_space<vmem>>) target(%dma_start3A_113 : memref<128x128xf32, #tpu.memory_space<hbm>>) target_semaphore(%run_scoped3A : memref<!tpu.dma_semaphore, #tpu.memory_space<semaphore_mem>>)
        %dma_wait3A_114 = arith.constant 0 : i32
        %dma_wait3A_115 = tpu.memref_slice %arg6[%mul3A_75, %dma_wait3A_114] : memref<327680x128xf32, #tpu.memory_space<hbm>> -> memref<128x128xf32, #tpu.memory_space<hbm>>
        %dma_wait3A_116 = arith.constant 0 : i32
        %dma_wait3A_117 = tpu.memref_slice %arg6[%mul3A_75, %dma_wait3A_116] : memref<327680x128xf32, #tpu.memory_space<hbm>> -> memref<128x128xf32, #tpu.memory_space<hbm>>
        tpu.wait_dma2 semaphore(%run_scoped3A : memref<!tpu.dma_semaphore, #tpu.memory_space<semaphore_mem>>) src(%arg9 : memref<128x128xf32, #tpu.memory_space<vmem>>) dst(%dma_wait3A_117 : memref<128x128xf32, #tpu.memory_space<hbm>>)
        tpu.yield
      }) : () -> ()
      %mul3A_76 = arith.constant 2 : i32
      %mul3A_77 = arith.muli %mul3A_76, %while3A_46 : i32
      %add3A_78 = arith.constant 1 : i32
      %add3A_79 = arith.addi %mul3A_77, %add3A_78 : i32
      %add3A_80 = arith.constant 1 : i32
      %add3A_81 = arith.addi %add3A_79, %add3A_80 : i32
      %lt3A_82 = arith.cmpi slt, %add3A_81, %select_n3A : i32
      %convert_element_type3A_83 = arith.extui %lt3A_82 : i1 to i32
      %cond3A_84 = arith.constant 0 : i32
      %cond3A_85 = arith.cmpi ne, %convert_element_type3A_83, %cond3A_84 : i32
      scf.if %cond3A_85 {
        %add3A_110 = arith.addi %mul3A_2, %add3A_81 : i32
        %dma_start3A_111 = arith.constant 0 : i32
        %dma_start3A_112 = tpu.memref_slice %arg7[%add3A_110, %dma_start3A_111] : memref<160x128xi32, #tpu.memory_space<vmem>> -> memref<1x128xi32, #tpu.memory_space<vmem>>
        %dma_start3A_113 = tpu.memref_squeeze %dma_start3A_112 : memref<1x128xi32, #tpu.memory_space<vmem>> -> memref<128xi32, #tpu.memory_space<vmem>>
        %dma_start3A_114 = arith.constant 0 : i32
        %dma_start3A_115 = arith.constant 0 : i32
        %dma_start3A_116 = tpu.memref_slice %arg2[%dma_start3A_114, %dma_start3A_115] : memref<10240x128xf32, #tpu.memory_space<hbm>> -> memref<10240x128xf32, #tpu.memory_space<hbm>>
        tpu.enqueue_indirect_dma source(%dma_start3A_116 : memref<10240x128xf32, #tpu.memory_space<hbm>>) target(%arg9 : memref<128x128xf32, #tpu.memory_space<vmem>>) offsets(%dma_start3A_113 : memref<128xi32, #tpu.memory_space<vmem>>) semaphore(%arg13 : memref<!tpu.dma_semaphore, #tpu.memory_space<semaphore_mem>>)
        %add3A_117 = arith.addi %mul3A_2, %add3A_81 : i32
        %dma_start3A_118 = arith.constant 0 : i32
        %dma_start3A_119 = tpu.memref_slice %arg8[%add3A_117, %dma_start3A_118] : memref<160x128xi32, #tpu.memory_space<vmem>> -> memref<1x128xi32, #tpu.memory_space<vmem>>
        %dma_start3A_120 = tpu.memref_squeeze %dma_start3A_119 : memref<1x128xi32, #tpu.memory_space<vmem>> -> memref<128xi32, #tpu.memory_space<vmem>>
        %dma_start3A_121 = arith.constant 0 : i32
        %dma_start3A_122 = arith.constant 0 : i32
        %dma_start3A_123 = tpu.memref_slice %arg3[%dma_start3A_121, %dma_start3A_122] : memref<10240x128xf32, #tpu.memory_space<hbm>> -> memref<10240x128xf32, #tpu.memory_space<hbm>>
        tpu.enqueue_indirect_dma source(%dma_start3A_123 : memref<10240x128xf32, #tpu.memory_space<hbm>>) target(%arg10 : memref<128x128xf32, #tpu.memory_space<vmem>>) offsets(%dma_start3A_120 : memref<128xi32, #tpu.memory_space<vmem>>) semaphore(%arg14 : memref<!tpu.dma_semaphore, #tpu.memory_space<semaphore_mem>>)
      } else {
      }
      %add3A_86 = arith.addi %mul3A_2, %add3A_79 : i32
      %dma_wait3A_87 = arith.constant 0 : i32
      %dma_wait3A_88 = tpu.memref_slice %arg7[%add3A_86, %dma_wait3A_87] : memref<160x128xi32, #tpu.memory_space<vmem>> -> memref<1x128xi32, #tpu.memory_space<vmem>>
      %dma_wait3A_89 = tpu.memref_squeeze %dma_wait3A_88 : memref<1x128xi32, #tpu.memory_space<vmem>> -> memref<128xi32, #tpu.memory_space<vmem>>
      %dma_wait3A_90 = arith.constant 0 : i32
      %dma_wait3A_91 = arith.constant 0 : i32
      %dma_wait3A_92 = tpu.memref_slice %arg2[%dma_wait3A_90, %dma_wait3A_91] : memref<10240x128xf32, #tpu.memory_space<hbm>> -> memref<10240x128xf32, #tpu.memory_space<hbm>>
      tpu.wait_indirect_dma semaphore(%arg15 : memref<!tpu.dma_semaphore, #tpu.memory_space<semaphore_mem>>) src(%dma_wait3A_92 : memref<10240x128xf32, #tpu.memory_space<hbm>>) dst(%arg11 : memref<128x128xf32, #tpu.memory_space<vmem>>)
      %add3A_93 = arith.addi %mul3A_2, %add3A_79 : i32
      %dma_wait3A_94 = arith.constant 0 : i32
      %dma_wait3A_95 = tpu.memref_slice %arg8[%add3A_93, %dma_wait3A_94] : memref<160x128xi32, #tpu.memory_space<vmem>> -> memref<1x128xi32, #tpu.memory_space<vmem>>
      %dma_wait3A_96 = tpu.memref_squeeze %dma_wait3A_95 : memref<1x128xi32, #tpu.memory_space<vmem>> -> memref<128xi32, #tpu.memory_space<vmem>>
      %dma_wait3A_97 = arith.constant 0 : i32
      %dma_wait3A_98 = arith.constant 0 : i32
      %dma_wait3A_99 = tpu.memref_slice %arg3[%dma_wait3A_97, %dma_wait3A_98] : memref<10240x128xf32, #tpu.memory_space<hbm>> -> memref<10240x128xf32, #tpu.memory_space<hbm>>
      tpu.wait_indirect_dma semaphore(%arg16 : memref<!tpu.dma_semaphore, #tpu.memory_space<semaphore_mem>>) src(%dma_wait3A_99 : memref<10240x128xf32, #tpu.memory_space<hbm>>) dst(%arg12 : memref<128x128xf32, #tpu.memory_space<vmem>>)
      %scan3A_100 = arith.constant 0 : i32
      %scan3A_101 = arith.constant 0 : i32
      %scan3A_102 = arith.constant 128 : i32
      %scan3A_103 = arith.addi %scan3A_101, %scan3A_102 : i32
      %scan3A_104 = arith.constant 1 : i32
      scf.for %scan3A_110 = %scan3A_101 to %scan3A_103 step %scan3A_104  : i32 {
        %get3A = arith.index_cast %scan3A_110 : i32 to index
        %get3A_111 = arith.constant 0 : index
        %get3A_112 = tpu.vector_load %arg11[%get3A, %get3A_111] {strides = array<i32>} : memref<128x128xf32, #tpu.memory_space<vmem>>, vector<1x16xf32>,
        %get3A_113 = vector.shape_cast %get3A_112 : vector<1x16xf32> to vector<16xf32>
        %get3A_114 = arith.index_cast %scan3A_110 : i32 to index
        %get3A_115 = arith.constant 0 : index
        %get3A_116 = tpu.vector_load %arg12[%get3A_114, %get3A_115] {strides = array<i32>} : memref<128x128xf32, #tpu.memory_space<vmem>>, vector<1x16xf32>,
        %get3A_117 = vector.shape_cast %get3A_116 : vector<1x16xf32> to vector<16xf32>
        %add3A_118 = arith.addf %get3A_113, %get3A_117 : vector<16xf32>
        %max3A = arith.constant 0.000000e+00 : f32
        %max3A_119 = vector.broadcast %max3A : f32 to vector<16xf32>
        %max3A_120 = arith.maximumf %add3A_118, %max3A_119 : vector<16xf32>
        %swap3A = arith.index_cast %scan3A_110 : i32 to index
        %swap3A_121 = arith.constant 0 : index
        %swap3A_122 = tpu.vector_load %arg11[%swap3A, %swap3A_121] {strides = array<i32>} : memref<128x128xf32, #tpu.memory_space<vmem>>, vector<1x16xf32>,
        %swap3A_123 = vector.shape_cast %swap3A_122 : vector<1x16xf32> to vector<16xf32>
        %swap3A_124 = vector.shape_cast %max3A_120 : vector<16xf32> to vector<1x16xf32>
        tpu.vector_store %arg11[%swap3A, %swap3A_121], %swap3A_124 {strides = array<i32>} : memref<128x128xf32, #tpu.memory_space<vmem>>, vector<1x16xf32>,
        %get3A_125 = arith.index_cast %scan3A_110 : i32 to index
        %get3A_126 = arith.constant 16 : index
        %get3A_127 = tpu.vector_load %arg11[%get3A_125, %get3A_126] {strides = array<i32>} : memref<128x128xf32, #tpu.memory_space<vmem>>, vector<1x16xf32>,
        %get3A_128 = vector.shape_cast %get3A_127 : vector<1x16xf32> to vector<16xf32>
        %get3A_129 = arith.index_cast %scan3A_110 : i32 to index
        %get3A_130 = arith.constant 16 : index
        %get3A_131 = tpu.vector_load %arg12[%get3A_129, %get3A_130] {strides = array<i32>} : memref<128x128xf32, #tpu.memory_space<vmem>>, vector<1x16xf32>,
        %get3A_132 = vector.shape_cast %get3A_131 : vector<1x16xf32> to vector<16xf32>
        %add3A_133 = arith.addf %get3A_128, %get3A_132 : vector<16xf32>
        %max3A_134 = arith.constant 0.000000e+00 : f32
        %max3A_135 = vector.broadcast %max3A_134 : f32 to vector<16xf32>
        %max3A_136 = arith.maximumf %add3A_133, %max3A_135 : vector<16xf32>
        %swap3A_137 = arith.index_cast %scan3A_110 : i32 to index
        %swap3A_138 = arith.constant 16 : index
        %swap3A_139 = tpu.vector_load %arg11[%swap3A_137, %swap3A_138] {strides = array<i32>} : memref<128x128xf32, #tpu.memory_space<vmem>>, vector<1x16xf32>,
        %swap3A_140 = vector.shape_cast %swap3A_139 : vector<1x16xf32> to vector<16xf32>
        %swap3A_141 = vector.shape_cast %max3A_136 : vector<16xf32> to vector<1x16xf32>
        tpu.vector_store %arg11[%swap3A_137, %swap3A_138], %swap3A_141 {strides = array<i32>} : memref<128x128xf32, #tpu.memory_space<vmem>>, vector<1x16xf32>,
        %get3A_142 = arith.index_cast %scan3A_110 : i32 to index
        %get3A_143 = arith.constant 32 : index
        %get3A_144 = tpu.vector_load %arg11[%get3A_142, %get3A_143] {strides = array<i32>} : memref<128x128xf32, #tpu.memory_space<vmem>>, vector<1x16xf32>,
        %get3A_145 = vector.shape_cast %get3A_144 : vector<1x16xf32> to vector<16xf32>
        %get3A_146 = arith.index_cast %scan3A_110 : i32 to index
        %get3A_147 = arith.constant 32 : index
        %get3A_148 = tpu.vector_load %arg12[%get3A_146, %get3A_147] {strides = array<i32>} : memref<128x128xf32, #tpu.memory_space<vmem>>, vector<1x16xf32>,
        %get3A_149 = vector.shape_cast %get3A_148 : vector<1x16xf32> to vector<16xf32>
        %add3A_150 = arith.addf %get3A_145, %get3A_149 : vector<16xf32>
        %max3A_151 = arith.constant 0.000000e+00 : f32
        %max3A_152 = vector.broadcast %max3A_151 : f32 to vector<16xf32>
        %max3A_153 = arith.maximumf %add3A_150, %max3A_152 : vector<16xf32>
        %swap3A_154 = arith.index_cast %scan3A_110 : i32 to index
        %swap3A_155 = arith.constant 32 : index
        %swap3A_156 = tpu.vector_load %arg11[%swap3A_154, %swap3A_155] {strides = array<i32>} : memref<128x128xf32, #tpu.memory_space<vmem>>, vector<1x16xf32>,
        %swap3A_157 = vector.shape_cast %swap3A_156 : vector<1x16xf32> to vector<16xf32>
        %swap3A_158 = vector.shape_cast %max3A_153 : vector<16xf32> to vector<1x16xf32>
        tpu.vector_store %arg11[%swap3A_154, %swap3A_155], %swap3A_158 {strides = array<i32>} : memref<128x128xf32, #tpu.memory_space<vmem>>, vector<1x16xf32>,
        %get3A_159 = arith.index_cast %scan3A_110 : i32 to index
        %get3A_160 = arith.constant 48 : index
        %get3A_161 = tpu.vector_load %arg11[%get3A_159, %get3A_160] {strides = array<i32>} : memref<128x128xf32, #tpu.memory_space<vmem>>, vector<1x16xf32>,
        %get3A_162 = vector.shape_cast %get3A_161 : vector<1x16xf32> to vector<16xf32>
        %get3A_163 = arith.index_cast %scan3A_110 : i32 to index
        %get3A_164 = arith.constant 48 : index
        %get3A_165 = tpu.vector_load %arg12[%get3A_163, %get3A_164] {strides = array<i32>} : memref<128x128xf32, #tpu.memory_space<vmem>>, vector<1x16xf32>,
        %get3A_166 = vector.shape_cast %get3A_165 : vector<1x16xf32> to vector<16xf32>
        %add3A_167 = arith.addf %get3A_162, %get3A_166 : vector<16xf32>
        %max3A_168 = arith.constant 0.000000e+00 : f32
        %max3A_169 = vector.broadcast %max3A_168 : f32 to vector<16xf32>
        %max3A_170 = arith.maximumf %add3A_167, %max3A_169 : vector<16xf32>
        %swap3A_171 = arith.index_cast %scan3A_110 : i32 to index
        %swap3A_172 = arith.constant 48 : index
        %swap3A_173 = tpu.vector_load %arg11[%swap3A_171, %swap3A_172] {strides = array<i32>} : memref<128x128xf32, #tpu.memory_space<vmem>>, vector<1x16xf32>,
        %swap3A_174 = vector.shape_cast %swap3A_173 : vector<1x16xf32> to vector<16xf32>
        %swap3A_175 = vector.shape_cast %max3A_170 : vector<16xf32> to vector<1x16xf32>
        tpu.vector_store %arg11[%swap3A_171, %swap3A_172], %swap3A_175 {strides = array<i32>} : memref<128x128xf32, #tpu.memory_space<vmem>>, vector<1x16xf32>,
        %get3A_176 = arith.index_cast %scan3A_110 : i32 to index
        %get3A_177 = arith.constant 64 : index
        %get3A_178 = tpu.vector_load %arg11[%get3A_176, %get3A_177] {strides = array<i32>} : memref<128x128xf32, #tpu.memory_space<vmem>>, vector<1x16xf32>,
        %get3A_179 = vector.shape_cast %get3A_178 : vector<1x16xf32> to vector<16xf32>
        %get3A_180 = arith.index_cast %scan3A_110 : i32 to index
        %get3A_181 = arith.constant 64 : index
        %get3A_182 = tpu.vector_load %arg12[%get3A_180, %get3A_181] {strides = array<i32>} : memref<128x128xf32, #tpu.memory_space<vmem>>, vector<1x16xf32>,
        %get3A_183 = vector.shape_cast %get3A_182 : vector<1x16xf32> to vector<16xf32>
        %add3A_184 = arith.addf %get3A_179, %get3A_183 : vector<16xf32>
        %max3A_185 = arith.constant 0.000000e+00 : f32
        %max3A_186 = vector.broadcast %max3A_185 : f32 to vector<16xf32>
        %max3A_187 = arith.maximumf %add3A_184, %max3A_186 : vector<16xf32>
        %swap3A_188 = arith.index_cast %scan3A_110 : i32 to index
        %swap3A_189 = arith.constant 64 : index
        %swap3A_190 = tpu.vector_load %arg11[%swap3A_188, %swap3A_189] {strides = array<i32>} : memref<128x128xf32, #tpu.memory_space<vmem>>, vector<1x16xf32>,
        %swap3A_191 = vector.shape_cast %swap3A_190 : vector<1x16xf32> to vector<16xf32>
        %swap3A_192 = vector.shape_cast %max3A_187 : vector<16xf32> to vector<1x16xf32>
        tpu.vector_store %arg11[%swap3A_188, %swap3A_189], %swap3A_192 {strides = array<i32>} : memref<128x128xf32, #tpu.memory_space<vmem>>, vector<1x16xf32>,
        %get3A_193 = arith.index_cast %scan3A_110 : i32 to index
        %get3A_194 = arith.constant 80 : index
        %get3A_195 = tpu.vector_load %arg11[%get3A_193, %get3A_194] {strides = array<i32>} : memref<128x128xf32, #tpu.memory_space<vmem>>, vector<1x16xf32>,
        %get3A_196 = vector.shape_cast %get3A_195 : vector<1x16xf32> to vector<16xf32>
        %get3A_197 = arith.index_cast %scan3A_110 : i32 to index
        %get3A_198 = arith.constant 80 : index
        %get3A_199 = tpu.vector_load %arg12[%get3A_197, %get3A_198] {strides = array<i32>} : memref<128x128xf32, #tpu.memory_space<vmem>>, vector<1x16xf32>,
        %get3A_200 = vector.shape_cast %get3A_199 : vector<1x16xf32> to vector<16xf32>
        %add3A_201 = arith.addf %get3A_196, %get3A_200 : vector<16xf32>
        %max3A_202 = arith.constant 0.000000e+00 : f32
        %max3A_203 = vector.broadcast %max3A_202 : f32 to vector<16xf32>
        %max3A_204 = arith.maximumf %add3A_201, %max3A_203 : vector<16xf32>
        %swap3A_205 = arith.index_cast %scan3A_110 : i32 to index
        %swap3A_206 = arith.constant 80 : index
        %swap3A_207 = tpu.vector_load %arg11[%swap3A_205, %swap3A_206] {strides = array<i32>} : memref<128x128xf32, #tpu.memory_space<vmem>>, vector<1x16xf32>,
        %swap3A_208 = vector.shape_cast %swap3A_207 : vector<1x16xf32> to vector<16xf32>
        %swap3A_209 = vector.shape_cast %max3A_204 : vector<16xf32> to vector<1x16xf32>
        tpu.vector_store %arg11[%swap3A_205, %swap3A_206], %swap3A_209 {strides = array<i32>} : memref<128x128xf32, #tpu.memory_space<vmem>>, vector<1x16xf32>,
        %get3A_210 = arith.index_cast %scan3A_110 : i32 to index
        %get3A_211 = arith.constant 96 : index
        %get3A_212 = tpu.vector_load %arg11[%get3A_210, %get3A_211] {strides = array<i32>} : memref<128x128xf32, #tpu.memory_space<vmem>>, vector<1x16xf32>,
        %get3A_213 = vector.shape_cast %get3A_212 : vector<1x16xf32> to vector<16xf32>
        %get3A_214 = arith.index_cast %scan3A_110 : i32 to index
        %get3A_215 = arith.constant 96 : index
        %get3A_216 = tpu.vector_load %arg12[%get3A_214, %get3A_215] {strides = array<i32>} : memref<128x128xf32, #tpu.memory_space<vmem>>, vector<1x16xf32>,
        %get3A_217 = vector.shape_cast %get3A_216 : vector<1x16xf32> to vector<16xf32>
        %add3A_218 = arith.addf %get3A_213, %get3A_217 : vector<16xf32>
        %max3A_219 = arith.constant 0.000000e+00 : f32
        %max3A_220 = vector.broadcast %max3A_219 : f32 to vector<16xf32>
        %max3A_221 = arith.maximumf %add3A_218, %max3A_220 : vector<16xf32>
        %swap3A_222 = arith.index_cast %scan3A_110 : i32 to index
        %swap3A_223 = arith.constant 96 : index
        %swap3A_224 = tpu.vector_load %arg11[%swap3A_222, %swap3A_223] {strides = array<i32>} : memref<128x128xf32, #tpu.memory_space<vmem>>, vector<1x16xf32>,
        %swap3A_225 = vector.shape_cast %swap3A_224 : vector<1x16xf32> to vector<16xf32>
        %swap3A_226 = vector.shape_cast %max3A_221 : vector<16xf32> to vector<1x16xf32>
        tpu.vector_store %arg11[%swap3A_222, %swap3A_223], %swap3A_226 {strides = array<i32>} : memref<128x128xf32, #tpu.memory_space<vmem>>, vector<1x16xf32>,
        %get3A_227 = arith.index_cast %scan3A_110 : i32 to index
        %get3A_228 = arith.constant 112 : index
        %get3A_229 = tpu.vector_load %arg11[%get3A_227, %get3A_228] {strides = array<i32>} : memref<128x128xf32, #tpu.memory_space<vmem>>, vector<1x16xf32>,
        %get3A_230 = vector.shape_cast %get3A_229 : vector<1x16xf32> to vector<16xf32>
        %get3A_231 = arith.index_cast %scan3A_110 : i32 to index
        %get3A_232 = arith.constant 112 : index
        %get3A_233 = tpu.vector_load %arg12[%get3A_231, %get3A_232] {strides = array<i32>} : memref<128x128xf32, #tpu.memory_space<vmem>>, vector<1x16xf32>,
        %get3A_234 = vector.shape_cast %get3A_233 : vector<1x16xf32> to vector<16xf32>
        %add3A_235 = arith.addf %get3A_230, %get3A_234 : vector<16xf32>
        %max3A_236 = arith.constant 0.000000e+00 : f32
        %max3A_237 = vector.broadcast %max3A_236 : f32 to vector<16xf32>
        %max3A_238 = arith.maximumf %add3A_235, %max3A_237 : vector<16xf32>
        %swap3A_239 = arith.index_cast %scan3A_110 : i32 to index
        %swap3A_240 = arith.constant 112 : index
        %swap3A_241 = tpu.vector_load %arg11[%swap3A_239, %swap3A_240] {strides = array<i32>} : memref<128x128xf32, #tpu.memory_space<vmem>>, vector<1x16xf32>,
        %swap3A_242 = vector.shape_cast %swap3A_241 : vector<1x16xf32> to vector<16xf32>
        %swap3A_243 = vector.shape_cast %max3A_238 : vector<16xf32> to vector<1x16xf32>
        tpu.vector_store %arg11[%swap3A_239, %swap3A_240], %swap3A_243 {strides = array<i32>} : memref<128x128xf32, #tpu.memory_space<vmem>>, vector<1x16xf32>,
      }
      %scan3A_105 = arith.constant 128 : i32
      %add3A_106 = arith.addi %mul3A_0, %mul3A_2 : i32
      %add3A_107 = arith.addi %add3A_106, %add3A_79 : i32
      %mul3A_108 = arith.constant 128 : i32
      %mul3A_109 = arith.muli %add3A_107, %mul3A_108 : i32
      "tpu.region"() ({
        %run_scoped3A = tpu.sem_alloc : memref<!tpu.dma_semaphore, #tpu.memory_space<semaphore_mem>>
        %dma_start3A_110 = arith.constant 0 : i32
        %dma_start3A_111 = tpu.memref_slice %arg6[%mul3A_109, %dma_start3A_110] : memref<327680x128xf32, #tpu.memory_space<hbm>> -> memref<128x128xf32, #tpu.memory_space<hbm>>
        %dma_start3A_112 = arith.constant 0 : i32
        %dma_start3A_113 = tpu.memref_slice %arg6[%mul3A_109, %dma_start3A_112] : memref<327680x128xf32, #tpu.memory_space<hbm>> -> memref<128x128xf32, #tpu.memory_space<hbm>>
        tpu.enqueue_dma source(%arg11 : memref<128x128xf32, #tpu.memory_space<vmem>>) target(%dma_start3A_113 : memref<128x128xf32, #tpu.memory_space<hbm>>) target_semaphore(%run_scoped3A : memref<!tpu.dma_semaphore, #tpu.memory_space<semaphore_mem>>)
        %dma_wait3A_114 = arith.constant 0 : i32
        %dma_wait3A_115 = tpu.memref_slice %arg6[%mul3A_109, %dma_wait3A_114] : memref<327680x128xf32, #tpu.memory_space<hbm>> -> memref<128x128xf32, #tpu.memory_space<hbm>>
        %dma_wait3A_116 = arith.constant 0 : i32
        %dma_wait3A_117 = tpu.memref_slice %arg6[%mul3A_109, %dma_wait3A_116] : memref<327680x128xf32, #tpu.memory_space<hbm>> -> memref<128x128xf32, #tpu.memory_space<hbm>>
        tpu.wait_dma2 semaphore(%run_scoped3A : memref<!tpu.dma_semaphore, #tpu.memory_space<semaphore_mem>>) src(%arg11 : memref<128x128xf32, #tpu.memory_space<vmem>>) dst(%dma_wait3A_117 : memref<128x128xf32, #tpu.memory_space<hbm>>)
        tpu.yield
      }) : () -> ()
    }
    %while3A_45 = arith.constant 1 : i32
    scf.for %while3A_46 = %while3A_43 to %while3A_39 step %while3A_45  : i32 {
      %mul3A_47 = arith.constant 2 : i32
      %mul3A_48 = arith.muli %mul3A_47, %while3A_46 : i32
      %add3A_49 = arith.constant 0 : i32
      %add3A_50 = arith.addi %mul3A_48, %add3A_49 : i32
      %add3A_51 = arith.constant 1 : i32
      %add3A_52 = arith.addi %add3A_50, %add3A_51 : i32
      %lt3A = arith.cmpi slt, %add3A_52, %select_n3A : i32
      %convert_element_type3A = arith.extui %lt3A : i1 to i32
      %cond3A = arith.constant 0 : i32
      %cond3A_53 = arith.cmpi ne, %convert_element_type3A, %cond3A : i32
      scf.if %cond3A_53 {
        %add3A_110 = arith.addi %mul3A_2, %add3A_52 : i32
        %dma_start3A_111 = arith.constant 0 : i32
        %dma_start3A_112 = tpu.memref_slice %arg7[%add3A_110, %dma_start3A_111] : memref<160x128xi32, #tpu.memory_space<vmem>> -> memref<1x128xi32, #tpu.memory_space<vmem>>
        %dma_start3A_113 = tpu.memref_squeeze %dma_start3A_112 : memref<1x128xi32, #tpu.memory_space<vmem>> -> memref<128xi32, #tpu.memory_space<vmem>>
        %dma_start3A_114 = arith.constant 0 : i32
        %dma_start3A_115 = arith.constant 0 : i32
        %dma_start3A_116 = tpu.memref_slice %arg2[%dma_start3A_114, %dma_start3A_115] : memref<10240x128xf32, #tpu.memory_space<hbm>> -> memref<10240x128xf32, #tpu.memory_space<hbm>>
        tpu.enqueue_indirect_dma source(%dma_start3A_116 : memref<10240x128xf32, #tpu.memory_space<hbm>>) target(%arg11 : memref<128x128xf32, #tpu.memory_space<vmem>>) offsets(%dma_start3A_113 : memref<128xi32, #tpu.memory_space<vmem>>) semaphore(%arg15 : memref<!tpu.dma_semaphore, #tpu.memory_space<semaphore_mem>>)
        %add3A_117 = arith.addi %mul3A_2, %add3A_52 : i32
        %dma_start3A_118 = arith.constant 0 : i32
        %dma_start3A_119 = tpu.memref_slice %arg8[%add3A_117, %dma_start3A_118] : memref<160x128xi32, #tpu.memory_space<vmem>> -> memref<1x128xi32, #tpu.memory_space<vmem>>
        %dma_start3A_120 = tpu.memref_squeeze %dma_start3A_119 : memref<1x128xi32, #tpu.memory_space<vmem>> -> memref<128xi32, #tpu.memory_space<vmem>>
        %dma_start3A_121 = arith.constant 0 : i32
        %dma_start3A_122 = arith.constant 0 : i32
        %dma_start3A_123 = tpu.memref_slice %arg3[%dma_start3A_121, %dma_start3A_122] : memref<10240x128xf32, #tpu.memory_space<hbm>> -> memref<10240x128xf32, #tpu.memory_space<hbm>>
        tpu.enqueue_indirect_dma source(%dma_start3A_123 : memref<10240x128xf32, #tpu.memory_space<hbm>>) target(%arg12 : memref<128x128xf32, #tpu.memory_space<vmem>>) offsets(%dma_start3A_120 : memref<128xi32, #tpu.memory_space<vmem>>) semaphore(%arg16 : memref<!tpu.dma_semaphore, #tpu.memory_space<semaphore_mem>>)
      } else {
      }
      %add3A_54 = arith.addi %mul3A_2, %add3A_50 : i32
      %dma_wait3A = arith.constant 0 : i32
      %dma_wait3A_55 = tpu.memref_slice %arg7[%add3A_54, %dma_wait3A] : memref<160x128xi32, #tpu.memory_space<vmem>> -> memref<1x128xi32, #tpu.memory_space<vmem>>
      %dma_wait3A_56 = tpu.memref_squeeze %dma_wait3A_55 : memref<1x128xi32, #tpu.memory_space<vmem>> -> memref<128xi32, #tpu.memory_space<vmem>>
      %dma_wait3A_57 = arith.constant 0 : i32
      %dma_wait3A_58 = arith.constant 0 : i32
      %dma_wait3A_59 = tpu.memref_slice %arg2[%dma_wait3A_57, %dma_wait3A_58] : memref<10240x128xf32, #tpu.memory_space<hbm>> -> memref<10240x128xf32, #tpu.memory_space<hbm>>
      tpu.wait_indirect_dma semaphore(%arg13 : memref<!tpu.dma_semaphore, #tpu.memory_space<semaphore_mem>>) src(%dma_wait3A_59 : memref<10240x128xf32, #tpu.memory_space<hbm>>) dst(%arg9 : memref<128x128xf32, #tpu.memory_space<vmem>>)
      %add3A_60 = arith.addi %mul3A_2, %add3A_50 : i32
      %dma_wait3A_61 = arith.constant 0 : i32
      %dma_wait3A_62 = tpu.memref_slice %arg8[%add3A_60, %dma_wait3A_61] : memref<160x128xi32, #tpu.memory_space<vmem>> -> memref<1x128xi32, #tpu.memory_space<vmem>>
      %dma_wait3A_63 = tpu.memref_squeeze %dma_wait3A_62 : memref<1x128xi32, #tpu.memory_space<vmem>> -> memref<128xi32, #tpu.memory_space<vmem>>
      %dma_wait3A_64 = arith.constant 0 : i32
      %dma_wait3A_65 = arith.constant 0 : i32
      %dma_wait3A_66 = tpu.memref_slice %arg3[%dma_wait3A_64, %dma_wait3A_65] : memref<10240x128xf32, #tpu.memory_space<hbm>> -> memref<10240x128xf32, #tpu.memory_space<hbm>>
      tpu.wait_indirect_dma semaphore(%arg14 : memref<!tpu.dma_semaphore, #tpu.memory_space<semaphore_mem>>) src(%dma_wait3A_66 : memref<10240x128xf32, #tpu.memory_space<hbm>>) dst(%arg10 : memref<128x128xf32, #tpu.memory_space<vmem>>)
      %scan3A = arith.constant 0 : i32
      %scan3A_67 = arith.constant 0 : i32
      %scan3A_68 = arith.constant 128 : i32
      %scan3A_69 = arith.addi %scan3A_67, %scan3A_68 : i32
      %scan3A_70 = arith.constant 1 : i32
      scf.for %scan3A_110 = %scan3A_67 to %scan3A_69 step %scan3A_70  : i32 {
        %get3A = arith.index_cast %scan3A_110 : i32 to index
        %get3A_111 = arith.constant 0 : index
        %get3A_112 = tpu.vector_load %arg9[%get3A, %get3A_111] {strides = array<i32>} : memref<128x128xf32, #tpu.memory_space<vmem>>, vector<1x16xf32>,
        %get3A_113 = vector.shape_cast %get3A_112 : vector<1x16xf32> to vector<16xf32>
        %get3A_114 = arith.index_cast %scan3A_110 : i32 to index
        %get3A_115 = arith.constant 0 : index
        %get3A_116 = tpu.vector_load %arg10[%get3A_114, %get3A_115] {strides = array<i32>} : memref<128x128xf32, #tpu.memory_space<vmem>>, vector<1x16xf32>,
        %get3A_117 = vector.shape_cast %get3A_116 : vector<1x16xf32> to vector<16xf32>
        %add3A_118 = arith.addf %get3A_113, %get3A_117 : vector<16xf32>
        %max3A = arith.constant 0.000000e+00 : f32
        %max3A_119 = vector.broadcast %max3A : f32 to vector<16xf32>
        %max3A_120 = arith.maximumf %add3A_118, %max3A_119 : vector<16xf32>
        %swap3A = arith.index_cast %scan3A_110 : i32 to index
        %swap3A_121 = arith.constant 0 : index
        %swap3A_122 = tpu.vector_load %arg9[%swap3A, %swap3A_121] {strides = array<i32>} : memref<128x128xf32, #tpu.memory_space<vmem>>, vector<1x16xf32>,
        %swap3A_123 = vector.shape_cast %swap3A_122 : vector<1x16xf32> to vector<16xf32>
        %swap3A_124 = vector.shape_cast %max3A_120 : vector<16xf32> to vector<1x16xf32>
        tpu.vector_store %arg9[%swap3A, %swap3A_121], %swap3A_124 {strides = array<i32>} : memref<128x128xf32, #tpu.memory_space<vmem>>, vector<1x16xf32>,
        %get3A_125 = arith.index_cast %scan3A_110 : i32 to index
        %get3A_126 = arith.constant 16 : index
        %get3A_127 = tpu.vector_load %arg9[%get3A_125, %get3A_126] {strides = array<i32>} : memref<128x128xf32, #tpu.memory_space<vmem>>, vector<1x16xf32>,
        %get3A_128 = vector.shape_cast %get3A_127 : vector<1x16xf32> to vector<16xf32>
        %get3A_129 = arith.index_cast %scan3A_110 : i32 to index
        %get3A_130 = arith.constant 16 : index
        %get3A_131 = tpu.vector_load %arg10[%get3A_129, %get3A_130] {strides = array<i32>} : memref<128x128xf32, #tpu.memory_space<vmem>>, vector<1x16xf32>,
        %get3A_132 = vector.shape_cast %get3A_131 : vector<1x16xf32> to vector<16xf32>
        %add3A_133 = arith.addf %get3A_128, %get3A_132 : vector<16xf32>
        %max3A_134 = arith.constant 0.000000e+00 : f32
        %max3A_135 = vector.broadcast %max3A_134 : f32 to vector<16xf32>
        %max3A_136 = arith.maximumf %add3A_133, %max3A_135 : vector<16xf32>
        %swap3A_137 = arith.index_cast %scan3A_110 : i32 to index
        %swap3A_138 = arith.constant 16 : index
        %swap3A_139 = tpu.vector_load %arg9[%swap3A_137, %swap3A_138] {strides = array<i32>} : memref<128x128xf32, #tpu.memory_space<vmem>>, vector<1x16xf32>,
        %swap3A_140 = vector.shape_cast %swap3A_139 : vector<1x16xf32> to vector<16xf32>
        %swap3A_141 = vector.shape_cast %max3A_136 : vector<16xf32> to vector<1x16xf32>
        tpu.vector_store %arg9[%swap3A_137, %swap3A_138], %swap3A_141 {strides = array<i32>} : memref<128x128xf32, #tpu.memory_space<vmem>>, vector<1x16xf32>,
        %get3A_142 = arith.index_cast %scan3A_110 : i32 to index
        %get3A_143 = arith.constant 32 : index
        %get3A_144 = tpu.vector_load %arg9[%get3A_142, %get3A_143] {strides = array<i32>} : memref<128x128xf32, #tpu.memory_space<vmem>>, vector<1x16xf32>,
        %get3A_145 = vector.shape_cast %get3A_144 : vector<1x16xf32> to vector<16xf32>
        %get3A_146 = arith.index_cast %scan3A_110 : i32 to index
        %get3A_147 = arith.constant 32 : index
        %get3A_148 = tpu.vector_load %arg10[%get3A_146, %get3A_147] {strides = array<i32>} : memref<128x128xf32, #tpu.memory_space<vmem>>, vector<1x16xf32>,
        %get3A_149 = vector.shape_cast %get3A_148 : vector<1x16xf32> to vector<16xf32>
        %add3A_150 = arith.addf %get3A_145, %get3A_149 : vector<16xf32>
        %max3A_151 = arith.constant 0.000000e+00 : f32
        %max3A_152 = vector.broadcast %max3A_151 : f32 to vector<16xf32>
        %max3A_153 = arith.maximumf %add3A_150, %max3A_152 : vector<16xf32>
        %swap3A_154 = arith.index_cast %scan3A_110 : i32 to index
        %swap3A_155 = arith.constant 32 : index
        %swap3A_156 = tpu.vector_load %arg9[%swap3A_154, %swap3A_155] {strides = array<i32>} : memref<128x128xf32, #tpu.memory_space<vmem>>, vector<1x16xf32>,
        %swap3A_157 = vector.shape_cast %swap3A_156 : vector<1x16xf32> to vector<16xf32>
        %swap3A_158 = vector.shape_cast %max3A_153 : vector<16xf32> to vector<1x16xf32>
        tpu.vector_store %arg9[%swap3A_154, %swap3A_155], %swap3A_158 {strides = array<i32>} : memref<128x128xf32, #tpu.memory_space<vmem>>, vector<1x16xf32>,
        %get3A_159 = arith.index_cast %scan3A_110 : i32 to index
        %get3A_160 = arith.constant 48 : index
        %get3A_161 = tpu.vector_load %arg9[%get3A_159, %get3A_160] {strides = array<i32>} : memref<128x128xf32, #tpu.memory_space<vmem>>, vector<1x16xf32>,
        %get3A_162 = vector.shape_cast %get3A_161 : vector<1x16xf32> to vector<16xf32>
        %get3A_163 = arith.index_cast %scan3A_110 : i32 to index
        %get3A_164 = arith.constant 48 : index
        %get3A_165 = tpu.vector_load %arg10[%get3A_163, %get3A_164] {strides = array<i32>} : memref<128x128xf32, #tpu.memory_space<vmem>>, vector<1x16xf32>,
        %get3A_166 = vector.shape_cast %get3A_165 : vector<1x16xf32> to vector<16xf32>
        %add3A_167 = arith.addf %get3A_162, %get3A_166 : vector<16xf32>
        %max3A_168 = arith.constant 0.000000e+00 : f32
        %max3A_169 = vector.broadcast %max3A_168 : f32 to vector<16xf32>
        %max3A_170 = arith.maximumf %add3A_167, %max3A_169 : vector<16xf32>
        %swap3A_171 = arith.index_cast %scan3A_110 : i32 to index
        %swap3A_172 = arith.constant 48 : index
        %swap3A_173 = tpu.vector_load %arg9[%swap3A_171, %swap3A_172] {strides = array<i32>} : memref<128x128xf32, #tpu.memory_space<vmem>>, vector<1x16xf32>,
        %swap3A_174 = vector.shape_cast %swap3A_173 : vector<1x16xf32> to vector<16xf32>
        %swap3A_175 = vector.shape_cast %max3A_170 : vector<16xf32> to vector<1x16xf32>
        tpu.vector_store %arg9[%swap3A_171, %swap3A_172], %swap3A_175 {strides = array<i32>} : memref<128x128xf32, #tpu.memory_space<vmem>>, vector<1x16xf32>,
        %get3A_176 = arith.index_cast %scan3A_110 : i32 to index
        %get3A_177 = arith.constant 64 : index
        %get3A_178 = tpu.vector_load %arg9[%get3A_176, %get3A_177] {strides = array<i32>} : memref<128x128xf32, #tpu.memory_space<vmem>>, vector<1x16xf32>,
        %get3A_179 = vector.shape_cast %get3A_178 : vector<1x16xf32> to vector<16xf32>
        %get3A_180 = arith.index_cast %scan3A_110 : i32 to index
        %get3A_181 = arith.constant 64 : index
        %get3A_182 = tpu.vector_load %arg10[%get3A_180, %get3A_181] {strides = array<i32>} : memref<128x128xf32, #tpu.memory_space<vmem>>, vector<1x16xf32>,
        %get3A_183 = vector.shape_cast %get3A_182 : vector<1x16xf32> to vector<16xf32>
        %add3A_184 = arith.addf %get3A_179, %get3A_183 : vector<16xf32>
        %max3A_185 = arith.constant 0.000000e+00 : f32
        %max3A_186 = vector.broadcast %max3A_185 : f32 to vector<16xf32>
        %max3A_187 = arith.maximumf %add3A_184, %max3A_186 : vector<16xf32>
        %swap3A_188 = arith.index_cast %scan3A_110 : i32 to index
        %swap3A_189 = arith.constant 64 : index
        %swap3A_190 = tpu.vector_load %arg9[%swap3A_188, %swap3A_189] {strides = array<i32>} : memref<128x128xf32, #tpu.memory_space<vmem>>, vector<1x16xf32>,
        %swap3A_191 = vector.shape_cast %swap3A_190 : vector<1x16xf32> to vector<16xf32>
        %swap3A_192 = vector.shape_cast %max3A_187 : vector<16xf32> to vector<1x16xf32>
        tpu.vector_store %arg9[%swap3A_188, %swap3A_189], %swap3A_192 {strides = array<i32>} : memref<128x128xf32, #tpu.memory_space<vmem>>, vector<1x16xf32>,
        %get3A_193 = arith.index_cast %scan3A_110 : i32 to index
        %get3A_194 = arith.constant 80 : index
        %get3A_195 = tpu.vector_load %arg9[%get3A_193, %get3A_194] {strides = array<i32>} : memref<128x128xf32, #tpu.memory_space<vmem>>, vector<1x16xf32>,
        %get3A_196 = vector.shape_cast %get3A_195 : vector<1x16xf32> to vector<16xf32>
        %get3A_197 = arith.index_cast %scan3A_110 : i32 to index
        %get3A_198 = arith.constant 80 : index
        %get3A_199 = tpu.vector_load %arg10[%get3A_197, %get3A_198] {strides = array<i32>} : memref<128x128xf32, #tpu.memory_space<vmem>>, vector<1x16xf32>,
        %get3A_200 = vector.shape_cast %get3A_199 : vector<1x16xf32> to vector<16xf32>
        %add3A_201 = arith.addf %get3A_196, %get3A_200 : vector<16xf32>
        %max3A_202 = arith.constant 0.000000e+00 : f32
        %max3A_203 = vector.broadcast %max3A_202 : f32 to vector<16xf32>
        %max3A_204 = arith.maximumf %add3A_201, %max3A_203 : vector<16xf32>
        %swap3A_205 = arith.index_cast %scan3A_110 : i32 to index
        %swap3A_206 = arith.constant 80 : index
        %swap3A_207 = tpu.vector_load %arg9[%swap3A_205, %swap3A_206] {strides = array<i32>} : memref<128x128xf32, #tpu.memory_space<vmem>>, vector<1x16xf32>,
        %swap3A_208 = vector.shape_cast %swap3A_207 : vector<1x16xf32> to vector<16xf32>
        %swap3A_209 = vector.shape_cast %max3A_204 : vector<16xf32> to vector<1x16xf32>
        tpu.vector_store %arg9[%swap3A_205, %swap3A_206], %swap3A_209 {strides = array<i32>} : memref<128x128xf32, #tpu.memory_space<vmem>>, vector<1x16xf32>,
        %get3A_210 = arith.index_cast %scan3A_110 : i32 to index
        %get3A_211 = arith.constant 96 : index
        %get3A_212 = tpu.vector_load %arg9[%get3A_210, %get3A_211] {strides = array<i32>} : memref<128x128xf32, #tpu.memory_space<vmem>>, vector<1x16xf32>,
        %get3A_213 = vector.shape_cast %get3A_212 : vector<1x16xf32> to vector<16xf32>
        %get3A_214 = arith.index_cast %scan3A_110 : i32 to index
        %get3A_215 = arith.constant 96 : index
        %get3A_216 = tpu.vector_load %arg10[%get3A_214, %get3A_215] {strides = array<i32>} : memref<128x128xf32, #tpu.memory_space<vmem>>, vector<1x16xf32>,
        %get3A_217 = vector.shape_cast %get3A_216 : vector<1x16xf32> to vector<16xf32>
        %add3A_218 = arith.addf %get3A_213, %get3A_217 : vector<16xf32>
        %max3A_219 = arith.constant 0.000000e+00 : f32
        %max3A_220 = vector.broadcast %max3A_219 : f32 to vector<16xf32>
        %max3A_221 = arith.maximumf %add3A_218, %max3A_220 : vector<16xf32>
        %swap3A_222 = arith.index_cast %scan3A_110 : i32 to index
        %swap3A_223 = arith.constant 96 : index
        %swap3A_224 = tpu.vector_load %arg9[%swap3A_222, %swap3A_223] {strides = array<i32>} : memref<128x128xf32, #tpu.memory_space<vmem>>, vector<1x16xf32>,
        %swap3A_225 = vector.shape_cast %swap3A_224 : vector<1x16xf32> to vector<16xf32>
        %swap3A_226 = vector.shape_cast %max3A_221 : vector<16xf32> to vector<1x16xf32>
        tpu.vector_store %arg9[%swap3A_222, %swap3A_223], %swap3A_226 {strides = array<i32>} : memref<128x128xf32, #tpu.memory_space<vmem>>, vector<1x16xf32>,
        %get3A_227 = arith.index_cast %scan3A_110 : i32 to index
        %get3A_228 = arith.constant 112 : index
        %get3A_229 = tpu.vector_load %arg9[%get3A_227, %get3A_228] {strides = array<i32>} : memref<128x128xf32, #tpu.memory_space<vmem>>, vector<1x16xf32>,
        %get3A_230 = vector.shape_cast %get3A_229 : vector<1x16xf32> to vector<16xf32>
        %get3A_231 = arith.index_cast %scan3A_110 : i32 to index
        %get3A_232 = arith.constant 112 : index
        %get3A_233 = tpu.vector_load %arg10[%get3A_231, %get3A_232] {strides = array<i32>} : memref<128x128xf32, #tpu.memory_space<vmem>>, vector<1x16xf32>,
        %get3A_234 = vector.shape_cast %get3A_233 : vector<1x16xf32> to vector<16xf32>
        %add3A_235 = arith.addf %get3A_230, %get3A_234 : vector<16xf32>
        %max3A_236 = arith.constant 0.000000e+00 : f32
        %max3A_237 = vector.broadcast %max3A_236 : f32 to vector<16xf32>
        %max3A_238 = arith.maximumf %add3A_235, %max3A_237 : vector<16xf32>
        %swap3A_239 = arith.index_cast %scan3A_110 : i32 to index
        %swap3A_240 = arith.constant 112 : index
        %swap3A_241 = tpu.vector_load %arg9[%swap3A_239, %swap3A_240] {strides = array<i32>} : memref<128x128xf32, #tpu.memory_space<vmem>>, vector<1x16xf32>,
        %swap3A_242 = vector.shape_cast %swap3A_241 : vector<1x16xf32> to vector<16xf32>
        %swap3A_243 = vector.shape_cast %max3A_238 : vector<16xf32> to vector<1x16xf32>
        tpu.vector_store %arg9[%swap3A_239, %swap3A_240], %swap3A_243 {strides = array<i32>} : memref<128x128xf32, #tpu.memory_space<vmem>>, vector<1x16xf32>,
      }
      %scan3A_71 = arith.constant 128 : i32
      %add3A_72 = arith.addi %mul3A_0, %mul3A_2 : i32
      %add3A_73 = arith.addi %add3A_72, %add3A_50 : i32
      %mul3A_74 = arith.constant 128 : i32
      %mul3A_75 = arith.muli %add3A_73, %mul3A_74 : i32
      "tpu.region"() ({
        %run_scoped3A = tpu.sem_alloc : memref<!tpu.dma_semaphore, #tpu.memory_space<semaphore_mem>>
        %dma_start3A_110 = arith.constant 0 : i32
        %dma_start3A_111 = tpu.memref_slice %arg6[%mul3A_75, %dma_start3A_110] : memref<327680x128xf32, #tpu.memory_space<hbm>> -> memref<128x128xf32, #tpu.memory_space<hbm>>
        %dma_start3A_112 = arith.constant 0 : i32
        %dma_start3A_113 = tpu.memref_slice %arg6[%mul3A_75, %dma_start3A_112] : memref<327680x128xf32, #tpu.memory_space<hbm>> -> memref<128x128xf32, #tpu.memory_space<hbm>>
        tpu.enqueue_dma source(%arg9 : memref<128x128xf32, #tpu.memory_space<vmem>>) target(%dma_start3A_113 : memref<128x128xf32, #tpu.memory_space<hbm>>) target_semaphore(%run_scoped3A : memref<!tpu.dma_semaphore, #tpu.memory_space<semaphore_mem>>)
        %dma_wait3A_114 = arith.constant 0 : i32
        %dma_wait3A_115 = tpu.memref_slice %arg6[%mul3A_75, %dma_wait3A_114] : memref<327680x128xf32, #tpu.memory_space<hbm>> -> memref<128x128xf32, #tpu.memory_space<hbm>>
        %dma_wait3A_116 = arith.constant 0 : i32
        %dma_wait3A_117 = tpu.memref_slice %arg6[%mul3A_75, %dma_wait3A_116] : memref<327680x128xf32, #tpu.memory_space<hbm>> -> memref<128x128xf32, #tpu.memory_space<hbm>>
        tpu.wait_dma2 semaphore(%run_scoped3A : memref<!tpu.dma_semaphore, #tpu.memory_space<semaphore_mem>>) src(%arg9 : memref<128x128xf32, #tpu.memory_space<vmem>>) dst(%dma_wait3A_117 : memref<128x128xf32, #tpu.memory_space<hbm>>)
        tpu.yield
      }) : () -> ()
      %mul3A_76 = arith.constant 2 : i32
      %mul3A_77 = arith.muli %mul3A_76, %while3A_46 : i32
      %add3A_78 = arith.constant 1 : i32
      %add3A_79 = arith.addi %mul3A_77, %add3A_78 : i32
      %add3A_80 = arith.constant 1 : i32
      %add3A_81 = arith.addi %add3A_79, %add3A_80 : i32
      %lt3A_82 = arith.cmpi slt, %add3A_81, %select_n3A : i32
      %convert_element_type3A_83 = arith.extui %lt3A_82 : i1 to i32
      %cond3A_84 = arith.constant 0 : i32
      %cond3A_85 = arith.cmpi ne, %convert_element_type3A_83, %cond3A_84 : i32
      scf.if %cond3A_85 {
        %add3A_110 = arith.addi %mul3A_2, %add3A_81 : i32
        %dma_start3A_111 = arith.constant 0 : i32
        %dma_start3A_112 = tpu.memref_slice %arg7[%add3A_110, %dma_start3A_111] : memref<160x128xi32, #tpu.memory_space<vmem>> -> memref<1x128xi32, #tpu.memory_space<vmem>>
        %dma_start3A_113 = tpu.memref_squeeze %dma_start3A_112 : memref<1x128xi32, #tpu.memory_space<vmem>> -> memref<128xi32, #tpu.memory_space<vmem>>
        %dma_start3A_114 = arith.constant 0 : i32
        %dma_start3A_115 = arith.constant 0 : i32
        %dma_start3A_116 = tpu.memref_slice %arg2[%dma_start3A_114, %dma_start3A_115] : memref<10240x128xf32, #tpu.memory_space<hbm>> -> memref<10240x128xf32, #tpu.memory_space<hbm>>
        tpu.enqueue_indirect_dma source(%dma_start3A_116 : memref<10240x128xf32, #tpu.memory_space<hbm>>) target(%arg9 : memref<128x128xf32, #tpu.memory_space<vmem>>) offsets(%dma_start3A_113 : memref<128xi32, #tpu.memory_space<vmem>>) semaphore(%arg13 : memref<!tpu.dma_semaphore, #tpu.memory_space<semaphore_mem>>)
        %add3A_117 = arith.addi %mul3A_2, %add3A_81 : i32
        %dma_start3A_118 = arith.constant 0 : i32
        %dma_start3A_119 = tpu.memref_slice %arg8[%add3A_117, %dma_start3A_118] : memref<160x128xi32, #tpu.memory_space<vmem>> -> memref<1x128xi32, #tpu.memory_space<vmem>>
        %dma_start3A_120 = tpu.memref_squeeze %dma_start3A_119 : memref<1x128xi32, #tpu.memory_space<vmem>> -> memref<128xi32, #tpu.memory_space<vmem>>
        %dma_start3A_121 = arith.constant 0 : i32
        %dma_start3A_122 = arith.constant 0 : i32
        %dma_start3A_123 = tpu.memref_slice %arg3[%dma_start3A_121, %dma_start3A_122] : memref<10240x128xf32, #tpu.memory_space<hbm>> -> memref<10240x128xf32, #tpu.memory_space<hbm>>
        tpu.enqueue_indirect_dma source(%dma_start3A_123 : memref<10240x128xf32, #tpu.memory_space<hbm>>) target(%arg10 : memref<128x128xf32, #tpu.memory_space<vmem>>) offsets(%dma_start3A_120 : memref<128xi32, #tpu.memory_space<vmem>>) semaphore(%arg14 : memref<!tpu.dma_semaphore, #tpu.memory_space<semaphore_mem>>)
      } else {
      }
      %add3A_86 = arith.addi %mul3A_2, %add3A_79 : i32
      %dma_wait3A_87 = arith.constant 0 : i32
      %dma_wait3A_88 = tpu.memref_slice %arg7[%add3A_86, %dma_wait3A_87] : memref<160x128xi32, #tpu.memory_space<vmem>> -> memref<1x128xi32, #tpu.memory_space<vmem>>
      %dma_wait3A_89 = tpu.memref_squeeze %dma_wait3A_88 : memref<1x128xi32, #tpu.memory_space<vmem>> -> memref<128xi32, #tpu.memory_space<vmem>>
      %dma_wait3A_90 = arith.constant 0 : i32
      %dma_wait3A_91 = arith.constant 0 : i32
      %dma_wait3A_92 = tpu.memref_slice %arg2[%dma_wait3A_90, %dma_wait3A_91] : memref<10240x128xf32, #tpu.memory_space<hbm>> -> memref<10240x128xf32, #tpu.memory_space<hbm>>
      tpu.wait_indirect_dma semaphore(%arg15 : memref<!tpu.dma_semaphore, #tpu.memory_space<semaphore_mem>>) src(%dma_wait3A_92 : memref<10240x128xf32, #tpu.memory_space<hbm>>) dst(%arg11 : memref<128x128xf32, #tpu.memory_space<vmem>>)
      %add3A_93 = arith.addi %mul3A_2, %add3A_79 : i32
      %dma_wait3A_94 = arith.constant 0 : i32
      %dma_wait3A_95 = tpu.memref_slice %arg8[%add3A_93, %dma_wait3A_94] : memref<160x128xi32, #tpu.memory_space<vmem>> -> memref<1x128xi32, #tpu.memory_space<vmem>>
      %dma_wait3A_96 = tpu.memref_squeeze %dma_wait3A_95 : memref<1x128xi32, #tpu.memory_space<vmem>> -> memref<128xi32, #tpu.memory_space<vmem>>
      %dma_wait3A_97 = arith.constant 0 : i32
      %dma_wait3A_98 = arith.constant 0 : i32
      %dma_wait3A_99 = tpu.memref_slice %arg3[%dma_wait3A_97, %dma_wait3A_98] : memref<10240x128xf32, #tpu.memory_space<hbm>> -> memref<10240x128xf32, #tpu.memory_space<hbm>>
      tpu.wait_indirect_dma semaphore(%arg16 : memref<!tpu.dma_semaphore, #tpu.memory_space<semaphore_mem>>) src(%dma_wait3A_99 : memref<10240x128xf32, #tpu.memory_space<hbm>>) dst(%arg12 : memref<128x128xf32, #tpu.memory_space<vmem>>)
      %scan3A_100 = arith.constant 0 : i32
      %scan3A_101 = arith.constant 0 : i32
      %scan3A_102 = arith.constant 128 : i32
      %scan3A_103 = arith.addi %scan3A_101, %scan3A_102 : i32
      %scan3A_104 = arith.constant 1 : i32
      scf.for %scan3A_110 = %scan3A_101 to %scan3A_103 step %scan3A_104  : i32 {
        %get3A = arith.index_cast %scan3A_110 : i32 to index
        %get3A_111 = arith.constant 0 : index
        %get3A_112 = tpu.vector_load %arg11[%get3A, %get3A_111] {strides = array<i32>} : memref<128x128xf32, #tpu.memory_space<vmem>>, vector<1x16xf32>,
        %get3A_113 = vector.shape_cast %get3A_112 : vector<1x16xf32> to vector<16xf32>
        %get3A_114 = arith.index_cast %scan3A_110 : i32 to index
        %get3A_115 = arith.constant 0 : index
        %get3A_116 = tpu.vector_load %arg12[%get3A_114, %get3A_115] {strides = array<i32>} : memref<128x128xf32, #tpu.memory_space<vmem>>, vector<1x16xf32>,
        %get3A_117 = vector.shape_cast %get3A_116 : vector<1x16xf32> to vector<16xf32>
        %add3A_118 = arith.addf %get3A_113, %get3A_117 : vector<16xf32>
        %max3A = arith.constant 0.000000e+00 : f32
        %max3A_119 = vector.broadcast %max3A : f32 to vector<16xf32>
        %max3A_120 = arith.maximumf %add3A_118, %max3A_119 : vector<16xf32>
        %swap3A = arith.index_cast %scan3A_110 : i32 to index
        %swap3A_121 = arith.constant 0 : index
        %swap3A_122 = tpu.vector_load %arg11[%swap3A, %swap3A_121] {strides = array<i32>} : memref<128x128xf32, #tpu.memory_space<vmem>>, vector<1x16xf32>,
        %swap3A_123 = vector.shape_cast %swap3A_122 : vector<1x16xf32> to vector<16xf32>
        %swap3A_124 = vector.shape_cast %max3A_120 : vector<16xf32> to vector<1x16xf32>
        tpu.vector_store %arg11[%swap3A, %swap3A_121], %swap3A_124 {strides = array<i32>} : memref<128x128xf32, #tpu.memory_space<vmem>>, vector<1x16xf32>,
        %get3A_125 = arith.index_cast %scan3A_110 : i32 to index
        %get3A_126 = arith.constant 16 : index
        %get3A_127 = tpu.vector_load %arg11[%get3A_125, %get3A_126] {strides = array<i32>} : memref<128x128xf32, #tpu.memory_space<vmem>>, vector<1x16xf32>,
        %get3A_128 = vector.shape_cast %get3A_127 : vector<1x16xf32> to vector<16xf32>
        %get3A_129 = arith.index_cast %scan3A_110 : i32 to index
        %get3A_130 = arith.constant 16 : index
        %get3A_131 = tpu.vector_load %arg12[%get3A_129, %get3A_130] {strides = array<i32>} : memref<128x128xf32, #tpu.memory_space<vmem>>, vector<1x16xf32>,
        %get3A_132 = vector.shape_cast %get3A_131 : vector<1x16xf32> to vector<16xf32>
        %add3A_133 = arith.addf %get3A_128, %get3A_132 : vector<16xf32>
        %max3A_134 = arith.constant 0.000000e+00 : f32
        %max3A_135 = vector.broadcast %max3A_134 : f32 to vector<16xf32>
        %max3A_136 = arith.maximumf %add3A_133, %max3A_135 : vector<16xf32>
        %swap3A_137 = arith.index_cast %scan3A_110 : i32 to index
        %swap3A_138 = arith.constant 16 : index
        %swap3A_139 = tpu.vector_load %arg11[%swap3A_137, %swap3A_138] {strides = array<i32>} : memref<128x128xf32, #tpu.memory_space<vmem>>, vector<1x16xf32>,
        %swap3A_140 = vector.shape_cast %swap3A_139 : vector<1x16xf32> to vector<16xf32>
        %swap3A_141 = vector.shape_cast %max3A_136 : vector<16xf32> to vector<1x16xf32>
        tpu.vector_store %arg11[%swap3A_137, %swap3A_138], %swap3A_141 {strides = array<i32>} : memref<128x128xf32, #tpu.memory_space<vmem>>, vector<1x16xf32>,
        %get3A_142 = arith.index_cast %scan3A_110 : i32 to index
        %get3A_143 = arith.constant 32 : index
        %get3A_144 = tpu.vector_load %arg11[%get3A_142, %get3A_143] {strides = array<i32>} : memref<128x128xf32, #tpu.memory_space<vmem>>, vector<1x16xf32>,
        %get3A_145 = vector.shape_cast %get3A_144 : vector<1x16xf32> to vector<16xf32>
        %get3A_146 = arith.index_cast %scan3A_110 : i32 to index
        %get3A_147 = arith.constant 32 : index
        %get3A_148 = tpu.vector_load %arg12[%get3A_146, %get3A_147] {strides = array<i32>} : memref<128x128xf32, #tpu.memory_space<vmem>>, vector<1x16xf32>,
        %get3A_149 = vector.shape_cast %get3A_148 : vector<1x16xf32> to vector<16xf32>
        %add3A_150 = arith.addf %get3A_145, %get3A_149 : vector<16xf32>
        %max3A_151 = arith.constant 0.000000e+00 : f32
        %max3A_152 = vector.broadcast %max3A_151 : f32 to vector<16xf32>
        %max3A_153 = arith.maximumf %add3A_150, %max3A_152 : vector<16xf32>
        %swap3A_154 = arith.index_cast %scan3A_110 : i32 to index
        %swap3A_155 = arith.constant 32 : index
        %swap3A_156 = tpu.vector_load %arg11[%swap3A_154, %swap3A_155] {strides = array<i32>} : memref<128x128xf32, #tpu.memory_space<vmem>>, vector<1x16xf32>,
        %swap3A_157 = vector.shape_cast %swap3A_156 : vector<1x16xf32> to vector<16xf32>
        %swap3A_158 = vector.shape_cast %max3A_153 : vector<16xf32> to vector<1x16xf32>
        tpu.vector_store %arg11[%swap3A_154, %swap3A_155], %swap3A_158 {strides = array<i32>} : memref<128x128xf32, #tpu.memory_space<vmem>>, vector<1x16xf32>,
        %get3A_159 = arith.index_cast %scan3A_110 : i32 to index
        %get3A_160 = arith.constant 48 : index
        %get3A_161 = tpu.vector_load %arg11[%get3A_159, %get3A_160] {strides = array<i32>} : memref<128x128xf32, #tpu.memory_space<vmem>>, vector<1x16xf32>,
        %get3A_162 = vector.shape_cast %get3A_161 : vector<1x16xf32> to vector<16xf32>
        %get3A_163 = arith.index_cast %scan3A_110 : i32 to index
        %get3A_164 = arith.constant 48 : index
        %get3A_165 = tpu.vector_load %arg12[%get3A_163, %get3A_164] {strides = array<i32>} : memref<128x128xf32, #tpu.memory_space<vmem>>, vector<1x16xf32>,
        %get3A_166 = vector.shape_cast %get3A_165 : vector<1x16xf32> to vector<16xf32>
        %add3A_167 = arith.addf %get3A_162, %get3A_166 : vector<16xf32>
        %max3A_168 = arith.constant 0.000000e+00 : f32
        %max3A_169 = vector.broadcast %max3A_168 : f32 to vector<16xf32>
        %max3A_170 = arith.maximumf %add3A_167, %max3A_169 : vector<16xf32>
        %swap3A_171 = arith.index_cast %scan3A_110 : i32 to index
        %swap3A_172 = arith.constant 48 : index
        %swap3A_173 = tpu.vector_load %arg11[%swap3A_171, %swap3A_172] {strides = array<i32>} : memref<128x128xf32, #tpu.memory_space<vmem>>, vector<1x16xf32>,
        %swap3A_174 = vector.shape_cast %swap3A_173 : vector<1x16xf32> to vector<16xf32>
        %swap3A_175 = vector.shape_cast %max3A_170 : vector<16xf32> to vector<1x16xf32>
        tpu.vector_store %arg11[%swap3A_171, %swap3A_172], %swap3A_175 {strides = array<i32>} : memref<128x128xf32, #tpu.memory_space<vmem>>, vector<1x16xf32>,
        %get3A_176 = arith.index_cast %scan3A_110 : i32 to index
        %get3A_177 = arith.constant 64 : index
        %get3A_178 = tpu.vector_load %arg11[%get3A_176, %get3A_177] {strides = array<i32>} : memref<128x128xf32, #tpu.memory_space<vmem>>, vector<1x16xf32>,
        %get3A_179 = vector.shape_cast %get3A_178 : vector<1x16xf32> to vector<16xf32>
        %get3A_180 = arith.index_cast %scan3A_110 : i32 to index
        %get3A_181 = arith.constant 64 : index
        %get3A_182 = tpu.vector_load %arg12[%get3A_180, %get3A_181] {strides = array<i32>} : memref<128x128xf32, #tpu.memory_space<vmem>>, vector<1x16xf32>,
        %get3A_183 = vector.shape_cast %get3A_182 : vector<1x16xf32> to vector<16xf32>
        %add3A_184 = arith.addf %get3A_179, %get3A_183 : vector<16xf32>
        %max3A_185 = arith.constant 0.000000e+00 : f32
        %max3A_186 = vector.broadcast %max3A_185 : f32 to vector<16xf32>
        %max3A_187 = arith.maximumf %add3A_184, %max3A_186 : vector<16xf32>
        %swap3A_188 = arith.index_cast %scan3A_110 : i32 to index
        %swap3A_189 = arith.constant 64 : index
        %swap3A_190 = tpu.vector_load %arg11[%swap3A_188, %swap3A_189] {strides = array<i32>} : memref<128x128xf32, #tpu.memory_space<vmem>>, vector<1x16xf32>,
        %swap3A_191 = vector.shape_cast %swap3A_190 : vector<1x16xf32> to vector<16xf32>
        %swap3A_192 = vector.shape_cast %max3A_187 : vector<16xf32> to vector<1x16xf32>
        tpu.vector_store %arg11[%swap3A_188, %swap3A_189], %swap3A_192 {strides = array<i32>} : memref<128x128xf32, #tpu.memory_space<vmem>>, vector<1x16xf32>,
        %get3A_193 = arith.index_cast %scan3A_110 : i32 to index
        %get3A_194 = arith.constant 80 : index
        %get3A_195 = tpu.vector_load %arg11[%get3A_193, %get3A_194] {strides = array<i32>} : memref<128x128xf32, #tpu.memory_space<vmem>>, vector<1x16xf32>,
        %get3A_196 = vector.shape_cast %get3A_195 : vector<1x16xf32> to vector<16xf32>
        %get3A_197 = arith.index_cast %scan3A_110 : i32 to index
        %get3A_198 = arith.constant 80 : index
        %get3A_199 = tpu.vector_load %arg12[%get3A_197, %get3A_198] {strides = array<i32>} : memref<128x128xf32, #tpu.memory_space<vmem>>, vector<1x16xf32>,
        %get3A_200 = vector.shape_cast %get3A_199 : vector<1x16xf32> to vector<16xf32>
        %add3A_201 = arith.addf %get3A_196, %get3A_200 : vector<16xf32>
        %max3A_202 = arith.constant 0.000000e+00 : f32
        %max3A_203 = vector.broadcast %max3A_202 : f32 to vector<16xf32>
        %max3A_204 = arith.maximumf %add3A_201, %max3A_203 : vector<16xf32>
        %swap3A_205 = arith.index_cast %scan3A_110 : i32 to index
        %swap3A_206 = arith.constant 80 : index
        %swap3A_207 = tpu.vector_load %arg11[%swap3A_205, %swap3A_206] {strides = array<i32>} : memref<128x128xf32, #tpu.memory_space<vmem>>, vector<1x16xf32>,
        %swap3A_208 = vector.shape_cast %swap3A_207 : vector<1x16xf32> to vector<16xf32>
        %swap3A_209 = vector.shape_cast %max3A_204 : vector<16xf32> to vector<1x16xf32>
        tpu.vector_store %arg11[%swap3A_205, %swap3A_206], %swap3A_209 {strides = array<i32>} : memref<128x128xf32, #tpu.memory_space<vmem>>, vector<1x16xf32>,
        %get3A_210 = arith.index_cast %scan3A_110 : i32 to index
        %get3A_211 = arith.constant 96 : index
        %get3A_212 = tpu.vector_load %arg11[%get3A_210, %get3A_211] {strides = array<i32>} : memref<128x128xf32, #tpu.memory_space<vmem>>, vector<1x16xf32>,
        %get3A_213 = vector.shape_cast %get3A_212 : vector<1x16xf32> to vector<16xf32>
        %get3A_214 = arith.index_cast %scan3A_110 : i32 to index
        %get3A_215 = arith.constant 96 : index
        %get3A_216 = tpu.vector_load %arg12[%get3A_214, %get3A_215] {strides = array<i32>} : memref<128x128xf32, #tpu.memory_space<vmem>>, vector<1x16xf32>,
        %get3A_217 = vector.shape_cast %get3A_216 : vector<1x16xf32> to vector<16xf32>
        %add3A_218 = arith.addf %get3A_213, %get3A_217 : vector<16xf32>
        %max3A_219 = arith.constant 0.000000e+00 : f32
        %max3A_220 = vector.broadcast %max3A_219 : f32 to vector<16xf32>
        %max3A_221 = arith.maximumf %add3A_218, %max3A_220 : vector<16xf32>
        %swap3A_222 = arith.index_cast %scan3A_110 : i32 to index
        %swap3A_223 = arith.constant 96 : index
        %swap3A_224 = tpu.vector_load %arg11[%swap3A_222, %swap3A_223] {strides = array<i32>} : memref<128x128xf32, #tpu.memory_space<vmem>>, vector<1x16xf32>,
        %swap3A_225 = vector.shape_cast %swap3A_224 : vector<1x16xf32> to vector<16xf32>
        %swap3A_226 = vector.shape_cast %max3A_221 : vector<16xf32> to vector<1x16xf32>
        tpu.vector_store %arg11[%swap3A_222, %swap3A_223], %swap3A_226 {strides = array<i32>} : memref<128x128xf32, #tpu.memory_space<vmem>>, vector<1x16xf32>,
        %get3A_227 = arith.index_cast %scan3A_110 : i32 to index
        %get3A_228 = arith.constant 112 : index
        %get3A_229 = tpu.vector_load %arg11[%get3A_227, %get3A_228] {strides = array<i32>} : memref<128x128xf32, #tpu.memory_space<vmem>>, vector<1x16xf32>,
        %get3A_230 = vector.shape_cast %get3A_229 : vector<1x16xf32> to vector<16xf32>
        %get3A_231 = arith.index_cast %scan3A_110 : i32 to index
        %get3A_232 = arith.constant 112 : index
        %get3A_233 = tpu.vector_load %arg12[%get3A_231, %get3A_232] {strides = array<i32>} : memref<128x128xf32, #tpu.memory_space<vmem>>, vector<1x16xf32>,
        %get3A_234 = vector.shape_cast %get3A_233 : vector<1x16xf32> to vector<16xf32>
        %add3A_235 = arith.addf %get3A_230, %get3A_234 : vector<16xf32>
        %max3A_236 = arith.constant 0.000000e+00 : f32
        %max3A_237 = vector.broadcast %max3A_236 : f32 to vector<16xf32>
        %max3A_238 = arith.maximumf %add3A_235, %max3A_237 : vector<16xf32>
        %swap3A_239 = arith.index_cast %scan3A_110 : i32 to index
        %swap3A_240 = arith.constant 112 : index
        %swap3A_241 = tpu.vector_load %arg11[%swap3A_239, %swap3A_240] {strides = array<i32>} : memref<128x128xf32, #tpu.memory_space<vmem>>, vector<1x16xf32>,
        %swap3A_242 = vector.shape_cast %swap3A_241 : vector<1x16xf32> to vector<16xf32>
        %swap3A_243 = vector.shape_cast %max3A_238 : vector<16xf32> to vector<1x16xf32>
        tpu.vector_store %arg11[%swap3A_239, %swap3A_240], %swap3A_243 {strides = array<i32>} : memref<128x128xf32, #tpu.memory_space<vmem>>, vector<1x16xf32>,
      }
      %scan3A_105 = arith.constant 128 : i32
      %add3A_106 = arith.addi %mul3A_0, %mul3A_2 : i32
      %add3A_107 = arith.addi %add3A_106, %add3A_79 : i32
      %mul3A_108 = arith.constant 128 : i32
      %mul3A_109 = arith.muli %add3A_107, %mul3A_108 : i32
      "tpu.region"() ({
        %run_scoped3A = tpu.sem_alloc : memref<!tpu.dma_semaphore, #tpu.memory_space<semaphore_mem>>
        %dma_start3A_110 = arith.constant 0 : i32
        %dma_start3A_111 = tpu.memref_slice %arg6[%mul3A_109, %dma_start3A_110] : memref<327680x128xf32, #tpu.memory_space<hbm>> -> memref<128x128xf32, #tpu.memory_space<hbm>>
        %dma_start3A_112 = arith.constant 0 : i32
        %dma_start3A_113 = tpu.memref_slice %arg6[%mul3A_109, %dma_start3A_112] : memref<327680x128xf32, #tpu.memory_space<hbm>> -> memref<128x128xf32, #tpu.memory_space<hbm>>
        tpu.enqueue_dma source(%arg11 : memref<128x128xf32, #tpu.memory_space<vmem>>) target(%dma_start3A_113 : memref<128x128xf32, #tpu.memory_space<hbm>>) target_semaphore(%run_scoped3A : memref<!tpu.dma_semaphore, #tpu.memory_space<semaphore_mem>>)
        %dma_wait3A_114 = arith.constant 0 : i32
        %dma_wait3A_115 = tpu.memref_slice %arg6[%mul3A_109, %dma_wait3A_114] : memref<327680x128xf32, #tpu.memory_space<hbm>> -> memref<128x128xf32, #tpu.memory_space<hbm>>
        %dma_wait3A_116 = arith.constant 0 : i32
        %dma_wait3A_117 = tpu.memref_slice %arg6[%mul3A_109, %dma_wait3A_116] : memref<327680x128xf32, #tpu.memory_space<hbm>> -> memref<128x128xf32, #tpu.memory_space<hbm>>
        tpu.wait_dma2 semaphore(%run_scoped3A : memref<!tpu.dma_semaphore, #tpu.memory_space<semaphore_mem>>) src(%arg11 : memref<128x128xf32, #tpu.memory_space<vmem>>) dst(%dma_wait3A_117 : memref<128x128xf32, #tpu.memory_space<hbm>>)
        tpu.yield
      }) : () -> ()
    }
    return
  }
}

#map = affine_map<(d0, d1) -> (0, 0)>
#map1 = affine_map<(d0, d1) -> (0, 0, 0)>
module attributes {stable_mosaic.version = 14 : i64} {
  func.func @_scatter_body(%arg0: i32, %arg1: i32, %arg2: memref<327680x128xf32, #tpu.memory_space<hbm>>, %arg3: memref<2560x128xi32, #tpu.memory_space<hbm>>, %arg4: memref<10240x128xf32, #tpu.memory_space<hbm>>, %arg5: memref<2x10240x128xf32, #tpu.memory_space<hbm>>, %arg6: memref<10240x128xf32, #tpu.memory_space<vmem_shared>>, %arg7: memref<80x128xi32, #tpu.memory_space<vmem>>, %arg8: memref<128x128xf32, #tpu.memory_space<vmem>>, %arg9: memref<128x128xf32, #tpu.memory_space<vmem>>, %arg10: memref<!tpu.dma_semaphore, #tpu.memory_space<semaphore_mem>>, %arg11: memref<!tpu.dma_semaphore, #tpu.memory_space<semaphore_mem>>) attributes {dimension_semantics = [#tpu.dimension_semantics<core_parallel>, #tpu.dimension_semantics<subcore_parallel>], iteration_bounds = array<i64: 2, 16>, scalar_prefetch = 0 : i64, scratch_operands = 6 : i64, tpu.core_type = #tpu.core_type<sc_vector_subcore>, window_params = [{transform_indices = #map}, {transform_indices = #map}, {transform_indices = #map}, {transform_indices = #map1}]} {
    %mul3A = arith.constant 2 : i32
    %mul3A_0 = arith.muli %arg1, %mul3A : i32
    %add3A = arith.addi %mul3A_0, %arg0 : i32
    %mul3A_1 = arith.constant 80 : i32
    %mul3A_2 = arith.muli %add3A, %mul3A_1 : i32
    %mul3A_3 = arith.constant 640 : i32
    %mul3A_4 = arith.muli %arg1, %mul3A_3 : i32
    "tpu.region"() ({
      %run_scoped3A = tpu.sem_alloc : memref<!tpu.dma_semaphore, #tpu.memory_space<semaphore_mem>>
      %dma_start3A_18 = arith.constant 0 : i32
      %dma_start3A_19 = tpu.memref_slice %arg3[%mul3A_2, %dma_start3A_18] : memref<2560x128xi32, #tpu.memory_space<hbm>> -> memref<80x128xi32, #tpu.memory_space<hbm>>
      %dma_start3A_20 = arith.constant 0 : i32
      %dma_start3A_21 = tpu.memref_slice %arg3[%mul3A_2, %dma_start3A_20] : memref<2560x128xi32, #tpu.memory_space<hbm>> -> memref<80x128xi32, #tpu.memory_space<hbm>>
      tpu.enqueue_dma source(%dma_start3A_21 : memref<80x128xi32, #tpu.memory_space<hbm>>) target(%arg7 : memref<80x128xi32, #tpu.memory_space<vmem>>) target_semaphore(%run_scoped3A : memref<!tpu.dma_semaphore, #tpu.memory_space<semaphore_mem>>)
      %dma_wait3A = arith.constant 0 : i32
      %dma_wait3A_22 = tpu.memref_slice %arg3[%mul3A_2, %dma_wait3A] : memref<2560x128xi32, #tpu.memory_space<hbm>> -> memref<80x128xi32, #tpu.memory_space<hbm>>
      %dma_wait3A_23 = arith.constant 0 : i32
      %dma_wait3A_24 = tpu.memref_slice %arg3[%mul3A_2, %dma_wait3A_23] : memref<2560x128xi32, #tpu.memory_space<hbm>> -> memref<80x128xi32, #tpu.memory_space<hbm>>
      tpu.wait_dma2 semaphore(%run_scoped3A : memref<!tpu.dma_semaphore, #tpu.memory_space<semaphore_mem>>) src(%dma_wait3A_24 : memref<80x128xi32, #tpu.memory_space<hbm>>) dst(%arg7 : memref<80x128xi32, #tpu.memory_space<vmem>>)
      tpu.yield
    }) : () -> ()
    "tpu.region"() ({
      %run_scoped3A = tpu.sem_alloc : memref<!tpu.dma_semaphore, #tpu.memory_space<semaphore_mem>>
      %dma_start3A_18 = arith.constant 0 : i32
      %dma_start3A_19 = tpu.memref_slice %arg6[%mul3A_4, %dma_start3A_18] : memref<10240x128xf32, #tpu.memory_space<vmem_shared>> -> memref<640x128xf32, #tpu.memory_space<vmem_shared>>
      %dma_start3A_20 = arith.constant 0 : i32
      %dma_start3A_21 = tpu.memref_slice %arg4[%mul3A_4, %dma_start3A_20] : memref<10240x128xf32, #tpu.memory_space<hbm>> -> memref<640x128xf32, #tpu.memory_space<hbm>>
      tpu.enqueue_dma source(%dma_start3A_21 : memref<640x128xf32, #tpu.memory_space<hbm>>) target(%dma_start3A_19 : memref<640x128xf32, #tpu.memory_space<vmem_shared>>) target_semaphore(%run_scoped3A : memref<!tpu.dma_semaphore, #tpu.memory_space<semaphore_mem>>)
      %dma_wait3A = arith.constant 0 : i32
      %dma_wait3A_22 = tpu.memref_slice %arg6[%mul3A_4, %dma_wait3A] : memref<10240x128xf32, #tpu.memory_space<vmem_shared>> -> memref<640x128xf32, #tpu.memory_space<vmem_shared>>
      %dma_wait3A_23 = arith.constant 0 : i32
      %dma_wait3A_24 = tpu.memref_slice %arg4[%mul3A_4, %dma_wait3A_23] : memref<10240x128xf32, #tpu.memory_space<hbm>> -> memref<640x128xf32, #tpu.memory_space<hbm>>
      tpu.wait_dma2 semaphore(%run_scoped3A : memref<!tpu.dma_semaphore, #tpu.memory_space<semaphore_mem>>) src(%dma_wait3A_24 : memref<640x128xf32, #tpu.memory_space<hbm>>) dst(%dma_wait3A_22 : memref<640x128xf32, #tpu.memory_space<vmem_shared>>)
      tpu.yield
    }) : () -> ()
    %barrier3A = arith.constant 0 : index
    tpu.barrier barrier_id(%barrier3A)
    %add3A_5 = arith.constant 0 : i32
    %add3A_6 = arith.addi %mul3A_2, %add3A_5 : i32
    %mul3A_7 = arith.constant 128 : i32
    %mul3A_8 = arith.muli %add3A_6, %mul3A_7 : i32
    %dma_start3A = arith.constant 0 : i32
    %dma_start3A_9 = tpu.memref_slice %arg2[%mul3A_8, %dma_start3A] : memref<327680x128xf32, #tpu.memory_space<hbm>> -> memref<128x128xf32, #tpu.memory_space<hbm>>
    %dma_start3A_10 = arith.constant 0 : i32
    %dma_start3A_11 = tpu.memref_slice %arg2[%mul3A_8, %dma_start3A_10] : memref<327680x128xf32, #tpu.memory_space<hbm>> -> memref<128x128xf32, #tpu.memory_space<hbm>>
    tpu.enqueue_dma source(%dma_start3A_11 : memref<128x128xf32, #tpu.memory_space<hbm>>) target(%arg8 : memref<128x128xf32, #tpu.memory_space<vmem>>) target_semaphore(%arg10 : memref<!tpu.dma_semaphore, #tpu.memory_space<semaphore_mem>>)
    %scan3A = arith.constant 0 : i32
    %scan3A_12 = arith.constant 0 : i32
    %scan3A_13 = arith.constant 40 : i32
    %scan3A_14 = arith.addi %scan3A_12, %scan3A_13 : i32
    %scan3A_15 = arith.constant 1 : i32
    scf.for %scan3A_18 = %scan3A_12 to %scan3A_14 step %scan3A_15  : i32 {
      %mul3A_19 = arith.constant 2 : i32
      %mul3A_20 = arith.muli %scan3A_18, %mul3A_19 : i32
      %add3A_21 = arith.constant 0 : i32
      %add3A_22 = arith.addi %mul3A_20, %add3A_21 : i32
      %add3A_23 = arith.constant 1 : i32
      %add3A_24 = arith.addi %add3A_22, %add3A_23 : i32
      %lt3A = arith.constant 80 : i32
      %lt3A_25 = arith.cmpi slt, %add3A_24, %lt3A : i32
      %convert_element_type3A = arith.extui %lt3A_25 : i1 to i32
      %cond3A = arith.constant 0 : i32
      %cond3A_26 = arith.cmpi ne, %convert_element_type3A, %cond3A : i32
      scf.if %cond3A_26 {
        %add3A_49 = arith.addi %mul3A_2, %add3A_24 : i32
        %mul3A_50 = arith.constant 128 : i32
        %mul3A_51 = arith.muli %add3A_49, %mul3A_50 : i32
        %dma_start3A_52 = arith.constant 0 : i32
        %dma_start3A_53 = tpu.memref_slice %arg2[%mul3A_51, %dma_start3A_52] : memref<327680x128xf32, #tpu.memory_space<hbm>> -> memref<128x128xf32, #tpu.memory_space<hbm>>
        %dma_start3A_54 = arith.constant 0 : i32
        %dma_start3A_55 = tpu.memref_slice %arg2[%mul3A_51, %dma_start3A_54] : memref<327680x128xf32, #tpu.memory_space<hbm>> -> memref<128x128xf32, #tpu.memory_space<hbm>>
        tpu.enqueue_dma source(%dma_start3A_55 : memref<128x128xf32, #tpu.memory_space<hbm>>) target(%arg9 : memref<128x128xf32, #tpu.memory_space<vmem>>) target_semaphore(%arg11 : memref<!tpu.dma_semaphore, #tpu.memory_space<semaphore_mem>>)
      } else {
      }
      %add3A_27 = arith.addi %mul3A_2, %add3A_22 : i32
      %mul3A_28 = arith.constant 128 : i32
      %mul3A_29 = arith.muli %add3A_27, %mul3A_28 : i32
      %dma_wait3A = arith.constant 0 : i32
      %dma_wait3A_30 = tpu.memref_slice %arg2[%mul3A_29, %dma_wait3A] : memref<327680x128xf32, #tpu.memory_space<hbm>> -> memref<128x128xf32, #tpu.memory_space<hbm>>
      %dma_wait3A_31 = arith.constant 0 : i32
      %dma_wait3A_32 = tpu.memref_slice %arg2[%mul3A_29, %dma_wait3A_31] : memref<327680x128xf32, #tpu.memory_space<hbm>> -> memref<128x128xf32, #tpu.memory_space<hbm>>
      tpu.wait_dma2 semaphore(%arg10 : memref<!tpu.dma_semaphore, #tpu.memory_space<semaphore_mem>>) src(%dma_wait3A_32 : memref<128x128xf32, #tpu.memory_space<hbm>>) dst(%arg8 : memref<128x128xf32, #tpu.memory_space<vmem>>)
      "tpu.region"() ({
        %run_scoped3A = tpu.sem_alloc : memref<!tpu.dma_semaphore, #tpu.memory_space<semaphore_mem>>
        %dma_start3A_49 = arith.constant 0 : i32
        %dma_start3A_50 = tpu.memref_slice %arg7[%add3A_22, %dma_start3A_49] : memref<80x128xi32, #tpu.memory_space<vmem>> -> memref<1x128xi32, #tpu.memory_space<vmem>>
        %dma_start3A_51 = tpu.memref_squeeze %dma_start3A_50 : memref<1x128xi32, #tpu.memory_space<vmem>> -> memref<128xi32, #tpu.memory_space<vmem>>
        %dma_start3A_52 = arith.constant 0 : i32
        %dma_start3A_53 = arith.constant 0 : i32
        %dma_start3A_54 = tpu.memref_slice %arg6[%dma_start3A_52, %dma_start3A_53] : memref<10240x128xf32, #tpu.memory_space<vmem_shared>> -> memref<10240x128xf32, #tpu.memory_space<vmem_shared>>
        tpu.enqueue_indirect_dma source(%arg8 : memref<128x128xf32, #tpu.memory_space<vmem>>) target(%dma_start3A_54 : memref<10240x128xf32, #tpu.memory_space<vmem_shared>>) offsets(%dma_start3A_51 : memref<128xi32, #tpu.memory_space<vmem>>) semaphore(%run_scoped3A : memref<!tpu.dma_semaphore, #tpu.memory_space<semaphore_mem>>) {add = true}
        %dma_wait3A_55 = arith.constant 0 : i32
        %dma_wait3A_56 = tpu.memref_slice %arg7[%add3A_22, %dma_wait3A_55] : memref<80x128xi32, #tpu.memory_space<vmem>> -> memref<1x128xi32, #tpu.memory_space<vmem>>
        %dma_wait3A_57 = tpu.memref_squeeze %dma_wait3A_56 : memref<1x128xi32, #tpu.memory_space<vmem>> -> memref<128xi32, #tpu.memory_space<vmem>>
        %dma_wait3A_58 = arith.constant 0 : i32
        %dma_wait3A_59 = arith.constant 0 : i32
        %dma_wait3A_60 = tpu.memref_slice %arg6[%dma_wait3A_58, %dma_wait3A_59] : memref<10240x128xf32, #tpu.memory_space<vmem_shared>> -> memref<10240x128xf32, #tpu.memory_space<vmem_shared>>
        tpu.wait_indirect_dma semaphore(%run_scoped3A : memref<!tpu.dma_semaphore, #tpu.memory_space<semaphore_mem>>) src(%arg8 : memref<128x128xf32, #tpu.memory_space<vmem>>) dst(%dma_wait3A_60 : memref<10240x128xf32, #tpu.memory_space<vmem_shared>>)
        tpu.yield
      }) : () -> ()
      %add3A_33 = arith.constant 1 : i32
      %add3A_34 = arith.addi %mul3A_20, %add3A_33 : i32
      %add3A_35 = arith.constant 1 : i32
      %add3A_36 = arith.addi %add3A_34, %add3A_35 : i32
      %lt3A_37 = arith.constant 80 : i32
      %lt3A_38 = arith.cmpi slt, %add3A_36, %lt3A_37 : i32
      %convert_element_type3A_39 = arith.extui %lt3A_38 : i1 to i32
      %cond3A_40 = arith.constant 0 : i32
      %cond3A_41 = arith.cmpi ne, %convert_element_type3A_39, %cond3A_40 : i32
      scf.if %cond3A_41 {
        %add3A_49 = arith.addi %mul3A_2, %add3A_36 : i32
        %mul3A_50 = arith.constant 128 : i32
        %mul3A_51 = arith.muli %add3A_49, %mul3A_50 : i32
        %dma_start3A_52 = arith.constant 0 : i32
        %dma_start3A_53 = tpu.memref_slice %arg2[%mul3A_51, %dma_start3A_52] : memref<327680x128xf32, #tpu.memory_space<hbm>> -> memref<128x128xf32, #tpu.memory_space<hbm>>
        %dma_start3A_54 = arith.constant 0 : i32
        %dma_start3A_55 = tpu.memref_slice %arg2[%mul3A_51, %dma_start3A_54] : memref<327680x128xf32, #tpu.memory_space<hbm>> -> memref<128x128xf32, #tpu.memory_space<hbm>>
        tpu.enqueue_dma source(%dma_start3A_55 : memref<128x128xf32, #tpu.memory_space<hbm>>) target(%arg8 : memref<128x128xf32, #tpu.memory_space<vmem>>) target_semaphore(%arg10 : memref<!tpu.dma_semaphore, #tpu.memory_space<semaphore_mem>>)
      } else {
      }
      %add3A_42 = arith.addi %mul3A_2, %add3A_34 : i32
      %mul3A_43 = arith.constant 128 : i32
      %mul3A_44 = arith.muli %add3A_42, %mul3A_43 : i32
      %dma_wait3A_45 = arith.constant 0 : i32
      %dma_wait3A_46 = tpu.memref_slice %arg2[%mul3A_44, %dma_wait3A_45] : memref<327680x128xf32, #tpu.memory_space<hbm>> -> memref<128x128xf32, #tpu.memory_space<hbm>>
      %dma_wait3A_47 = arith.constant 0 : i32
      %dma_wait3A_48 = tpu.memref_slice %arg2[%mul3A_44, %dma_wait3A_47] : memref<327680x128xf32, #tpu.memory_space<hbm>> -> memref<128x128xf32, #tpu.memory_space<hbm>>
      tpu.wait_dma2 semaphore(%arg11 : memref<!tpu.dma_semaphore, #tpu.memory_space<semaphore_mem>>) src(%dma_wait3A_48 : memref<128x128xf32, #tpu.memory_space<hbm>>) dst(%arg9 : memref<128x128xf32, #tpu.memory_space<vmem>>)
      "tpu.region"() ({
        %run_scoped3A = tpu.sem_alloc : memref<!tpu.dma_semaphore, #tpu.memory_space<semaphore_mem>>
        %dma_start3A_49 = arith.constant 0 : i32
        %dma_start3A_50 = tpu.memref_slice %arg7[%add3A_34, %dma_start3A_49] : memref<80x128xi32, #tpu.memory_space<vmem>> -> memref<1x128xi32, #tpu.memory_space<vmem>>
        %dma_start3A_51 = tpu.memref_squeeze %dma_start3A_50 : memref<1x128xi32, #tpu.memory_space<vmem>> -> memref<128xi32, #tpu.memory_space<vmem>>
        %dma_start3A_52 = arith.constant 0 : i32
        %dma_start3A_53 = arith.constant 0 : i32
        %dma_start3A_54 = tpu.memref_slice %arg6[%dma_start3A_52, %dma_start3A_53] : memref<10240x128xf32, #tpu.memory_space<vmem_shared>> -> memref<10240x128xf32, #tpu.memory_space<vmem_shared>>
        tpu.enqueue_indirect_dma source(%arg9 : memref<128x128xf32, #tpu.memory_space<vmem>>) target(%dma_start3A_54 : memref<10240x128xf32, #tpu.memory_space<vmem_shared>>) offsets(%dma_start3A_51 : memref<128xi32, #tpu.memory_space<vmem>>) semaphore(%run_scoped3A : memref<!tpu.dma_semaphore, #tpu.memory_space<semaphore_mem>>) {add = true}
        %dma_wait3A_55 = arith.constant 0 : i32
        %dma_wait3A_56 = tpu.memref_slice %arg7[%add3A_34, %dma_wait3A_55] : memref<80x128xi32, #tpu.memory_space<vmem>> -> memref<1x128xi32, #tpu.memory_space<vmem>>
        %dma_wait3A_57 = tpu.memref_squeeze %dma_wait3A_56 : memref<1x128xi32, #tpu.memory_space<vmem>> -> memref<128xi32, #tpu.memory_space<vmem>>
        %dma_wait3A_58 = arith.constant 0 : i32
        %dma_wait3A_59 = arith.constant 0 : i32
        %dma_wait3A_60 = tpu.memref_slice %arg6[%dma_wait3A_58, %dma_wait3A_59] : memref<10240x128xf32, #tpu.memory_space<vmem_shared>> -> memref<10240x128xf32, #tpu.memory_space<vmem_shared>>
        tpu.wait_indirect_dma semaphore(%run_scoped3A : memref<!tpu.dma_semaphore, #tpu.memory_space<semaphore_mem>>) src(%arg9 : memref<128x128xf32, #tpu.memory_space<vmem>>) dst(%dma_wait3A_60 : memref<10240x128xf32, #tpu.memory_space<vmem_shared>>)
        tpu.yield
      }) : () -> ()
    }
    %scan3A_16 = arith.constant 40 : i32
    %barrier3A_17 = arith.constant 0 : index
    tpu.barrier barrier_id(%barrier3A_17)
    "tpu.region"() ({
      %run_scoped3A = tpu.sem_alloc : memref<!tpu.dma_semaphore, #tpu.memory_space<semaphore_mem>>
      %dma_start3A_18 = arith.constant 0 : i32
      %dma_start3A_19 = tpu.memref_slice %arg5[%arg0, %mul3A_4, %dma_start3A_18] : memref<2x10240x128xf32, #tpu.memory_space<hbm>> -> memref<1x640x128xf32, #tpu.memory_space<hbm>>
      %dma_start3A_20 = tpu.memref_squeeze %dma_start3A_19 : memref<1x640x128xf32, #tpu.memory_space<hbm>> -> memref<640x128xf32, #tpu.memory_space<hbm>>
      %dma_start3A_21 = arith.constant 0 : i32
      %dma_start3A_22 = tpu.memref_slice %arg6[%mul3A_4, %dma_start3A_21] : memref<10240x128xf32, #tpu.memory_space<vmem_shared>> -> memref<640x128xf32, #tpu.memory_space<vmem_shared>>
      tpu.enqueue_dma source(%dma_start3A_22 : memref<640x128xf32, #tpu.memory_space<vmem_shared>>) target(%dma_start3A_20 : memref<640x128xf32, #tpu.memory_space<hbm>>) target_semaphore(%run_scoped3A : memref<!tpu.dma_semaphore, #tpu.memory_space<semaphore_mem>>)
      %dma_wait3A = arith.constant 0 : i32
      %dma_wait3A_23 = tpu.memref_slice %arg5[%arg0, %mul3A_4, %dma_wait3A] : memref<2x10240x128xf32, #tpu.memory_space<hbm>> -> memref<1x640x128xf32, #tpu.memory_space<hbm>>
      %dma_wait3A_24 = tpu.memref_squeeze %dma_wait3A_23 : memref<1x640x128xf32, #tpu.memory_space<hbm>> -> memref<640x128xf32, #tpu.memory_space<hbm>>
      %dma_wait3A_25 = arith.constant 0 : i32
      %dma_wait3A_26 = tpu.memref_slice %arg6[%mul3A_4, %dma_wait3A_25] : memref<10240x128xf32, #tpu.memory_space<vmem_shared>> -> memref<640x128xf32, #tpu.memory_space<vmem_shared>>
      tpu.wait_dma2 semaphore(%run_scoped3A : memref<!tpu.dma_semaphore, #tpu.memory_space<semaphore_mem>>) src(%dma_wait3A_26 : memref<640x128xf32, #tpu.memory_space<vmem_shared>>) dst(%dma_wait3A_24 : memref<640x128xf32, #tpu.memory_space<hbm>>)
      tpu.yield
    }) : () -> ()
    return
  }
}

module attributes {stable_mosaic.version = 14 : i64} {
  func.func @_enc_body(%arg0: memref<1024x8xf32, #tpu.memory_space<vmem>>, %arg1: memref<8x128xf32, #tpu.memory_space<vmem>>, %arg2: memref<1x128xf32, #tpu.memory_space<vmem>>, %arg3: memref<128x128xf32, #tpu.memory_space<vmem>>, %arg4: memref<1x128xf32, #tpu.memory_space<vmem>>, %arg5: memref<128x128xf32, #tpu.memory_space<vmem>>, %arg6: memref<1x128xf32, #tpu.memory_space<vmem>>, %arg7: memref<1024x128xf32, #tpu.memory_space<vmem>>) attributes {dimension_semantics = [], scalar_prefetch = 0 : i64, scratch_operands = 0 : i64, tpu.core_type = #tpu.core_type<tc>} {
    %get3A = arith.constant 0 : index
    %get3A_0 = arith.constant 0 : index
    %get3A_1 = vector.load %arg0[%get3A, %get3A_0] : memref<1024x8xf32, #tpu.memory_space<vmem>>, vector<1024x8xf32>
    %get3A_2 = arith.constant 0 : index
    %get3A_3 = arith.constant 0 : index
    %get3A_4 = vector.load %arg1[%get3A_2, %get3A_3] : memref<8x128xf32, #tpu.memory_space<vmem>>, vector<8x128xf32>
    %dot_general3A = arith.constant dense<0.000000e+00> : vector<1024x128xf32>
    %dot_general3A_5 = tpu.matmul %get3A_1, %get3A_4, %dot_general3A {dimension_numbers = #tpu.dot_dimension_numbers<[1], [0], [0], [1], [0, 0, 1, 1], [], []>, precision = #tpu.contract_precision<fp32>, transpose_lhs_hint = false} : vector<1024x8xf32>, vector<8x128xf32>, vector<1024x128xf32> -> vector<1024x128xf32>
    %get3A_6 = arith.constant 0 : index
    %get3A_7 = arith.constant 0 : index
    %get3A_8 = vector.load %arg2[%get3A_6, %get3A_7] : memref<1x128xf32, #tpu.memory_space<vmem>>, vector<1x128xf32>
    %add3A = vector.broadcast %get3A_8 : vector<1x128xf32> to vector<1024x128xf32>
    %add3A_9 = arith.addf %dot_general3A_5, %add3A : vector<1024x128xf32>
    %max3A = arith.constant 0.000000e+00 : f32
    %max3A_10 = vector.broadcast %max3A : f32 to vector<1024x128xf32>
    %max3A_11 = arith.maximumf %add3A_9, %max3A_10 : vector<1024x128xf32>
    %get3A_12 = arith.constant 0 : index
    %get3A_13 = arith.constant 0 : index
    %get3A_14 = vector.load %arg3[%get3A_12, %get3A_13] : memref<128x128xf32, #tpu.memory_space<vmem>>, vector<128x128xf32>
    %dot_general3A_15 = arith.constant dense<0.000000e+00> : vector<1024x128xf32>
    %dot_general3A_16 = tpu.matmul %max3A_11, %get3A_14, %dot_general3A_15 {dimension_numbers = #tpu.dot_dimension_numbers<[1], [0], [0], [1], [0, 0, 1, 1], [], []>, precision = #tpu.contract_precision<fp32>, transpose_lhs_hint = false} : vector<1024x128xf32>, vector<128x128xf32>, vector<1024x128xf32> -> vector<1024x128xf32>
    %get3A_17 = arith.constant 0 : index
    %get3A_18 = arith.constant 0 : index
    %get3A_19 = vector.load %arg4[%get3A_17, %get3A_18] : memref<1x128xf32, #tpu.memory_space<vmem>>, vector<1x128xf32>
    %add3A_20 = vector.broadcast %get3A_19 : vector<1x128xf32> to vector<1024x128xf32>
    %add3A_21 = arith.addf %dot_general3A_16, %add3A_20 : vector<1024x128xf32>
    %max3A_22 = arith.constant 0.000000e+00 : f32
    %max3A_23 = vector.broadcast %max3A_22 : f32 to vector<1024x128xf32>
    %max3A_24 = arith.maximumf %add3A_21, %max3A_23 : vector<1024x128xf32>
    %get3A_25 = arith.constant 0 : index
    %get3A_26 = arith.constant 0 : index
    %get3A_27 = vector.load %arg5[%get3A_25, %get3A_26] : memref<128x128xf32, #tpu.memory_space<vmem>>, vector<128x128xf32>
    %dot_general3A_28 = arith.constant dense<0.000000e+00> : vector<1024x128xf32>
    %dot_general3A_29 = tpu.matmul %max3A_24, %get3A_27, %dot_general3A_28 {dimension_numbers = #tpu.dot_dimension_numbers<[1], [0], [0], [1], [0, 0, 1, 1], [], []>, precision = #tpu.contract_precision<fp32>, transpose_lhs_hint = false} : vector<1024x128xf32>, vector<128x128xf32>, vector<1024x128xf32> -> vector<1024x128xf32>
    %get3A_30 = arith.constant 0 : index
    %get3A_31 = arith.constant 0 : index
    %get3A_32 = vector.load %arg6[%get3A_30, %get3A_31] : memref<1x128xf32, #tpu.memory_space<vmem>>, vector<1x128xf32>
    %add3A_33 = vector.broadcast %get3A_32 : vector<1x128xf32> to vector<1024x128xf32>
    %add3A_34 = arith.addf %dot_general3A_29, %add3A_33 : vector<1024x128xf32>
    %swap3A = arith.constant 0 : index
    %swap3A_35 = arith.constant 0 : index
    %swap3A_36 = vector.load %arg7[%swap3A, %swap3A_35] : memref<1024x128xf32, #tpu.memory_space<vmem>>, vector<1024x128xf32>
    tpu.vector_store %arg7[%swap3A, %swap3A_35], %add3A_34 {strides = array<i32>} : memref<1024x128xf32, #tpu.memory_space<vmem>>, vector<1024x128xf32>,
    return
  }
}

module attributes {stable_mosaic.version = 14 : i64} {
  func.func @_front_body(%arg0: i32, %arg1: i32, %arg2: memref<1024x8xf32, #tpu.memory_space<vmem>>, %arg3: memref<8x2048xf32, #tpu.memory_space<vmem>>, %arg4: memref<1024x128xf32, #tpu.memory_space<vmem>>, %arg5: memref<2048x128xf32, #tpu.memory_space<vmem>>, %arg6: memref<1024x1xf32, #tpu.memory_space<vmem>>) attributes {dimension_semantics = [#tpu.dimension_semantics<arbitrary>, #tpu.dimension_semantics<arbitrary>], iteration_bounds = array<i64: 2, 5>, scalar_prefetch = 0 : i64, scratch_operands = 1 : i64, tpu.core_type = #tpu.core_type<tc>, window_params = [{pipeline_mode = #tpu.pipeline_mode<synchronous>, transform_indices = @transform_0, window_bounds = array<i64: 1024, 8>}, {transform_indices = @transform_1, window_bounds = array<i64: 8, 2048>}, {pipeline_mode = #tpu.pipeline_mode<synchronous>, transform_indices = @transform_2, window_bounds = array<i64: 1024, 128>}, {transform_indices = @transform_3, window_bounds = array<i64: 2048, 128>}]} {
    %get3A = arith.constant 0 : index
    %get3A_0 = arith.constant 0 : index
    %get3A_1 = vector.load %arg2[%get3A, %get3A_0] : memref<1024x8xf32, #tpu.memory_space<vmem>>, vector<1024x8xf32>
    %get3A_2 = arith.constant 0 : index
    %get3A_3 = arith.constant 0 : index
    %get3A_4 = vector.load %arg3[%get3A_2, %get3A_3] : memref<8x2048xf32, #tpu.memory_space<vmem>>, vector<8x2048xf32>
    %dot_general3A = arith.constant dense<0.000000e+00> : vector<1024x2048xf32>
    %dot_general3A_5 = tpu.matmul %get3A_1, %get3A_4, %dot_general3A {dimension_numbers = #tpu.dot_dimension_numbers<[1], [0], [0], [1], [0, 0, 1, 1], [], []>, precision = #tpu.contract_precision<fp32>, transpose_lhs_hint = false} : vector<1024x8xf32>, vector<8x2048xf32>, vector<1024x2048xf32> -> vector<1024x2048xf32>
    %exp3A = math.exp %dot_general3A_5 : vector<1024x2048xf32>
    %eq3A = arith.constant 0 : i32
    %eq3A_6 = arith.cmpi eq, %arg0, %eq3A : i32
    %convert_element_type3A = arith.extui %eq3A_6 : i1 to i32
    %cond3A = arith.constant 0 : i32
    %cond3A_7 = arith.cmpi ne, %convert_element_type3A, %cond3A : i32
    scf.if %cond3A_7 {
      %reduce_sum3A = arith.constant dense<0.000000e+00> : vector<1024xf32>
      %reduce_sum3A_13 = vector.multi_reduction <add>, %exp3A, %reduce_sum3A [1] : vector<1024x2048xf32> to vector<1024xf32>
      %broadcast_in_dim3A = vector.shape_cast %reduce_sum3A_13 : vector<1024xf32> to vector<1024x1xf32>
      %eq3A_14 = arith.constant 0 : i32
      %eq3A_15 = arith.cmpi eq, %arg1, %eq3A_14 : i32
      %convert_element_type3A_16 = arith.extui %eq3A_15 : i1 to i32
      %cond3A_17 = arith.constant 0 : i32
      %cond3A_18 = arith.cmpi ne, %convert_element_type3A_16, %cond3A_17 : i32
      scf.if %cond3A_18 {
        %swap3A = arith.constant 0 : index
        %swap3A_23 = arith.constant 0 : index
        %swap3A_24 = vector.load %arg6[%swap3A, %swap3A_23] : memref<1024x1xf32, #tpu.memory_space<vmem>>, vector<1024x1xf32>
        tpu.vector_store %arg6[%swap3A, %swap3A_23], %broadcast_in_dim3A {strides = array<i32>} : memref<1024x1xf32, #tpu.memory_space<vmem>>, vector<1024x1xf32>,
      } else {
      }
      %gt3A = arith.constant 0 : i32
      %gt3A_19 = arith.cmpi sgt, %arg1, %gt3A : i32
      %convert_element_type3A_20 = arith.extui %gt3A_19 : i1 to i32
      %cond3A_21 = arith.constant 0 : i32
      %cond3A_22 = arith.cmpi ne, %convert_element_type3A_20, %cond3A_21 : i32
      scf.if %cond3A_22 {
        %get3A_23 = arith.constant 0 : index
        %get3A_24 = arith.constant 0 : index
        %get3A_25 = vector.load %arg6[%get3A_23, %get3A_24] : memref<1024x1xf32, #tpu.memory_space<vmem>>, vector<1024x1xf32>
        %add3A = arith.addf %get3A_25, %broadcast_in_dim3A : vector<1024x1xf32>
        %swap3A = arith.constant 0 : index
        %swap3A_26 = arith.constant 0 : index
        %swap3A_27 = vector.load %arg6[%swap3A, %swap3A_26] : memref<1024x1xf32, #tpu.memory_space<vmem>>, vector<1024x1xf32>
        tpu.vector_store %arg6[%swap3A, %swap3A_26], %add3A {strides = array<i32>} : memref<1024x1xf32, #tpu.memory_space<vmem>>, vector<1024x1xf32>,
      } else {
      }
    } else {
    }
    %eq3A_8 = arith.constant 1 : i32
    %eq3A_9 = arith.cmpi eq, %arg0, %eq3A_8 : i32
    %convert_element_type3A_10 = arith.extui %eq3A_9 : i1 to i32
    %cond3A_11 = arith.constant 0 : i32
    %cond3A_12 = arith.cmpi ne, %convert_element_type3A_10, %cond3A_11 : i32
    scf.if %cond3A_12 {
      %get3A_13 = arith.constant 0 : index
      %get3A_14 = arith.constant 0 : index
      %get3A_15 = vector.load %arg6[%get3A_13, %get3A_14] : memref<1024x1xf32, #tpu.memory_space<vmem>>, vector<1024x1xf32>
      %div3A = vector.broadcast %get3A_15 : vector<1024x1xf32> to vector<1024x2048xf32>
      %div3A_16 = arith.divf %exp3A, %div3A : vector<1024x2048xf32>
      %convert_element_type3A_17 = arith.truncf %div3A_16 : vector<1024x2048xf32> to vector<1024x2048xbf16>
      %get3A_18 = arith.constant 0 : index
      %get3A_19 = arith.constant 0 : index
      %get3A_20 = vector.load %arg4[%get3A_18, %get3A_19] : memref<1024x128xf32, #tpu.memory_space<vmem>>, vector<1024x128xf32>
      %convert_element_type3A_21 = arith.truncf %get3A_20 : vector<1024x128xf32> to vector<1024x128xbf16>
      %dot_general3A_22 = arith.constant dense<0.000000e+00> : vector<2048x128xf32>
      %dot_general3A_23 = tpu.matmul %convert_element_type3A_17, %convert_element_type3A_21, %dot_general3A_22 {dimension_numbers = #tpu.dot_dimension_numbers<[0], [0], [1], [1], [0, 1, 1, 1], [], []>, transpose_lhs_hint = false} : vector<1024x2048xbf16>, vector<1024x128xbf16>, vector<2048x128xf32> -> vector<2048x128xf32>
      %swap3A = arith.constant 0 : index
      %swap3A_24 = arith.constant 0 : index
      %swap3A_25 = vector.load %arg5[%swap3A, %swap3A_24] : memref<2048x128xf32, #tpu.memory_space<vmem>>, vector<2048x128xf32>
      tpu.vector_store %arg5[%swap3A, %swap3A_24], %dot_general3A_23 {strides = array<i32>} : memref<2048x128xf32, #tpu.memory_space<vmem>>, vector<2048x128xf32>,
    } else {
    }
    return
  }
  func.func @transform_0(%arg0: i32, %arg1: i32) -> (i32, i32) {
    %c0_i32 = arith.constant 0 : i32
    %c0_i32_0 = arith.constant 0 : i32
    %c0_i32_1 = arith.constant 0 : i32
    return %c0_i32, %c0_i32_0 : i32, i32
  }
  func.func @transform_1(%arg0: i32, %arg1: i32) -> (i32, i32) {
    %c0_i32 = arith.constant 0 : i32
    %c0_i32_0 = arith.constant 0 : i32
    return %c0_i32, %arg1 : i32, i32
  }
  func.func @transform_2(%arg0: i32, %arg1: i32) -> (i32, i32) {
    %c0_i32 = arith.constant 0 : i32
    %c0_i32_0 = arith.constant 0 : i32
    %c0_i32_1 = arith.constant 0 : i32
    return %c0_i32, %c0_i32_0 : i32, i32
  }
  func.func @transform_3(%arg0: i32, %arg1: i32) -> (i32, i32) {
    %c0_i32 = arith.constant 0 : i32
    %c0_i32_0 = arith.constant 0 : i32
    return %arg1, %c0_i32 : i32, i32
  }
}

module attributes {stable_mosaic.version = 14 : i64} {
  func.func @_ab_body(%arg0: i32, %arg1: memref<2048x128xf32, #tpu.memory_space<vmem>>, %arg2: memref<128x128xf32, #tpu.memory_space<vmem>>, %arg3: memref<128x128xf32, #tpu.memory_space<vmem>>, %arg4: memref<1x128xf32, #tpu.memory_space<vmem>>, %arg5: memref<2048x128xf32, #tpu.memory_space<vmem>>, %arg6: memref<2048x128xf32, #tpu.memory_space<vmem>>) attributes {dimension_semantics = [#tpu.dimension_semantics<arbitrary>], iteration_bounds = array<i64: 5>, scalar_prefetch = 0 : i64, scratch_operands = 0 : i64, tpu.core_type = #tpu.core_type<tc>, window_params = [{transform_indices = @transform_0, window_bounds = array<i64: 2048, 128>}, {pipeline_mode = #tpu.pipeline_mode<synchronous>, transform_indices = @transform_1, window_bounds = array<i64: 128, 128>}, {pipeline_mode = #tpu.pipeline_mode<synchronous>, transform_indices = @transform_2, window_bounds = array<i64: 128, 128>}, {pipeline_mode = #tpu.pipeline_mode<synchronous>, transform_indices = @transform_3, window_bounds = array<i64: 1, 128>}, {transform_indices = @transform_4, window_bounds = array<i64: 2048, 128>}, {transform_indices = @transform_5, window_bounds = array<i64: 2048, 128>}]} {
    %get3A = arith.constant 0 : index
    %get3A_0 = arith.constant 0 : index
    %get3A_1 = vector.load %arg1[%get3A, %get3A_0] : memref<2048x128xf32, #tpu.memory_space<vmem>>, vector<2048x128xf32>
    %get3A_2 = arith.constant 0 : index
    %get3A_3 = arith.constant 0 : index
    %get3A_4 = vector.load %arg2[%get3A_2, %get3A_3] : memref<128x128xf32, #tpu.memory_space<vmem>>, vector<128x128xf32>
    %dot_general3A = arith.constant dense<0.000000e+00> : vector<2048x128xf32>
    %dot_general3A_5 = tpu.matmul %get3A_1, %get3A_4, %dot_general3A {dimension_numbers = #tpu.dot_dimension_numbers<[1], [0], [0], [1], [0, 0, 1, 1], [], []>, precision = #tpu.contract_precision<fp32>, transpose_lhs_hint = false} : vector<2048x128xf32>, vector<128x128xf32>, vector<2048x128xf32> -> vector<2048x128xf32>
    %get3A_6 = arith.constant 0 : index
    %get3A_7 = arith.constant 0 : index
    %get3A_8 = vector.load %arg4[%get3A_6, %get3A_7] : memref<1x128xf32, #tpu.memory_space<vmem>>, vector<1x128xf32>
    %add3A = vector.broadcast %get3A_8 : vector<1x128xf32> to vector<2048x128xf32>
    %add3A_9 = arith.addf %dot_general3A_5, %add3A : vector<2048x128xf32>
    %swap3A = arith.constant 0 : index
    %swap3A_10 = arith.constant 0 : index
    %swap3A_11 = vector.load %arg5[%swap3A, %swap3A_10] : memref<2048x128xf32, #tpu.memory_space<vmem>>, vector<2048x128xf32>
    tpu.vector_store %arg5[%swap3A, %swap3A_10], %add3A_9 {strides = array<i32>} : memref<2048x128xf32, #tpu.memory_space<vmem>>, vector<2048x128xf32>,
    %get3A_12 = arith.constant 0 : index
    %get3A_13 = arith.constant 0 : index
    %get3A_14 = vector.load %arg3[%get3A_12, %get3A_13] : memref<128x128xf32, #tpu.memory_space<vmem>>, vector<128x128xf32>
    %dot_general3A_15 = arith.constant dense<0.000000e+00> : vector<2048x128xf32>
    %dot_general3A_16 = tpu.matmul %get3A_1, %get3A_14, %dot_general3A_15 {dimension_numbers = #tpu.dot_dimension_numbers<[1], [0], [0], [1], [0, 0, 1, 1], [], []>, precision = #tpu.contract_precision<fp32>, transpose_lhs_hint = false} : vector<2048x128xf32>, vector<128x128xf32>, vector<2048x128xf32> -> vector<2048x128xf32>
    %swap3A_17 = arith.constant 0 : index
    %swap3A_18 = arith.constant 0 : index
    %swap3A_19 = vector.load %arg6[%swap3A_17, %swap3A_18] : memref<2048x128xf32, #tpu.memory_space<vmem>>, vector<2048x128xf32>
    tpu.vector_store %arg6[%swap3A_17, %swap3A_18], %dot_general3A_16 {strides = array<i32>} : memref<2048x128xf32, #tpu.memory_space<vmem>>, vector<2048x128xf32>,
    return
  }
  func.func @transform_0(%arg0: i32) -> (i32, i32) {
    %c0_i32 = arith.constant 0 : i32
    %c0_i32_0 = arith.constant 0 : i32
    return %arg0, %c0_i32 : i32, i32
  }
  func.func @transform_1(%arg0: i32) -> (i32, i32) {
    %c0_i32 = arith.constant 0 : i32
    %c0_i32_0 = arith.constant 0 : i32
    %c0_i32_1 = arith.constant 0 : i32
    return %c0_i32, %c0_i32_0 : i32, i32
  }
  func.func @transform_2(%arg0: i32) -> (i32, i32) {
    %c0_i32 = arith.constant 0 : i32
    %c0_i32_0 = arith.constant 0 : i32
    %c0_i32_1 = arith.constant 0 : i32
    return %c0_i32, %c0_i32_0 : i32, i32
  }
  func.func @transform_3(%arg0: i32) -> (i32, i32) {
    %c0_i32 = arith.constant 0 : i32
    %c0_i32_0 = arith.constant 0 : i32
    %c0_i32_1 = arith.constant 0 : i32
    return %c0_i32, %c0_i32_0 : i32, i32
  }
  func.func @transform_4(%arg0: i32) -> (i32, i32) {
    %c0_i32 = arith.constant 0 : i32
    %c0_i32_0 = arith.constant 0 : i32
    return %arg0, %c0_i32 : i32, i32
  }
  func.func @transform_5(%arg0: i32) -> (i32, i32) {
    %c0_i32 = arith.constant 0 : i32
    %c0_i32_0 = arith.constant 0 : i32
    return %arg0, %c0_i32 : i32, i32
  }
}

module attributes {stable_mosaic.version = 14 : i64} {
  func.func @_h2_body(%arg0: i32, %arg1: memref<4096x128xf32, #tpu.memory_space<vmem>>, %arg2: memref<128x128xf32, #tpu.memory_space<vmem>>, %arg3: memref<1x128xf32, #tpu.memory_space<vmem>>, %arg4: memref<4096x128xf32, #tpu.memory_space<vmem>>) attributes {dimension_semantics = [#tpu.dimension_semantics<arbitrary>], iteration_bounds = array<i64: 80>, scalar_prefetch = 0 : i64, scratch_operands = 0 : i64, tpu.core_type = #tpu.core_type<tc>, window_params = [{transform_indices = @transform_0, window_bounds = array<i64: 4096, 128>}, {pipeline_mode = #tpu.pipeline_mode<synchronous>, transform_indices = @transform_1, window_bounds = array<i64: 128, 128>}, {pipeline_mode = #tpu.pipeline_mode<synchronous>, transform_indices = @transform_2, window_bounds = array<i64: 1, 128>}, {transform_indices = @transform_3, window_bounds = array<i64: 4096, 128>}]} {
    %get3A = arith.constant 0 : index
    %get3A_0 = arith.constant 0 : index
    %get3A_1 = vector.load %arg1[%get3A, %get3A_0] : memref<4096x128xf32, #tpu.memory_space<vmem>>, vector<4096x128xf32>
    %convert_element_type3A = arith.truncf %get3A_1 : vector<4096x128xf32> to vector<4096x128xbf16>
    %get3A_2 = arith.constant 0 : index
    %get3A_3 = arith.constant 0 : index
    %get3A_4 = vector.load %arg2[%get3A_2, %get3A_3] : memref<128x128xf32, #tpu.memory_space<vmem>>, vector<128x128xf32>
    %convert_element_type3A_5 = arith.truncf %get3A_4 : vector<128x128xf32> to vector<128x128xbf16>
    %dot_general3A = arith.constant dense<0.000000e+00> : vector<4096x128xf32>
    %dot_general3A_6 = tpu.matmul %convert_element_type3A, %convert_element_type3A_5, %dot_general3A {dimension_numbers = #tpu.dot_dimension_numbers<[1], [0], [0], [1], [0, 0, 1, 1], [], []>, transpose_lhs_hint = false} : vector<4096x128xbf16>, vector<128x128xbf16>, vector<4096x128xf32> -> vector<4096x128xf32>
    %get3A_7 = arith.constant 0 : index
    %get3A_8 = arith.constant 0 : index
    %get3A_9 = vector.load %arg3[%get3A_7, %get3A_8] : memref<1x128xf32, #tpu.memory_space<vmem>>, vector<1x128xf32>
    %add3A = vector.broadcast %get3A_9 : vector<1x128xf32> to vector<4096x128xf32>
    %add3A_10 = arith.addf %dot_general3A_6, %add3A : vector<4096x128xf32>
    %max3A = arith.constant 0.000000e+00 : f32
    %max3A_11 = vector.broadcast %max3A : f32 to vector<4096x128xf32>
    %max3A_12 = arith.maximumf %add3A_10, %max3A_11 : vector<4096x128xf32>
    %swap3A = arith.constant 0 : index
    %swap3A_13 = arith.constant 0 : index
    %swap3A_14 = vector.load %arg4[%swap3A, %swap3A_13] : memref<4096x128xf32, #tpu.memory_space<vmem>>, vector<4096x128xf32>
    tpu.vector_store %arg4[%swap3A, %swap3A_13], %max3A_12 {strides = array<i32>} : memref<4096x128xf32, #tpu.memory_space<vmem>>, vector<4096x128xf32>,
    return
  }
  func.func @transform_0(%arg0: i32) -> (i32, i32) {
    %c0_i32 = arith.constant 0 : i32
    %c0_i32_0 = arith.constant 0 : i32
    return %arg0, %c0_i32 : i32, i32
  }
  func.func @transform_1(%arg0: i32) -> (i32, i32) {
    %c0_i32 = arith.constant 0 : i32
    %c0_i32_0 = arith.constant 0 : i32
    %c0_i32_1 = arith.constant 0 : i32
    return %c0_i32, %c0_i32_0 : i32, i32
  }
  func.func @transform_2(%arg0: i32) -> (i32, i32) {
    %c0_i32 = arith.constant 0 : i32
    %c0_i32_0 = arith.constant 0 : i32
    %c0_i32_1 = arith.constant 0 : i32
    return %c0_i32, %c0_i32_0 : i32, i32
  }
  func.func @transform_3(%arg0: i32) -> (i32, i32) {
    %c0_i32 = arith.constant 0 : i32
    %c0_i32_0 = arith.constant 0 : i32
    return %arg0, %c0_i32 : i32, i32
  }
}

module attributes {stable_mosaic.version = 14 : i64} {
  func.func @_node_body(%arg0: i32, %arg1: memref<2x2048x128xf32, #tpu.memory_space<vmem>>, %arg2: memref<2x2048x1xf32, #tpu.memory_space<vmem>>, %arg3: memref<2048x128xf32, #tpu.memory_space<vmem>>, %arg4: memref<128x128xf32, #tpu.memory_space<vmem>>, %arg5: memref<1x128xf32, #tpu.memory_space<vmem>>, %arg6: memref<128x128xf32, #tpu.memory_space<vmem>>, %arg7: memref<128x128xf32, #tpu.memory_space<vmem>>, %arg8: memref<1x128xf32, #tpu.memory_space<vmem>>, %arg9: memref<128x128xf32, #tpu.memory_space<vmem>>, %arg10: memref<1x128xf32, #tpu.memory_space<vmem>>, %arg11: memref<128x128xf32, #tpu.memory_space<vmem>>, %arg12: memref<1x128xf32, #tpu.memory_space<vmem>>, %arg13: memref<2048x128xf32, #tpu.memory_space<vmem>>) attributes {dimension_semantics = [#tpu.dimension_semantics<arbitrary>], iteration_bounds = array<i64: 5>, scalar_prefetch = 0 : i64, scratch_operands = 0 : i64, tpu.core_type = #tpu.core_type<tc>, window_params = [{transform_indices = @transform_0, window_bounds = array<i64: 2, 2048, 128>}, {transform_indices = @transform_1, window_bounds = array<i64: 2, 2048, 1>}, {transform_indices = @transform_2, window_bounds = array<i64: 2048, 128>}, {pipeline_mode = #tpu.pipeline_mode<synchronous>, transform_indices = @transform_3, window_bounds = array<i64: 128, 128>}, {pipeline_mode = #tpu.pipeline_mode<synchronous>, transform_indices = @transform_4, window_bounds = array<i64: 1, 128>}, {pipeline_mode = #tpu.pipeline_mode<synchronous>, transform_indices = @transform_5, window_bounds = array<i64: 128, 128>}, {pipeline_mode = #tpu.pipeline_mode<synchronous>, transform_indices = @transform_6, window_bounds = array<i64: 128, 128>}, {pipeline_mode = #tpu.pipeline_mode<synchronous>, transform_indices = @transform_7, window_bounds = array<i64: 1, 128>}, {pipeline_mode = #tpu.pipeline_mode<synchronous>, transform_indices = @transform_8, window_bounds = array<i64: 128, 128>}, {pipeline_mode = #tpu.pipeline_mode<synchronous>, transform_indices = @transform_9, window_bounds = array<i64: 1, 128>}, {pipeline_mode = #tpu.pipeline_mode<synchronous>, transform_indices = @transform_10, window_bounds = array<i64: 128, 128>}, {pipeline_mode = #tpu.pipeline_mode<synchronous>, transform_indices = @transform_11, window_bounds = array<i64: 1, 128>}, {transform_indices = @transform_12, window_bounds = array<i64: 2048, 128>}]} {
    %get3A = arith.constant 0 : index
    %get3A_0 = arith.constant 0 : index
    %get3A_1 = arith.constant 0 : index
    %get3A_2 = vector.load %arg1[%get3A, %get3A_0, %get3A_1] : memref<2x2048x128xf32, #tpu.memory_space<vmem>>, vector<1x2048x128xf32>
    %get3A_3 = vector.shape_cast %get3A_2 : vector<1x2048x128xf32> to vector<2048x128xf32>
    %get3A_4 = arith.constant 1 : index
    %get3A_5 = arith.constant 0 : index
    %get3A_6 = arith.constant 0 : index
    %get3A_7 = vector.load %arg1[%get3A_4, %get3A_5, %get3A_6] : memref<2x2048x128xf32, #tpu.memory_space<vmem>>, vector<1x2048x128xf32>
    %get3A_8 = vector.shape_cast %get3A_7 : vector<1x2048x128xf32> to vector<2048x128xf32>
    %add3A = arith.addf %get3A_3, %get3A_8 : vector<2048x128xf32>
    %get3A_9 = arith.constant 0 : index
    %get3A_10 = arith.constant 0 : index
    %get3A_11 = arith.constant 0 : index
    %get3A_12 = vector.load %arg2[%get3A_9, %get3A_10, %get3A_11] : memref<2x2048x1xf32, #tpu.memory_space<vmem>>, vector<1x2048x1xf32>
    %get3A_13 = vector.shape_cast %get3A_12 : vector<1x2048x1xf32> to vector<2048x1xf32>
    %get3A_14 = arith.constant 1 : index
    %get3A_15 = arith.constant 0 : index
    %get3A_16 = arith.constant 0 : index
    %get3A_17 = vector.load %arg2[%get3A_14, %get3A_15, %get3A_16] : memref<2x2048x1xf32, #tpu.memory_space<vmem>>, vector<1x2048x1xf32>
    %get3A_18 = vector.shape_cast %get3A_17 : vector<1x2048x1xf32> to vector<2048x1xf32>
    %add3A_19 = arith.addf %get3A_13, %get3A_18 : vector<2048x1xf32>
    %get3A_20 = arith.constant 0 : index
    %get3A_21 = arith.constant 0 : index
    %get3A_22 = vector.load %arg4[%get3A_20, %get3A_21] : memref<128x128xf32, #tpu.memory_space<vmem>>, vector<128x128xf32>
    %dot_general3A = arith.constant dense<0.000000e+00> : vector<2048x128xf32>
    %dot_general3A_23 = tpu.matmul %add3A, %get3A_22, %dot_general3A {dimension_numbers = #tpu.dot_dimension_numbers<[1], [0], [0], [1], [0, 0, 1, 1], [], []>, precision = #tpu.contract_precision<fp32>, transpose_lhs_hint = false} : vector<2048x128xf32>, vector<128x128xf32>, vector<2048x128xf32> -> vector<2048x128xf32>
    %get3A_24 = arith.constant 0 : index
    %get3A_25 = arith.constant 0 : index
    %get3A_26 = vector.load %arg5[%get3A_24, %get3A_25] : memref<1x128xf32, #tpu.memory_space<vmem>>, vector<1x128xf32>
    %mul3A = vector.broadcast %add3A_19 : vector<2048x1xf32> to vector<2048x128xf32>
    %mul3A_27 = vector.broadcast %get3A_26 : vector<1x128xf32> to vector<2048x128xf32>
    %mul3A_28 = arith.mulf %mul3A, %mul3A_27 : vector<2048x128xf32>
    %add3A_29 = arith.addf %dot_general3A_23, %mul3A_28 : vector<2048x128xf32>
    %get3A_30 = arith.constant 0 : index
    %get3A_31 = arith.constant 0 : index
    %get3A_32 = vector.load %arg3[%get3A_30, %get3A_31] : memref<2048x128xf32, #tpu.memory_space<vmem>>, vector<2048x128xf32>
    %get3A_33 = arith.constant 0 : index
    %get3A_34 = arith.constant 0 : index
    %get3A_35 = vector.load %arg6[%get3A_33, %get3A_34] : memref<128x128xf32, #tpu.memory_space<vmem>>, vector<128x128xf32>
    %dot_general3A_36 = arith.constant dense<0.000000e+00> : vector<2048x128xf32>
    %dot_general3A_37 = tpu.matmul %get3A_32, %get3A_35, %dot_general3A_36 {dimension_numbers = #tpu.dot_dimension_numbers<[1], [0], [0], [1], [0, 0, 1, 1], [], []>, precision = #tpu.contract_precision<fp32>, transpose_lhs_hint = false} : vector<2048x128xf32>, vector<128x128xf32>, vector<2048x128xf32> -> vector<2048x128xf32>
    %get3A_38 = arith.constant 0 : index
    %get3A_39 = arith.constant 0 : index
    %get3A_40 = vector.load %arg7[%get3A_38, %get3A_39] : memref<128x128xf32, #tpu.memory_space<vmem>>, vector<128x128xf32>
    %dot_general3A_41 = arith.constant dense<0.000000e+00> : vector<2048x128xf32>
    %dot_general3A_42 = tpu.matmul %add3A_29, %get3A_40, %dot_general3A_41 {dimension_numbers = #tpu.dot_dimension_numbers<[1], [0], [0], [1], [0, 0, 1, 1], [], []>, precision = #tpu.contract_precision<fp32>, transpose_lhs_hint = false} : vector<2048x128xf32>, vector<128x128xf32>, vector<2048x128xf32> -> vector<2048x128xf32>
    %add3A_43 = arith.addf %dot_general3A_37, %dot_general3A_42 : vector<2048x128xf32>
    %get3A_44 = arith.constant 0 : index
    %get3A_45 = arith.constant 0 : index
    %get3A_46 = vector.load %arg8[%get3A_44, %get3A_45] : memref<1x128xf32, #tpu.memory_space<vmem>>, vector<1x128xf32>
    %add3A_47 = vector.broadcast %get3A_46 : vector<1x128xf32> to vector<2048x128xf32>
    %add3A_48 = arith.addf %add3A_43, %add3A_47 : vector<2048x128xf32>
    %max3A = arith.constant 0.000000e+00 : f32
    %max3A_49 = vector.broadcast %max3A : f32 to vector<2048x128xf32>
    %max3A_50 = arith.maximumf %add3A_48, %max3A_49 : vector<2048x128xf32>
    %get3A_51 = arith.constant 0 : index
    %get3A_52 = arith.constant 0 : index
    %get3A_53 = vector.load %arg9[%get3A_51, %get3A_52] : memref<128x128xf32, #tpu.memory_space<vmem>>, vector<128x128xf32>
    %dot_general3A_54 = arith.constant dense<0.000000e+00> : vector<2048x128xf32>
    %dot_general3A_55 = tpu.matmul %max3A_50, %get3A_53, %dot_general3A_54 {dimension_numbers = #tpu.dot_dimension_numbers<[1], [0], [0], [1], [0, 0, 1, 1], [], []>, precision = #tpu.contract_precision<fp32>, transpose_lhs_hint = false} : vector<2048x128xf32>, vector<128x128xf32>, vector<2048x128xf32> -> vector<2048x128xf32>
    %get3A_56 = arith.constant 0 : index
    %get3A_57 = arith.constant 0 : index
    %get3A_58 = vector.load %arg10[%get3A_56, %get3A_57] : memref<1x128xf32, #tpu.memory_space<vmem>>, vector<1x128xf32>
    %add3A_59 = vector.broadcast %get3A_58 : vector<1x128xf32> to vector<2048x128xf32>
    %add3A_60 = arith.addf %dot_general3A_55, %add3A_59 : vector<2048x128xf32>
    %max3A_61 = arith.constant 0.000000e+00 : f32
    %max3A_62 = vector.broadcast %max3A_61 : f32 to vector<2048x128xf32>
    %max3A_63 = arith.maximumf %add3A_60, %max3A_62 : vector<2048x128xf32>
    %get3A_64 = arith.constant 0 : index
    %get3A_65 = arith.constant 0 : index
    %get3A_66 = vector.load %arg11[%get3A_64, %get3A_65] : memref<128x128xf32, #tpu.memory_space<vmem>>, vector<128x128xf32>
    %dot_general3A_67 = arith.constant dense<0.000000e+00> : vector<2048x128xf32>
    %dot_general3A_68 = tpu.matmul %max3A_63, %get3A_66, %dot_general3A_67 {dimension_numbers = #tpu.dot_dimension_numbers<[1], [0], [0], [1], [0, 0, 1, 1], [], []>, precision = #tpu.contract_precision<fp32>, transpose_lhs_hint = false} : vector<2048x128xf32>, vector<128x128xf32>, vector<2048x128xf32> -> vector<2048x128xf32>
    %add3A_69 = arith.addf %get3A_32, %dot_general3A_68 : vector<2048x128xf32>
    %get3A_70 = arith.constant 0 : index
    %get3A_71 = arith.constant 0 : index
    %get3A_72 = vector.load %arg12[%get3A_70, %get3A_71] : memref<1x128xf32, #tpu.memory_space<vmem>>, vector<1x128xf32>
    %add3A_73 = vector.broadcast %get3A_72 : vector<1x128xf32> to vector<2048x128xf32>
    %add3A_74 = arith.addf %add3A_69, %add3A_73 : vector<2048x128xf32>
    %swap3A = arith.constant 0 : index
    %swap3A_75 = arith.constant 0 : index
    %swap3A_76 = vector.load %arg13[%swap3A, %swap3A_75] : memref<2048x128xf32, #tpu.memory_space<vmem>>, vector<2048x128xf32>
    tpu.vector_store %arg13[%swap3A, %swap3A_75], %add3A_74 {strides = array<i32>} : memref<2048x128xf32, #tpu.memory_space<vmem>>, vector<2048x128xf32>,
    return
  }
  func.func @transform_0(%arg0: i32) -> (i32, i32, i32) {
    %c0_i32 = arith.constant 0 : i32
    %c0_i32_0 = arith.constant 0 : i32
    %c0_i32_1 = arith.constant 0 : i32
    return %c0_i32, %arg0, %c0_i32_0 : i32, i32, i32
  }
  func.func @transform_1(%arg0: i32) -> (i32, i32, i32) {
    %c0_i32 = arith.constant 0 : i32
    %c0_i32_0 = arith.constant 0 : i32
    %c0_i32_1 = arith.constant 0 : i32
    return %c0_i32, %arg0, %c0_i32_0 : i32, i32, i32
  }
  func.func @transform_2(%arg0: i32) -> (i32, i32) {
    %c0_i32 = arith.constant 0 : i32
    %c0_i32_0 = arith.constant 0 : i32
    return %arg0, %c0_i32 : i32, i32
  }
  func.func @transform_3(%arg0: i32) -> (i32, i32) {
    %c0_i32 = arith.constant 0 : i32
    %c0_i32_0 = arith.constant 0 : i32
    %c0_i32_1 = arith.constant 0 : i32
    return %c0_i32, %c0_i32_0 : i32, i32
  }
  func.func @transform_4(%arg0: i32) -> (i32, i32) {
    %c0_i32 = arith.constant 0 : i32
    %c0_i32_0 = arith.constant 0 : i32
    %c0_i32_1 = arith.constant 0 : i32
    return %c0_i32, %c0_i32_0 : i32, i32
  }
  func.func @transform_5(%arg0: i32) -> (i32, i32) {
    %c0_i32 = arith.constant 0 : i32
    %c0_i32_0 = arith.constant 0 : i32
    %c0_i32_1 = arith.constant 0 : i32
    return %c0_i32, %c0_i32_0 : i32, i32
  }
  func.func @transform_6(%arg0: i32) -> (i32, i32) {
    %c0_i32 = arith.constant 0 : i32
    %c0_i32_0 = arith.constant 0 : i32
    %c0_i32_1 = arith.constant 0 : i32
    return %c0_i32, %c0_i32_0 : i32, i32
  }
  func.func @transform_7(%arg0: i32) -> (i32, i32) {
    %c0_i32 = arith.constant 0 : i32
    %c0_i32_0 = arith.constant 0 : i32
    %c0_i32_1 = arith.constant 0 : i32
    return %c0_i32, %c0_i32_0 : i32, i32
  }
  func.func @transform_8(%arg0: i32) -> (i32, i32) {
    %c0_i32 = arith.constant 0 : i32
    %c0_i32_0 = arith.constant 0 : i32
    %c0_i32_1 = arith.constant 0 : i32
    return %c0_i32, %c0_i32_0 : i32, i32
  }
  func.func @transform_9(%arg0: i32) -> (i32, i32) {
    %c0_i32 = arith.constant 0 : i32
    %c0_i32_0 = arith.constant 0 : i32
    %c0_i32_1 = arith.constant 0 : i32
    return %c0_i32, %c0_i32_0 : i32, i32
  }
  func.func @transform_10(%arg0: i32) -> (i32, i32) {
    %c0_i32 = arith.constant 0 : i32
    %c0_i32_0 = arith.constant 0 : i32
    %c0_i32_1 = arith.constant 0 : i32
    return %c0_i32, %c0_i32_0 : i32, i32
  }
  func.func @transform_11(%arg0: i32) -> (i32, i32) {
    %c0_i32 = arith.constant 0 : i32
    %c0_i32_0 = arith.constant 0 : i32
    %c0_i32_1 = arith.constant 0 : i32
    return %c0_i32, %c0_i32_0 : i32, i32
  }
  func.func @transform_12(%arg0: i32) -> (i32, i32) {
    %c0_i32 = arith.constant 0 : i32
    %c0_i32_0 = arith.constant 0 : i32
    return %arg0, %c0_i32 : i32, i32
  }
}

module attributes {stable_mosaic.version = 14 : i64} {
  func.func @_back_body(%arg0: i32, %arg1: i32, %arg2: memref<2048x8xf32, #tpu.memory_space<vmem>>, %arg3: memref<8x2048xf32, #tpu.memory_space<vmem>>, %arg4: memref<2048x128xf32, #tpu.memory_space<vmem>>, %arg5: memref<128x128xf32, #tpu.memory_space<vmem>>, %arg6: memref<8x128xf32, #tpu.memory_space<vmem>>, %arg7: memref<1x128xf32, #tpu.memory_space<vmem>>, %arg8: memref<128x128xf32, #tpu.memory_space<vmem>>, %arg9: memref<1x128xf32, #tpu.memory_space<vmem>>, %arg10: memref<128x8xf32, #tpu.memory_space<vmem>>, %arg11: memref<1x8xf32, #tpu.memory_space<vmem>>, %arg12: memref<2048x8xf32, #tpu.memory_space<vmem>>, %arg13: memref<2048x1xf32, #tpu.memory_space<vmem>>, %arg14: memref<2048x128xf32, #tpu.memory_space<vmem>>) attributes {dimension_semantics = [#tpu.dimension_semantics<arbitrary>, #tpu.dimension_semantics<arbitrary>], iteration_bounds = array<i64: 2, 5>, scalar_prefetch = 0 : i64, scratch_operands = 2 : i64, tpu.core_type = #tpu.core_type<tc>, window_params = [{pipeline_mode = #tpu.pipeline_mode<synchronous>, transform_indices = @transform_0, window_bounds = array<i64: 2048, 8>}, {transform_indices = @transform_1, window_bounds = array<i64: 8, 2048>}, {transform_indices = @transform_2, window_bounds = array<i64: 2048, 128>}, {pipeline_mode = #tpu.pipeline_mode<synchronous>, transform_indices = @transform_3, window_bounds = array<i64: 128, 128>}, {pipeline_mode = #tpu.pipeline_mode<synchronous>, transform_indices = @transform_4, window_bounds = array<i64: 8, 128>}, {pipeline_mode = #tpu.pipeline_mode<synchronous>, transform_indices = @transform_5, window_bounds = array<i64: 1, 128>}, {pipeline_mode = #tpu.pipeline_mode<synchronous>, transform_indices = @transform_6, window_bounds = array<i64: 128, 128>}, {pipeline_mode = #tpu.pipeline_mode<synchronous>, transform_indices = @transform_7, window_bounds = array<i64: 1, 128>}, {pipeline_mode = #tpu.pipeline_mode<synchronous>, transform_indices = @transform_8, window_bounds = array<i64: 128, 8>}, {pipeline_mode = #tpu.pipeline_mode<synchronous>, transform_indices = @transform_9, window_bounds = array<i64: 1, 8>}, {pipeline_mode = #tpu.pipeline_mode<synchronous>, transform_indices = @transform_10, window_bounds = array<i64: 2048, 8>}]} {
    %get3A = arith.constant 0 : index
    %get3A_0 = arith.constant 0 : index
    %get3A_1 = vector.load %arg2[%get3A, %get3A_0] : memref<2048x8xf32, #tpu.memory_space<vmem>>, vector<2048x8xf32>
    %get3A_2 = arith.constant 0 : index
    %get3A_3 = arith.constant 0 : index
    %get3A_4 = vector.load %arg3[%get3A_2, %get3A_3] : memref<8x2048xf32, #tpu.memory_space<vmem>>, vector<8x2048xf32>
    %dot_general3A = arith.constant dense<0.000000e+00> : vector<2048x2048xf32>
    %dot_general3A_5 = tpu.matmul %get3A_1, %get3A_4, %dot_general3A {dimension_numbers = #tpu.dot_dimension_numbers<[1], [0], [0], [1], [0, 0, 1, 1], [], []>, precision = #tpu.contract_precision<fp32>, transpose_lhs_hint = false} : vector<2048x8xf32>, vector<8x2048xf32>, vector<2048x2048xf32> -> vector<2048x2048xf32>
    %exp3A = math.exp %dot_general3A_5 : vector<2048x2048xf32>
    %eq3A = arith.constant 0 : i32
    %eq3A_6 = arith.cmpi eq, %arg0, %eq3A : i32
    %convert_element_type3A = arith.extui %eq3A_6 : i1 to i32
    %cond3A = arith.constant 0 : i32
    %cond3A_7 = arith.cmpi ne, %convert_element_type3A, %cond3A : i32
    scf.if %cond3A_7 {
      %reduce_sum3A = arith.constant dense<0.000000e+00> : vector<2048xf32>
      %reduce_sum3A_13 = vector.multi_reduction <add>, %exp3A, %reduce_sum3A [1] : vector<2048x2048xf32> to vector<2048xf32>
      %broadcast_in_dim3A = vector.shape_cast %reduce_sum3A_13 : vector<2048xf32> to vector<2048x1xf32>
      %eq3A_14 = arith.constant 0 : i32
      %eq3A_15 = arith.cmpi eq, %arg1, %eq3A_14 : i32
      %convert_element_type3A_16 = arith.extui %eq3A_15 : i1 to i32
      %cond3A_17 = arith.constant 0 : i32
      %cond3A_18 = arith.cmpi ne, %convert_element_type3A_16, %cond3A_17 : i32
      scf.if %cond3A_18 {
        %swap3A = arith.constant 0 : index
        %swap3A_23 = arith.constant 0 : index
        %swap3A_24 = vector.load %arg13[%swap3A, %swap3A_23] : memref<2048x1xf32, #tpu.memory_space<vmem>>, vector<2048x1xf32>
        tpu.vector_store %arg13[%swap3A, %swap3A_23], %broadcast_in_dim3A {strides = array<i32>} : memref<2048x1xf32, #tpu.memory_space<vmem>>, vector<2048x1xf32>,
      } else {
      }
      %gt3A = arith.constant 0 : i32
      %gt3A_19 = arith.cmpi sgt, %arg1, %gt3A : i32
      %convert_element_type3A_20 = arith.extui %gt3A_19 : i1 to i32
      %cond3A_21 = arith.constant 0 : i32
      %cond3A_22 = arith.cmpi ne, %convert_element_type3A_20, %cond3A_21 : i32
      scf.if %cond3A_22 {
        %get3A_23 = arith.constant 0 : index
        %get3A_24 = arith.constant 0 : index
        %get3A_25 = vector.load %arg13[%get3A_23, %get3A_24] : memref<2048x1xf32, #tpu.memory_space<vmem>>, vector<2048x1xf32>
        %add3A = arith.addf %get3A_25, %broadcast_in_dim3A : vector<2048x1xf32>
        %swap3A = arith.constant 0 : index
        %swap3A_26 = arith.constant 0 : index
        %swap3A_27 = vector.load %arg13[%swap3A, %swap3A_26] : memref<2048x1xf32, #tpu.memory_space<vmem>>, vector<2048x1xf32>
        tpu.vector_store %arg13[%swap3A, %swap3A_26], %add3A {strides = array<i32>} : memref<2048x1xf32, #tpu.memory_space<vmem>>, vector<2048x1xf32>,
      } else {
      }
    } else {
    }
    %eq3A_8 = arith.constant 1 : i32
    %eq3A_9 = arith.cmpi eq, %arg0, %eq3A_8 : i32
    %convert_element_type3A_10 = arith.extui %eq3A_9 : i1 to i32
    %cond3A_11 = arith.constant 0 : i32
    %cond3A_12 = arith.cmpi ne, %convert_element_type3A_10, %cond3A_11 : i32
    scf.if %cond3A_12 {
      %convert_element_type3A_13 = arith.truncf %exp3A : vector<2048x2048xf32> to vector<2048x2048xbf16>
      %get3A_14 = arith.constant 0 : index
      %get3A_15 = arith.constant 0 : index
      %get3A_16 = vector.load %arg4[%get3A_14, %get3A_15] : memref<2048x128xf32, #tpu.memory_space<vmem>>, vector<2048x128xf32>
      %convert_element_type3A_17 = arith.truncf %get3A_16 : vector<2048x128xf32> to vector<2048x128xbf16>
      %dot_general3A_18 = arith.constant dense<0.000000e+00> : vector<2048x128xf32>
      %dot_general3A_19 = tpu.matmul %convert_element_type3A_13, %convert_element_type3A_17, %dot_general3A_18 {dimension_numbers = #tpu.dot_dimension_numbers<[1], [0], [0], [1], [0, 0, 1, 1], [], []>, transpose_lhs_hint = false} : vector<2048x2048xbf16>, vector<2048x128xbf16>, vector<2048x128xf32> -> vector<2048x128xf32>
      %eq3A_20 = arith.constant 0 : i32
      %eq3A_21 = arith.cmpi eq, %arg1, %eq3A_20 : i32
      %convert_element_type3A_22 = arith.extui %eq3A_21 : i1 to i32
      %cond3A_23 = arith.constant 0 : i32
      %cond3A_24 = arith.cmpi ne, %convert_element_type3A_22, %cond3A_23 : i32
      scf.if %cond3A_24 {
        %swap3A = arith.constant 0 : index
        %swap3A_34 = arith.constant 0 : index
        %swap3A_35 = vector.load %arg14[%swap3A, %swap3A_34] : memref<2048x128xf32, #tpu.memory_space<vmem>>, vector<2048x128xf32>
        tpu.vector_store %arg14[%swap3A, %swap3A_34], %dot_general3A_19 {strides = array<i32>} : memref<2048x128xf32, #tpu.memory_space<vmem>>, vector<2048x128xf32>,
      } else {
      }
      %gt3A = arith.constant 0 : i32
      %gt3A_25 = arith.cmpi sgt, %arg1, %gt3A : i32
      %convert_element_type3A_26 = arith.extui %gt3A_25 : i1 to i32
      %cond3A_27 = arith.constant 0 : i32
      %cond3A_28 = arith.cmpi ne, %convert_element_type3A_26, %cond3A_27 : i32
      scf.if %cond3A_28 {
        %get3A_34 = arith.constant 0 : index
        %get3A_35 = arith.constant 0 : index
        %get3A_36 = vector.load %arg14[%get3A_34, %get3A_35] : memref<2048x128xf32, #tpu.memory_space<vmem>>, vector<2048x128xf32>
        %add3A = arith.addf %get3A_36, %dot_general3A_19 : vector<2048x128xf32>
        %swap3A = arith.constant 0 : index
        %swap3A_37 = arith.constant 0 : index
        %swap3A_38 = vector.load %arg14[%swap3A, %swap3A_37] : memref<2048x128xf32, #tpu.memory_space<vmem>>, vector<2048x128xf32>
        tpu.vector_store %arg14[%swap3A, %swap3A_37], %add3A {strides = array<i32>} : memref<2048x128xf32, #tpu.memory_space<vmem>>, vector<2048x128xf32>,
      } else {
      }
      %eq3A_29 = arith.constant 4 : i32
      %eq3A_30 = arith.cmpi eq, %arg1, %eq3A_29 : i32
      %convert_element_type3A_31 = arith.extui %eq3A_30 : i1 to i32
      %cond3A_32 = arith.constant 0 : i32
      %cond3A_33 = arith.cmpi ne, %convert_element_type3A_31, %cond3A_32 : i32
      scf.if %cond3A_33 {
        %get3A_34 = arith.constant 0 : index
        %get3A_35 = arith.constant 0 : index
        %get3A_36 = vector.load %arg14[%get3A_34, %get3A_35] : memref<2048x128xf32, #tpu.memory_space<vmem>>, vector<2048x128xf32>
        %get3A_37 = arith.constant 0 : index
        %get3A_38 = arith.constant 0 : index
        %get3A_39 = vector.load %arg13[%get3A_37, %get3A_38] : memref<2048x1xf32, #tpu.memory_space<vmem>>, vector<2048x1xf32>
        %div3A = vector.broadcast %get3A_39 : vector<2048x1xf32> to vector<2048x128xf32>
        %div3A_40 = arith.divf %get3A_36, %div3A : vector<2048x128xf32>
        %get3A_41 = arith.constant 0 : index
        %get3A_42 = arith.constant 0 : index
        %get3A_43 = vector.load %arg5[%get3A_41, %get3A_42] : memref<128x128xf32, #tpu.memory_space<vmem>>, vector<128x128xf32>
        %dot_general3A_44 = arith.constant dense<0.000000e+00> : vector<2048x128xf32>
        %dot_general3A_45 = tpu.matmul %div3A_40, %get3A_43, %dot_general3A_44 {dimension_numbers = #tpu.dot_dimension_numbers<[1], [0], [0], [1], [0, 0, 1, 1], [], []>, precision = #tpu.contract_precision<fp32>, transpose_lhs_hint = false} : vector<2048x128xf32>, vector<128x128xf32>, vector<2048x128xf32> -> vector<2048x128xf32>
        %get3A_46 = arith.constant 0 : index
        %get3A_47 = arith.constant 0 : index
        %get3A_48 = vector.load %arg2[%get3A_46, %get3A_47] : memref<2048x8xf32, #tpu.memory_space<vmem>>, vector<2048x8xf32>
        %get3A_49 = arith.constant 0 : index
        %get3A_50 = arith.constant 0 : index
        %get3A_51 = vector.load %arg6[%get3A_49, %get3A_50] : memref<8x128xf32, #tpu.memory_space<vmem>>, vector<8x128xf32>
        %dot_general3A_52 = arith.constant dense<0.000000e+00> : vector<2048x128xf32>
        %dot_general3A_53 = tpu.matmul %get3A_48, %get3A_51, %dot_general3A_52 {dimension_numbers = #tpu.dot_dimension_numbers<[1], [0], [0], [1], [0, 0, 1, 1], [], []>, precision = #tpu.contract_precision<fp32>, transpose_lhs_hint = false} : vector<2048x8xf32>, vector<8x128xf32>, vector<2048x128xf32> -> vector<2048x128xf32>
        %add3A = arith.addf %dot_general3A_45, %dot_general3A_53 : vector<2048x128xf32>
        %get3A_54 = arith.constant 0 : index
        %get3A_55 = arith.constant 0 : index
        %get3A_56 = vector.load %arg7[%get3A_54, %get3A_55] : memref<1x128xf32, #tpu.memory_space<vmem>>, vector<1x128xf32>
        %add3A_57 = vector.broadcast %get3A_56 : vector<1x128xf32> to vector<2048x128xf32>
        %add3A_58 = arith.addf %add3A, %add3A_57 : vector<2048x128xf32>
        %max3A = arith.constant 0.000000e+00 : f32
        %max3A_59 = vector.broadcast %max3A : f32 to vector<2048x128xf32>
        %max3A_60 = arith.maximumf %add3A_58, %max3A_59 : vector<2048x128xf32>
        %get3A_61 = arith.constant 0 : index
        %get3A_62 = arith.constant 0 : index
        %get3A_63 = vector.load %arg8[%get3A_61, %get3A_62] : memref<128x128xf32, #tpu.memory_space<vmem>>, vector<128x128xf32>
        %dot_general3A_64 = arith.constant dense<0.000000e+00> : vector<2048x128xf32>
        %dot_general3A_65 = tpu.matmul %max3A_60, %get3A_63, %dot_general3A_64 {dimension_numbers = #tpu.dot_dimension_numbers<[1], [0], [0], [1], [0, 0, 1, 1], [], []>, precision = #tpu.contract_precision<fp32>, transpose_lhs_hint = false} : vector<2048x128xf32>, vector<128x128xf32>, vector<2048x128xf32> -> vector<2048x128xf32>
        %get3A_66 = arith.constant 0 : index
        %get3A_67 = arith.constant 0 : index
        %get3A_68 = vector.load %arg9[%get3A_66, %get3A_67] : memref<1x128xf32, #tpu.memory_space<vmem>>, vector<1x128xf32>
        %add3A_69 = vector.broadcast %get3A_68 : vector<1x128xf32> to vector<2048x128xf32>
        %add3A_70 = arith.addf %dot_general3A_65, %add3A_69 : vector<2048x128xf32>
        %max3A_71 = arith.constant 0.000000e+00 : f32
        %max3A_72 = vector.broadcast %max3A_71 : f32 to vector<2048x128xf32>
        %max3A_73 = arith.maximumf %add3A_70, %max3A_72 : vector<2048x128xf32>
        %get3A_74 = arith.constant 0 : index
        %get3A_75 = arith.constant 0 : index
        %get3A_76 = vector.load %arg10[%get3A_74, %get3A_75] : memref<128x8xf32, #tpu.memory_space<vmem>>, vector<128x8xf32>
        %dot_general3A_77 = arith.constant dense<0.000000e+00> : vector<2048x8xf32>
        %dot_general3A_78 = tpu.matmul %max3A_73, %get3A_76, %dot_general3A_77 {dimension_numbers = #tpu.dot_dimension_numbers<[1], [0], [0], [1], [0, 0, 1, 1], [], []>, precision = #tpu.contract_precision<fp32>, transpose_lhs_hint = false} : vector<2048x128xf32>, vector<128x8xf32>, vector<2048x8xf32> -> vector<2048x8xf32>
        %get3A_79 = arith.constant 0 : index
        %get3A_80 = arith.constant 0 : index
        %get3A_81 = vector.load %arg11[%get3A_79, %get3A_80] : memref<1x8xf32, #tpu.memory_space<vmem>>, vector<1x8xf32>
        %add3A_82 = vector.broadcast %get3A_81 : vector<1x8xf32> to vector<2048x8xf32>
        %add3A_83 = arith.addf %dot_general3A_78, %add3A_82 : vector<2048x8xf32>
        %swap3A = arith.constant 0 : index
        %swap3A_84 = arith.constant 0 : index
        %swap3A_85 = vector.load %arg12[%swap3A, %swap3A_84] : memref<2048x8xf32, #tpu.memory_space<vmem>>, vector<2048x8xf32>
        tpu.vector_store %arg12[%swap3A, %swap3A_84], %add3A_83 {strides = array<i32>} : memref<2048x8xf32, #tpu.memory_space<vmem>>, vector<2048x8xf32>,
      } else {
      }
    } else {
    }
    return
  }
  func.func @transform_0(%arg0: i32, %arg1: i32) -> (i32, i32) {
    %c0_i32 = arith.constant 0 : i32
    %c0_i32_0 = arith.constant 0 : i32
    %c0_i32_1 = arith.constant 0 : i32
    return %c0_i32, %c0_i32_0 : i32, i32
  }
  func.func @transform_1(%arg0: i32, %arg1: i32) -> (i32, i32) {
    %c0_i32 = arith.constant 0 : i32
    %c0_i32_0 = arith.constant 0 : i32
    return %c0_i32, %arg1 : i32, i32
  }
  func.func @transform_2(%arg0: i32, %arg1: i32) -> (i32, i32) {
    %c0_i32 = arith.constant 0 : i32
    %c0_i32_0 = arith.constant 0 : i32
    return %arg1, %c0_i32 : i32, i32
  }
  func.func @transform_3(%arg0: i32, %arg1: i32) -> (i32, i32) {
    %c0_i32 = arith.constant 0 : i32
    %c0_i32_0 = arith.constant 0 : i32
    %c0_i32_1 = arith.constant 0 : i32
    return %c0_i32, %c0_i32_0 : i32, i32
  }
  func.func @transform_4(%arg0: i32, %arg1: i32) -> (i32, i32) {
    %c0_i32 = arith.constant 0 : i32
    %c0_i32_0 = arith.constant 0 : i32
    %c0_i32_1 = arith.constant 0 : i32
    return %c0_i32, %c0_i32_0 : i32, i32
  }
  func.func @transform_5(%arg0: i32, %arg1: i32) -> (i32, i32) {
    %c0_i32 = arith.constant 0 : i32
    %c0_i32_0 = arith.constant 0 : i32
    %c0_i32_1 = arith.constant 0 : i32
    return %c0_i32, %c0_i32_0 : i32, i32
  }
  func.func @transform_6(%arg0: i32, %arg1: i32) -> (i32, i32) {
    %c0_i32 = arith.constant 0 : i32
    %c0_i32_0 = arith.constant 0 : i32
    %c0_i32_1 = arith.constant 0 : i32
    return %c0_i32, %c0_i32_0 : i32, i32
  }
  func.func @transform_7(%arg0: i32, %arg1: i32) -> (i32, i32) {
    %c0_i32 = arith.constant 0 : i32
    %c0_i32_0 = arith.constant 0 : i32
    %c0_i32_1 = arith.constant 0 : i32
    return %c0_i32, %c0_i32_0 : i32, i32
  }
  func.func @transform_8(%arg0: i32, %arg1: i32) -> (i32, i32) {
    %c0_i32 = arith.constant 0 : i32
    %c0_i32_0 = arith.constant 0 : i32
    %c0_i32_1 = arith.constant 0 : i32
    return %c0_i32, %c0_i32_0 : i32, i32
  }
  func.func @transform_9(%arg0: i32, %arg1: i32) -> (i32, i32) {
    %c0_i32 = arith.constant 0 : i32
    %c0_i32_0 = arith.constant 0 : i32
    %c0_i32_1 = arith.constant 0 : i32
    return %c0_i32, %c0_i32_0 : i32, i32
  }
  func.func @transform_10(%arg0: i32, %arg1: i32) -> (i32, i32) {
    %c0_i32 = arith.constant 0 : i32
    %c0_i32_0 = arith.constant 0 : i32
    %c0_i32_1 = arith.constant 0 : i32
    return %c0_i32, %c0_i32_0 : i32, i32
  }
}

</mosaic_0001>

<sc_bundles>
// kernel: kernel.21.cloned.1.call-start
scs
__scs_entry_jumppad:
0x0: {  	(pc) =	sbr.rel $0x88, $3  }
0x1: {  	(tag) =	ssettag $0x0;
	lr =	simm.s32 $0x1  }
0x2: {  	[smem:$0x3F6B] =	sst lr;
	_ =	strace $0xD0000000  }
0x3: {  	_ = 	snop  }
0x4: {  	_ = 	snop  }
0x5: {  	_ = 	snop  }
0x6: {  	_ = 	snop  }
0x7: {  	_ = 	snop  }
__scs_overlays_trampoline_lowered:
0x8: {  	[smem:$0x3F7A] =	sst s0  }
0x9: {  	[smem:$0x3F7B] =	sst s1  }
0xa: {  	[smem:$0x3F7C] =	sst s2  }
0xb: {  	[smem:$0x3F7D] =	sst s3  }
0xc: {  	[smem:$0x3F7E] =	sst s4  }
0xd: {  	[smem:$0x3F7F] =	sst s5  }
0xe: {  	[smem:$0x3F80] =	sst s6  }
0xf: {  	[smem:$0x3F81] =	sst s7  }
0x10: {  	[smem:$0x3F82] =	sst s8  }
0x11: {  	[smem:$0x3F83] =	sst s9;
	s0 =	simm.s32 @!p0 $0x0  }
0x12: {  	s1 =	sld [smem:$0x3F69];
	s0 =	simm.s32 @p0 $0x1  }
0x13: {  	[smem:$0x3F84] =	sst s0;
	s0 =	simm.s32 @!p1 $0x0  }
0x14: {  	s2 =	sld [smem:$0x3F68];
	s0 =	simm.s32 @p1 $0x1  }
0x15: {  	[smem:$0x3F85] =	sst s0;
	s0 =	simm.s32 @!p2 $0x0  }
0x16: {  	s3 =	sld [smem:$0x3FDB];
	s0 =	simm.s32 @p2 $0x1  }
0x17: {  	s4 =	simm.s32 $0x1BF5;
	[smem:$0x3F87] =	sst s0  }
0x18: {  	s0 =	sld [smem:$0x3F6A];
	_ =	swait.ge [sflag:s4], $0x0  }
0x19: {  	s7 =	sld [smem:$0x3F6B]  }
0x1a: {  	s8 =	sadd.s32 $0xFFFFE003, lr  }
0x1b: {  	s9 =	sadd.s32 $0xFFFFFEF7, lr;
	s5 =	simm.s32 $0xFFFFFFFF;
	p2 =	slt.u32 s8, $0xFFFFF086  }
0x1c: {  	p1 =	slt.u32 s9, $0xF7A;
	s5 =	simm.s32 @!p2 $0x0  }
0x1d: {  	s5 =	simm.s32 @p1 $0x1;
	p0 =	seq.s32 s7, s2  }
0x1e: {  	s7 =	smul.u32 @!p0 $0xF7A, s2;
	p2 =	seq.s32 @!p0 s5, $0x0  }
0x1f: {  	s9 =	smul.u32 $0xF7A, s1;
	s8 =	simm.s32 @!p0 $0x1BF5;
	p2 =	por !p2, p0  }
0x20: {  	[sflag:s8] =	ssyncset.s32 @!p0 $0xFFFFF086;
	s6 =	sadd.s32 @!p0 s3, s7;
	s7 =	simm.s32 @!p0 $0x108  }
0x21: {  	s3 =	sadd.s32 s3, s9;
	s6 =	sadd.s32 @!p0 $0x88, s6;
	s7 =	simm.s32 @p2 $0x1082  }
0x22: {  	[simem:s7], [sflag:s8] =	dma.local @!p0 [hbm:s6], $0xF7A  }
0x23: {  	s9 =	sor.u32 $0xD0000000, s2;
	s6 =	simm.s32 $0x108;
	_ =	swait.ge @!p0 [sflag:s8], $0x0  }
0x24: {  	s3 =	sadd.s32 $0x88, s3;
	s6 =	simm.s32 @!p1 $0x1082;
	[sflag:s4] =	ssyncset.s32 $0xFFFFF086  }
0x25: {  	[simem:s6], [sflag:s4] =	dma.local [hbm:s3], $0xF7A  }
0x26: {  	[smem:$0x3F6B] =	sst s1;
	(tag) =	ssettag s2;
	_ =	strace s9  }
0x27: {  	s1 =	sld [smem:$0x3F7B]  }
0x28: {  	s2 =	sld [smem:$0x3F7C]  }
0x29: {  	s4 =	sld [smem:$0x3F7E]  }
0x2a: {  	p0 =	seq.s32 s5, $0x0;
	s5 =	sld [smem:$0x3F7F]  }
0x2b: {  	s6 =	sld [smem:$0x3F80]  }
0x2c: {  	s7 =	sld [smem:$0x3F81]  }
0x2d: {  	s3 =	simm.s32 $0x108;
	s8 =	sld [smem:$0x3F82]  }
0x2e: {  	s3 =	simm.s32 @!p0 $0x1082;
	s9 =	sld [smem:$0x3F83]  }
0x2f: {  	lr =	sadd.s32 s0, s3;
	s0 =	sld [smem:$0x3F7A]  }
0x30: {  	s3 =	sld [smem:$0x3F7D]  }
0x31: {  	[smem:$0x3F86] =	sst s10  }
0x32: {  	s10 =	sld [smem:$0x3F84];
	_ =	sdelay $0x3  }
0x33: {  	p0 =	seq.s32 s10, $0x1;
	s10 =	sld [smem:$0x3F86];
	_ =	sdelay $0x3  }
0x34: {  	[smem:$0x3F86] =	sst s10  }
0x35: {  	s10 =	sld [smem:$0x3F85];
	_ =	sdelay $0x3  }
0x36: {  	p1 =	seq.s32 s10, $0x1;
	s10 =	sld [smem:$0x3F86];
	_ =	sdelay $0x3  }
0x37: {  	[smem:$0x3F86] =	sst s10  }
0x38: {  	s10 =	sld [smem:$0x3F87]  }
0x39: {  	_ = 	snop;
	(pc) =	sbr.ind lr, $3  }
0x3a: {  	_ = 	snop  }
0x3b: {  	_ = 	snop  }
0x3c: {  	p2 =	seq.s32 s10, $0x1;
	s10 =	sld [smem:$0x3F86]  }
0x3d: {  	_ =	shalt  }
0x3e: {  	_ =	shalt  }
0x3f: {  	_ =	shalt  }
0x40: {  	_ =	shalt  }
0x41: {  	_ =	shalt  }
0x42: {  	_ =	shalt  }
0x43: {  	_ =	shalt  }
0x44: {  	_ =	shalt  }
0x45: {  	_ =	shalt  }
0x46: {  	_ =	shalt  }
0x47: {  	_ =	shalt  }
0x48: {  	_ =	shalt  }
0x49: {  	_ =	shalt  }
0x4a: {  	_ =	shalt  }
0x4b: {  	_ =	shalt  }
0x4c: {  	_ =	shalt  }
0x4d: {  	_ =	shalt  }
0x4e: {  	_ =	shalt  }
0x4f: {  	_ =	shalt  }
0x50: {  	_ =	shalt  }
0x51: {  	_ =	shalt  }
0x52: {  	_ =	shalt  }
0x53: {  	_ =	shalt  }
0x54: {  	_ =	shalt  }
0x55: {  	_ =	shalt  }
0x56: {  	_ =	shalt  }
0x57: {  	_ =	shalt  }
0x58: {  	_ =	shalt  }
0x59: {  	_ =	shalt  }
0x5a: {  	_ =	shalt  }
0x5b: {  	_ =	shalt  }
0x5c: {  	_ =	shalt  }
0x5d: {  	_ =	shalt  }
0x5e: {  	_ =	shalt  }
0x5f: {  	_ =	shalt  }
0x60: {  	_ =	shalt  }
0x61: {  	_ =	shalt  }
0x62: {  	_ =	shalt  }
0x63: {  	_ =	shalt  }
0x64: {  	_ =	shalt  }
0x65: {  	_ =	shalt  }
0x66: {  	_ =	shalt  }
0x67: {  	_ =	shalt  }
0x68: {  	_ =	shalt  }
0x69: {  	_ =	shalt  }
0x6a: {  	_ =	shalt  }
0x6b: {  	_ =	shalt  }
0x6c: {  	_ =	shalt  }
0x6d: {  	_ =	shalt  }
0x6e: {  	_ =	shalt  }
0x6f: {  	_ =	shalt  }
0x70: {  	_ =	shalt  }
0x71: {  	_ =	shalt  }
0x72: {  	_ =	shalt  }
0x73: {  	_ =	shalt  }
0x74: {  	_ =	shalt  }
0x75: {  	_ =	shalt  }
0x76: {  	_ =	shalt  }
0x77: {  	_ =	shalt  }
0x78: {  	_ =	shalt  }
0x79: {  	_ =	shalt  }
0x7a: {  	_ =	shalt  }
0x7b: {  	_ =	shalt  }
0x7c: {  	_ =	shalt  }
0x7d: {  	_ =	shalt  }
0x7e: {  	_ =	shalt  }
0x7f: {  	_ =	shalt  }
0x80: {  	_ =	shalt  }
0x81: {  	_ =	shalt  }
0x82: {  	_ =	shalt  }
0x83: {  	_ =	shalt  }
0x84: {  	_ =	shalt  }
0x85: {  	_ =	shalt  }
0x86: {  	_ =	shalt  }
0x87: {  	_ =	shalt  }
.Lfunc_end0:
.L_simem_size_0:
called_computation_lowered:
.L_overlay_start_0:
0x88: {  	s2 =	sld [smem:$0x3FD9]  }
0x89: {  	s3 =	sld [smem:$0x3FFE];
	_ =	sdelay $0x1  }
0x8a: {  	s1 =	srdreg.scid  }
0x8b: {  	s0 =	sand.u32 $0x1, s1  }
0x8c: {  	s17 =	sshll.u32 s0, $0xA;
	s2 =	sadd.s32 s3, s2  }
0x8d: {  	s2 =	sadd.s32 s2, s17  }
0x8e: {  	[smem:$0x3F92] =	sst s2  }
0x8f: {  	_ = 	snop  }
0x90: {  	s18 =	sld [smem:$0x3FD0];
	(tm) =	ssettm $0x1  }
0x91: {  	s19 =	sld [smem:$0x3FFB];
	_ =	sdelay $0x3  }
0x92: {  	_ =	strace s19  }
0x93: {  	s2 =	sld [smem:$0x3FFC];
	_ =	sdelay $0x3  }
0x94: {  	_ =	strace s2  }
0x95: {  	s2 =	sld [smem:$0x3FFD];
	_ =	sdelay $0x3  }
0x96: {  	_ =	strace s2  }
0x97: {  	_ =	strace $0x8FFFFFFF  }
0x98: {  	s20 =	sld [smem:$0x3FDB];
	_ =	sdelay $0x1  }
0x99: {  	s4 =	simm.s32 $_scs_section_size  }
0x9a: {  	s5 =	simm.s32 $_size__tile_overlayer_lowered;
	s6 =	simm.s32 $_tile_overlayer_lowered  }
0x9b: {  	s7 =	simm.s32 $0x1BFF;
	s21 =	sshll.u32 s6, $0x1;
	s4 =	sadd.s32 s4, s20  }
0x9c: {  	s22 =	simm.s32 $0x0;
	s5 =	sshll.u32 s5, $0x1;
	s6 =	sadd.s32 s21, s4  }
0x9d: {  	[timem:s22], [sflag:s7] =	dma.local [hbm:s6], s5  }
0x9e: {  	_ =	swait.ge [sflag:s7], s5  }
0x9f: {  	s5 =	ssub.s32 $0x0, s5;
	[sflag:s7] =	ssyncset.done $0x0  }
0xa0: {  	[sflag:s7] =	ssyncadd.s32 s5;
	_ =	sdelay $0x1  }
0xa1: {  	s23 =	simm.s32 $0x1B8B  }
0xa2: {  	_ =	swait.ge [sflag:s23], $0x1  }
0xa3: {  	[sflag:s23] =	ssyncset.done $0x0  }
0xa4: {  	[sflag:s23] =	ssyncadd.s32 $0xFFFFFFFF  }
0xa5: {  	s5 =	sld [smem:$0x0]  }
0xa6: {  	s6 =	sand.u32 $0xFFFFFFFE, s1  }
0xa7: {  	p0 =	sne.s32 s1, s6  }
0xa8: {  	s6 =	sshll.u32 @p0 s6, $0xE  }
0xa9: {  	s6 =	sadd.s32 @p0 $0x11B8D, s6;
	s7 =	sshll.u32 @p0 s5, $0x11  }
0xaa: {  	s6 =	sor.u32 @p0 s7, s6  }
0xab: {  	[sflag:s6] =	ssyncadd.remote.s32 @p0 $0x1;
	_ =	sdelay $0x1  }
0xac: {  	s6 =	simm.s32 @p0 $0x1B8D  }
0xad: {  	_ =	swait.eq @p0 [sflag:s6], $0x1  }
0xae: {  	[sflag:s6] =	ssyncadd.s32 @p0 $0xFFFFFFFF  }
0xaf: {  	s7 =	sshll.u32 @!p0 s1, $0xE  }
0xb0: {  	s7 =	sor.u32 @!p0 $0x4000, s7;
	s6 =	simm.s32 @!p0 $0x1B8D  }
0xb1: {  	s5 =	sshll.u32 @!p0 s5, $0x11;
	s7 =	sadd.s32 @!p0 $0x11B8D, s7;
	_ =	swait.eq @!p0 [sflag:s6], $0x1  }
0xb2: {  	s5 =	sor.u32 @!p0 s5, s7;
	[sflag:s6] =	ssyncadd.s32 @!p0 $0xFFFFFFFF  }
0xb3: {  	s25 =	simm.s32 $0x1B8E;
	s24 =	sld [smem:$0x3FFE];
	[sflag:s5] =	ssyncadd.remote.s32 @!p0 $0x1  }
0xb4: {  	s26 =	simm.s32 $execute0_lowered;
	[smem:$0x3FD2] =	sst s25  }
0xb5: {  	s6 =	sshll.u32 s26, $0x1;
	_ =	strace $0x80000049;
	[dreg:$0x1] =	wrdreg $0xFFFFFFFF  }
0xb6: {  	s28 =	simm.s32 $_size_execute0_lowered;
	s4 =	sadd.s32 s4, s6;
	[dreg:$0x0] =	wrdreg $0x0  }
0xb7: {  	s6 =	sshll.u32 s28, $0x1;
	[dreg:$0x2] =	wrdreg s4  }
0xb8: {  	[dreg:$0x3] =	wrdreg s6  }
0xb9: {  	[dreg:$0x4] =	wrdreg $0xC0  }
0xba: {  	_ =	task [dreg:s22], $0x5FFFF  }
0xbb: {  	[dreg:$0x1] =	wrdreg $0xFFFFFFFF  }
0xbc: {  	[dreg:$0x0] =	wrdreg $0x60  }
0xbd: {  	[dreg:$0x2] =	wrdreg s24  }
0xbe: {  	[dreg:$0x3] =	wrdreg s18  }
0xbf: {  	[dreg:$0x4] =	wrdreg $0x0  }
0xc0: {  	[dreg:$0x5] =	wrdreg $0x9  }
0xc1: {  	_ =	task.clear_ibuf [dreg:s22], $0x6FFFF;
	_ =	strace $0x90000049  }
0xc2: {  	s29 =	simm.s32 $0x9;
	_ =	strace $0x8000004B  }
0xc3: {  	_ =	swait.ge [sflag:s29], $0x1  }
0xc4: {  	[sflag:s29] =	ssyncadd.s32 $0xFFFFFFFF  }
0xc5: {  	_ =	strace $0x9000004B  }
0xc6: {  	_ =	sfence  }
0xc7: {  	s30 =	sld [smem:$0x0];
	_ =	sdelay $0x2  }
0xc8: {  	s31 =	sshll.u32 s1, $0xD;
	s1 =	sshrl.u32 s1, $0x2  }
0xc9: {  	s4 =	sand.u32 $0x4000, s31;
	s1 =	sadd.s32 s1, s30  }
0xca: {  	s0 =	sor.u32 s4, s0;
	s1 =	sshll.u32 s1, $0x11  }
0xcb: {  	s0 =	sor.u32 s1, s0  }
0xcc: {  	s0 =	sadd.s32 $0x8F2B, s0  }
0xcd: {  	[sflag:s0] =	ssyncadd.remote.s32 $0x1  }
0xce: {  	_ =	sfence.sel $0xFFFF  }
0xcf: {  	[dreg:$0x0] =	wrdreg $0xFFFFFFFF;
	(pc) =	sbr.abs _section_cstart, $3  }
0xd0: {  	[dreg:$0x1] =	wrdreg $0xFFFFFFFF  }
0xd1: {  	_ =	task.clear_ibuf [dreg:s22], $0x2FFFF;
	_ =	strace $0x9FFFFFFF  }
0xd2: {  	(tm) =	ssettm $0x7FFFFFFF  }
0xd3: {  	_ =	shalt  }
tec
execute0_lowered:
.L_overlay_start_1:
0x0: {  	(tag) =	ssettag $0x1  }
0x1: {  	s5 =	rddreg [dreg:$0x0]  }
0x2: {  	s1 =	srdreg.scid;
	s2 =	rddreg [dreg:$0x1]  }
0x3: {  	s0 =	stileid.u32;
	s3 =	rddreg [dreg:$0x2];
	s4 =	simm.s32 $0x0  }
0x4: {  	s14 =	simm.s32 $0x80;
	s15 =	simm.s32 $0x0;
	s6 =	sand.u32 $0x1, s1  }
0x5: {  	s28 =	sshll.u32 s0, $0x1;
	s8 =	smul.u32 $0x14000, s0;
	[smem:$0x7FF] =	sst s4  }
0x6: {  	s29 =	smul.u32 $0x50000, s0;
	s12 =	sshll.u32 s0, $0x6;
	s1 =	sor.u32 s6, s28  }
0x7: {  	s9 =	smul.u32 $0x140000, s6;
	s6 =	ssub.s32 $0x2, s6;
	s12 =	sor.u32 $0x1C01, s12  }
0x8: {  	s7 =	smul.u32 $0x500, s1;
	s1 =	rddreg [dreg:$0x3];
	_ =	strace $0x8000004A  }
0x9: {  	s10 =	sshrl.u32 s8, $0x3;
	s30 =	sshrl.u32 s6, $0x1;
	s31 =	sshrl.u32 s29, $0x2  }
0xa: {  	s8 =	sadd.s32 s8, s9;
	s10 =	sadd.s32 s10, s5;
	s11 =	ssub.s32 s6, s30  }
0xb: {  	s13 =	sadd.s32 s31, s3;
	s9 =	simm.s32 $0x14000;
	s7 =	sadd.s32 s7, s5  }
0xc: {  	s8 =	sshrl.u32 s8, $0x3;
	s6 =	sadd.s32 $0x5A4A00, s10;
	s10 =	simm.s32 $0x1  }
0xd: {  	s13 =	sshrl.u32 s13, $0x3;
	s8 =	sadd.s32 s8, s5;
	s5 =	sadd.s32 $0x20200, s7  }
0xe: {  	s7 =	sadd.s32 $0x5CCA00, s8;
	s8 =	smax.u32 s11, $0x1;
	s11 =	simm.s32 $0x16800  }
.LBB2_1:
0xf: {  	[tilespmem:s9], [sflag:$0x1] =	stream.linear.gather [hbm4b:s5+s4], $0x2800, $0x38;
	[tilespmem:$0x1A800] =	vst v63  }
0x10: {  	_ =	swait.ge [sflag:s10], $0x2800  }
0x11: {  	[sflag:s10] =	ssyncset.done $0x0  }
0x12: {  	[sflag:s10] =	ssyncadd.s32 $0xFFFFD800  }
0x13: {  	[tilespmem:s11], [sflag:$0x1] =	stream.linear.gather [hbm4b:s2+s4], $0x4000, $0x38;
	[tilespmem:$0x1A800] =	vst v63  }
0x14: {  	_ =	swait.ge [sflag:s10], $0x4000  }
0x15: {  	[sflag:s10] =	ssyncset.done $0x0  }
0x16: {  	[sflag:s10] =	ssyncadd.s32 $0xFFFFC000  }
0x17: {  	[spmem:s13], [sflag:s12] =	dma.local [hbm:s6], $0x2800  }
0x18: {  	_ =	swait.ge [sflag:s10], $0x2800  }
0x19: {  	[sflag:s10] =	ssyncset.done $0x0  }
0x1a: {  	[sflag:s10] =	ssyncadd.s32 $0xFFFFD800  }
0x1b: {  	s16 =	simm.s32 $0x14000;
	[bflag:$0x0] =	sbarrier.arrive $0xFFFF  }
0x1c: {  	[spmem:s3] =	stream.indirect.scatter.add.f32 [tilespmem:s11], [sflag:$0x1], $0x80, s16, s14, $0xb8;
	[tilespmem:$0x1A800] =	vst v63  }
0x1d: {  	s16 =	simm.s32 $0x200;
	_ =	swait.ge [sflag:s10], $0x4000  }
.LBB2_2:
0x1e: {  	s17 =	sshra.s32 s16, $0x2;
	[sflag:s10] =	ssyncset.done $0x0;
	p0 =	sne.s32 s16, $0x9E00  }
.Ltmp0:
0x1f: {  	s17 =	sadd.s32 $0x14000, s17;
	[sflag:s10] =	ssyncadd.s32 $0xFFFFC000;
	(pc) =	sbr.rel @p0 .LBB2_2-.Ltmp0, $3  }
0x20: {  	[spmem:s3] =	stream.indirect.scatter.add.f32 [tilespmem:s11], [sflag:$0x1], $0x80, s17, s14, $0xb8;
	[tilespmem:$0x1A800] =	vst v63  }
0x21: {  	s16 =	sadd.s32 $0x200, s16;
	_ =	sdelay $0x1  }
0x22: {  	_ =	swait.ge [sflag:s10], $0x4000  }
0x23: {  	[sflag:s10] =	ssyncset.done $0x0;
	s15 =	sadd.s32 $0x1, s15  }
0x24: {  	[sflag:s10] =	ssyncadd.s32 $0xFFFFC000;
	p0 =	sne.s32 s15, s8  }
.Ltmp1:
0x25: {  	[bflag:$0x0] =	sbarrier.arrive $0xFFFF;
	(pc) =	sbr.rel @p0 .LBB2_1-.Ltmp1, $4  }
0x26: {  	[hbm:s7], [sflag:s12] =	dma.local [spmem:s13], $0x2800  }
0x27: {  	_ =	swait.ge [sflag:s10], $0x2800  }
0x28: {  	[sflag:s10] =	ssyncset.done $0x0  }
0x29: {  	[sflag:s10] =	ssyncadd.s32 $0xFFFFD800  }
0x2a: {  	_ =	sfence.sel $0x180000  }
0x2b: {  	[bflag:$0x0] =	sbarrier.arrive $0xFFFF  }
0x2c: {  	p0 =	sne.s32 s0, $0x0;
	_ =	strace $0x9000004A  }
0x2d: {  	s0 =	sadd.s32 @!p0 $0x100000, s1;
	[bflag:$0x2] =	sbarrier.arrive $0xFFFF  }
0x2e: {  	[sflag:s0] =	ssyncadd.tile.s32 @!p0 $0x1;
	_ =	shalt  }
.Lfunc_end2:
_tile_overlayer_lowered:
.L_overlay_start_2:
0x2f: {  	(tag) =	ssettag $0x2  }
0x30: {  	s0 =	rddreg [dreg:$0x0];
	s2 =	stileid.u32  }
0x31: {  	s1 =	rddreg [dreg:$0x1];
	p0 =	sne.s32 s2, $0x0  }
0x32: {  	s3 =	rddreg [dreg:$0x2];
	[bflag:$0x3] =	sbarrier.arrive $0xFFFF;
	s2 =	simm.s32 @!p0 $0x1C01  }
0x33: {  	[timem:s3], [sflag:s2] =	dma.local @!p0 [hbm:s0], s1  }
0x34: {  	s0 =	simm.s32 @!p0 $0x1  }
0x35: {  	_ =	swait.ge @!p0 [sflag:s0], s1  }
0x36: {  	s1 =	ssub.s32 @!p0 $0x0, s1;
	[sflag:s0] =	ssyncset.done @!p0 $0x0  }
0x37: {  	[sflag:s0] =	ssyncadd.s32 @!p0 s1  }
0x38: {  	[bflag:$0x3] =	sbarrier.arrive $0xFFFF  }
0x39: {  	_ =	shalt  }

// kernel: kernel.24.cloned.1.call-start
scs
__scs_entry_jumppad:
0x0: {  	(pc) =	sbr.rel $0x88, $3  }
0x1: {  	(tag) =	ssettag $0x0;
	lr =	simm.s32 $0x1  }
0x2: {  	[smem:$0x3F6B] =	sst lr;
	_ =	strace $0xD0000000  }
0x3: {  	_ = 	snop  }
0x4: {  	_ = 	snop  }
0x5: {  	_ = 	snop  }
0x6: {  	_ = 	snop  }
0x7: {  	_ = 	snop  }
__scs_overlays_trampoline_lowered:
0x8: {  	[smem:$0x3F7A] =	sst s0  }
0x9: {  	[smem:$0x3F7B] =	sst s1  }
0xa: {  	[smem:$0x3F7C] =	sst s2  }
0xb: {  	[smem:$0x3F7D] =	sst s3  }
0xc: {  	[smem:$0x3F7E] =	sst s4  }
0xd: {  	[smem:$0x3F7F] =	sst s5  }
0xe: {  	[smem:$0x3F80] =	sst s6  }
0xf: {  	[smem:$0x3F81] =	sst s7  }
0x10: {  	[smem:$0x3F82] =	sst s8  }
0x11: {  	[smem:$0x3F83] =	sst s9;
	s0 =	simm.s32 @!p0 $0x0  }
0x12: {  	s1 =	sld [smem:$0x3F69];
	s0 =	simm.s32 @p0 $0x1  }
0x13: {  	[smem:$0x3F84] =	sst s0;
	s0 =	simm.s32 @!p1 $0x0  }
0x14: {  	s2 =	sld [smem:$0x3F68];
	s0 =	simm.s32 @p1 $0x1  }
0x15: {  	[smem:$0x3F85] =	sst s0;
	s0 =	simm.s32 @!p2 $0x0  }
0x16: {  	s3 =	sld [smem:$0x3FDB];
	s0 =	simm.s32 @p2 $0x1  }
0x17: {  	s4 =	simm.s32 $0x1BF5;
	[smem:$0x3F87] =	sst s0  }
0x18: {  	s0 =	sld [smem:$0x3F6A];
	_ =	swait.ge [sflag:s4], $0x0  }
0x19: {  	s7 =	sld [smem:$0x3F6B]  }
0x1a: {  	s8 =	sadd.s32 $0xFFFFE003, lr  }
0x1b: {  	s9 =	sadd.s32 $0xFFFFFEF7, lr;
	s5 =	simm.s32 $0xFFFFFFFF;
	p2 =	slt.u32 s8, $0xFFFFF086  }
0x1c: {  	p1 =	slt.u32 s9, $0xF7A;
	s5 =	simm.s32 @!p2 $0x0  }
0x1d: {  	s5 =	simm.s32 @p1 $0x1;
	p0 =	seq.s32 s7, s2  }
0x1e: {  	s7 =	smul.u32 @!p0 $0xF7A, s2;
	p2 =	seq.s32 @!p0 s5, $0x0  }
0x1f: {  	s9 =	smul.u32 $0xF7A, s1;
	s8 =	simm.s32 @!p0 $0x1BF5;
	p2 =	por !p2, p0  }
0x20: {  	[sflag:s8] =	ssyncset.s32 @!p0 $0xFFFFF086;
	s6 =	sadd.s32 @!p0 s3, s7;
	s7 =	simm.s32 @!p0 $0x108  }
0x21: {  	s3 =	sadd.s32 s3, s9;
	s6 =	sadd.s32 @!p0 $0x88, s6;
	s7 =	simm.s32 @p2 $0x1082  }
0x22: {  	[simem:s7], [sflag:s8] =	dma.local @!p0 [hbm:s6], $0xF7A  }
0x23: {  	s9 =	sor.u32 $0xD0000000, s2;
	s6 =	simm.s32 $0x108;
	_ =	swait.ge @!p0 [sflag:s8], $0x0  }
0x24: {  	s3 =	sadd.s32 $0x88, s3;
	s6 =	simm.s32 @!p1 $0x1082;
	[sflag:s4] =	ssyncset.s32 $0xFFFFF086  }
0x25: {  	[simem:s6], [sflag:s4] =	dma.local [hbm:s3], $0xF7A  }
0x26: {  	[smem:$0x3F6B] =	sst s1;
	(tag) =	ssettag s2;
	_ =	strace s9  }
0x27: {  	s1 =	sld [smem:$0x3F7B]  }
0x28: {  	s2 =	sld [smem:$0x3F7C]  }
0x29: {  	s4 =	sld [smem:$0x3F7E]  }
0x2a: {  	p0 =	seq.s32 s5, $0x0;
	s5 =	sld [smem:$0x3F7F]  }
0x2b: {  	s6 =	sld [smem:$0x3F80]  }
0x2c: {  	s7 =	sld [smem:$0x3F81]  }
0x2d: {  	s3 =	simm.s32 $0x108;
	s8 =	sld [smem:$0x3F82]  }
0x2e: {  	s3 =	simm.s32 @!p0 $0x1082;
	s9 =	sld [smem:$0x3F83]  }
0x2f: {  	lr =	sadd.s32 s0, s3;
	s0 =	sld [smem:$0x3F7A]  }
0x30: {  	s3 =	sld [smem:$0x3F7D]  }
0x31: {  	[smem:$0x3F86] =	sst s10  }
0x32: {  	s10 =	sld [smem:$0x3F84];
	_ =	sdelay $0x3  }
0x33: {  	p0 =	seq.s32 s10, $0x1;
	s10 =	sld [smem:$0x3F86];
	_ =	sdelay $0x3  }
0x34: {  	[smem:$0x3F86] =	sst s10  }
0x35: {  	s10 =	sld [smem:$0x3F85];
	_ =	sdelay $0x3  }
0x36: {  	p1 =	seq.s32 s10, $0x1;
	s10 =	sld [smem:$0x3F86];
	_ =	sdelay $0x3  }
0x37: {  	[smem:$0x3F86] =	sst s10  }
0x38: {  	s10 =	sld [smem:$0x3F87]  }
0x39: {  	_ = 	snop;
	(pc) =	sbr.ind lr, $3  }
0x3a: {  	_ = 	snop  }
0x3b: {  	_ = 	snop  }
0x3c: {  	p2 =	seq.s32 s10, $0x1;
	s10 =	sld [smem:$0x3F86]  }
0x3d: {  	_ =	shalt  }
0x3e: {  	_ =	shalt  }
0x3f: {  	_ =	shalt  }
0x40: {  	_ =	shalt  }
0x41: {  	_ =	shalt  }
0x42: {  	_ =	shalt  }
0x43: {  	_ =	shalt  }
0x44: {  	_ =	shalt  }
0x45: {  	_ =	shalt  }
0x46: {  	_ =	shalt  }
0x47: {  	_ =	shalt  }
0x48: {  	_ =	shalt  }
0x49: {  	_ =	shalt  }
0x4a: {  	_ =	shalt  }
0x4b: {  	_ =	shalt  }
0x4c: {  	_ =	shalt  }
0x4d: {  	_ =	shalt  }
0x4e: {  	_ =	shalt  }
0x4f: {  	_ =	shalt  }
0x50: {  	_ =	shalt  }
0x51: {  	_ =	shalt  }
0x52: {  	_ =	shalt  }
0x53: {  	_ =	shalt  }
0x54: {  	_ =	shalt  }
0x55: {  	_ =	shalt  }
0x56: {  	_ =	shalt  }
0x57: {  	_ =	shalt  }
0x58: {  	_ =	shalt  }
0x59: {  	_ =	shalt  }
0x5a: {  	_ =	shalt  }
0x5b: {  	_ =	shalt  }
0x5c: {  	_ =	shalt  }
0x5d: {  	_ =	shalt  }
0x5e: {  	_ =	shalt  }
0x5f: {  	_ =	shalt  }
0x60: {  	_ =	shalt  }
0x61: {  	_ =	shalt  }
0x62: {  	_ =	shalt  }
0x63: {  	_ =	shalt  }
0x64: {  	_ =	shalt  }
0x65: {  	_ =	shalt  }
0x66: {  	_ =	shalt  }
0x67: {  	_ =	shalt  }
0x68: {  	_ =	shalt  }
0x69: {  	_ =	shalt  }
0x6a: {  	_ =	shalt  }
0x6b: {  	_ =	shalt  }
0x6c: {  	_ =	shalt  }
0x6d: {  	_ =	shalt  }
0x6e: {  	_ =	shalt  }
0x6f: {  	_ =	shalt  }
0x70: {  	_ =	shalt  }
0x71: {  	_ =	shalt  }
0x72: {  	_ =	shalt  }
0x73: {  	_ =	shalt  }
0x74: {  	_ =	shalt  }
0x75: {  	_ =	shalt  }
0x76: {  	_ =	shalt  }
0x77: {  	_ =	shalt  }
0x78: {  	_ =	shalt  }
0x79: {  	_ =	shalt  }
0x7a: {  	_ =	shalt  }
0x7b: {  	_ =	shalt  }
0x7c: {  	_ =	shalt  }
0x7d: {  	_ =	shalt  }
0x7e: {  	_ =	shalt  }
0x7f: {  	_ =	shalt  }
0x80: {  	_ =	shalt  }
0x81: {  	_ =	shalt  }
0x82: {  	_ =	shalt  }
0x83: {  	_ =	shalt  }
0x84: {  	_ =	shalt  }
0x85: {  	_ =	shalt  }
0x86: {  	_ =	shalt  }
0x87: {  	_ =	shalt  }
.Lfunc_end0:
.L_simem_size_0:
called_computation.1_lowered:
.L_overlay_start_0:
0x88: {  	s2 =	sld [smem:$0x3FD9]  }
0x89: {  	s3 =	sld [smem:$0x3FFE];
	_ =	sdelay $0x1  }
0x8a: {  	s1 =	srdreg.scid  }
0x8b: {  	s0 =	sand.u32 $0x1, s1  }
0x8c: {  	s16 =	sshll.u32 s0, $0xA;
	s2 =	sadd.s32 s3, s2  }
0x8d: {  	s2 =	sadd.s32 s2, s16  }
0x8e: {  	[smem:$0x3F92] =	sst s2  }
0x8f: {  	_ = 	snop  }
0x90: {  	(tm) =	ssettm $0x1  }
0x91: {  	s17 =	sld [smem:$0x3FFB];
	_ =	sdelay $0x3  }
0x92: {  	_ =	strace s17  }
0x93: {  	s2 =	sld [smem:$0x3FFC];
	_ =	sdelay $0x3  }
0x94: {  	_ =	strace s2  }
0x95: {  	s2 =	sld [smem:$0x3FFD];
	_ =	sdelay $0x3  }
0x96: {  	_ =	strace s2  }
0x97: {  	_ =	strace $0x8FFFFFFF  }
0x98: {  	s18 =	sld [smem:$0x3FDB];
	_ =	sdelay $0x1  }
0x99: {  	s19 =	simm.s32 $_scs_section_size  }
0x9a: {  	s4 =	simm.s32 $_size__tile_overlayer_lowered;
	s5 =	simm.s32 $_tile_overlayer_lowered  }
0x9b: {  	s22 =	simm.s32 $0x1BFF;
	s21 =	sshll.u32 s5, $0x1;
	s2 =	sadd.s32 s19, s18  }
0x9c: {  	s6 =	simm.s32 $0x0;
	s20 =	sshll.u32 s4, $0x1;
	s4 =	sadd.s32 s21, s2  }
0x9d: {  	[timem:s6], [sflag:s22] =	dma.local [hbm:s4], s20  }
0x9e: {  	_ =	swait.ge [sflag:s22], s20  }
0x9f: {  	s3 =	ssub.s32 $0x0, s20;
	[sflag:s22] =	ssyncset.done $0x0  }
0xa0: {  	[sflag:s22] =	ssyncadd.s32 s3;
	_ =	sdelay $0x1  }
0xa1: {  	s23 =	simm.s32 $0x1B8B  }
0xa2: {  	_ =	swait.ge [sflag:s23], $0x1  }
0xa3: {  	[sflag:s23] =	ssyncset.done $0x0  }
0xa4: {  	s25 =	simm.s32 $0x1B8E;
	s24 =	sld [smem:$0x3FFE];
	[sflag:s23] =	ssyncadd.s32 $0xFFFFFFFF  }
0xa5: {  	s26 =	simm.s32 $execute0_lowered;
	[smem:$0x3FD2] =	sst s25  }
0xa6: {  	s4 =	sshll.u32 s26, $0x1;
	_ =	strace $0x80000046;
	[dreg:$0x1] =	wrdreg $0xFFFFFFFF  }
0xa7: {  	s28 =	simm.s32 $_size_execute0_lowered;
	s2 =	sadd.s32 s2, s4;
	[dreg:$0x0] =	wrdreg $0x0  }
0xa8: {  	s4 =	sshll.u32 s28, $0x1;
	[dreg:$0x2] =	wrdreg s2  }
0xa9: {  	[dreg:$0x3] =	wrdreg s4  }
0xaa: {  	[dreg:$0x4] =	wrdreg $0xC0  }
0xab: {  	_ =	task [dreg:s6], $0x5FFFF  }
0xac: {  	[dreg:$0x1] =	wrdreg $0xFFFFFFFF  }
0xad: {  	[dreg:$0x0] =	wrdreg $0x60  }
0xae: {  	[dreg:$0x2] =	wrdreg s24  }
0xaf: {  	[dreg:$0x3] =	wrdreg $0xA  }
0xb0: {  	_ =	task.clear_ibuf [dreg:s6], $0x4FFFF;
	_ =	strace $0x90000046  }
0xb1: {  	s29 =	simm.s32 $0xA;
	_ =	strace $0x80000048  }
0xb2: {  	_ =	swait.ge [sflag:s29], $0x1  }
0xb3: {  	[sflag:s29] =	ssyncadd.s32 $0xFFFFFFFF  }
0xb4: {  	_ =	strace $0x90000048  }
0xb5: {  	_ =	sfence  }
0xb6: {  	s30 =	sld [smem:$0x0];
	_ =	sdelay $0x2  }
0xb7: {  	s31 =	sshll.u32 s1, $0xD;
	s1 =	sshrl.u32 s1, $0x2  }
0xb8: {  	s3 =	sand.u32 $0x4000, s31;
	s1 =	sadd.s32 s1, s30  }
0xb9: {  	s0 =	sor.u32 s3, s0;
	s1 =	sshll.u32 s1, $0x11  }
0xba: {  	s0 =	sor.u32 s1, s0  }
0xbb: {  	s0 =	sadd.s32 $0x8F2B, s0  }
0xbc: {  	[sflag:s0] =	ssyncadd.remote.s32 $0x1  }
0xbd: {  	_ =	sfence.sel $0xFFFF  }
0xbe: {  	[dreg:$0x0] =	wrdreg $0xFFFFFFFF;
	(pc) =	sbr.abs _section_cstart, $3  }
0xbf: {  	[dreg:$0x1] =	wrdreg $0xFFFFFFFF  }
0xc0: {  	_ =	task.clear_ibuf [dreg:s6], $0x2FFFF;
	_ =	strace $0x9FFFFFFF  }
0xc1: {  	(tm) =	ssettm $0x7FFFFFFF  }
tec
execute0_lowered:
.L_overlay_start_1:
0x0: {  	(tag) =	ssettag $0x1  }
0x1: {  	s5 =	rddreg [dreg:$0x0];
	s2 =	simm.s32 $0x0  }
0x2: {  	s1 =	stileid.u32;
	s3 =	srdreg.scid;
	s15 =	simm.s32 $0x5  }
0x3: {  	s16 =	simm.s32 $0x5000;
	s17 =	simm.s32 $0x80;
	s18 =	simm.s32 $0xA000  }
0x4: {  	s19 =	simm.s32 $0xE000;
	s20 =	simm.s32 $0x1;
	s21 =	simm.s32 $0x2  }
0x5: {  	s22 =	simm.s32 $0x3;
	s23 =	simm.s32 $0x4;
	s24 =	simm.s32 $0x12000  }
0x6: {  	s25 =	simm.s32 $0x0;
	[smem:$0x7FF] =	sst s2;
	s6 =	smul.u32 $0xA00, s1  }
0x7: {  	s8 =	sand.u32 $0x1, s3;
	s3 =	sadd.s32 $0x54A00, s5;
	s4 =	sadd.s32 $0x7CA00, s5  }
0x8: {  	s13 =	smul.u32 $0xA0, s1;
	_ =	strace $0x80000047;
	s7 =	ssub.s32 $0x2, s8  }
0x9: {  	p0 =	seq.s32 s8, $0x0;
	s10 =	sadd.s32 s6, s5;
	s6 =	smul.u32 $0x76, s8  }
0xa: {  	s31 =	sshrl.u32 s7, $0x1;
	s5 =	sadd.s32 $0xA4A00, s5;
	s8 =	smul.u32 $0x3B00, s8  }
0xb: {  	s14 =	ssub.s32 s7, s31;
	s7 =	simm.s32 $0x76;
	s9 =	sadd.s32 $0xC200, s10  }
0xc: {  	s10 =	sadd.s32 $0x16200, s10;
	s7 =	simm.s32 @!p0 $0x2A;
	s11 =	sadd.s32 $0x5000, s8  }
0xd: {  	s13 =	sadd.s32 s6, s13;
	s14 =	smax.u32 s14, $0x1;
	s12 =	sshrl.u32 s7, $0x1  }
.LBB2_1:
0xe: {  	[tilespmem:s2], [sflag:$0x5] =	stream.linear.gather [hbm4b:s9+s2], $0x5000, $0x38;
	[tilespmem:$0x1A000] =	vst v63  }
0xf: {  	_ =	swait.ge [sflag:s15], $0x5000  }
0x10: {  	[sflag:s15] =	ssyncset.done $0x0  }
0x11: {  	[sflag:s15] =	ssyncadd.s32 $0xFFFFB000  }
0x12: {  	[tilespmem:s16], [sflag:$0x5] =	stream.linear.gather [hbm4b:s10+s2], $0x5000, $0x38;
	[tilespmem:$0x1A000] =	vst v63  }
0x13: {  	_ =	swait.ge [sflag:s15], $0x5000  }
0x14: {  	[sflag:s15] =	ssyncset.done $0x0  }
0x15: {  	[sflag:s15] =	ssyncadd.s32 $0xFFFFB000  }
0x16: {  	[tilespmem:s18], [sflag:$0x1] =	stream.indirect.gather [hbm4b:s3+s17], $0x80, s8, s17, $0xb8;
	[tilespmem:$0x1A000] =	vst v63  }
0x17: {  	s26 =	simm.s32 $0x0  }
0x18: {  	[tilespmem:s19], [sflag:$0x2] =	stream.indirect.gather [hbm4b:s4+s17], $0x80, s11, s17, $0xb8;
	[tilespmem:$0x1A000] =	vst v63  }
.LBB2_2:
0x19: {  	s28 =	sshllo.u32 s26, $0x1  }
0x1a: {  	p0 =	sge.u32 s28, s7  }
0x1b: {  	s29 =	sadd.s32 @!p0 s6, s28  }
0x1c: {  	s30 =	simm.s32 @!p0 $0x80;
	s31 =	simm.s32 @!p0 $0x12000;
	s29 =	sshll.u32 @!p0 s29, $0x7  }
0x1d: {  	[tilespmem:s31], [sflag:$0x3] =	stream.indirect.gather @!p0 [hbm4b:s3+s30], $0x80, s29, s30, $0xb8;
	[tilespmem:$0x1A000] =	vst v63  }
0x1e: {  	s29 =	sadd.s32 @!p0 $0x5000, s29;
	s31 =	simm.s32 @!p0 $0x16000  }
0x1f: {  	[tilespmem:s31], [sflag:$0x4] =	stream.indirect.gather @!p0 [hbm4b:s4+s30], $0x80, s29, s30, $0xb8;
	[tilespmem:$0x1A000] =	vst v63  }
0x20: {  	_ =	swait.ge [sflag:s20], $0x4000  }
0x21: {  	[sflag:s20] =	ssyncset.done $0x0  }
0x22: {  	[sflag:s20] =	ssyncadd.s32 $0xFFFFC000  }
0x23: {  	_ =	swait.ge [sflag:s21], $0x4000  }
0x24: {  	[sflag:s21] =	ssyncset.done $0x0  }
0x25: {  	s29 =	simm.s32 $0x0;
	[sflag:s21] =	ssyncadd.s32 $0xFFFFC000  }
0x26: {  	v6 =	vld [tilespmem:s29+$0xE000]  }
0x27: {  	v11 =	vld [tilespmem:s29+$0xE010]  }
0x28: {  	v5 =	vld [tilespmem:s29+$0xE020]  }
0x29: {  	v4 =	vld [tilespmem:s29+$0xE030]  }
0x2a: {  	v3 =	vld [tilespmem:s29+$0xE040]  }
0x2b: {  	v2 =	vld [tilespmem:s29+$0xE050]  }
0x2c: {  	v1 =	vld [tilespmem:s29+$0xE060]  }
0x2d: {  	v0 =	vld [tilespmem:s29+$0xE070]  }
0x2e: {  	v12 =	vld [tilespmem:s29+$0xA000]  }
0x2f: {  	v13 =	vld [tilespmem:s29+$0xA010]  }
0x30: {  	v10 =	vld [tilespmem:s29+$0xA020]  }
0x31: {  	v9 =	vld [tilespmem:s29+$0xA030]  }
0x32: {  	v8 =	vld [tilespmem:s29+$0xA040]  }
0x33: {  	v7 =	vld [tilespmem:s29+$0xA050];
	v12 =	vadd.f32 v6, v12  }
0x34: {  	s30 =	sshll.u32 s26, $0x1;
	s31 =	simm.s32 $0x200;
	v11 =	vadd.f32 v11, v13;
	v6 =	vld [tilespmem:s29+$0xA060]  }
.LBB2_3:
0x35: {  	s0 =	sshra.s32 s31, $0x2;
	p0 =	sne.s32 s31, $0xFE00;
	v12 =	vmax.f32 v12, $0.0e+00;
	v5 =	vadd.f32 v5, v10;
	v10 =	vld [tilespmem:s29+$0xA070]  }
0x36: {  	v13 =	vld [tilespmem:s0+$0xE000];
	[tilespmem:s29+$0xA000] =	vst v12;
	v11 =	vmax.f32 v11, $0.0e+00;
	v4 =	vadd.f32 v4, v9  }
0x37: {  	v14 =	vld [tilespmem:s0+$0xE010];
	[tilespmem:s29+$0xA010] =	vst v11;
	v9 =	vmax.f32 v5, $0.0e+00;
	v3 =	vadd.f32 v3, v8  }
0x38: {  	v5 =	vld [tilespmem:s0+$0xE020];
	[tilespmem:s29+$0xA020] =	vst v9;
	v8 =	vmax.f32 v4, $0.0e+00;
	v2 =	vadd.f32 v2, v7  }
0x39: {  	v4 =	vld [tilespmem:s0+$0xE030];
	[tilespmem:s29+$0xA030] =	vst v8;
	v7 =	vmax.f32 v3, $0.0e+00;
	v1 =	vadd.f32 v1, v6  }
0x3a: {  	v3 =	vld [tilespmem:s0+$0xE040];
	[tilespmem:s29+$0xA040] =	vst v7;
	v6 =	vmax.f32 v2, $0.0e+00;
	v0 =	vadd.f32 v0, v10  }
0x3b: {  	v2 =	vld [tilespmem:s0+$0xE050];
	[tilespmem:s29+$0xA050] =	vst v6;
	v6 =	vmax.f32 v1, $0.0e+00  }
0x3c: {  	v1 =	vld [tilespmem:s0+$0xE060];
	[tilespmem:s29+$0xA060] =	vst v6;
	v6 =	vmax.f32 v0, $0.0e+00  }
0x3d: {  	v0 =	vld [tilespmem:s0+$0xE070];
	[tilespmem:s29+$0xA070] =	vst v6;
	s29 =	smov.u32 s0  }
0x3e: {  	v6 =	vld [tilespmem:s29+$0xA000]  }
0x3f: {  	v11 =	vld [tilespmem:s29+$0xA010]  }
.Ltmp0:
0x40: {  	v10 =	vld [tilespmem:s29+$0xA020];
	(pc) =	sbr.rel @p0 .LBB2_3-.Ltmp0, $4  }
0x41: {  	v9 =	vld [tilespmem:s29+$0xA030]  }
0x42: {  	v8 =	vld [tilespmem:s29+$0xA040]  }
0x43: {  	v12 =	vadd.f32 v13, v6;
	v7 =	vld [tilespmem:s29+$0xA050]  }
0x44: {  	s31 =	sadd.s32 $0x200, s31;
	v11 =	vadd.f32 v14, v11;
	v6 =	vld [tilespmem:s29+$0xA060]  }
0x45: {  	v12 =	vmax.f32 v12, $0.0e+00;
	v5 =	vadd.f32 v5, v10;
	v10 =	vld [tilespmem:s29+$0xA070]  }
0x46: {  	[tilespmem:s29+$0xA000] =	vst v12;
	v11 =	vmax.f32 v11, $0.0e+00;
	v4 =	vadd.f32 v4, v9  }
0x47: {  	[tilespmem:s29+$0xA010] =	vst v11;
	v5 =	vmax.f32 v5, $0.0e+00;
	v3 =	vadd.f32 v3, v8  }
0x48: {  	[tilespmem:s29+$0xA020] =	vst v5;
	v4 =	vmax.f32 v4, $0.0e+00;
	v2 =	vadd.f32 v2, v7  }
0x49: {  	[tilespmem:s29+$0xA030] =	vst v4;
	v3 =	vmax.f32 v3, $0.0e+00;
	v1 =	vadd.f32 v1, v6  }
0x4a: {  	[tilespmem:s29+$0xA040] =	vst v3;
	v2 =	vmax.f32 v2, $0.0e+00;
	v0 =	vadd.f32 v0, v10  }
0x4b: {  	s0 =	sadd.s32 s13, s30;
	[tilespmem:s29+$0xA050] =	vst v2;
	v1 =	vmax.f32 v1, $0.0e+00  }
0x4c: {  	s0 =	sshll.u32 s0, $0xB;
	[tilespmem:s29+$0xA060] =	vst v1;
	v0 =	vmax.f32 v0, $0.0e+00  }
0x4d: {  	s0 =	sadd.s32 s5, s0;
	[tilespmem:s29+$0xA070] =	vst v0  }
0x4e: {  	[hbm4b:s0+s2] =	stream.linear.scatter [tilespmem:s18], [sflag:$0x5], $0x4000, $0x38;
	[tilespmem:$0x1A000] =	vst v63  }
0x4f: {  	s0 =	sadd.s32 $0x2, s30  }
0x50: {  	_ =	swait.ge [sflag:s15], $0x4000;
	p0 =	sge.u32 s0, s7  }
0x51: {  	[sflag:s15] =	ssyncset.done $0x0;
	s0 =	sadd.s32 @!p0 s6, s0;
	s29 =	simm.s32 @!p0 $0x80  }
0x52: {  	s30 =	simm.s32 @!p0 $0xA000;
	[sflag:s15] =	ssyncadd.s32 $0xFFFFC000;
	s0 =	sshll.u32 @!p0 s0, $0x7  }
0x53: {  	[tilespmem:s30], [sflag:$0x1] =	stream.indirect.gather @!p0 [hbm4b:s3+s29], $0x80, s0, s29, $0xb8;
	[tilespmem:$0x1A000] =	vst v63  }
0x54: {  	s0 =	sadd.s32 @!p0 $0x5000, s0;
	s30 =	simm.s32 @!p0 $0xE000  }
0x55: {  	[tilespmem:s30], [sflag:$0x2] =	stream.indirect.gather @!p0 [hbm4b:s4+s29], $0x80, s0, s29, $0xb8;
	[tilespmem:$0x1A000] =	vst v63  }
0x56: {  	_ =	swait.ge [sflag:s22], $0x4000  }
0x57: {  	[sflag:s22] =	ssyncset.done $0x0  }
0x58: {  	[sflag:s22] =	ssyncadd.s32 $0xFFFFC000  }
0x59: {  	_ =	swait.ge [sflag:s23], $0x4000  }
0x5a: {  	[sflag:s23] =	ssyncset.done $0x0  }
0x5b: {  	s29 =	simm.s32 $0x0;
	[sflag:s23] =	ssyncadd.s32 $0xFFFFC000  }
0x5c: {  	v6 =	vld [tilespmem:s29+$0x16000]  }
0x5d: {  	v11 =	vld [tilespmem:s29+$0x16010]  }
0x5e: {  	v5 =	vld [tilespmem:s29+$0x16020]  }
0x5f: {  	v4 =	vld [tilespmem:s29+$0x16030]  }
0x60: {  	v3 =	vld [tilespmem:s29+$0x16040]  }
0x61: {  	v2 =	vld [tilespmem:s29+$0x16050]  }
0x62: {  	v1 =	vld [tilespmem:s29+$0x16060]  }
0x63: {  	v0 =	vld [tilespmem:s29+$0x16070]  }
0x64: {  	v12 =	vld [tilespmem:s29+$0x12000]  }
0x65: {  	v13 =	vld [tilespmem:s29+$0x12010]  }
0x66: {  	v10 =	vld [tilespmem:s29+$0x12020]  }
0x67: {  	v9 =	vld [tilespmem:s29+$0x12030]  }
0x68: {  	v8 =	vld [tilespmem:s29+$0x12040]  }
0x69: {  	v7 =	vld [tilespmem:s29+$0x12050];
	v12 =	vadd.f32 v6, v12  }
0x6a: {  	s30 =	simm.s32 $0x200;
	v11 =	vadd.f32 v11, v13;
	v6 =	vld [tilespmem:s29+$0x12060]  }
.LBB2_5:
0x6b: {  	s0 =	sshra.s32 s30, $0x2;
	p0 =	sne.s32 s30, $0xFE00;
	v12 =	vmax.f32 v12, $0.0e+00;
	v5 =	vadd.f32 v5, v10;
	v10 =	vld [tilespmem:s29+$0x12070]  }
0x6c: {  	v13 =	vld [tilespmem:s0+$0x16000];
	[tilespmem:s29+$0x12000] =	vst v12;
	v11 =	vmax.f32 v11, $0.0e+00;
	v4 =	vadd.f32 v4, v9  }
0x6d: {  	v14 =	vld [tilespmem:s0+$0x16010];
	[tilespmem:s29+$0x12010] =	vst v11;
	v9 =	vmax.f32 v5, $0.0e+00;
	v3 =	vadd.f32 v3, v8  }
0x6e: {  	v5 =	vld [tilespmem:s0+$0x16020];
	[tilespmem:s29+$0x12020] =	vst v9;
	v8 =	vmax.f32 v4, $0.0e+00;
	v2 =	vadd.f32 v2, v7  }
0x6f: {  	v4 =	vld [tilespmem:s0+$0x16030];
	[tilespmem:s29+$0x12030] =	vst v8;
	v7 =	vmax.f32 v3, $0.0e+00;
	v1 =	vadd.f32 v1, v6  }
0x70: {  	v3 =	vld [tilespmem:s0+$0x16040];
	[tilespmem:s29+$0x12040] =	vst v7;
	v6 =	vmax.f32 v2, $0.0e+00;
	v0 =	vadd.f32 v0, v10  }
0x71: {  	v2 =	vld [tilespmem:s0+$0x16050];
	[tilespmem:s29+$0x12050] =	vst v6;
	v6 =	vmax.f32 v1, $0.0e+00  }
0x72: {  	v1 =	vld [tilespmem:s0+$0x16060];
	[tilespmem:s29+$0x12060] =	vst v6;
	v6 =	vmax.f32 v0, $0.0e+00  }
0x73: {  	v0 =	vld [tilespmem:s0+$0x16070];
	[tilespmem:s29+$0x12070] =	vst v6;
	s29 =	smov.u32 s0  }
0x74: {  	v6 =	vld [tilespmem:s29+$0x12000]  }
0x75: {  	v11 =	vld [tilespmem:s29+$0x12010]  }
.Ltmp1:
0x76: {  	v10 =	vld [tilespmem:s29+$0x12020];
	(pc) =	sbr.rel @p0 .LBB2_5-.Ltmp1, $4  }
0x77: {  	v9 =	vld [tilespmem:s29+$0x12030]  }
0x78: {  	v8 =	vld [tilespmem:s29+$0x12040]  }
0x79: {  	v12 =	vadd.f32 v13, v6;
	v7 =	vld [tilespmem:s29+$0x12050]  }
0x7a: {  	s30 =	sadd.s32 $0x200, s30;
	v11 =	vadd.f32 v14, v11;
	v6 =	vld [tilespmem:s29+$0x12060]  }
0x7b: {  	v12 =	vmax.f32 v12, $0.0e+00;
	v5 =	vadd.f32 v5, v10;
	v63 =	vld [tilespmem:s29+$0x12070]  }
0x7c: {  	[tilespmem:s29+$0x12000] =	vst v12;
	v11 =	vmax.f32 v11, $0.0e+00;
	v4 =	vadd.f32 v4, v9  }
0x7d: {  	[tilespmem:s29+$0x12010] =	vst v11;
	v5 =	vmax.f32 v5, $0.0e+00;
	v3 =	vadd.f32 v3, v8  }
0x7e: {  	[tilespmem:s29+$0x12020] =	vst v5;
	v4 =	vmax.f32 v4, $0.0e+00;
	v2 =	vadd.f32 v2, v7  }
0x7f: {  	[tilespmem:s29+$0x12030] =	vst v4;
	v3 =	vmax.f32 v3, $0.0e+00;
	v1 =	vadd.f32 v1, v6  }
0x80: {  	s0 =	sadd.s32 s13, s28;
	[tilespmem:s29+$0x12040] =	vst v3;
	v2 =	vmax.f32 v2, $0.0e+00;
	v0 =	vadd.f32 v0, v63  }
0x81: {  	s26 =	sadd.s32 $0x1, s26;
	s0 =	sshll.u32 s0, $0xB;
	[tilespmem:s29+$0x12050] =	vst v2;
	v1 =	vmax.f32 v1, $0.0e+00  }
0x82: {  	p0 =	sne.s32 s26, s12;
	s0 =	sand.u32 $0x1FFFF800, s0;
	[tilespmem:s29+$0x12060] =	vst v1;
	v0 =	vmax.f32 v0, $0.0e+00  }
.Ltmp2:
0x83: {  	s0 =	sadd.s32 s5, s0;
	[tilespmem:s29+$0x12070] =	vst v0;
	(pc) =	sbr.rel @p0 .LBB2_2-.Ltmp2, $4  }
0x84: {  	[hbm4b:s0+s2] =	stream.linear.scatter [tilespmem:s24], [sflag:$0x5], $0x4000, $0x38;
	[tilespmem:$0x1A000] =	vst v63  }
0x85: {  	_ =	swait.ge [sflag:s15], $0x4000  }
0x86: {  	[sflag:s15] =	ssyncset.done $0x0  }
0x87: {  	[sflag:s15] =	ssyncadd.s32 $0xFFFFC000  }
0x88: {  	s25 =	sadd.s32 $0x1, s25  }
0x89: {  	p0 =	sne.s32 s25, s14  }
.Ltmp3:
0x8a: {  	_ = 	snop;
	(pc) =	sbr.rel @p0 .LBB2_1-.Ltmp3, $1  }
0x8b: {  	_ =	sdelay $0x3  }
0x8c: {  	_ =	sfence.sel $0x180000  }
0x8d: {  	[bflag:$0x0] =	sbarrier.arrive $0xFFFF  }
0x8e: {  	_ =	strace $0x90000047  }
0x8f: {  	[bflag:$0x2] =	sbarrier.arrive $0xFFFF  }
0x90: {  	p0 =	sne.s32 s1, $0x0;
	s0 =	rddreg [dreg:$0x1]  }
0x91: {  	s0 =	sadd.s32 @!p0 $0x100000, s0  }
0x92: {  	[sflag:s0] =	ssyncadd.tile.s32 @!p0 $0x1;
	_ =	shalt  }
.Lfunc_end2:
_tile_overlayer_lowered:
.L_overlay_start_2:
0x93: {  	(tag) =	ssettag $0x2  }
0x94: {  	s0 =	rddreg [dreg:$0x0];
	s2 =	stileid.u32  }
0x95: {  	s1 =	rddreg [dreg:$0x1];
	p0 =	sne.s32 s2, $0x0  }
0x96: {  	s3 =	rddreg [dreg:$0x2];
	[bflag:$0x3] =	sbarrier.arrive $0xFFFF;
	s2 =	simm.s32 @!p0 $0x1C05  }
0x97: {  	[timem:s3], [sflag:s2] =	dma.local @!p0 [hbm:s0], s1  }
0x98: {  	s0 =	simm.s32 @!p0 $0x5  }
0x99: {  	_ =	swait.ge @!p0 [sflag:s0], s1  }
0x9a: {  	s1 =	ssub.s32 @!p0 $0x0, s1;
	[sflag:s0] =	ssyncset.done @!p0 $0x0  }
0x9b: {  	[sflag:s0] =	ssyncadd.s32 @!p0 s1  }
0x9c: {  	[bflag:$0x3] =	sbarrier.arrive $0xFFFF  }
0x9d: {  	_ =	shalt  }

// kernel: kernel.27.cloned.1.call-start
scs
__scs_entry_jumppad:
0x0: {  	(pc) =	sbr.rel $0x88, $3  }
0x1: {  	(tag) =	ssettag $0x0;
	lr =	simm.s32 $0x1  }
0x2: {  	[smem:$0x3F6B] =	sst lr;
	_ =	strace $0xD0000000  }
0x3: {  	_ = 	snop  }
0x4: {  	_ = 	snop  }
0x5: {  	_ = 	snop  }
0x6: {  	_ = 	snop  }
0x7: {  	_ = 	snop  }
__scs_overlays_trampoline_lowered:
0x8: {  	[smem:$0x3F7A] =	sst s0  }
0x9: {  	[smem:$0x3F7B] =	sst s1  }
0xa: {  	[smem:$0x3F7C] =	sst s2  }
0xb: {  	[smem:$0x3F7D] =	sst s3  }
0xc: {  	[smem:$0x3F7E] =	sst s4  }
0xd: {  	[smem:$0x3F7F] =	sst s5  }
0xe: {  	[smem:$0x3F80] =	sst s6  }
0xf: {  	[smem:$0x3F81] =	sst s7  }
0x10: {  	[smem:$0x3F82] =	sst s8  }
0x11: {  	[smem:$0x3F83] =	sst s9;
	s0 =	simm.s32 @!p0 $0x0  }
0x12: {  	s1 =	sld [smem:$0x3F69];
	s0 =	simm.s32 @p0 $0x1  }
0x13: {  	[smem:$0x3F84] =	sst s0;
	s0 =	simm.s32 @!p1 $0x0  }
0x14: {  	s2 =	sld [smem:$0x3F68];
	s0 =	simm.s32 @p1 $0x1  }
0x15: {  	[smem:$0x3F85] =	sst s0;
	s0 =	simm.s32 @!p2 $0x0  }
0x16: {  	s3 =	sld [smem:$0x3FDB];
	s0 =	simm.s32 @p2 $0x1  }
0x17: {  	s4 =	simm.s32 $0x1BF5;
	[smem:$0x3F87] =	sst s0  }
0x18: {  	s0 =	sld [smem:$0x3F6A];
	_ =	swait.ge [sflag:s4], $0x0  }
0x19: {  	s7 =	sld [smem:$0x3F6B]  }
0x1a: {  	s8 =	sadd.s32 $0xFFFFE003, lr  }
0x1b: {  	s9 =	sadd.s32 $0xFFFFFEF7, lr;
	s5 =	simm.s32 $0xFFFFFFFF;
	p2 =	slt.u32 s8, $0xFFFFF086  }
0x1c: {  	p1 =	slt.u32 s9, $0xF7A;
	s5 =	simm.s32 @!p2 $0x0  }
0x1d: {  	s5 =	simm.s32 @p1 $0x1;
	p0 =	seq.s32 s7, s2  }
0x1e: {  	s7 =	smul.u32 @!p0 $0xF7A, s2;
	p2 =	seq.s32 @!p0 s5, $0x0  }
0x1f: {  	s9 =	smul.u32 $0xF7A, s1;
	s8 =	simm.s32 @!p0 $0x1BF5;
	p2 =	por !p2, p0  }
0x20: {  	[sflag:s8] =	ssyncset.s32 @!p0 $0xFFFFF086;
	s6 =	sadd.s32 @!p0 s3, s7;
	s7 =	simm.s32 @!p0 $0x108  }
0x21: {  	s3 =	sadd.s32 s3, s9;
	s6 =	sadd.s32 @!p0 $0x88, s6;
	s7 =	simm.s32 @p2 $0x1082  }
0x22: {  	[simem:s7], [sflag:s8] =	dma.local @!p0 [hbm:s6], $0xF7A  }
0x23: {  	s9 =	sor.u32 $0xD0000000, s2;
	s6 =	simm.s32 $0x108;
	_ =	swait.ge @!p0 [sflag:s8], $0x0  }
0x24: {  	s3 =	sadd.s32 $0x88, s3;
	s6 =	simm.s32 @!p1 $0x1082;
	[sflag:s4] =	ssyncset.s32 $0xFFFFF086  }
0x25: {  	[simem:s6], [sflag:s4] =	dma.local [hbm:s3], $0xF7A  }
0x26: {  	[smem:$0x3F6B] =	sst s1;
	(tag) =	ssettag s2;
	_ =	strace s9  }
0x27: {  	s1 =	sld [smem:$0x3F7B]  }
0x28: {  	s2 =	sld [smem:$0x3F7C]  }
0x29: {  	s4 =	sld [smem:$0x3F7E]  }
0x2a: {  	p0 =	seq.s32 s5, $0x0;
	s5 =	sld [smem:$0x3F7F]  }
0x2b: {  	s6 =	sld [smem:$0x3F80]  }
0x2c: {  	s7 =	sld [smem:$0x3F81]  }
0x2d: {  	s3 =	simm.s32 $0x108;
	s8 =	sld [smem:$0x3F82]  }
0x2e: {  	s3 =	simm.s32 @!p0 $0x1082;
	s9 =	sld [smem:$0x3F83]  }
0x2f: {  	lr =	sadd.s32 s0, s3;
	s0 =	sld [smem:$0x3F7A]  }
0x30: {  	s3 =	sld [smem:$0x3F7D]  }
0x31: {  	[smem:$0x3F86] =	sst s10  }
0x32: {  	s10 =	sld [smem:$0x3F84];
	_ =	sdelay $0x3  }
0x33: {  	p0 =	seq.s32 s10, $0x1;
	s10 =	sld [smem:$0x3F86];
	_ =	sdelay $0x3  }
0x34: {  	[smem:$0x3F86] =	sst s10  }
0x35: {  	s10 =	sld [smem:$0x3F85];
	_ =	sdelay $0x3  }
0x36: {  	p1 =	seq.s32 s10, $0x1;
	s10 =	sld [smem:$0x3F86];
	_ =	sdelay $0x3  }
0x37: {  	[smem:$0x3F86] =	sst s10  }
0x38: {  	s10 =	sld [smem:$0x3F87]  }
0x39: {  	_ = 	snop;
	(pc) =	sbr.ind lr, $3  }
0x3a: {  	_ = 	snop  }
0x3b: {  	_ = 	snop  }
0x3c: {  	p2 =	seq.s32 s10, $0x1;
	s10 =	sld [smem:$0x3F86]  }
0x3d: {  	_ =	shalt  }
0x3e: {  	_ =	shalt  }
0x3f: {  	_ =	shalt  }
0x40: {  	_ =	shalt  }
0x41: {  	_ =	shalt  }
0x42: {  	_ =	shalt  }
0x43: {  	_ =	shalt  }
0x44: {  	_ =	shalt  }
0x45: {  	_ =	shalt  }
0x46: {  	_ =	shalt  }
0x47: {  	_ =	shalt  }
0x48: {  	_ =	shalt  }
0x49: {  	_ =	shalt  }
0x4a: {  	_ =	shalt  }
0x4b: {  	_ =	shalt  }
0x4c: {  	_ =	shalt  }
0x4d: {  	_ =	shalt  }
0x4e: {  	_ =	shalt  }
0x4f: {  	_ =	shalt  }
0x50: {  	_ =	shalt  }
0x51: {  	_ =	shalt  }
0x52: {  	_ =	shalt  }
0x53: {  	_ =	shalt  }
0x54: {  	_ =	shalt  }
0x55: {  	_ =	shalt  }
0x56: {  	_ =	shalt  }
0x57: {  	_ =	shalt  }
0x58: {  	_ =	shalt  }
0x59: {  	_ =	shalt  }
0x5a: {  	_ =	shalt  }
0x5b: {  	_ =	shalt  }
0x5c: {  	_ =	shalt  }
0x5d: {  	_ =	shalt  }
0x5e: {  	_ =	shalt  }
0x5f: {  	_ =	shalt  }
0x60: {  	_ =	shalt  }
0x61: {  	_ =	shalt  }
0x62: {  	_ =	shalt  }
0x63: {  	_ =	shalt  }
0x64: {  	_ =	shalt  }
0x65: {  	_ =	shalt  }
0x66: {  	_ =	shalt  }
0x67: {  	_ =	shalt  }
0x68: {  	_ =	shalt  }
0x69: {  	_ =	shalt  }
0x6a: {  	_ =	shalt  }
0x6b: {  	_ =	shalt  }
0x6c: {  	_ =	shalt  }
0x6d: {  	_ =	shalt  }
0x6e: {  	_ =	shalt  }
0x6f: {  	_ =	shalt  }
0x70: {  	_ =	shalt  }
0x71: {  	_ =	shalt  }
0x72: {  	_ =	shalt  }
0x73: {  	_ =	shalt  }
0x74: {  	_ =	shalt  }
0x75: {  	_ =	shalt  }
0x76: {  	_ =	shalt  }
0x77: {  	_ =	shalt  }
0x78: {  	_ =	shalt  }
0x79: {  	_ =	shalt  }
0x7a: {  	_ =	shalt  }
0x7b: {  	_ =	shalt  }
0x7c: {  	_ =	shalt  }
0x7d: {  	_ =	shalt  }
0x7e: {  	_ =	shalt  }
0x7f: {  	_ =	shalt  }
0x80: {  	_ =	shalt  }
0x81: {  	_ =	shalt  }
0x82: {  	_ =	shalt  }
0x83: {  	_ =	shalt  }
0x84: {  	_ =	shalt  }
0x85: {  	_ =	shalt  }
0x86: {  	_ =	shalt  }
0x87: {  	_ =	shalt  }
.Lfunc_end0:
.L_simem_size_0:
called_computation.2_lowered:
.L_overlay_start_0:
0x88: {  	s2 =	sld [smem:$0x3FD9]  }
0x89: {  	s3 =	sld [smem:$0x3FFE];
	_ =	sdelay $0x1  }
0x8a: {  	s1 =	srdreg.scid  }
0x8b: {  	s0 =	sand.u32 $0x1, s1  }
0x8c: {  	s17 =	sshll.u32 s0, $0xA;
	s2 =	sadd.s32 s3, s2  }
0x8d: {  	s2 =	sadd.s32 s2, s17  }
0x8e: {  	[smem:$0x3F92] =	sst s2  }
0x8f: {  	_ = 	snop  }
0x90: {  	(tm) =	ssettm $0x1  }
0x91: {  	s18 =	sld [smem:$0x3FFB];
	_ =	sdelay $0x3  }
0x92: {  	_ =	strace s18  }
0x93: {  	s2 =	sld [smem:$0x3FFC];
	_ =	sdelay $0x3  }
0x94: {  	_ =	strace s2  }
0x95: {  	s2 =	sld [smem:$0x3FFD];
	_ =	sdelay $0x3  }
0x96: {  	_ =	strace s2  }
0x97: {  	_ =	strace $0x8FFFFFFF  }
0x98: {  	s19 =	sld [smem:$0x3FDB];
	_ =	sdelay $0x1  }
0x99: {  	s20 =	simm.s32 $_scs_section_size  }
0x9a: {  	s4 =	simm.s32 $_size__tile_overlayer_lowered;
	s5 =	simm.s32 $_tile_overlayer_lowered  }
0x9b: {  	s6 =	simm.s32 $0x1BFF;
	s21 =	sshll.u32 s5, $0x1;
	s3 =	sadd.s32 s20, s19  }
0x9c: {  	s22 =	simm.s32 $0x0;
	s4 =	sshll.u32 s4, $0x1;
	s5 =	sadd.s32 s21, s3  }
0x9d: {  	[timem:s22], [sflag:s6] =	dma.local [hbm:s5], s4  }
0x9e: {  	_ =	swait.ge [sflag:s6], s4  }
0x9f: {  	s4 =	ssub.s32 $0x0, s4;
	[sflag:s6] =	ssyncset.done $0x0  }
0xa0: {  	[sflag:s6] =	ssyncadd.s32 s4;
	_ =	sdelay $0x1  }
0xa1: {  	s23 =	simm.s32 $0x1B8B  }
0xa2: {  	_ =	swait.ge [sflag:s23], $0x1  }
0xa3: {  	[sflag:s23] =	ssyncset.done $0x0  }
0xa4: {  	[sflag:s23] =	ssyncadd.s32 $0xFFFFFFFF  }
0xa5: {  	s4 =	sld [smem:$0x0]  }
0xa6: {  	s5 =	sand.u32 $0xFFFFFFFE, s1  }
0xa7: {  	p0 =	sne.s32 s1, s5  }
0xa8: {  	s5 =	sshll.u32 @p0 s5, $0xE  }
0xa9: {  	s5 =	sadd.s32 @p0 $0x11B8D, s5;
	s6 =	sshll.u32 @p0 s4, $0x11  }
0xaa: {  	s5 =	sor.u32 @p0 s6, s5  }
0xab: {  	[sflag:s5] =	ssyncadd.remote.s32 @p0 $0x1;
	_ =	sdelay $0x1  }
0xac: {  	s5 =	simm.s32 @p0 $0x1B8D  }
0xad: {  	_ =	swait.eq @p0 [sflag:s5], $0x1  }
0xae: {  	[sflag:s5] =	ssyncadd.s32 @p0 $0xFFFFFFFF  }
0xaf: {  	s6 =	sshll.u32 @!p0 s1, $0xE  }
0xb0: {  	s6 =	sor.u32 @!p0 $0x4000, s6;
	s5 =	simm.s32 @!p0 $0x1B8D  }
0xb1: {  	s4 =	sshll.u32 @!p0 s4, $0x11;
	s6 =	sadd.s32 @!p0 $0x11B8D, s6;
	_ =	swait.eq @!p0 [sflag:s5], $0x1  }
0xb2: {  	s4 =	sor.u32 @!p0 s4, s6;
	[sflag:s5] =	ssyncadd.s32 @!p0 $0xFFFFFFFF  }
0xb3: {  	s25 =	simm.s32 $0x1B8E;
	s24 =	sld [smem:$0x3FFE];
	[sflag:s4] =	ssyncadd.remote.s32 @!p0 $0x1  }
0xb4: {  	s26 =	simm.s32 $execute0_lowered;
	[smem:$0x3FD2] =	sst s25  }
0xb5: {  	s5 =	sshll.u32 s26, $0x1;
	_ =	strace $0x8000004C;
	[dreg:$0x1] =	wrdreg $0xFFFFFFFF  }
0xb6: {  	s28 =	simm.s32 $_size_execute0_lowered;
	s3 =	sadd.s32 s3, s5;
	[dreg:$0x0] =	wrdreg $0x0  }
0xb7: {  	s5 =	sshll.u32 s28, $0x1;
	[dreg:$0x2] =	wrdreg s3  }
0xb8: {  	[dreg:$0x3] =	wrdreg s5  }
0xb9: {  	[dreg:$0x4] =	wrdreg $0xC0  }
0xba: {  	_ =	task [dreg:s22], $0x5FFFF  }
0xbb: {  	[dreg:$0x1] =	wrdreg $0xFFFFFFFF  }
0xbc: {  	[dreg:$0x0] =	wrdreg $0x60  }
0xbd: {  	[dreg:$0x2] =	wrdreg s24  }
0xbe: {  	[dreg:$0x3] =	wrdreg $0x0  }
0xbf: {  	[dreg:$0x4] =	wrdreg $0xA  }
0xc0: {  	_ =	task.clear_ibuf [dreg:s22], $0x5FFFF;
	_ =	strace $0x9000004C  }
0xc1: {  	s29 =	simm.s32 $0xA;
	_ =	strace $0x8000004E  }
0xc2: {  	_ =	swait.ge [sflag:s29], $0x1  }
0xc3: {  	[sflag:s29] =	ssyncadd.s32 $0xFFFFFFFF  }
0xc4: {  	_ =	strace $0x9000004E  }
0xc5: {  	_ =	sfence  }
0xc6: {  	s30 =	sld [smem:$0x0];
	_ =	sdelay $0x2  }
0xc7: {  	s31 =	sshll.u32 s1, $0xD;
	s1 =	sshrl.u32 s1, $0x2  }
0xc8: {  	s4 =	sand.u32 $0x4000, s31;
	s1 =	sadd.s32 s1, s30  }
0xc9: {  	s0 =	sor.u32 s4, s0;
	s1 =	sshll.u32 s1, $0x11  }
0xca: {  	s0 =	sor.u32 s1, s0  }
0xcb: {  	s0 =	sadd.s32 $0x8F2B, s0  }
0xcc: {  	[sflag:s0] =	ssyncadd.remote.s32 $0x1  }
0xcd: {  	_ =	sfence.sel $0xFFFF  }
0xce: {  	[dreg:$0x0] =	wrdreg $0xFFFFFFFF;
	(pc) =	sbr.abs _section_cstart, $3  }
0xcf: {  	[dreg:$0x1] =	wrdreg $0xFFFFFFFF  }
0xd0: {  	_ =	task.clear_ibuf [dreg:s22], $0x2FFFF;
	_ =	strace $0x9FFFFFFF  }
0xd1: {  	(tm) =	ssettm $0x7FFFFFFF  }
tec
execute0_lowered:
.L_overlay_start_1:
0x0: {  	(tag) =	ssettag $0x1  }
0x1: {  	s1 =	srdreg.scid;
	s4 =	rddreg [dreg:$0x0]  }
0x2: {  	s0 =	stileid.u32;
	s2 =	rddreg [dreg:$0x1];
	s3 =	simm.s32 $0x0  }
0x3: {  	s15 =	simm.s32 $0x16800;
	s16 =	simm.s32 $0x1A800;
	s17 =	simm.s32 $0x1  }
0x4: {  	s18 =	simm.s32 $0x80;
	s19 =	simm.s32 $0x2;
	s20 =	simm.s32 $0x16700  }
0x5: {  	s21 =	simm.s32 $0x16780;
	s22 =	simm.s32 $0x0;
	s8 =	smul.u32 $0x14000, s0  }
0x6: {  	s5 =	sand.u32 $0x1, s1;
	s1 =	rddreg [dreg:$0x2];
	s25 =	smul.u32 $0x50000, s0  }
0x7: {  	s24 =	sshll.u32 s0, $0x1;
	[smem:$0x7FF] =	sst s3;
	s13 =	smul.u32 $0xA0, s0  }
0x8: {  	s10 =	sadd.s32 $0x61CA00, s4;
	s31 =	sshll.u32 s0, $0x6;
	s9 =	smul.u32 $0x140000, s5  }
0x9: {  	s6 =	sor.u32 s5, s24;
	s12 =	ssub.s32 $0x2, s5;
	s5 =	smul.u32 $0x50, s5  }
0xa: {  	_ =	strace $0x8000004D;
	s7 =	smul.u32 $0x500, s6;
	s11 =	sshrl.u32 s8, $0x3  }
0xb: {  	s26 =	sshrl.u32 s12, $0x1;
	s6 =	smul.u32 $0x28000, s6;
	s11 =	sadd.s32 s11, s4  }
0xc: {  	s8 =	sadd.s32 s8, s9;
	s12 =	ssub.s32 s12, s26;
	s9 =	sshrl.u32 s25, $0x2  }
0xd: {  	s28 =	sadd.s32 s5, s13;
	s13 =	sor.u32 $0x1C03, s31;
	s7 =	sadd.s32 s7, s4  }
0xe: {  	s8 =	sshrl.u32 s8, $0x3;
	s14 =	sadd.s32 s9, s2;
	s5 =	sadd.s32 $0x5A4A00, s11  }
0xf: {  	s6 =	sadd.s32 s10, s6;
	s29 =	sshll.u32 s28, $0xB;
	s8 =	sadd.s32 s8, s4  }
0x10: {  	s4 =	sadd.s32 $0x20200, s7;
	s30 =	sadd.s32 s29, s10;
	s9 =	sadd.s32 $0x27800, s6  }
0x11: {  	s14 =	sshrl.u32 s14, $0x3;
	s7 =	sadd.s32 $0x54A00, s8;
	s8 =	smax.u32 s12, $0x1  }
0x12: {  	s10 =	sadd.s32 $0x1000, s30;
	s11 =	sadd.s32 $0x800, s30;
	s12 =	simm.s32 $0x3  }
.LBB2_1:
0x13: {  	s23 =	simm.s32 $0x14000  }
0x14: {  	[tilespmem:s23], [sflag:$0x3] =	stream.linear.gather [hbm4b:s4+s3], $0x2800, $0x38;
	[tilespmem:$0x1E800] =	vst v63  }
0x15: {  	_ =	swait.ge [sflag:s12], $0x2800  }
0x16: {  	[sflag:s12] =	ssyncset.done $0x0  }
0x17: {  	[sflag:s12] =	ssyncadd.s32 $0xFFFFD800  }
0x18: {  	[spmem:s14], [sflag:s13] =	dma.local [hbm:s5], $0x2800  }
0x19: {  	_ =	swait.ge [sflag:s12], $0x2800  }
0x1a: {  	[sflag:s12] =	ssyncset.done $0x0  }
0x1b: {  	[sflag:s12] =	ssyncadd.s32 $0xFFFFD800  }
0x1c: {  	[bflag:$0x0] =	sbarrier.arrive $0xFFFF  }
0x1d: {  	[tilespmem:s15], [sflag:$0x1] =	stream.linear.gather [hbm4b:s6+s3], $0x4000, $0x38;
	[tilespmem:$0x1E800] =	vst v63  }
0x1e: {  	s24 =	sadd.s32 $0x0, s11  }
0x1f: {  	[tilespmem:s16], [sflag:$0x2] =	stream.linear.gather [hbm4b:s24+s3], $0x4000, $0x38;
	[tilespmem:$0x1E800] =	vst v63  }
0x20: {  	_ =	swait.ge [sflag:s17], $0x4000  }
0x21: {  	[sflag:s17] =	ssyncset.done $0x0  }
0x22: {  	[sflag:s17] =	ssyncadd.s32 $0xFFFFC000  }
0x23: {  	[spmem:s2] =	stream.indirect.scatter.add.f32 [tilespmem:s15], [sflag:$0x3], $0x80, s23, s18, $0xb8;
	[tilespmem:$0x1E800] =	vst v63  }
0x24: {  	_ =	swait.ge [sflag:s12], $0x4000  }
0x25: {  	[sflag:s12] =	ssyncset.done $0x0  }
0x26: {  	s30 =	sadd.s32 $0x0, s10;
	[sflag:s12] =	ssyncadd.s32 $0xFFFFC000  }
0x27: {  	[tilespmem:s15], [sflag:$0x1] =	stream.linear.gather [hbm4b:s30+s3], $0x4000, $0x38;
	[tilespmem:$0x1E800] =	vst v63  }
0x28: {  	_ =	swait.ge [sflag:s19], $0x4000  }
0x29: {  	[sflag:s19] =	ssyncset.done $0x0  }
0x2a: {  	s31 =	simm.s32 $0x14080;
	[sflag:s19] =	ssyncadd.s32 $0xFFFFC000  }
0x2b: {  	[spmem:s2] =	stream.indirect.scatter.add.f32 [tilespmem:s16], [sflag:$0x3], $0x80, s31, s18, $0xb8;
	[tilespmem:$0x1E800] =	vst v63  }
0x2c: {  	s25 =	simm.s32 $0x2000;
	_ =	swait.ge [sflag:s12], $0x4000  }
0x2d: {  	s24 =	simm.s32 $0x1000;
	s23 =	simm.s32 $0x14100;
	[sflag:s12] =	ssyncset.done $0x0  }
.LBB2_2:
0x2e: {  	s26 =	sadd.s32 s24, s11  }
0x2f: {  	[sflag:s12] =	ssyncadd.s32 $0xFFFFC000;
	s28 =	smov.u32 s25;
	s29 =	sadd.s32 $0x1000, s25  }
0x30: {  	[tilespmem:s16], [sflag:$0x2] =	stream.linear.gather [hbm4b:s26+s3], $0x4000, $0x38;
	[tilespmem:$0x1E800] =	vst v63  }
0x31: {  	p0 =	sne.s32 s25, $0x26000;
	_ =	swait.ge [sflag:s17], $0x4000  }
0x32: {  	[sflag:s17] =	ssyncset.done $0x0  }
0x33: {  	[sflag:s17] =	ssyncadd.s32 $0xFFFFC000  }
0x34: {  	[spmem:s2] =	stream.indirect.scatter.add.f32 [tilespmem:s15], [sflag:$0x3], $0x80, s23, s18, $0xb8;
	[tilespmem:$0x1E800] =	vst v63  }
0x35: {  	_ =	swait.ge [sflag:s12], $0x4000  }
0x36: {  	[sflag:s12] =	ssyncset.done $0x0  }
0x37: {  	s25 =	sadd.s32 s24, s10;
	s24 =	smov.u32 s28;
	[sflag:s12] =	ssyncadd.s32 $0xFFFFC000  }
0x38: {  	[tilespmem:s15], [sflag:$0x1] =	stream.linear.gather [hbm4b:s25+s3], $0x4000, $0x38;
	[tilespmem:$0x1E800] =	vst v63  }
0x39: {  	_ =	swait.ge [sflag:s19], $0x4000  }
.Ltmp0:
0x3a: {  	[sflag:s19] =	ssyncset.done $0x0;
	(pc) =	sbr.rel @p0 .LBB2_2-.Ltmp0, $4  }
0x3b: {  	s25 =	sadd.s32 $0x80, s23;
	[sflag:s19] =	ssyncadd.s32 $0xFFFFC000  }
0x3c: {  	[spmem:s2] =	stream.indirect.scatter.add.f32 [tilespmem:s16], [sflag:$0x3], $0x80, s25, s18, $0xb8;
	[tilespmem:$0x1E800] =	vst v63  }
0x3d: {  	_ =	swait.ge [sflag:s12], $0x4000  }
0x3e: {  	s23 =	sadd.s32 $0x100, s23;
	s25 =	smov.u32 s29;
	[sflag:s12] =	ssyncset.done $0x0  }
0x3f: {  	s25 =	sadd.s32 s24, s11;
	[sflag:s12] =	ssyncadd.s32 $0xFFFFC000  }
0x40: {  	[tilespmem:s16], [sflag:$0x2] =	stream.linear.gather [hbm4b:s25+s3], $0x4000, $0x38;
	[tilespmem:$0x1E800] =	vst v63  }
0x41: {  	_ =	swait.ge [sflag:s17], $0x4000  }
0x42: {  	[sflag:s17] =	ssyncset.done $0x0  }
0x43: {  	[sflag:s17] =	ssyncadd.s32 $0xFFFFC000  }
0x44: {  	[spmem:s2] =	stream.indirect.scatter.add.f32 [tilespmem:s15], [sflag:$0x3], $0x80, s23, s18, $0xb8;
	[tilespmem:$0x1E800] =	vst v63  }
0x45: {  	_ =	swait.ge [sflag:s12], $0x4000  }
0x46: {  	[sflag:s12] =	ssyncset.done $0x0  }
0x47: {  	s30 =	sadd.s32 s24, s10;
	[sflag:s12] =	ssyncadd.s32 $0xFFFFC000  }
0x48: {  	[tilespmem:s15], [sflag:$0x1] =	stream.linear.gather [hbm4b:s30+s3], $0x4000, $0x38;
	[tilespmem:$0x1E800] =	vst v63  }
0x49: {  	_ =	swait.ge [sflag:s19], $0x4000  }
0x4a: {  	[sflag:s19] =	ssyncset.done $0x0  }
0x4b: {  	s31 =	sadd.s32 $0x80, s23;
	[sflag:s19] =	ssyncadd.s32 $0xFFFFC000  }
0x4c: {  	[spmem:s2] =	stream.indirect.scatter.add.f32 [tilespmem:s16], [sflag:$0x3], $0x80, s31, s18, $0xb8;
	[tilespmem:$0x1E800] =	vst v63  }
0x4d: {  	_ =	swait.ge [sflag:s12], $0x4000  }
0x4e: {  	[sflag:s12] =	ssyncset.done $0x0  }
0x4f: {  	[sflag:s12] =	ssyncadd.s32 $0xFFFFC000  }
0x50: {  	[tilespmem:s16], [sflag:$0x2] =	stream.linear.gather [hbm4b:s9+s3], $0x4000, $0x38;
	[tilespmem:$0x1E800] =	vst v63  }
0x51: {  	_ =	swait.ge [sflag:s17], $0x4000  }
0x52: {  	[sflag:s17] =	ssyncset.done $0x0  }
0x53: {  	[sflag:s17] =	ssyncadd.s32 $0xFFFFC000  }
0x54: {  	[spmem:s2] =	stream.indirect.scatter.add.f32 [tilespmem:s15], [sflag:$0x3], $0x80, s20, s18, $0xb8;
	[tilespmem:$0x1E800] =	vst v63  }
0x55: {  	_ =	swait.ge [sflag:s12], $0x4000  }
0x56: {  	[sflag:s12] =	ssyncset.done $0x0  }
0x57: {  	[sflag:s12] =	ssyncadd.s32 $0xFFFFC000  }
0x58: {  	_ =	swait.ge [sflag:s19], $0x4000  }
0x59: {  	[sflag:s19] =	ssyncset.done $0x0  }
0x5a: {  	[sflag:s19] =	ssyncadd.s32 $0xFFFFC000  }
0x5b: {  	[spmem:s2] =	stream.indirect.scatter.add.f32 [tilespmem:s16], [sflag:$0x3], $0x80, s21, s18, $0xb8;
	[tilespmem:$0x1E800] =	vst v63  }
0x5c: {  	_ =	swait.ge [sflag:s12], $0x4000  }
0x5d: {  	s22 =	sadd.s32 $0x1, s22;
	[sflag:s12] =	ssyncset.done $0x0  }
0x5e: {  	p0 =	sne.s32 s22, s8;
	[sflag:s12] =	ssyncadd.s32 $0xFFFFC000  }
.Ltmp1:
0x5f: {  	[bflag:$0x0] =	sbarrier.arrive $0xFFFF;
	(pc) =	sbr.rel @p0 .LBB2_1-.Ltmp1, $4  }
0x60: {  	[hbm:s7], [sflag:s13] =	dma.local [spmem:s14], $0x2800  }
0x61: {  	_ =	swait.ge [sflag:s12], $0x2800  }
0x62: {  	[sflag:s12] =	ssyncset.done $0x0  }
0x63: {  	[sflag:s12] =	ssyncadd.s32 $0xFFFFD800  }
0x64: {  	_ =	sfence.sel $0x180000  }
0x65: {  	[bflag:$0x0] =	sbarrier.arrive $0xFFFF  }
0x66: {  	p0 =	sne.s32 s0, $0x0;
	_ =	strace $0x9000004D  }
0x67: {  	s0 =	sadd.s32 @!p0 $0x100000, s1;
	[bflag:$0x2] =	sbarrier.arrive $0xFFFF  }
0x68: {  	[sflag:s0] =	ssyncadd.tile.s32 @!p0 $0x1;
	_ =	shalt  }
.Lfunc_end2:
_tile_overlayer_lowered:
.L_overlay_start_2:
0x69: {  	(tag) =	ssettag $0x2  }
0x6a: {  	s0 =	rddreg [dreg:$0x0];
	s2 =	stileid.u32  }
0x6b: {  	s1 =	rddreg [dreg:$0x1];
	p0 =	sne.s32 s2, $0x0  }
0x6c: {  	s3 =	rddreg [dreg:$0x2];
	[bflag:$0x3] =	sbarrier.arrive $0xFFFF;
	s2 =	simm.s32 @!p0 $0x1C03  }
0x6d: {  	[timem:s3], [sflag:s2] =	dma.local @!p0 [hbm:s0], s1  }
0x6e: {  	s0 =	simm.s32 @!p0 $0x3  }
0x6f: {  	_ =	swait.ge @!p0 [sflag:s0], s1  }
0x70: {  	s1 =	ssub.s32 @!p0 $0x0, s1;
	[sflag:s0] =	ssyncset.done @!p0 $0x0  }
0x71: {  	[sflag:s0] =	ssyncadd.s32 @!p0 s1  }
0x72: {  	[bflag:$0x3] =	sbarrier.arrive $0xFFFF  }
0x73: {  	_ =	shalt  }

// kernel: kernel.30.cloned.1.call-start
scs
__scs_entry_jumppad:
0x0: {  	(pc) =	sbr.rel $0x88, $3  }
0x1: {  	(tag) =	ssettag $0x0;
	lr =	simm.s32 $0x1  }
0x2: {  	[smem:$0x3F6B] =	sst lr;
	_ =	strace $0xD0000000  }
0x3: {  	_ = 	snop  }
0x4: {  	_ = 	snop  }
0x5: {  	_ = 	snop  }
0x6: {  	_ = 	snop  }
0x7: {  	_ = 	snop  }
__scs_overlays_trampoline_lowered:
0x8: {  	[smem:$0x3F7A] =	sst s0  }
0x9: {  	[smem:$0x3F7B] =	sst s1  }
0xa: {  	[smem:$0x3F7C] =	sst s2  }
0xb: {  	[smem:$0x3F7D] =	sst s3  }
0xc: {  	[smem:$0x3F7E] =	sst s4  }
0xd: {  	[smem:$0x3F7F] =	sst s5  }
0xe: {  	[smem:$0x3F80] =	sst s6  }
0xf: {  	[smem:$0x3F81] =	sst s7  }
0x10: {  	[smem:$0x3F82] =	sst s8  }
0x11: {  	[smem:$0x3F83] =	sst s9;
	s0 =	simm.s32 @!p0 $0x0  }
0x12: {  	s1 =	sld [smem:$0x3F69];
	s0 =	simm.s32 @p0 $0x1  }
0x13: {  	[smem:$0x3F84] =	sst s0;
	s0 =	simm.s32 @!p1 $0x0  }
0x14: {  	s2 =	sld [smem:$0x3F68];
	s0 =	simm.s32 @p1 $0x1  }
0x15: {  	[smem:$0x3F85] =	sst s0;
	s0 =	simm.s32 @!p2 $0x0  }
0x16: {  	s3 =	sld [smem:$0x3FDB];
	s0 =	simm.s32 @p2 $0x1  }
0x17: {  	s4 =	simm.s32 $0x1BF5;
	[smem:$0x3F87] =	sst s0  }
0x18: {  	s0 =	sld [smem:$0x3F6A];
	_ =	swait.ge [sflag:s4], $0x0  }
0x19: {  	s7 =	sld [smem:$0x3F6B]  }
0x1a: {  	s8 =	sadd.s32 $0xFFFFE003, lr  }
0x1b: {  	s9 =	sadd.s32 $0xFFFFFEF7, lr;
	s5 =	simm.s32 $0xFFFFFFFF;
	p2 =	slt.u32 s8, $0xFFFFF086  }
0x1c: {  	p1 =	slt.u32 s9, $0xF7A;
	s5 =	simm.s32 @!p2 $0x0  }
0x1d: {  	s5 =	simm.s32 @p1 $0x1;
	p0 =	seq.s32 s7, s2  }
0x1e: {  	s7 =	smul.u32 @!p0 $0xF7A, s2;
	p2 =	seq.s32 @!p0 s5, $0x0  }
0x1f: {  	s9 =	smul.u32 $0xF7A, s1;
	s8 =	simm.s32 @!p0 $0x1BF5;
	p2 =	por !p2, p0  }
0x20: {  	[sflag:s8] =	ssyncset.s32 @!p0 $0xFFFFF086;
	s6 =	sadd.s32 @!p0 s3, s7;
	s7 =	simm.s32 @!p0 $0x108  }
0x21: {  	s3 =	sadd.s32 s3, s9;
	s6 =	sadd.s32 @!p0 $0x88, s6;
	s7 =	simm.s32 @p2 $0x1082  }
0x22: {  	[simem:s7], [sflag:s8] =	dma.local @!p0 [hbm:s6], $0xF7A  }
0x23: {  	s9 =	sor.u32 $0xD0000000, s2;
	s6 =	simm.s32 $0x108;
	_ =	swait.ge @!p0 [sflag:s8], $0x0  }
0x24: {  	s3 =	sadd.s32 $0x88, s3;
	s6 =	simm.s32 @!p1 $0x1082;
	[sflag:s4] =	ssyncset.s32 $0xFFFFF086  }
0x25: {  	[simem:s6], [sflag:s4] =	dma.local [hbm:s3], $0xF7A  }
0x26: {  	[smem:$0x3F6B] =	sst s1;
	(tag) =	ssettag s2;
	_ =	strace s9  }
0x27: {  	s1 =	sld [smem:$0x3F7B]  }
0x28: {  	s2 =	sld [smem:$0x3F7C]  }
0x29: {  	s4 =	sld [smem:$0x3F7E]  }
0x2a: {  	p0 =	seq.s32 s5, $0x0;
	s5 =	sld [smem:$0x3F7F]  }
0x2b: {  	s6 =	sld [smem:$0x3F80]  }
0x2c: {  	s7 =	sld [smem:$0x3F81]  }
0x2d: {  	s3 =	simm.s32 $0x108;
	s8 =	sld [smem:$0x3F82]  }
0x2e: {  	s3 =	simm.s32 @!p0 $0x1082;
	s9 =	sld [smem:$0x3F83]  }
0x2f: {  	lr =	sadd.s32 s0, s3;
	s0 =	sld [smem:$0x3F7A]  }
0x30: {  	s3 =	sld [smem:$0x3F7D]  }
0x31: {  	[smem:$0x3F86] =	sst s10  }
0x32: {  	s10 =	sld [smem:$0x3F84];
	_ =	sdelay $0x3  }
0x33: {  	p0 =	seq.s32 s10, $0x1;
	s10 =	sld [smem:$0x3F86];
	_ =	sdelay $0x3  }
0x34: {  	[smem:$0x3F86] =	sst s10  }
0x35: {  	s10 =	sld [smem:$0x3F85];
	_ =	sdelay $0x3  }
0x36: {  	p1 =	seq.s32 s10, $0x1;
	s10 =	sld [smem:$0x3F86];
	_ =	sdelay $0x3  }
0x37: {  	[smem:$0x3F86] =	sst s10  }
0x38: {  	s10 =	sld [smem:$0x3F87]  }
0x39: {  	_ = 	snop;
	(pc) =	sbr.ind lr, $3  }
0x3a: {  	_ = 	snop  }
0x3b: {  	_ = 	snop  }
0x3c: {  	p2 =	seq.s32 s10, $0x1;
	s10 =	sld [smem:$0x3F86]  }
0x3d: {  	_ =	shalt  }
0x3e: {  	_ =	shalt  }
0x3f: {  	_ =	shalt  }
0x40: {  	_ =	shalt  }
0x41: {  	_ =	shalt  }
0x42: {  	_ =	shalt  }
0x43: {  	_ =	shalt  }
0x44: {  	_ =	shalt  }
0x45: {  	_ =	shalt  }
0x46: {  	_ =	shalt  }
0x47: {  	_ =	shalt  }
0x48: {  	_ =	shalt  }
0x49: {  	_ =	shalt  }
0x4a: {  	_ =	shalt  }
0x4b: {  	_ =	shalt  }
0x4c: {  	_ =	shalt  }
0x4d: {  	_ =	shalt  }
0x4e: {  	_ =	shalt  }
0x4f: {  	_ =	shalt  }
0x50: {  	_ =	shalt  }
0x51: {  	_ =	shalt  }
0x52: {  	_ =	shalt  }
0x53: {  	_ =	shalt  }
0x54: {  	_ =	shalt  }
0x55: {  	_ =	shalt  }
0x56: {  	_ =	shalt  }
0x57: {  	_ =	shalt  }
0x58: {  	_ =	shalt  }
0x59: {  	_ =	shalt  }
0x5a: {  	_ =	shalt  }
0x5b: {  	_ =	shalt  }
0x5c: {  	_ =	shalt  }
0x5d: {  	_ =	shalt  }
0x5e: {  	_ =	shalt  }
0x5f: {  	_ =	shalt  }
0x60: {  	_ =	shalt  }
0x61: {  	_ =	shalt  }
0x62: {  	_ =	shalt  }
0x63: {  	_ =	shalt  }
0x64: {  	_ =	shalt  }
0x65: {  	_ =	shalt  }
0x66: {  	_ =	shalt  }
0x67: {  	_ =	shalt  }
0x68: {  	_ =	shalt  }
0x69: {  	_ =	shalt  }
0x6a: {  	_ =	shalt  }
0x6b: {  	_ =	shalt  }
0x6c: {  	_ =	shalt  }
0x6d: {  	_ =	shalt  }
0x6e: {  	_ =	shalt  }
0x6f: {  	_ =	shalt  }
0x70: {  	_ =	shalt  }
0x71: {  	_ =	shalt  }
0x72: {  	_ =	shalt  }
0x73: {  	_ =	shalt  }
0x74: {  	_ =	shalt  }
0x75: {  	_ =	shalt  }
0x76: {  	_ =	shalt  }
0x77: {  	_ =	shalt  }
0x78: {  	_ =	shalt  }
0x79: {  	_ =	shalt  }
0x7a: {  	_ =	shalt  }
0x7b: {  	_ =	shalt  }
0x7c: {  	_ =	shalt  }
0x7d: {  	_ =	shalt  }
0x7e: {  	_ =	shalt  }
0x7f: {  	_ =	shalt  }
0x80: {  	_ =	shalt  }
0x81: {  	_ =	shalt  }
0x82: {  	_ =	shalt  }
0x83: {  	_ =	shalt  }
0x84: {  	_ =	shalt  }
0x85: {  	_ =	shalt  }
0x86: {  	_ =	shalt  }
0x87: {  	_ =	shalt  }
.Lfunc_end0:
.L_simem_size_0:
called_computation.3_lowered:
.L_overlay_start_0:
0x88: {  	s2 =	sld [smem:$0x3FD9]  }
0x89: {  	s3 =	sld [smem:$0x3FFE];
	_ =	sdelay $0x1  }
0x8a: {  	s1 =	srdreg.scid  }
0x8b: {  	s0 =	sand.u32 $0x1, s1  }
0x8c: {  	s16 =	sshll.u32 s0, $0xA;
	s2 =	sadd.s32 s3, s2  }
0x8d: {  	s2 =	sadd.s32 s2, s16  }
0x8e: {  	[smem:$0x3F92] =	sst s2  }
0x8f: {  	_ = 	snop  }
0x90: {  	(tm) =	ssettm $0x1  }
0x91: {  	s17 =	sld [smem:$0x3FFB];
	_ =	sdelay $0x3  }
0x92: {  	_ =	strace s17  }
0x93: {  	s2 =	sld [smem:$0x3FFC];
	_ =	sdelay $0x3  }
0x94: {  	_ =	strace s2  }
0x95: {  	s2 =	sld [smem:$0x3FFD];
	_ =	sdelay $0x3  }
0x96: {  	_ =	strace s2  }
0x97: {  	_ =	strace $0x8FFFFFFF  }
0x98: {  	s18 =	sld [smem:$0x3FDB];
	_ =	sdelay $0x1  }
0x99: {  	s19 =	simm.s32 $_scs_section_size  }
0x9a: {  	s4 =	simm.s32 $_size__tile_overlayer_lowered;
	s5 =	simm.s32 $_tile_overlayer_lowered  }
0x9b: {  	s22 =	simm.s32 $0x1BFF;
	s21 =	sshll.u32 s5, $0x1;
	s2 =	sadd.s32 s19, s18  }
0x9c: {  	s6 =	simm.s32 $0x0;
	s20 =	sshll.u32 s4, $0x1;
	s4 =	sadd.s32 s21, s2  }
0x9d: {  	[timem:s6], [sflag:s22] =	dma.local [hbm:s4], s20  }
0x9e: {  	_ =	swait.ge [sflag:s22], s20  }
0x9f: {  	s3 =	ssub.s32 $0x0, s20;
	[sflag:s22] =	ssyncset.done $0x0  }
0xa0: {  	[sflag:s22] =	ssyncadd.s32 s3;
	_ =	sdelay $0x1  }
0xa1: {  	s23 =	simm.s32 $0x1B8B  }
0xa2: {  	_ =	swait.ge [sflag:s23], $0x1  }
0xa3: {  	[sflag:s23] =	ssyncset.done $0x0  }
0xa4: {  	s25 =	simm.s32 $0x1B8E;
	s24 =	sld [smem:$0x3FFE];
	[sflag:s23] =	ssyncadd.s32 $0xFFFFFFFF  }
0xa5: {  	s26 =	simm.s32 $execute0_lowered;
	[smem:$0x3FD2] =	sst s25  }
0xa6: {  	s4 =	sshll.u32 s26, $0x1;
	_ =	strace $0x8000004F;
	[dreg:$0x1] =	wrdreg $0xFFFFFFFF  }
0xa7: {  	s28 =	simm.s32 $_size_execute0_lowered;
	s2 =	sadd.s32 s2, s4;
	[dreg:$0x0] =	wrdreg $0x0  }
0xa8: {  	s4 =	sshll.u32 s28, $0x1;
	[dreg:$0x2] =	wrdreg s2  }
0xa9: {  	[dreg:$0x3] =	wrdreg s4  }
0xaa: {  	[dreg:$0x4] =	wrdreg $0xC0  }
0xab: {  	_ =	task [dreg:s6], $0x5FFFF  }
0xac: {  	[dreg:$0x1] =	wrdreg $0xFFFFFFFF  }
0xad: {  	[dreg:$0x0] =	wrdreg $0x60  }
0xae: {  	[dreg:$0x2] =	wrdreg s24  }
0xaf: {  	[dreg:$0x3] =	wrdreg $0x9  }
0xb0: {  	_ =	task.clear_ibuf [dreg:s6], $0x4FFFF;
	_ =	strace $0x9000004F  }
0xb1: {  	s29 =	simm.s32 $0x9;
	_ =	strace $0x80000051  }
0xb2: {  	_ =	swait.ge [sflag:s29], $0x1  }
0xb3: {  	[sflag:s29] =	ssyncadd.s32 $0xFFFFFFFF  }
0xb4: {  	_ =	strace $0x90000051  }
0xb5: {  	_ =	sfence  }
0xb6: {  	s30 =	sld [smem:$0x0];
	_ =	sdelay $0x2  }
0xb7: {  	s31 =	sshll.u32 s1, $0xD;
	s1 =	sshrl.u32 s1, $0x2  }
0xb8: {  	s3 =	sand.u32 $0x4000, s31;
	s1 =	sadd.s32 s1, s30  }
0xb9: {  	s0 =	sor.u32 s3, s0;
	s1 =	sshll.u32 s1, $0x11  }
0xba: {  	s0 =	sor.u32 s1, s0  }
0xbb: {  	s0 =	sadd.s32 $0x8F2B, s0  }
0xbc: {  	[sflag:s0] =	ssyncadd.remote.s32 $0x1  }
0xbd: {  	_ =	sfence.sel $0xFFFF  }
0xbe: {  	[dreg:$0x0] =	wrdreg $0xFFFFFFFF;
	(pc) =	sbr.abs _section_cstart, $3  }
0xbf: {  	[dreg:$0x1] =	wrdreg $0xFFFFFFFF  }
0xc0: {  	_ =	task.clear_ibuf [dreg:s6], $0x2FFFF;
	_ =	strace $0x9FFFFFFF  }
0xc1: {  	(tm) =	ssettm $0x7FFFFFFF  }
tec
execute0_lowered:
.L_overlay_start_1:
0x0: {  	(tag) =	ssettag $0x1  }
0x1: {  	s5 =	rddreg [dreg:$0x0];
	s2 =	simm.s32 $0x0  }
0x2: {  	s1 =	stileid.u32;
	s3 =	srdreg.scid;
	s15 =	simm.s32 $0x5  }
0x3: {  	s16 =	simm.s32 $0x5000;
	s17 =	simm.s32 $0x80;
	s18 =	simm.s32 $0xA000  }
0x4: {  	s19 =	simm.s32 $0xE000;
	s20 =	simm.s32 $0x1;
	s21 =	simm.s32 $0x2  }
0x5: {  	s22 =	simm.s32 $0x3;
	s23 =	simm.s32 $0x4;
	s24 =	simm.s32 $0x12000  }
0x6: {  	s25 =	simm.s32 $0x0;
	[smem:$0x7FF] =	sst s2;
	s6 =	smul.u32 $0xA00, s1  }
0x7: {  	s8 =	sand.u32 $0x1, s3;
	s3 =	sadd.s32 $0x54A00, s5;
	s4 =	sadd.s32 $0x7CA00, s5  }
0x8: {  	s13 =	smul.u32 $0xA0, s1;
	_ =	strace $0x80000050;
	s7 =	ssub.s32 $0x2, s8  }
0x9: {  	p0 =	seq.s32 s8, $0x0;
	s10 =	sadd.s32 s6, s5;
	s6 =	smul.u32 $0x76, s8  }
0xa: {  	s31 =	sshrl.u32 s7, $0x1;
	s5 =	sadd.s32 $0xA4A00, s5;
	s8 =	smul.u32 $0x3B00, s8  }
0xb: {  	s14 =	ssub.s32 s7, s31;
	s7 =	simm.s32 $0x76;
	s9 =	sadd.s32 $0xC200, s10  }
0xc: {  	s10 =	sadd.s32 $0x16200, s10;
	s7 =	simm.s32 @!p0 $0x2A;
	s11 =	sadd.s32 $0x5000, s8  }
0xd: {  	s13 =	sadd.s32 s6, s13;
	s14 =	smax.u32 s14, $0x1;
	s12 =	sshrl.u32 s7, $0x1  }
.LBB2_1:
0xe: {  	[tilespmem:s2], [sflag:$0x5] =	stream.linear.gather [hbm4b:s9+s2], $0x5000, $0x38;
	[tilespmem:$0x1A000] =	vst v63  }
0xf: {  	_ =	swait.ge [sflag:s15], $0x5000  }
0x10: {  	[sflag:s15] =	ssyncset.done $0x0  }
0x11: {  	[sflag:s15] =	ssyncadd.s32 $0xFFFFB000  }
0x12: {  	[tilespmem:s16], [sflag:$0x5] =	stream.linear.gather [hbm4b:s10+s2], $0x5000, $0x38;
	[tilespmem:$0x1A000] =	vst v63  }
0x13: {  	_ =	swait.ge [sflag:s15], $0x5000  }
0x14: {  	[sflag:s15] =	ssyncset.done $0x0  }
0x15: {  	[sflag:s15] =	ssyncadd.s32 $0xFFFFB000  }
0x16: {  	[tilespmem:s18], [sflag:$0x1] =	stream.indirect.gather [hbm4b:s3+s17], $0x80, s8, s17, $0xb8;
	[tilespmem:$0x1A000] =	vst v63  }
0x17: {  	s26 =	simm.s32 $0x0  }
0x18: {  	[tilespmem:s19], [sflag:$0x2] =	stream.indirect.gather [hbm4b:s4+s17], $0x80, s11, s17, $0xb8;
	[tilespmem:$0x1A000] =	vst v63  }
.LBB2_2:
0x19: {  	s28 =	sshllo.u32 s26, $0x1  }
0x1a: {  	p0 =	sge.u32 s28, s7  }
0x1b: {  	s29 =	sadd.s32 @!p0 s6, s28  }
0x1c: {  	s30 =	simm.s32 @!p0 $0x80;
	s31 =	simm.s32 @!p0 $0x12000;
	s29 =	sshll.u32 @!p0 s29, $0x7  }
0x1d: {  	[tilespmem:s31], [sflag:$0x3] =	stream.indirect.gather @!p0 [hbm4b:s3+s30], $0x80, s29, s30, $0xb8;
	[tilespmem:$0x1A000] =	vst v63  }
0x1e: {  	s29 =	sadd.s32 @!p0 $0x5000, s29;
	s31 =	simm.s32 @!p0 $0x16000  }
0x1f: {  	[tilespmem:s31], [sflag:$0x4] =	stream.indirect.gather @!p0 [hbm4b:s4+s30], $0x80, s29, s30, $0xb8;
	[tilespmem:$0x1A000] =	vst v63  }
0x20: {  	_ =	swait.ge [sflag:s20], $0x4000  }
0x21: {  	[sflag:s20] =	ssyncset.done $0x0  }
0x22: {  	[sflag:s20] =	ssyncadd.s32 $0xFFFFC000  }
0x23: {  	_ =	swait.ge [sflag:s21], $0x4000  }
0x24: {  	[sflag:s21] =	ssyncset.done $0x0  }
0x25: {  	s29 =	simm.s32 $0x0;
	[sflag:s21] =	ssyncadd.s32 $0xFFFFC000  }
0x26: {  	v6 =	vld [tilespmem:s29+$0xE000]  }
0x27: {  	v11 =	vld [tilespmem:s29+$0xE010]  }
0x28: {  	v5 =	vld [tilespmem:s29+$0xE020]  }
0x29: {  	v4 =	vld [tilespmem:s29+$0xE030]  }
0x2a: {  	v3 =	vld [tilespmem:s29+$0xE040]  }
0x2b: {  	v2 =	vld [tilespmem:s29+$0xE050]  }
0x2c: {  	v1 =	vld [tilespmem:s29+$0xE060]  }
0x2d: {  	v0 =	vld [tilespmem:s29+$0xE070]  }
0x2e: {  	v12 =	vld [tilespmem:s29+$0xA000]  }
0x2f: {  	v13 =	vld [tilespmem:s29+$0xA010]  }
0x30: {  	v10 =	vld [tilespmem:s29+$0xA020]  }
0x31: {  	v9 =	vld [tilespmem:s29+$0xA030]  }
0x32: {  	v8 =	vld [tilespmem:s29+$0xA040]  }
0x33: {  	v7 =	vld [tilespmem:s29+$0xA050];
	v12 =	vadd.f32 v6, v12  }
0x34: {  	s30 =	sshll.u32 s26, $0x1;
	s31 =	simm.s32 $0x200;
	v11 =	vadd.f32 v11, v13;
	v6 =	vld [tilespmem:s29+$0xA060]  }
.LBB2_3:
0x35: {  	s0 =	sshra.s32 s31, $0x2;
	p0 =	sne.s32 s31, $0xFE00;
	v12 =	vmax.f32 v12, $0.0e+00;
	v5 =	vadd.f32 v5, v10;
	v10 =	vld [tilespmem:s29+$0xA070]  }
0x36: {  	v13 =	vld [tilespmem:s0+$0xE000];
	[tilespmem:s29+$0xA000] =	vst v12;
	v11 =	vmax.f32 v11, $0.0e+00;
	v4 =	vadd.f32 v4, v9  }
0x37: {  	v14 =	vld [tilespmem:s0+$0xE010];
	[tilespmem:s29+$0xA010] =	vst v11;
	v9 =	vmax.f32 v5, $0.0e+00;
	v3 =	vadd.f32 v3, v8  }
0x38: {  	v5 =	vld [tilespmem:s0+$0xE020];
	[tilespmem:s29+$0xA020] =	vst v9;
	v8 =	vmax.f32 v4, $0.0e+00;
	v2 =	vadd.f32 v2, v7  }
0x39: {  	v4 =	vld [tilespmem:s0+$0xE030];
	[tilespmem:s29+$0xA030] =	vst v8;
	v7 =	vmax.f32 v3, $0.0e+00;
	v1 =	vadd.f32 v1, v6  }
0x3a: {  	v3 =	vld [tilespmem:s0+$0xE040];
	[tilespmem:s29+$0xA040] =	vst v7;
	v6 =	vmax.f32 v2, $0.0e+00;
	v0 =	vadd.f32 v0, v10  }
0x3b: {  	v2 =	vld [tilespmem:s0+$0xE050];
	[tilespmem:s29+$0xA050] =	vst v6;
	v6 =	vmax.f32 v1, $0.0e+00  }
0x3c: {  	v1 =	vld [tilespmem:s0+$0xE060];
	[tilespmem:s29+$0xA060] =	vst v6;
	v6 =	vmax.f32 v0, $0.0e+00  }
0x3d: {  	v0 =	vld [tilespmem:s0+$0xE070];
	[tilespmem:s29+$0xA070] =	vst v6;
	s29 =	smov.u32 s0  }
0x3e: {  	v6 =	vld [tilespmem:s29+$0xA000]  }
0x3f: {  	v11 =	vld [tilespmem:s29+$0xA010]  }
.Ltmp0:
0x40: {  	v10 =	vld [tilespmem:s29+$0xA020];
	(pc) =	sbr.rel @p0 .LBB2_3-.Ltmp0, $4  }
0x41: {  	v9 =	vld [tilespmem:s29+$0xA030]  }
0x42: {  	v8 =	vld [tilespmem:s29+$0xA040]  }
0x43: {  	v12 =	vadd.f32 v13, v6;
	v7 =	vld [tilespmem:s29+$0xA050]  }
0x44: {  	s31 =	sadd.s32 $0x200, s31;
	v11 =	vadd.f32 v14, v11;
	v6 =	vld [tilespmem:s29+$0xA060]  }
0x45: {  	v12 =	vmax.f32 v12, $0.0e+00;
	v5 =	vadd.f32 v5, v10;
	v10 =	vld [tilespmem:s29+$0xA070]  }
0x46: {  	[tilespmem:s29+$0xA000] =	vst v12;
	v11 =	vmax.f32 v11, $0.0e+00;
	v4 =	vadd.f32 v4, v9  }
0x47: {  	[tilespmem:s29+$0xA010] =	vst v11;
	v5 =	vmax.f32 v5, $0.0e+00;
	v3 =	vadd.f32 v3, v8  }
0x48: {  	[tilespmem:s29+$0xA020] =	vst v5;
	v4 =	vmax.f32 v4, $0.0e+00;
	v2 =	vadd.f32 v2, v7  }
0x49: {  	[tilespmem:s29+$0xA030] =	vst v4;
	v3 =	vmax.f32 v3, $0.0e+00;
	v1 =	vadd.f32 v1, v6  }
0x4a: {  	[tilespmem:s29+$0xA040] =	vst v3;
	v2 =	vmax.f32 v2, $0.0e+00;
	v0 =	vadd.f32 v0, v10  }
0x4b: {  	s0 =	sadd.s32 s13, s30;
	[tilespmem:s29+$0xA050] =	vst v2;
	v1 =	vmax.f32 v1, $0.0e+00  }
0x4c: {  	s0 =	sshll.u32 s0, $0xB;
	[tilespmem:s29+$0xA060] =	vst v1;
	v0 =	vmax.f32 v0, $0.0e+00  }
0x4d: {  	s0 =	sadd.s32 s5, s0;
	[tilespmem:s29+$0xA070] =	vst v0  }
0x4e: {  	[hbm4b:s0+s2] =	stream.linear.scatter [tilespmem:s18], [sflag:$0x5], $0x4000, $0x38;
	[tilespmem:$0x1A000] =	vst v63  }
0x4f: {  	s0 =	sadd.s32 $0x2, s30  }
0x50: {  	_ =	swait.ge [sflag:s15], $0x4000;
	p0 =	sge.u32 s0, s7  }
0x51: {  	[sflag:s15] =	ssyncset.done $0x0;
	s0 =	sadd.s32 @!p0 s6, s0;
	s29 =	simm.s32 @!p0 $0x80  }
0x52: {  	s30 =	simm.s32 @!p0 $0xA000;
	[sflag:s15] =	ssyncadd.s32 $0xFFFFC000;
	s0 =	sshll.u32 @!p0 s0, $0x7  }
0x53: {  	[tilespmem:s30], [sflag:$0x1] =	stream.indirect.gather @!p0 [hbm4b:s3+s29], $0x80, s0, s29, $0xb8;
	[tilespmem:$0x1A000] =	vst v63  }
0x54: {  	s0 =	sadd.s32 @!p0 $0x5000, s0;
	s30 =	simm.s32 @!p0 $0xE000  }
0x55: {  	[tilespmem:s30], [sflag:$0x2] =	stream.indirect.gather @!p0 [hbm4b:s4+s29], $0x80, s0, s29, $0xb8;
	[tilespmem:$0x1A000] =	vst v63  }
0x56: {  	_ =	swait.ge [sflag:s22], $0x4000  }
0x57: {  	[sflag:s22] =	ssyncset.done $0x0  }
0x58: {  	[sflag:s22] =	ssyncadd.s32 $0xFFFFC000  }
0x59: {  	_ =	swait.ge [sflag:s23], $0x4000  }
0x5a: {  	[sflag:s23] =	ssyncset.done $0x0  }
0x5b: {  	s29 =	simm.s32 $0x0;
	[sflag:s23] =	ssyncadd.s32 $0xFFFFC000  }
0x5c: {  	v6 =	vld [tilespmem:s29+$0x16000]  }
0x5d: {  	v11 =	vld [tilespmem:s29+$0x16010]  }
0x5e: {  	v5 =	vld [tilespmem:s29+$0x16020]  }
0x5f: {  	v4 =	vld [tilespmem:s29+$0x16030]  }
0x60: {  	v3 =	vld [tilespmem:s29+$0x16040]  }
0x61: {  	v2 =	vld [tilespmem:s29+$0x16050]  }
0x62: {  	v1 =	vld [tilespmem:s29+$0x16060]  }
0x63: {  	v0 =	vld [tilespmem:s29+$0x16070]  }
0x64: {  	v12 =	vld [tilespmem:s29+$0x12000]  }
0x65: {  	v13 =	vld [tilespmem:s29+$0x12010]  }
0x66: {  	v10 =	vld [tilespmem:s29+$0x12020]  }
0x67: {  	v9 =	vld [tilespmem:s29+$0x12030]  }
0x68: {  	v8 =	vld [tilespmem:s29+$0x12040]  }
0x69: {  	v7 =	vld [tilespmem:s29+$0x12050];
	v12 =	vadd.f32 v6, v12  }
0x6a: {  	s30 =	simm.s32 $0x200;
	v11 =	vadd.f32 v11, v13;
	v6 =	vld [tilespmem:s29+$0x12060]  }
.LBB2_5:
0x6b: {  	s0 =	sshra.s32 s30, $0x2;
	p0 =	sne.s32 s30, $0xFE00;
	v12 =	vmax.f32 v12, $0.0e+00;
	v5 =	vadd.f32 v5, v10;
	v10 =	vld [tilespmem:s29+$0x12070]  }
0x6c: {  	v13 =	vld [tilespmem:s0+$0x16000];
	[tilespmem:s29+$0x12000] =	vst v12;
	v11 =	vmax.f32 v11, $0.0e+00;
	v4 =	vadd.f32 v4, v9  }
0x6d: {  	v14 =	vld [tilespmem:s0+$0x16010];
	[tilespmem:s29+$0x12010] =	vst v11;
	v9 =	vmax.f32 v5, $0.0e+00;
	v3 =	vadd.f32 v3, v8  }
0x6e: {  	v5 =	vld [tilespmem:s0+$0x16020];
	[tilespmem:s29+$0x12020] =	vst v9;
	v8 =	vmax.f32 v4, $0.0e+00;
	v2 =	vadd.f32 v2, v7  }
0x6f: {  	v4 =	vld [tilespmem:s0+$0x16030];
	[tilespmem:s29+$0x12030] =	vst v8;
	v7 =	vmax.f32 v3, $0.0e+00;
	v1 =	vadd.f32 v1, v6  }
0x70: {  	v3 =	vld [tilespmem:s0+$0x16040];
	[tilespmem:s29+$0x12040] =	vst v7;
	v6 =	vmax.f32 v2, $0.0e+00;
	v0 =	vadd.f32 v0, v10  }
0x71: {  	v2 =	vld [tilespmem:s0+$0x16050];
	[tilespmem:s29+$0x12050] =	vst v6;
	v6 =	vmax.f32 v1, $0.0e+00  }
0x72: {  	v1 =	vld [tilespmem:s0+$0x16060];
	[tilespmem:s29+$0x12060] =	vst v6;
	v6 =	vmax.f32 v0, $0.0e+00  }
0x73: {  	v0 =	vld [tilespmem:s0+$0x16070];
	[tilespmem:s29+$0x12070] =	vst v6;
	s29 =	smov.u32 s0  }
0x74: {  	v6 =	vld [tilespmem:s29+$0x12000]  }
0x75: {  	v11 =	vld [tilespmem:s29+$0x12010]  }
.Ltmp1:
0x76: {  	v10 =	vld [tilespmem:s29+$0x12020];
	(pc) =	sbr.rel @p0 .LBB2_5-.Ltmp1, $4  }
0x77: {  	v9 =	vld [tilespmem:s29+$0x12030]  }
0x78: {  	v8 =	vld [tilespmem:s29+$0x12040]  }
0x79: {  	v12 =	vadd.f32 v13, v6;
	v7 =	vld [tilespmem:s29+$0x12050]  }
0x7a: {  	s30 =	sadd.s32 $0x200, s30;
	v11 =	vadd.f32 v14, v11;
	v6 =	vld [tilespmem:s29+$0x12060]  }
0x7b: {  	v12 =	vmax.f32 v12, $0.0e+00;
	v5 =	vadd.f32 v5, v10;
	v63 =	vld [tilespmem:s29+$0x12070]  }
0x7c: {  	[tilespmem:s29+$0x12000] =	vst v12;
	v11 =	vmax.f32 v11, $0.0e+00;
	v4 =	vadd.f32 v4, v9  }
0x7d: {  	[tilespmem:s29+$0x12010] =	vst v11;
	v5 =	vmax.f32 v5, $0.0e+00;
	v3 =	vadd.f32 v3, v8  }
0x7e: {  	[tilespmem:s29+$0x12020] =	vst v5;
	v4 =	vmax.f32 v4, $0.0e+00;
	v2 =	vadd.f32 v2, v7  }
0x7f: {  	[tilespmem:s29+$0x12030] =	vst v4;
	v3 =	vmax.f32 v3, $0.0e+00;
	v1 =	vadd.f32 v1, v6  }
0x80: {  	s0 =	sadd.s32 s13, s28;
	[tilespmem:s29+$0x12040] =	vst v3;
	v2 =	vmax.f32 v2, $0.0e+00;
	v0 =	vadd.f32 v0, v63  }
0x81: {  	s26 =	sadd.s32 $0x1, s26;
	s0 =	sshll.u32 s0, $0xB;
	[tilespmem:s29+$0x12050] =	vst v2;
	v1 =	vmax.f32 v1, $0.0e+00  }
0x82: {  	p0 =	sne.s32 s26, s12;
	s0 =	sand.u32 $0x1FFFF800, s0;
	[tilespmem:s29+$0x12060] =	vst v1;
	v0 =	vmax.f32 v0, $0.0e+00  }
.Ltmp2:
0x83: {  	s0 =	sadd.s32 s5, s0;
	[tilespmem:s29+$0x12070] =	vst v0;
	(pc) =	sbr.rel @p0 .LBB2_2-.Ltmp2, $4  }
0x84: {  	[hbm4b:s0+s2] =	stream.linear.scatter [tilespmem:s24], [sflag:$0x5], $0x4000, $0x38;
	[tilespmem:$0x1A000] =	vst v63  }
0x85: {  	_ =	swait.ge [sflag:s15], $0x4000  }
0x86: {  	[sflag:s15] =	ssyncset.done $0x0  }
0x87: {  	[sflag:s15] =	ssyncadd.s32 $0xFFFFC000  }
0x88: {  	s25 =	sadd.s32 $0x1, s25  }
0x89: {  	p0 =	sne.s32 s25, s14  }
.Ltmp3:
0x8a: {  	_ = 	snop;
	(pc) =	sbr.rel @p0 .LBB2_1-.Ltmp3, $1  }
0x8b: {  	_ =	sdelay $0x3  }
0x8c: {  	_ =	sfence.sel $0x180000  }
0x8d: {  	[bflag:$0x0] =	sbarrier.arrive $0xFFFF  }
0x8e: {  	_ =	strace $0x90000050  }
0x8f: {  	[bflag:$0x2] =	sbarrier.arrive $0xFFFF  }
0x90: {  	p0 =	sne.s32 s1, $0x0;
	s0 =	rddreg [dreg:$0x1]  }
0x91: {  	s0 =	sadd.s32 @!p0 $0x100000, s0  }
0x92: {  	[sflag:s0] =	ssyncadd.tile.s32 @!p0 $0x1;
	_ =	shalt  }
.Lfunc_end2:
_tile_overlayer_lowered:
.L_overlay_start_2:
0x93: {  	(tag) =	ssettag $0x2  }
0x94: {  	s0 =	rddreg [dreg:$0x0];
	s2 =	stileid.u32  }
0x95: {  	s1 =	rddreg [dreg:$0x1];
	p0 =	sne.s32 s2, $0x0  }
0x96: {  	s3 =	rddreg [dreg:$0x2];
	[bflag:$0x3] =	sbarrier.arrive $0xFFFF;
	s2 =	simm.s32 @!p0 $0x1C05  }
0x97: {  	[timem:s3], [sflag:s2] =	dma.local @!p0 [hbm:s0], s1  }
0x98: {  	s0 =	simm.s32 @!p0 $0x5  }
0x99: {  	_ =	swait.ge @!p0 [sflag:s0], s1  }
0x9a: {  	s1 =	ssub.s32 @!p0 $0x0, s1;
	[sflag:s0] =	ssyncset.done @!p0 $0x0  }
0x9b: {  	[sflag:s0] =	ssyncadd.s32 @!p0 s1  }
0x9c: {  	[bflag:$0x3] =	sbarrier.arrive $0xFFFF  }
0x9d: {  	_ =	shalt  }

// kernel: kernel.33.cloned.1.call-start
scs
__scs_entry_jumppad:
0x0: {  	(pc) =	sbr.rel $0x88, $3  }
0x1: {  	(tag) =	ssettag $0x0;
	lr =	simm.s32 $0x1  }
0x2: {  	[smem:$0x3F6B] =	sst lr;
	_ =	strace $0xD0000000  }
0x3: {  	_ = 	snop  }
0x4: {  	_ = 	snop  }
0x5: {  	_ = 	snop  }
0x6: {  	_ = 	snop  }
0x7: {  	_ = 	snop  }
__scs_overlays_trampoline_lowered:
0x8: {  	[smem:$0x3F7A] =	sst s0  }
0x9: {  	[smem:$0x3F7B] =	sst s1  }
0xa: {  	[smem:$0x3F7C] =	sst s2  }
0xb: {  	[smem:$0x3F7D] =	sst s3  }
0xc: {  	[smem:$0x3F7E] =	sst s4  }
0xd: {  	[smem:$0x3F7F] =	sst s5  }
0xe: {  	[smem:$0x3F80] =	sst s6  }
0xf: {  	[smem:$0x3F81] =	sst s7  }
0x10: {  	[smem:$0x3F82] =	sst s8  }
0x11: {  	[smem:$0x3F83] =	sst s9;
	s0 =	simm.s32 @!p0 $0x0  }
0x12: {  	s1 =	sld [smem:$0x3F69];
	s0 =	simm.s32 @p0 $0x1  }
0x13: {  	[smem:$0x3F84] =	sst s0;
	s0 =	simm.s32 @!p1 $0x0  }
0x14: {  	s2 =	sld [smem:$0x3F68];
	s0 =	simm.s32 @p1 $0x1  }
0x15: {  	[smem:$0x3F85] =	sst s0;
	s0 =	simm.s32 @!p2 $0x0  }
0x16: {  	s3 =	sld [smem:$0x3FDB];
	s0 =	simm.s32 @p2 $0x1  }
0x17: {  	s4 =	simm.s32 $0x1BF5;
	[smem:$0x3F87] =	sst s0  }
0x18: {  	s0 =	sld [smem:$0x3F6A];
	_ =	swait.ge [sflag:s4], $0x0  }
0x19: {  	s7 =	sld [smem:$0x3F6B]  }
0x1a: {  	s8 =	sadd.s32 $0xFFFFE003, lr  }
0x1b: {  	s9 =	sadd.s32 $0xFFFFFEF7, lr;
	s5 =	simm.s32 $0xFFFFFFFF;
	p2 =	slt.u32 s8, $0xFFFFF086  }
0x1c: {  	p1 =	slt.u32 s9, $0xF7A;
	s5 =	simm.s32 @!p2 $0x0  }
0x1d: {  	s5 =	simm.s32 @p1 $0x1;
	p0 =	seq.s32 s7, s2  }
0x1e: {  	s7 =	smul.u32 @!p0 $0xF7A, s2;
	p2 =	seq.s32 @!p0 s5, $0x0  }
0x1f: {  	s9 =	smul.u32 $0xF7A, s1;
	s8 =	simm.s32 @!p0 $0x1BF5;
	p2 =	por !p2, p0  }
0x20: {  	[sflag:s8] =	ssyncset.s32 @!p0 $0xFFFFF086;
	s6 =	sadd.s32 @!p0 s3, s7;
	s7 =	simm.s32 @!p0 $0x108  }
0x21: {  	s3 =	sadd.s32 s3, s9;
	s6 =	sadd.s32 @!p0 $0x88, s6;
	s7 =	simm.s32 @p2 $0x1082  }
0x22: {  	[simem:s7], [sflag:s8] =	dma.local @!p0 [hbm:s6], $0xF7A  }
0x23: {  	s9 =	sor.u32 $0xD0000000, s2;
	s6 =	simm.s32 $0x108;
	_ =	swait.ge @!p0 [sflag:s8], $0x0  }
0x24: {  	s3 =	sadd.s32 $0x88, s3;
	s6 =	simm.s32 @!p1 $0x1082;
	[sflag:s4] =	ssyncset.s32 $0xFFFFF086  }
0x25: {  	[simem:s6], [sflag:s4] =	dma.local [hbm:s3], $0xF7A  }
0x26: {  	[smem:$0x3F6B] =	sst s1;
	(tag) =	ssettag s2;
	_ =	strace s9  }
0x27: {  	s1 =	sld [smem:$0x3F7B]  }
0x28: {  	s2 =	sld [smem:$0x3F7C]  }
0x29: {  	s4 =	sld [smem:$0x3F7E]  }
0x2a: {  	p0 =	seq.s32 s5, $0x0;
	s5 =	sld [smem:$0x3F7F]  }
0x2b: {  	s6 =	sld [smem:$0x3F80]  }
0x2c: {  	s7 =	sld [smem:$0x3F81]  }
0x2d: {  	s3 =	simm.s32 $0x108;
	s8 =	sld [smem:$0x3F82]  }
0x2e: {  	s3 =	simm.s32 @!p0 $0x1082;
	s9 =	sld [smem:$0x3F83]  }
0x2f: {  	lr =	sadd.s32 s0, s3;
	s0 =	sld [smem:$0x3F7A]  }
0x30: {  	s3 =	sld [smem:$0x3F7D]  }
0x31: {  	[smem:$0x3F86] =	sst s10  }
0x32: {  	s10 =	sld [smem:$0x3F84];
	_ =	sdelay $0x3  }
0x33: {  	p0 =	seq.s32 s10, $0x1;
	s10 =	sld [smem:$0x3F86];
	_ =	sdelay $0x3  }
0x34: {  	[smem:$0x3F86] =	sst s10  }
0x35: {  	s10 =	sld [smem:$0x3F85];
	_ =	sdelay $0x3  }
0x36: {  	p1 =	seq.s32 s10, $0x1;
	s10 =	sld [smem:$0x3F86];
	_ =	sdelay $0x3  }
0x37: {  	[smem:$0x3F86] =	sst s10  }
0x38: {  	s10 =	sld [smem:$0x3F87]  }
0x39: {  	_ = 	snop;
	(pc) =	sbr.ind lr, $3  }
0x3a: {  	_ = 	snop  }
0x3b: {  	_ = 	snop  }
0x3c: {  	p2 =	seq.s32 s10, $0x1;
	s10 =	sld [smem:$0x3F86]  }
0x3d: {  	_ =	shalt  }
0x3e: {  	_ =	shalt  }
0x3f: {  	_ =	shalt  }
0x40: {  	_ =	shalt  }
0x41: {  	_ =	shalt  }
0x42: {  	_ =	shalt  }
0x43: {  	_ =	shalt  }
0x44: {  	_ =	shalt  }
0x45: {  	_ =	shalt  }
0x46: {  	_ =	shalt  }
0x47: {  	_ =	shalt  }
0x48: {  	_ =	shalt  }
0x49: {  	_ =	shalt  }
0x4a: {  	_ =	shalt  }
0x4b: {  	_ =	shalt  }
0x4c: {  	_ =	shalt  }
0x4d: {  	_ =	shalt  }
0x4e: {  	_ =	shalt  }
0x4f: {  	_ =	shalt  }
0x50: {  	_ =	shalt  }
0x51: {  	_ =	shalt  }
0x52: {  	_ =	shalt  }
0x53: {  	_ =	shalt  }
0x54: {  	_ =	shalt  }
0x55: {  	_ =	shalt  }
0x56: {  	_ =	shalt  }
0x57: {  	_ =	shalt  }
0x58: {  	_ =	shalt  }
0x59: {  	_ =	shalt  }
0x5a: {  	_ =	shalt  }
0x5b: {  	_ =	shalt  }
0x5c: {  	_ =	shalt  }
0x5d: {  	_ =	shalt  }
0x5e: {  	_ =	shalt  }
0x5f: {  	_ =	shalt  }
0x60: {  	_ =	shalt  }
0x61: {  	_ =	shalt  }
0x62: {  	_ =	shalt  }
0x63: {  	_ =	shalt  }
0x64: {  	_ =	shalt  }
0x65: {  	_ =	shalt  }
0x66: {  	_ =	shalt  }
0x67: {  	_ =	shalt  }
0x68: {  	_ =	shalt  }
0x69: {  	_ =	shalt  }
0x6a: {  	_ =	shalt  }
0x6b: {  	_ =	shalt  }
0x6c: {  	_ =	shalt  }
0x6d: {  	_ =	shalt  }
0x6e: {  	_ =	shalt  }
0x6f: {  	_ =	shalt  }
0x70: {  	_ =	shalt  }
0x71: {  	_ =	shalt  }
0x72: {  	_ =	shalt  }
0x73: {  	_ =	shalt  }
0x74: {  	_ =	shalt  }
0x75: {  	_ =	shalt  }
0x76: {  	_ =	shalt  }
0x77: {  	_ =	shalt  }
0x78: {  	_ =	shalt  }
0x79: {  	_ =	shalt  }
0x7a: {  	_ =	shalt  }
0x7b: {  	_ =	shalt  }
0x7c: {  	_ =	shalt  }
0x7d: {  	_ =	shalt  }
0x7e: {  	_ =	shalt  }
0x7f: {  	_ =	shalt  }
0x80: {  	_ =	shalt  }
0x81: {  	_ =	shalt  }
0x82: {  	_ =	shalt  }
0x83: {  	_ =	shalt  }
0x84: {  	_ =	shalt  }
0x85: {  	_ =	shalt  }
0x86: {  	_ =	shalt  }
0x87: {  	_ =	shalt  }
.Lfunc_end0:
.L_simem_size_0:
called_computation.4_lowered:
.L_overlay_start_0:
0x88: {  	s2 =	sld [smem:$0x3FD9]  }
0x89: {  	s3 =	sld [smem:$0x3FFE];
	_ =	sdelay $0x1  }
0x8a: {  	s1 =	srdreg.scid  }
0x8b: {  	s0 =	sand.u32 $0x1, s1  }
0x8c: {  	s16 =	sshll.u32 s0, $0xA;
	s2 =	sadd.s32 s3, s2  }
0x8d: {  	s2 =	sadd.s32 s2, s16  }
0x8e: {  	[smem:$0x3F92] =	sst s2  }
0x8f: {  	_ = 	snop  }
0x90: {  	(tm) =	ssettm $0x1  }
0x91: {  	s17 =	sld [smem:$0x3FFB];
	_ =	sdelay $0x3  }
0x92: {  	_ =	strace s17  }
0x93: {  	s2 =	sld [smem:$0x3FFC];
	_ =	sdelay $0x3  }
0x94: {  	_ =	strace s2  }
0x95: {  	s2 =	sld [smem:$0x3FFD];
	_ =	sdelay $0x3  }
0x96: {  	_ =	strace s2  }
0x97: {  	_ =	strace $0x8FFFFFFF  }
0x98: {  	s18 =	sld [smem:$0x3FDB];
	_ =	sdelay $0x1  }
0x99: {  	s19 =	simm.s32 $_scs_section_size  }
0x9a: {  	s4 =	simm.s32 $_size__tile_overlayer_lowered;
	s5 =	simm.s32 $_tile_overlayer_lowered  }
0x9b: {  	s22 =	simm.s32 $0x1BFF;
	s21 =	sshll.u32 s5, $0x1;
	s2 =	sadd.s32 s19, s18  }
0x9c: {  	s6 =	simm.s32 $0x0;
	s20 =	sshll.u32 s4, $0x1;
	s4 =	sadd.s32 s21, s2  }
0x9d: {  	[timem:s6], [sflag:s22] =	dma.local [hbm:s4], s20  }
0x9e: {  	_ =	swait.ge [sflag:s22], s20  }
0x9f: {  	s3 =	ssub.s32 $0x0, s20;
	[sflag:s22] =	ssyncset.done $0x0  }
0xa0: {  	[sflag:s22] =	ssyncadd.s32 s3;
	_ =	sdelay $0x1  }
0xa1: {  	s23 =	simm.s32 $0x1B8B  }
0xa2: {  	_ =	swait.ge [sflag:s23], $0x1  }
0xa3: {  	[sflag:s23] =	ssyncset.done $0x0  }
0xa4: {  	s25 =	simm.s32 $0x1B8E;
	s24 =	sld [smem:$0x3FFE];
	[sflag:s23] =	ssyncadd.s32 $0xFFFFFFFF  }
0xa5: {  	s26 =	simm.s32 $execute0_lowered;
	[smem:$0x3FD2] =	sst s25  }
0xa6: {  	s4 =	sshll.u32 s26, $0x1;
	_ =	strace $0x80000052;
	[dreg:$0x1] =	wrdreg $0xFFFFFFFF  }
0xa7: {  	s28 =	simm.s32 $_size_execute0_lowered;
	s2 =	sadd.s32 s2, s4;
	[dreg:$0x0] =	wrdreg $0x0  }
0xa8: {  	s4 =	sshll.u32 s28, $0x1;
	[dreg:$0x2] =	wrdreg s2  }
0xa9: {  	[dreg:$0x3] =	wrdreg s4  }
0xaa: {  	[dreg:$0x4] =	wrdreg $0xC0  }
0xab: {  	_ =	task [dreg:s6], $0x5FFFF  }
0xac: {  	[dreg:$0x1] =	wrdreg $0xFFFFFFFF  }
0xad: {  	[dreg:$0x0] =	wrdreg $0x60  }
0xae: {  	[dreg:$0x2] =	wrdreg s24  }
0xaf: {  	[dreg:$0x3] =	wrdreg $0x0  }
0xb0: {  	[dreg:$0x4] =	wrdreg $0x9  }
0xb1: {  	_ =	task.clear_ibuf [dreg:s6], $0x5FFFF;
	_ =	strace $0x90000052  }
0xb2: {  	s29 =	simm.s32 $0x9;
	_ =	strace $0x80000054  }
0xb3: {  	_ =	swait.ge [sflag:s29], $0x1  }
0xb4: {  	[sflag:s29] =	ssyncadd.s32 $0xFFFFFFFF  }
0xb5: {  	_ =	strace $0x90000054  }
0xb6: {  	_ =	sfence  }
0xb7: {  	s30 =	sld [smem:$0x0];
	_ =	sdelay $0x2  }
0xb8: {  	s31 =	sshll.u32 s1, $0xD;
	s1 =	sshrl.u32 s1, $0x2  }
0xb9: {  	s3 =	sand.u32 $0x4000, s31;
	s1 =	sadd.s32 s1, s30  }
0xba: {  	s0 =	sor.u32 s3, s0;
	s1 =	sshll.u32 s1, $0x11  }
0xbb: {  	s0 =	sor.u32 s1, s0  }
0xbc: {  	s0 =	sadd.s32 $0x8F2B, s0  }
0xbd: {  	[sflag:s0] =	ssyncadd.remote.s32 $0x1  }
0xbe: {  	_ =	sfence.sel $0xFFFF  }
0xbf: {  	[dreg:$0x0] =	wrdreg $0xFFFFFFFF;
	(pc) =	sbr.abs _section_cstart, $3  }
0xc0: {  	[dreg:$0x1] =	wrdreg $0xFFFFFFFF  }
0xc1: {  	_ =	task.clear_ibuf [dreg:s6], $0x2FFFF;
	_ =	strace $0x9FFFFFFF  }
0xc2: {  	(tm) =	ssettm $0x7FFFFFFF  }
0xc3: {  	_ =	shalt  }
tec
execute0_lowered:
.L_overlay_start_1:
0x0: {  	(tag) =	ssettag $0x1  }
0x1: {  	s1 =	srdreg.scid;
	s4 =	rddreg [dreg:$0x0]  }
0x2: {  	s0 =	stileid.u32;
	s2 =	rddreg [dreg:$0x1];
	s3 =	simm.s32 $0x0  }
0x3: {  	s15 =	simm.s32 $0x16800;
	s16 =	simm.s32 $0x1A800;
	s17 =	simm.s32 $0x1  }
0x4: {  	s18 =	simm.s32 $0x80;
	s19 =	simm.s32 $0x2;
	s20 =	simm.s32 $0x16700  }
0x5: {  	s21 =	simm.s32 $0x16780;
	s22 =	simm.s32 $0x0;
	s8 =	smul.u32 $0x14000, s0  }
0x6: {  	s5 =	sand.u32 $0x1, s1;
	s1 =	rddreg [dreg:$0x2];
	s25 =	smul.u32 $0x50000, s0  }
0x7: {  	s24 =	sshll.u32 s0, $0x1;
	[smem:$0x7FF] =	sst s3;
	s13 =	smul.u32 $0xA0, s0  }
0x8: {  	s10 =	sadd.s32 $0x61CA00, s4;
	s31 =	sshll.u32 s0, $0x6;
	s9 =	smul.u32 $0x140000, s5  }
0x9: {  	s6 =	sor.u32 s5, s24;
	s12 =	ssub.s32 $0x2, s5;
	s5 =	smul.u32 $0x50, s5  }
0xa: {  	_ =	strace $0x80000053;
	s7 =	smul.u32 $0x500, s6;
	s11 =	sshrl.u32 s8, $0x3  }
0xb: {  	s26 =	sshrl.u32 s12, $0x1;
	s6 =	smul.u32 $0x28000, s6;
	s11 =	sadd.s32 s11, s4  }
0xc: {  	s8 =	sadd.s32 s8, s9;
	s12 =	ssub.s32 s12, s26;
	s9 =	sshrl.u32 s25, $0x2  }
0xd: {  	s28 =	sadd.s32 s5, s13;
	s13 =	sor.u32 $0x1C03, s31;
	s7 =	sadd.s32 s7, s4  }
0xe: {  	s8 =	sshrl.u32 s8, $0x3;
	s14 =	sadd.s32 s9, s2;
	s5 =	sadd.s32 $0x5A4A00, s11  }
0xf: {  	s6 =	sadd.s32 s10, s6;
	s29 =	sshll.u32 s28, $0xB;
	s8 =	sadd.s32 s8, s4  }
0x10: {  	s4 =	sadd.s32 $0x20200, s7;
	s30 =	sadd.s32 s29, s10;
	s9 =	sadd.s32 $0x27800, s6  }
0x11: {  	s14 =	sshrl.u32 s14, $0x3;
	s7 =	sadd.s32 $0x54A00, s8;
	s8 =	smax.u32 s12, $0x1  }
0x12: {  	s10 =	sadd.s32 $0x1000, s30;
	s11 =	sadd.s32 $0x800, s30;
	s12 =	simm.s32 $0x3  }
.LBB2_1:
0x13: {  	s23 =	simm.s32 $0x14000  }
0x14: {  	[tilespmem:s23], [sflag:$0x3] =	stream.linear.gather [hbm4b:s4+s3], $0x2800, $0x38;
	[tilespmem:$0x1E800] =	vst v63  }
0x15: {  	_ =	swait.ge [sflag:s12], $0x2800  }
0x16: {  	[sflag:s12] =	ssyncset.done $0x0  }
0x17: {  	[sflag:s12] =	ssyncadd.s32 $0xFFFFD800  }
0x18: {  	[spmem:s14], [sflag:s13] =	dma.local [hbm:s5], $0x2800  }
0x19: {  	_ =	swait.ge [sflag:s12], $0x2800  }
0x1a: {  	[sflag:s12] =	ssyncset.done $0x0  }
0x1b: {  	[sflag:s12] =	ssyncadd.s32 $0xFFFFD800  }
0x1c: {  	[bflag:$0x0] =	sbarrier.arrive $0xFFFF  }
0x1d: {  	[tilespmem:s15], [sflag:$0x1] =	stream.linear.gather [hbm4b:s6+s3], $0x4000, $0x38;
	[tilespmem:$0x1E800] =	vst v63  }
0x1e: {  	s24 =	sadd.s32 $0x0, s11  }
0x1f: {  	[tilespmem:s16], [sflag:$0x2] =	stream.linear.gather [hbm4b:s24+s3], $0x4000, $0x38;
	[tilespmem:$0x1E800] =	vst v63  }
0x20: {  	_ =	swait.ge [sflag:s17], $0x4000  }
0x21: {  	[sflag:s17] =	ssyncset.done $0x0  }
0x22: {  	[sflag:s17] =	ssyncadd.s32 $0xFFFFC000  }
0x23: {  	[spmem:s2] =	stream.indirect.scatter.add.f32 [tilespmem:s15], [sflag:$0x3], $0x80, s23, s18, $0xb8;
	[tilespmem:$0x1E800] =	vst v63  }
0x24: {  	_ =	swait.ge [sflag:s12], $0x4000  }
0x25: {  	[sflag:s12] =	ssyncset.done $0x0  }
0x26: {  	s30 =	sadd.s32 $0x0, s10;
	[sflag:s12] =	ssyncadd.s32 $0xFFFFC000  }
0x27: {  	[tilespmem:s15], [sflag:$0x1] =	stream.linear.gather [hbm4b:s30+s3], $0x4000, $0x38;
	[tilespmem:$0x1E800] =	vst v63  }
0x28: {  	_ =	swait.ge [sflag:s19], $0x4000  }
0x29: {  	[sflag:s19] =	ssyncset.done $0x0  }
0x2a: {  	s31 =	simm.s32 $0x14080;
	[sflag:s19] =	ssyncadd.s32 $0xFFFFC000  }
0x2b: {  	[spmem:s2] =	stream.indirect.scatter.add.f32 [tilespmem:s16], [sflag:$0x3], $0x80, s31, s18, $0xb8;
	[tilespmem:$0x1E800] =	vst v63  }
0x2c: {  	s25 =	simm.s32 $0x2000;
	_ =	swait.ge [sflag:s12], $0x4000  }
0x2d: {  	s24 =	simm.s32 $0x1000;
	s23 =	simm.s32 $0x14100;
	[sflag:s12] =	ssyncset.done $0x0  }
.LBB2_2:
0x2e: {  	s26 =	sadd.s32 s24, s11  }
0x2f: {  	[sflag:s12] =	ssyncadd.s32 $0xFFFFC000;
	s28 =	smov.u32 s25;
	s29 =	sadd.s32 $0x1000, s25  }
0x30: {  	[tilespmem:s16], [sflag:$0x2] =	stream.linear.gather [hbm4b:s26+s3], $0x4000, $0x38;
	[tilespmem:$0x1E800] =	vst v63  }
0x31: {  	p0 =	sne.s32 s25, $0x26000;
	_ =	swait.ge [sflag:s17], $0x4000  }
0x32: {  	[sflag:s17] =	ssyncset.done $0x0  }
0x33: {  	[sflag:s17] =	ssyncadd.s32 $0xFFFFC000  }
0x34: {  	[spmem:s2] =	stream.indirect.scatter.add.f32 [tilespmem:s15], [sflag:$0x3], $0x80, s23, s18, $0xb8;
	[tilespmem:$0x1E800] =	vst v63  }
0x35: {  	_ =	swait.ge [sflag:s12], $0x4000  }
0x36: {  	[sflag:s12] =	ssyncset.done $0x0  }
0x37: {  	s25 =	sadd.s32 s24, s10;
	s24 =	smov.u32 s28;
	[sflag:s12] =	ssyncadd.s32 $0xFFFFC000  }
0x38: {  	[tilespmem:s15], [sflag:$0x1] =	stream.linear.gather [hbm4b:s25+s3], $0x4000, $0x38;
	[tilespmem:$0x1E800] =	vst v63  }
0x39: {  	_ =	swait.ge [sflag:s19], $0x4000  }
.Ltmp0:
0x3a: {  	[sflag:s19] =	ssyncset.done $0x0;
	(pc) =	sbr.rel @p0 .LBB2_2-.Ltmp0, $4  }
0x3b: {  	s25 =	sadd.s32 $0x80, s23;
	[sflag:s19] =	ssyncadd.s32 $0xFFFFC000  }
0x3c: {  	[spmem:s2] =	stream.indirect.scatter.add.f32 [tilespmem:s16], [sflag:$0x3], $0x80, s25, s18, $0xb8;
	[tilespmem:$0x1E800] =	vst v63  }
0x3d: {  	_ =	swait.ge [sflag:s12], $0x4000  }
0x3e: {  	s23 =	sadd.s32 $0x100, s23;
	s25 =	smov.u32 s29;
	[sflag:s12] =	ssyncset.done $0x0  }
0x3f: {  	s25 =	sadd.s32 s24, s11;
	[sflag:s12] =	ssyncadd.s32 $0xFFFFC000  }
0x40: {  	[tilespmem:s16], [sflag:$0x2] =	stream.linear.gather [hbm4b:s25+s3], $0x4000, $0x38;
	[tilespmem:$0x1E800] =	vst v63  }
0x41: {  	_ =	swait.ge [sflag:s17], $0x4000  }
0x42: {  	[sflag:s17] =	ssyncset.done $0x0  }
0x43: {  	[sflag:s17] =	ssyncadd.s32 $0xFFFFC000  }
0x44: {  	[spmem:s2] =	stream.indirect.scatter.add.f32 [tilespmem:s15], [sflag:$0x3], $0x80, s23, s18, $0xb8;
	[tilespmem:$0x1E800] =	vst v63  }
0x45: {  	_ =	swait.ge [sflag:s12], $0x4000  }
0x46: {  	[sflag:s12] =	ssyncset.done $0x0  }
0x47: {  	s30 =	sadd.s32 s24, s10;
	[sflag:s12] =	ssyncadd.s32 $0xFFFFC000  }
0x48: {  	[tilespmem:s15], [sflag:$0x1] =	stream.linear.gather [hbm4b:s30+s3], $0x4000, $0x38;
	[tilespmem:$0x1E800] =	vst v63  }
0x49: {  	_ =	swait.ge [sflag:s19], $0x4000  }
0x4a: {  	[sflag:s19] =	ssyncset.done $0x0  }
0x4b: {  	s31 =	sadd.s32 $0x80, s23;
	[sflag:s19] =	ssyncadd.s32 $0xFFFFC000  }
0x4c: {  	[spmem:s2] =	stream.indirect.scatter.add.f32 [tilespmem:s16], [sflag:$0x3], $0x80, s31, s18, $0xb8;
	[tilespmem:$0x1E800] =	vst v63  }
0x4d: {  	_ =	swait.ge [sflag:s12], $0x4000  }
0x4e: {  	[sflag:s12] =	ssyncset.done $0x0  }
0x4f: {  	[sflag:s12] =	ssyncadd.s32 $0xFFFFC000  }
0x50: {  	[tilespmem:s16], [sflag:$0x2] =	stream.linear.gather [hbm4b:s9+s3], $0x4000, $0x38;
	[tilespmem:$0x1E800] =	vst v63  }
0x51: {  	_ =	swait.ge [sflag:s17], $0x4000  }
0x52: {  	[sflag:s17] =	ssyncset.done $0x0  }
0x53: {  	[sflag:s17] =	ssyncadd.s32 $0xFFFFC000  }
0x54: {  	[spmem:s2] =	stream.indirect.scatter.add.f32 [tilespmem:s15], [sflag:$0x3], $0x80, s20, s18, $0xb8;
	[tilespmem:$0x1E800] =	vst v63  }
0x55: {  	_ =	swait.ge [sflag:s12], $0x4000  }
0x56: {  	[sflag:s12] =	ssyncset.done $0x0  }
0x57: {  	[sflag:s12] =	ssyncadd.s32 $0xFFFFC000  }
0x58: {  	_ =	swait.ge [sflag:s19], $0x4000  }
0x59: {  	[sflag:s19] =	ssyncset.done $0x0  }
0x5a: {  	[sflag:s19] =	ssyncadd.s32 $0xFFFFC000  }
0x5b: {  	[spmem:s2] =	stream.indirect.scatter.add.f32 [tilespmem:s16], [sflag:$0x3], $0x80, s21, s18, $0xb8;
	[tilespmem:$0x1E800] =	vst v63  }
0x5c: {  	_ =	swait.ge [sflag:s12], $0x4000  }
0x5d: {  	s22 =	sadd.s32 $0x1, s22;
	[sflag:s12] =	ssyncset.done $0x0  }
0x5e: {  	p0 =	sne.s32 s22, s8;
	[sflag:s12] =	ssyncadd.s32 $0xFFFFC000  }
.Ltmp1:
0x5f: {  	[bflag:$0x0] =	sbarrier.arrive $0xFFFF;
	(pc) =	sbr.rel @p0 .LBB2_1-.Ltmp1, $4  }
0x60: {  	[hbm:s7], [sflag:s13] =	dma.local [spmem:s14], $0x2800  }
0x61: {  	_ =	swait.ge [sflag:s12], $0x2800  }
0x62: {  	[sflag:s12] =	ssyncset.done $0x0  }
0x63: {  	[sflag:s12] =	ssyncadd.s32 $0xFFFFD800  }
0x64: {  	_ =	sfence.sel $0x180000  }
0x65: {  	[bflag:$0x0] =	sbarrier.arrive $0xFFFF  }
0x66: {  	p0 =	sne.s32 s0, $0x0;
	_ =	strace $0x90000053  }
0x67: {  	s0 =	sadd.s32 @!p0 $0x100000, s1;
	[bflag:$0x2] =	sbarrier.arrive $0xFFFF  }
0x68: {  	[sflag:s0] =	ssyncadd.tile.s32 @!p0 $0x1;
	_ =	shalt  }
.Lfunc_end2:
_tile_overlayer_lowered:
.L_overlay_start_2:
0x69: {  	(tag) =	ssettag $0x2  }
0x6a: {  	s0 =	rddreg [dreg:$0x0];
	s2 =	stileid.u32  }
0x6b: {  	s1 =	rddreg [dreg:$0x1];
	p0 =	sne.s32 s2, $0x0  }
0x6c: {  	s3 =	rddreg [dreg:$0x2];
	[bflag:$0x3] =	sbarrier.arrive $0xFFFF;
	s2 =	simm.s32 @!p0 $0x1C03  }
0x6d: {  	[timem:s3], [sflag:s2] =	dma.local @!p0 [hbm:s0], s1  }
0x6e: {  	s0 =	simm.s32 @!p0 $0x3  }
0x6f: {  	_ =	swait.ge @!p0 [sflag:s0], s1  }
0x70: {  	s1 =	ssub.s32 @!p0 $0x0, s1;
	[sflag:s0] =	ssyncset.done @!p0 $0x0  }
0x71: {  	[sflag:s0] =	ssyncadd.s32 @!p0 s1  }
0x72: {  	[bflag:$0x3] =	sbarrier.arrive $0xFFFF  }
0x73: {  	_ =	shalt  }

// kernel: kernel.36.cloned.1.call-start
scs
__scs_entry_jumppad:
0x0: {  	(pc) =	sbr.rel $0x88, $3  }
0x1: {  	(tag) =	ssettag $0x0;
	lr =	simm.s32 $0x1  }
0x2: {  	[smem:$0x3F6B] =	sst lr;
	_ =	strace $0xD0000000  }
0x3: {  	_ = 	snop  }
0x4: {  	_ = 	snop  }
0x5: {  	_ = 	snop  }
0x6: {  	_ = 	snop  }
0x7: {  	_ = 	snop  }
__scs_overlays_trampoline_lowered:
0x8: {  	[smem:$0x3F7A] =	sst s0  }
0x9: {  	[smem:$0x3F7B] =	sst s1  }
0xa: {  	[smem:$0x3F7C] =	sst s2  }
0xb: {  	[smem:$0x3F7D] =	sst s3  }
0xc: {  	[smem:$0x3F7E] =	sst s4  }
0xd: {  	[smem:$0x3F7F] =	sst s5  }
0xe: {  	[smem:$0x3F80] =	sst s6  }
0xf: {  	[smem:$0x3F81] =	sst s7  }
0x10: {  	[smem:$0x3F82] =	sst s8  }
0x11: {  	[smem:$0x3F83] =	sst s9;
	s0 =	simm.s32 @!p0 $0x0  }
0x12: {  	s1 =	sld [smem:$0x3F69];
	s0 =	simm.s32 @p0 $0x1  }
0x13: {  	[smem:$0x3F84] =	sst s0;
	s0 =	simm.s32 @!p1 $0x0  }
0x14: {  	s2 =	sld [smem:$0x3F68];
	s0 =	simm.s32 @p1 $0x1  }
0x15: {  	[smem:$0x3F85] =	sst s0;
	s0 =	simm.s32 @!p2 $0x0  }
0x16: {  	s3 =	sld [smem:$0x3FDB];
	s0 =	simm.s32 @p2 $0x1  }
0x17: {  	s4 =	simm.s32 $0x1BF5;
	[smem:$0x3F87] =	sst s0  }
0x18: {  	s0 =	sld [smem:$0x3F6A];
	_ =	swait.ge [sflag:s4], $0x0  }
0x19: {  	s7 =	sld [smem:$0x3F6B]  }
0x1a: {  	s8 =	sadd.s32 $0xFFFFE003, lr  }
0x1b: {  	s9 =	sadd.s32 $0xFFFFFEF7, lr;
	s5 =	simm.s32 $0xFFFFFFFF;
	p2 =	slt.u32 s8, $0xFFFFF086  }
0x1c: {  	p1 =	slt.u32 s9, $0xF7A;
	s5 =	simm.s32 @!p2 $0x0  }
0x1d: {  	s5 =	simm.s32 @p1 $0x1;
	p0 =	seq.s32 s7, s2  }
0x1e: {  	s7 =	smul.u32 @!p0 $0xF7A, s2;
	p2 =	seq.s32 @!p0 s5, $0x0  }
0x1f: {  	s9 =	smul.u32 $0xF7A, s1;
	s8 =	simm.s32 @!p0 $0x1BF5;
	p2 =	por !p2, p0  }
0x20: {  	[sflag:s8] =	ssyncset.s32 @!p0 $0xFFFFF086;
	s6 =	sadd.s32 @!p0 s3, s7;
	s7 =	simm.s32 @!p0 $0x108  }
0x21: {  	s3 =	sadd.s32 s3, s9;
	s6 =	sadd.s32 @!p0 $0x88, s6;
	s7 =	simm.s32 @p2 $0x1082  }
0x22: {  	[simem:s7], [sflag:s8] =	dma.local @!p0 [hbm:s6], $0xF7A  }
0x23: {  	s9 =	sor.u32 $0xD0000000, s2;
	s6 =	simm.s32 $0x108;
	_ =	swait.ge @!p0 [sflag:s8], $0x0  }
0x24: {  	s3 =	sadd.s32 $0x88, s3;
	s6 =	simm.s32 @!p1 $0x1082;
	[sflag:s4] =	ssyncset.s32 $0xFFFFF086  }
0x25: {  	[simem:s6], [sflag:s4] =	dma.local [hbm:s3], $0xF7A  }
0x26: {  	[smem:$0x3F6B] =	sst s1;
	(tag) =	ssettag s2;
	_ =	strace s9  }
0x27: {  	s1 =	sld [smem:$0x3F7B]  }
0x28: {  	s2 =	sld [smem:$0x3F7C]  }
0x29: {  	s4 =	sld [smem:$0x3F7E]  }
0x2a: {  	p0 =	seq.s32 s5, $0x0;
	s5 =	sld [smem:$0x3F7F]  }
0x2b: {  	s6 =	sld [smem:$0x3F80]  }
0x2c: {  	s7 =	sld [smem:$0x3F81]  }
0x2d: {  	s3 =	simm.s32 $0x108;
	s8 =	sld [smem:$0x3F82]  }
0x2e: {  	s3 =	simm.s32 @!p0 $0x1082;
	s9 =	sld [smem:$0x3F83]  }
0x2f: {  	lr =	sadd.s32 s0, s3;
	s0 =	sld [smem:$0x3F7A]  }
0x30: {  	s3 =	sld [smem:$0x3F7D]  }
0x31: {  	[smem:$0x3F86] =	sst s10  }
0x32: {  	s10 =	sld [smem:$0x3F84];
	_ =	sdelay $0x3  }
0x33: {  	p0 =	seq.s32 s10, $0x1;
	s10 =	sld [smem:$0x3F86];
	_ =	sdelay $0x3  }
0x34: {  	[smem:$0x3F86] =	sst s10  }
0x35: {  	s10 =	sld [smem:$0x3F85];
	_ =	sdelay $0x3  }
0x36: {  	p1 =	seq.s32 s10, $0x1;
	s10 =	sld [smem:$0x3F86];
	_ =	sdelay $0x3  }
0x37: {  	[smem:$0x3F86] =	sst s10  }
0x38: {  	s10 =	sld [smem:$0x3F87]  }
0x39: {  	_ = 	snop;
	(pc) =	sbr.ind lr, $3  }
0x3a: {  	_ = 	snop  }
0x3b: {  	_ = 	snop  }
0x3c: {  	p2 =	seq.s32 s10, $0x1;
	s10 =	sld [smem:$0x3F86]  }
0x3d: {  	_ =	shalt  }
0x3e: {  	_ =	shalt  }
0x3f: {  	_ =	shalt  }
0x40: {  	_ =	shalt  }
0x41: {  	_ =	shalt  }
0x42: {  	_ =	shalt  }
0x43: {  	_ =	shalt  }
0x44: {  	_ =	shalt  }
0x45: {  	_ =	shalt  }
0x46: {  	_ =	shalt  }
0x47: {  	_ =	shalt  }
0x48: {  	_ =	shalt  }
0x49: {  	_ =	shalt  }
0x4a: {  	_ =	shalt  }
0x4b: {  	_ =	shalt  }
0x4c: {  	_ =	shalt  }
0x4d: {  	_ =	shalt  }
0x4e: {  	_ =	shalt  }
0x4f: {  	_ =	shalt  }
0x50: {  	_ =	shalt  }
0x51: {  	_ =	shalt  }
0x52: {  	_ =	shalt  }
0x53: {  	_ =	shalt  }
0x54: {  	_ =	shalt  }
0x55: {  	_ =	shalt  }
0x56: {  	_ =	shalt  }
0x57: {  	_ =	shalt  }
0x58: {  	_ =	shalt  }
0x59: {  	_ =	shalt  }
0x5a: {  	_ =	shalt  }
0x5b: {  	_ =	shalt  }
0x5c: {  	_ =	shalt  }
0x5d: {  	_ =	shalt  }
0x5e: {  	_ =	shalt  }
0x5f: {  	_ =	shalt  }
0x60: {  	_ =	shalt  }
0x61: {  	_ =	shalt  }
0x62: {  	_ =	shalt  }
0x63: {  	_ =	shalt  }
0x64: {  	_ =	shalt  }
0x65: {  	_ =	shalt  }
0x66: {  	_ =	shalt  }
0x67: {  	_ =	shalt  }
0x68: {  	_ =	shalt  }
0x69: {  	_ =	shalt  }
0x6a: {  	_ =	shalt  }
0x6b: {  	_ =	shalt  }
0x6c: {  	_ =	shalt  }
0x6d: {  	_ =	shalt  }
0x6e: {  	_ =	shalt  }
0x6f: {  	_ =	shalt  }
0x70: {  	_ =	shalt  }
0x71: {  	_ =	shalt  }
0x72: {  	_ =	shalt  }
0x73: {  	_ =	shalt  }
0x74: {  	_ =	shalt  }
0x75: {  	_ =	shalt  }
0x76: {  	_ =	shalt  }
0x77: {  	_ =	shalt  }
0x78: {  	_ =	shalt  }
0x79: {  	_ =	shalt  }
0x7a: {  	_ =	shalt  }
0x7b: {  	_ =	shalt  }
0x7c: {  	_ =	shalt  }
0x7d: {  	_ =	shalt  }
0x7e: {  	_ =	shalt  }
0x7f: {  	_ =	shalt  }
0x80: {  	_ =	shalt  }
0x81: {  	_ =	shalt  }
0x82: {  	_ =	shalt  }
0x83: {  	_ =	shalt  }
0x84: {  	_ =	shalt  }
0x85: {  	_ =	shalt  }
0x86: {  	_ =	shalt  }
0x87: {  	_ =	shalt  }
.Lfunc_end0:
.L_simem_size_0:
called_computation.5_lowered:
.L_overlay_start_0:
0x88: {  	s2 =	sld [smem:$0x3FD9]  }
0x89: {  	s3 =	sld [smem:$0x3FFE];
	_ =	sdelay $0x1  }
0x8a: {  	s1 =	srdreg.scid  }
0x8b: {  	s0 =	sand.u32 $0x1, s1  }
0x8c: {  	s16 =	sshll.u32 s0, $0xA;
	s2 =	sadd.s32 s3, s2  }
0x8d: {  	s2 =	sadd.s32 s2, s16  }
0x8e: {  	[smem:$0x3F92] =	sst s2  }
0x8f: {  	_ = 	snop  }
0x90: {  	(tm) =	ssettm $0x1  }
0x91: {  	s17 =	sld [smem:$0x3FFB];
	_ =	sdelay $0x3  }
0x92: {  	_ =	strace s17  }
0x93: {  	s2 =	sld [smem:$0x3FFC];
	_ =	sdelay $0x3  }
0x94: {  	_ =	strace s2  }
0x95: {  	s2 =	sld [smem:$0x3FFD];
	_ =	sdelay $0x3  }
0x96: {  	_ =	strace s2  }
0x97: {  	_ =	strace $0x8FFFFFFF  }
0x98: {  	s18 =	sld [smem:$0x3FDB];
	_ =	sdelay $0x1  }
0x99: {  	s19 =	simm.s32 $_scs_section_size  }
0x9a: {  	s4 =	simm.s32 $_size__tile_overlayer_lowered;
	s5 =	simm.s32 $_tile_overlayer_lowered  }
0x9b: {  	s22 =	simm.s32 $0x1BFF;
	s21 =	sshll.u32 s5, $0x1;
	s2 =	sadd.s32 s19, s18  }
0x9c: {  	s6 =	simm.s32 $0x0;
	s20 =	sshll.u32 s4, $0x1;
	s4 =	sadd.s32 s21, s2  }
0x9d: {  	[timem:s6], [sflag:s22] =	dma.local [hbm:s4], s20  }
0x9e: {  	_ =	swait.ge [sflag:s22], s20  }
0x9f: {  	s3 =	ssub.s32 $0x0, s20;
	[sflag:s22] =	ssyncset.done $0x0  }
0xa0: {  	[sflag:s22] =	ssyncadd.s32 s3;
	_ =	sdelay $0x1  }
0xa1: {  	s23 =	simm.s32 $0x1B8B  }
0xa2: {  	_ =	swait.ge [sflag:s23], $0x1  }
0xa3: {  	[sflag:s23] =	ssyncset.done $0x0  }
0xa4: {  	s25 =	simm.s32 $0x1B8E;
	s24 =	sld [smem:$0x3FFE];
	[sflag:s23] =	ssyncadd.s32 $0xFFFFFFFF  }
0xa5: {  	s26 =	simm.s32 $execute0_lowered;
	[smem:$0x3FD2] =	sst s25  }
0xa6: {  	s4 =	sshll.u32 s26, $0x1;
	_ =	strace $0x80000055;
	[dreg:$0x1] =	wrdreg $0xFFFFFFFF  }
0xa7: {  	s28 =	simm.s32 $_size_execute0_lowered;
	s2 =	sadd.s32 s2, s4;
	[dreg:$0x0] =	wrdreg $0x0  }
0xa8: {  	s4 =	sshll.u32 s28, $0x1;
	[dreg:$0x2] =	wrdreg s2  }
0xa9: {  	[dreg:$0x3] =	wrdreg s4  }
0xaa: {  	[dreg:$0x4] =	wrdreg $0xC0  }
0xab: {  	_ =	task [dreg:s6], $0x5FFFF  }
0xac: {  	[dreg:$0x1] =	wrdreg $0xFFFFFFFF  }
0xad: {  	[dreg:$0x0] =	wrdreg $0x60  }
0xae: {  	[dreg:$0x2] =	wrdreg s24  }
0xaf: {  	[dreg:$0x3] =	wrdreg $0x9  }
0xb0: {  	_ =	task.clear_ibuf [dreg:s6], $0x4FFFF;
	_ =	strace $0x90000055  }
0xb1: {  	s29 =	simm.s32 $0x9;
	_ =	strace $0x80000057  }
0xb2: {  	_ =	swait.ge [sflag:s29], $0x1  }
0xb3: {  	[sflag:s29] =	ssyncadd.s32 $0xFFFFFFFF  }
0xb4: {  	_ =	strace $0x90000057  }
0xb5: {  	_ =	sfence  }
0xb6: {  	s30 =	sld [smem:$0x0];
	_ =	sdelay $0x2  }
0xb7: {  	s31 =	sshll.u32 s1, $0xD;
	s1 =	sshrl.u32 s1, $0x2  }
0xb8: {  	s3 =	sand.u32 $0x4000, s31;
	s1 =	sadd.s32 s1, s30  }
0xb9: {  	s0 =	sor.u32 s3, s0;
	s1 =	sshll.u32 s1, $0x11  }
0xba: {  	s0 =	sor.u32 s1, s0  }
0xbb: {  	s0 =	sadd.s32 $0x8F2B, s0  }
0xbc: {  	[sflag:s0] =	ssyncadd.remote.s32 $0x1  }
0xbd: {  	_ =	sfence.sel $0xFFFF  }
0xbe: {  	[dreg:$0x0] =	wrdreg $0xFFFFFFFF;
	(pc) =	sbr.abs _section_cstart, $3  }
0xbf: {  	[dreg:$0x1] =	wrdreg $0xFFFFFFFF  }
0xc0: {  	_ =	task.clear_ibuf [dreg:s6], $0x2FFFF;
	_ =	strace $0x9FFFFFFF  }
0xc1: {  	(tm) =	ssettm $0x7FFFFFFF  }
tec
execute0_lowered:
.L_overlay_start_1:
0x0: {  	(tag) =	ssettag $0x1  }
0x1: {  	s5 =	rddreg [dreg:$0x0];
	s2 =	simm.s32 $0x0  }
0x2: {  	s1 =	stileid.u32;
	s3 =	srdreg.scid;
	s15 =	simm.s32 $0x5  }
0x3: {  	s16 =	simm.s32 $0x5000;
	s17 =	simm.s32 $0x80;
	s18 =	simm.s32 $0xA000  }
0x4: {  	s19 =	simm.s32 $0xE000;
	s20 =	simm.s32 $0x1;
	s21 =	simm.s32 $0x2  }
0x5: {  	s22 =	simm.s32 $0x3;
	s23 =	simm.s32 $0x4;
	s24 =	simm.s32 $0x12000  }
0x6: {  	s25 =	simm.s32 $0x0;
	[smem:$0x7FF] =	sst s2;
	s6 =	smul.u32 $0xA00, s1  }
0x7: {  	s8 =	sand.u32 $0x1, s3;
	s3 =	sadd.s32 $0x54A00, s5;
	s4 =	sadd.s32 $0x7CA00, s5  }
0x8: {  	s13 =	smul.u32 $0xA0, s1;
	_ =	strace $0x80000056;
	s7 =	ssub.s32 $0x2, s8  }
0x9: {  	p0 =	seq.s32 s8, $0x0;
	s10 =	sadd.s32 s6, s5;
	s6 =	smul.u32 $0x76, s8  }
0xa: {  	s31 =	sshrl.u32 s7, $0x1;
	s5 =	sadd.s32 $0xA4A00, s5;
	s8 =	smul.u32 $0x3B00, s8  }
0xb: {  	s14 =	ssub.s32 s7, s31;
	s7 =	simm.s32 $0x76;
	s9 =	sadd.s32 $0xC200, s10  }
0xc: {  	s10 =	sadd.s32 $0x16200, s10;
	s7 =	simm.s32 @!p0 $0x2A;
	s11 =	sadd.s32 $0x5000, s8  }
0xd: {  	s13 =	sadd.s32 s6, s13;
	s14 =	smax.u32 s14, $0x1;
	s12 =	sshrl.u32 s7, $0x1  }
.LBB2_1:
0xe: {  	[tilespmem:s2], [sflag:$0x5] =	stream.linear.gather [hbm4b:s9+s2], $0x5000, $0x38;
	[tilespmem:$0x1A000] =	vst v63  }
0xf: {  	_ =	swait.ge [sflag:s15], $0x5000  }
0x10: {  	[sflag:s15] =	ssyncset.done $0x0  }
0x11: {  	[sflag:s15] =	ssyncadd.s32 $0xFFFFB000  }
0x12: {  	[tilespmem:s16], [sflag:$0x5] =	stream.linear.gather [hbm4b:s10+s2], $0x5000, $0x38;
	[tilespmem:$0x1A000] =	vst v63  }
0x13: {  	_ =	swait.ge [sflag:s15], $0x5000  }
0x14: {  	[sflag:s15] =	ssyncset.done $0x0  }
0x15: {  	[sflag:s15] =	ssyncadd.s32 $0xFFFFB000  }
0x16: {  	[tilespmem:s18], [sflag:$0x1] =	stream.indirect.gather [hbm4b:s3+s17], $0x80, s8, s17, $0xb8;
	[tilespmem:$0x1A000] =	vst v63  }
0x17: {  	s26 =	simm.s32 $0x0  }
0x18: {  	[tilespmem:s19], [sflag:$0x2] =	stream.indirect.gather [hbm4b:s4+s17], $0x80, s11, s17, $0xb8;
	[tilespmem:$0x1A000] =	vst v63  }
.LBB2_2:
0x19: {  	s28 =	sshllo.u32 s26, $0x1  }
0x1a: {  	p0 =	sge.u32 s28, s7  }
0x1b: {  	s29 =	sadd.s32 @!p0 s6, s28  }
0x1c: {  	s30 =	simm.s32 @!p0 $0x80;
	s31 =	simm.s32 @!p0 $0x12000;
	s29 =	sshll.u32 @!p0 s29, $0x7  }
0x1d: {  	[tilespmem:s31], [sflag:$0x3] =	stream.indirect.gather @!p0 [hbm4b:s3+s30], $0x80, s29, s30, $0xb8;
	[tilespmem:$0x1A000] =	vst v63  }
0x1e: {  	s29 =	sadd.s32 @!p0 $0x5000, s29;
	s31 =	simm.s32 @!p0 $0x16000  }
0x1f: {  	[tilespmem:s31], [sflag:$0x4] =	stream.indirect.gather @!p0 [hbm4b:s4+s30], $0x80, s29, s30, $0xb8;
	[tilespmem:$0x1A000] =	vst v63  }
0x20: {  	_ =	swait.ge [sflag:s20], $0x4000  }
0x21: {  	[sflag:s20] =	ssyncset.done $0x0  }
0x22: {  	[sflag:s20] =	ssyncadd.s32 $0xFFFFC000  }
0x23: {  	_ =	swait.ge [sflag:s21], $0x4000  }
0x24: {  	[sflag:s21] =	ssyncset.done $0x0  }
0x25: {  	s29 =	simm.s32 $0x0;
	[sflag:s21] =	ssyncadd.s32 $0xFFFFC000  }
0x26: {  	v6 =	vld [tilespmem:s29+$0xE000]  }
0x27: {  	v11 =	vld [tilespmem:s29+$0xE010]  }
0x28: {  	v5 =	vld [tilespmem:s29+$0xE020]  }
0x29: {  	v4 =	vld [tilespmem:s29+$0xE030]  }
0x2a: {  	v3 =	vld [tilespmem:s29+$0xE040]  }
0x2b: {  	v2 =	vld [tilespmem:s29+$0xE050]  }
0x2c: {  	v1 =	vld [tilespmem:s29+$0xE060]  }
0x2d: {  	v0 =	vld [tilespmem:s29+$0xE070]  }
0x2e: {  	v12 =	vld [tilespmem:s29+$0xA000]  }
0x2f: {  	v13 =	vld [tilespmem:s29+$0xA010]  }
0x30: {  	v10 =	vld [tilespmem:s29+$0xA020]  }
0x31: {  	v9 =	vld [tilespmem:s29+$0xA030]  }
0x32: {  	v8 =	vld [tilespmem:s29+$0xA040]  }
0x33: {  	v7 =	vld [tilespmem:s29+$0xA050];
	v12 =	vadd.f32 v6, v12  }
0x34: {  	s30 =	sshll.u32 s26, $0x1;
	s31 =	simm.s32 $0x200;
	v11 =	vadd.f32 v11, v13;
	v6 =	vld [tilespmem:s29+$0xA060]  }
.LBB2_3:
0x35: {  	s0 =	sshra.s32 s31, $0x2;
	p0 =	sne.s32 s31, $0xFE00;
	v12 =	vmax.f32 v12, $0.0e+00;
	v5 =	vadd.f32 v5, v10;
	v10 =	vld [tilespmem:s29+$0xA070]  }
0x36: {  	v13 =	vld [tilespmem:s0+$0xE000];
	[tilespmem:s29+$0xA000] =	vst v12;
	v11 =	vmax.f32 v11, $0.0e+00;
	v4 =	vadd.f32 v4, v9  }
0x37: {  	v14 =	vld [tilespmem:s0+$0xE010];
	[tilespmem:s29+$0xA010] =	vst v11;
	v9 =	vmax.f32 v5, $0.0e+00;
	v3 =	vadd.f32 v3, v8  }
0x38: {  	v5 =	vld [tilespmem:s0+$0xE020];
	[tilespmem:s29+$0xA020] =	vst v9;
	v8 =	vmax.f32 v4, $0.0e+00;
	v2 =	vadd.f32 v2, v7  }
0x39: {  	v4 =	vld [tilespmem:s0+$0xE030];
	[tilespmem:s29+$0xA030] =	vst v8;
	v7 =	vmax.f32 v3, $0.0e+00;
	v1 =	vadd.f32 v1, v6  }
0x3a: {  	v3 =	vld [tilespmem:s0+$0xE040];
	[tilespmem:s29+$0xA040] =	vst v7;
	v6 =	vmax.f32 v2, $0.0e+00;
	v0 =	vadd.f32 v0, v10  }
0x3b: {  	v2 =	vld [tilespmem:s0+$0xE050];
	[tilespmem:s29+$0xA050] =	vst v6;
	v6 =	vmax.f32 v1, $0.0e+00  }
0x3c: {  	v1 =	vld [tilespmem:s0+$0xE060];
	[tilespmem:s29+$0xA060] =	vst v6;
	v6 =	vmax.f32 v0, $0.0e+00  }
0x3d: {  	v0 =	vld [tilespmem:s0+$0xE070];
	[tilespmem:s29+$0xA070] =	vst v6;
	s29 =	smov.u32 s0  }
0x3e: {  	v6 =	vld [tilespmem:s29+$0xA000]  }
0x3f: {  	v11 =	vld [tilespmem:s29+$0xA010]  }
.Ltmp0:
0x40: {  	v10 =	vld [tilespmem:s29+$0xA020];
	(pc) =	sbr.rel @p0 .LBB2_3-.Ltmp0, $4  }
0x41: {  	v9 =	vld [tilespmem:s29+$0xA030]  }
0x42: {  	v8 =	vld [tilespmem:s29+$0xA040]  }
0x43: {  	v12 =	vadd.f32 v13, v6;
	v7 =	vld [tilespmem:s29+$0xA050]  }
0x44: {  	s31 =	sadd.s32 $0x200, s31;
	v11 =	vadd.f32 v14, v11;
	v6 =	vld [tilespmem:s29+$0xA060]  }
0x45: {  	v12 =	vmax.f32 v12, $0.0e+00;
	v5 =	vadd.f32 v5, v10;
	v10 =	vld [tilespmem:s29+$0xA070]  }
0x46: {  	[tilespmem:s29+$0xA000] =	vst v12;
	v11 =	vmax.f32 v11, $0.0e+00;
	v4 =	vadd.f32 v4, v9  }
0x47: {  	[tilespmem:s29+$0xA010] =	vst v11;
	v5 =	vmax.f32 v5, $0.0e+00;
	v3 =	vadd.f32 v3, v8  }
0x48: {  	[tilespmem:s29+$0xA020] =	vst v5;
	v4 =	vmax.f32 v4, $0.0e+00;
	v2 =	vadd.f32 v2, v7  }
0x49: {  	[tilespmem:s29+$0xA030] =	vst v4;
	v3 =	vmax.f32 v3, $0.0e+00;
	v1 =	vadd.f32 v1, v6  }
0x4a: {  	[tilespmem:s29+$0xA040] =	vst v3;
	v2 =	vmax.f32 v2, $0.0e+00;
	v0 =	vadd.f32 v0, v10  }
0x4b: {  	s0 =	sadd.s32 s13, s30;
	[tilespmem:s29+$0xA050] =	vst v2;
	v1 =	vmax.f32 v1, $0.0e+00  }
0x4c: {  	s0 =	sshll.u32 s0, $0xB;
	[tilespmem:s29+$0xA060] =	vst v1;
	v0 =	vmax.f32 v0, $0.0e+00  }
0x4d: {  	s0 =	sadd.s32 s5, s0;
	[tilespmem:s29+$0xA070] =	vst v0  }
0x4e: {  	[hbm4b:s0+s2] =	stream.linear.scatter [tilespmem:s18], [sflag:$0x5], $0x4000, $0x38;
	[tilespmem:$0x1A000] =	vst v63  }
0x4f: {  	s0 =	sadd.s32 $0x2, s30  }
0x50: {  	_ =	swait.ge [sflag:s15], $0x4000;
	p0 =	sge.u32 s0, s7  }
0x51: {  	[sflag:s15] =	ssyncset.done $0x0;
	s0 =	sadd.s32 @!p0 s6, s0;
	s29 =	simm.s32 @!p0 $0x80  }
0x52: {  	s30 =	simm.s32 @!p0 $0xA000;
	[sflag:s15] =	ssyncadd.s32 $0xFFFFC000;
	s0 =	sshll.u32 @!p0 s0, $0x7  }
0x53: {  	[tilespmem:s30], [sflag:$0x1] =	stream.indirect.gather @!p0 [hbm4b:s3+s29], $0x80, s0, s29, $0xb8;
	[tilespmem:$0x1A000] =	vst v63  }
0x54: {  	s0 =	sadd.s32 @!p0 $0x5000, s0;
	s30 =	simm.s32 @!p0 $0xE000  }
0x55: {  	[tilespmem:s30], [sflag:$0x2] =	stream.indirect.gather @!p0 [hbm4b:s4+s29], $0x80, s0, s29, $0xb8;
	[tilespmem:$0x1A000] =	vst v63  }
0x56: {  	_ =	swait.ge [sflag:s22], $0x4000  }
0x57: {  	[sflag:s22] =	ssyncset.done $0x0  }
0x58: {  	[sflag:s22] =	ssyncadd.s32 $0xFFFFC000  }
0x59: {  	_ =	swait.ge [sflag:s23], $0x4000  }
0x5a: {  	[sflag:s23] =	ssyncset.done $0x0  }
0x5b: {  	s29 =	simm.s32 $0x0;
	[sflag:s23] =	ssyncadd.s32 $0xFFFFC000  }
0x5c: {  	v6 =	vld [tilespmem:s29+$0x16000]  }
0x5d: {  	v11 =	vld [tilespmem:s29+$0x16010]  }
0x5e: {  	v5 =	vld [tilespmem:s29+$0x16020]  }
0x5f: {  	v4 =	vld [tilespmem:s29+$0x16030]  }
0x60: {  	v3 =	vld [tilespmem:s29+$0x16040]  }
0x61: {  	v2 =	vld [tilespmem:s29+$0x16050]  }
0x62: {  	v1 =	vld [tilespmem:s29+$0x16060]  }
0x63: {  	v0 =	vld [tilespmem:s29+$0x16070]  }
0x64: {  	v12 =	vld [tilespmem:s29+$0x12000]  }
0x65: {  	v13 =	vld [tilespmem:s29+$0x12010]  }
0x66: {  	v10 =	vld [tilespmem:s29+$0x12020]  }
0x67: {  	v9 =	vld [tilespmem:s29+$0x12030]  }
0x68: {  	v8 =	vld [tilespmem:s29+$0x12040]  }
0x69: {  	v7 =	vld [tilespmem:s29+$0x12050];
	v12 =	vadd.f32 v6, v12  }
0x6a: {  	s30 =	simm.s32 $0x200;
	v11 =	vadd.f32 v11, v13;
	v6 =	vld [tilespmem:s29+$0x12060]  }
.LBB2_5:
0x6b: {  	s0 =	sshra.s32 s30, $0x2;
	p0 =	sne.s32 s30, $0xFE00;
	v12 =	vmax.f32 v12, $0.0e+00;
	v5 =	vadd.f32 v5, v10;
	v10 =	vld [tilespmem:s29+$0x12070]  }
0x6c: {  	v13 =	vld [tilespmem:s0+$0x16000];
	[tilespmem:s29+$0x12000] =	vst v12;
	v11 =	vmax.f32 v11, $0.0e+00;
	v4 =	vadd.f32 v4, v9  }
0x6d: {  	v14 =	vld [tilespmem:s0+$0x16010];
	[tilespmem:s29+$0x12010] =	vst v11;
	v9 =	vmax.f32 v5, $0.0e+00;
	v3 =	vadd.f32 v3, v8  }
0x6e: {  	v5 =	vld [tilespmem:s0+$0x16020];
	[tilespmem:s29+$0x12020] =	vst v9;
	v8 =	vmax.f32 v4, $0.0e+00;
	v2 =	vadd.f32 v2, v7  }
0x6f: {  	v4 =	vld [tilespmem:s0+$0x16030];
	[tilespmem:s29+$0x12030] =	vst v8;
	v7 =	vmax.f32 v3, $0.0e+00;
	v1 =	vadd.f32 v1, v6  }
0x70: {  	v3 =	vld [tilespmem:s0+$0x16040];
	[tilespmem:s29+$0x12040] =	vst v7;
	v6 =	vmax.f32 v2, $0.0e+00;
	v0 =	vadd.f32 v0, v10  }
0x71: {  	v2 =	vld [tilespmem:s0+$0x16050];
	[tilespmem:s29+$0x12050] =	vst v6;
	v6 =	vmax.f32 v1, $0.0e+00  }
0x72: {  	v1 =	vld [tilespmem:s0+$0x16060];
	[tilespmem:s29+$0x12060] =	vst v6;
	v6 =	vmax.f32 v0, $0.0e+00  }
0x73: {  	v0 =	vld [tilespmem:s0+$0x16070];
	[tilespmem:s29+$0x12070] =	vst v6;
	s29 =	smov.u32 s0  }
0x74: {  	v6 =	vld [tilespmem:s29+$0x12000]  }
0x75: {  	v11 =	vld [tilespmem:s29+$0x12010]  }
.Ltmp1:
0x76: {  	v10 =	vld [tilespmem:s29+$0x12020];
	(pc) =	sbr.rel @p0 .LBB2_5-.Ltmp1, $4  }
0x77: {  	v9 =	vld [tilespmem:s29+$0x12030]  }
0x78: {  	v8 =	vld [tilespmem:s29+$0x12040]  }
0x79: {  	v12 =	vadd.f32 v13, v6;
	v7 =	vld [tilespmem:s29+$0x12050]  }
0x7a: {  	s30 =	sadd.s32 $0x200, s30;
	v11 =	vadd.f32 v14, v11;
	v6 =	vld [tilespmem:s29+$0x12060]  }
0x7b: {  	v12 =	vmax.f32 v12, $0.0e+00;
	v5 =	vadd.f32 v5, v10;
	v63 =	vld [tilespmem:s29+$0x12070]  }
0x7c: {  	[tilespmem:s29+$0x12000] =	vst v12;
	v11 =	vmax.f32 v11, $0.0e+00;
	v4 =	vadd.f32 v4, v9  }
0x7d: {  	[tilespmem:s29+$0x12010] =	vst v11;
	v5 =	vmax.f32 v5, $0.0e+00;
	v3 =	vadd.f32 v3, v8  }
0x7e: {  	[tilespmem:s29+$0x12020] =	vst v5;
	v4 =	vmax.f32 v4, $0.0e+00;
	v2 =	vadd.f32 v2, v7  }
0x7f: {  	[tilespmem:s29+$0x12030] =	vst v4;
	v3 =	vmax.f32 v3, $0.0e+00;
	v1 =	vadd.f32 v1, v6  }
0x80: {  	s0 =	sadd.s32 s13, s28;
	[tilespmem:s29+$0x12040] =	vst v3;
	v2 =	vmax.f32 v2, $0.0e+00;
	v0 =	vadd.f32 v0, v63  }
0x81: {  	s26 =	sadd.s32 $0x1, s26;
	s0 =	sshll.u32 s0, $0xB;
	[tilespmem:s29+$0x12050] =	vst v2;
	v1 =	vmax.f32 v1, $0.0e+00  }
0x82: {  	p0 =	sne.s32 s26, s12;
	s0 =	sand.u32 $0x1FFFF800, s0;
	[tilespmem:s29+$0x12060] =	vst v1;
	v0 =	vmax.f32 v0, $0.0e+00  }
.Ltmp2:
0x83: {  	s0 =	sadd.s32 s5, s0;
	[tilespmem:s29+$0x12070] =	vst v0;
	(pc) =	sbr.rel @p0 .LBB2_2-.Ltmp2, $4  }
0x84: {  	[hbm4b:s0+s2] =	stream.linear.scatter [tilespmem:s24], [sflag:$0x5], $0x4000, $0x38;
	[tilespmem:$0x1A000] =	vst v63  }
0x85: {  	_ =	swait.ge [sflag:s15], $0x4000  }
0x86: {  	[sflag:s15] =	ssyncset.done $0x0  }
0x87: {  	[sflag:s15] =	ssyncadd.s32 $0xFFFFC000  }
0x88: {  	s25 =	sadd.s32 $0x1, s25  }
0x89: {  	p0 =	sne.s32 s25, s14  }
.Ltmp3:
0x8a: {  	_ = 	snop;
	(pc) =	sbr.rel @p0 .LBB2_1-.Ltmp3, $1  }
0x8b: {  	_ =	sdelay $0x3  }
0x8c: {  	_ =	sfence.sel $0x180000  }
0x8d: {  	[bflag:$0x0] =	sbarrier.arrive $0xFFFF  }
0x8e: {  	_ =	strace $0x90000056  }
0x8f: {  	[bflag:$0x2] =	sbarrier.arrive $0xFFFF  }
0x90: {  	p0 =	sne.s32 s1, $0x0;
	s0 =	rddreg [dreg:$0x1]  }
0x91: {  	s0 =	sadd.s32 @!p0 $0x100000, s0  }
0x92: {  	[sflag:s0] =	ssyncadd.tile.s32 @!p0 $0x1;
	_ =	shalt  }
.Lfunc_end2:
_tile_overlayer_lowered:
.L_overlay_start_2:
0x93: {  	(tag) =	ssettag $0x2  }
0x94: {  	s0 =	rddreg [dreg:$0x0];
	s2 =	stileid.u32  }
0x95: {  	s1 =	rddreg [dreg:$0x1];
	p0 =	sne.s32 s2, $0x0  }
0x96: {  	s3 =	rddreg [dreg:$0x2];
	[bflag:$0x3] =	sbarrier.arrive $0xFFFF;
	s2 =	simm.s32 @!p0 $0x1C05  }
0x97: {  	[timem:s3], [sflag:s2] =	dma.local @!p0 [hbm:s0], s1  }
0x98: {  	s0 =	simm.s32 @!p0 $0x5  }
0x99: {  	_ =	swait.ge @!p0 [sflag:s0], s1  }
0x9a: {  	s1 =	ssub.s32 @!p0 $0x0, s1;
	[sflag:s0] =	ssyncset.done @!p0 $0x0  }
0x9b: {  	[sflag:s0] =	ssyncadd.s32 @!p0 s1  }
0x9c: {  	[bflag:$0x3] =	sbarrier.arrive $0xFFFF  }
0x9d: {  	_ =	shalt  }

// kernel: kernel.39.cloned.1.call-start
scs
__scs_entry_jumppad:
0x0: {  	(pc) =	sbr.rel $0x88, $3  }
0x1: {  	(tag) =	ssettag $0x0;
	lr =	simm.s32 $0x1  }
0x2: {  	[smem:$0x3F6B] =	sst lr;
	_ =	strace $0xD0000000  }
0x3: {  	_ = 	snop  }
0x4: {  	_ = 	snop  }
0x5: {  	_ = 	snop  }
0x6: {  	_ = 	snop  }
0x7: {  	_ = 	snop  }
__scs_overlays_trampoline_lowered:
0x8: {  	[smem:$0x3F7A] =	sst s0  }
0x9: {  	[smem:$0x3F7B] =	sst s1  }
0xa: {  	[smem:$0x3F7C] =	sst s2  }
0xb: {  	[smem:$0x3F7D] =	sst s3  }
0xc: {  	[smem:$0x3F7E] =	sst s4  }
0xd: {  	[smem:$0x3F7F] =	sst s5  }
0xe: {  	[smem:$0x3F80] =	sst s6  }
0xf: {  	[smem:$0x3F81] =	sst s7  }
0x10: {  	[smem:$0x3F82] =	sst s8  }
0x11: {  	[smem:$0x3F83] =	sst s9;
	s0 =	simm.s32 @!p0 $0x0  }
0x12: {  	s1 =	sld [smem:$0x3F69];
	s0 =	simm.s32 @p0 $0x1  }
0x13: {  	[smem:$0x3F84] =	sst s0;
	s0 =	simm.s32 @!p1 $0x0  }
0x14: {  	s2 =	sld [smem:$0x3F68];
	s0 =	simm.s32 @p1 $0x1  }
0x15: {  	[smem:$0x3F85] =	sst s0;
	s0 =	simm.s32 @!p2 $0x0  }
0x16: {  	s3 =	sld [smem:$0x3FDB];
	s0 =	simm.s32 @p2 $0x1  }
0x17: {  	s4 =	simm.s32 $0x1BF5;
	[smem:$0x3F87] =	sst s0  }
0x18: {  	s0 =	sld [smem:$0x3F6A];
	_ =	swait.ge [sflag:s4], $0x0  }
0x19: {  	s7 =	sld [smem:$0x3F6B]  }
0x1a: {  	s8 =	sadd.s32 $0xFFFFE003, lr  }
0x1b: {  	s9 =	sadd.s32 $0xFFFFFEF7, lr;
	s5 =	simm.s32 $0xFFFFFFFF;
	p2 =	slt.u32 s8, $0xFFFFF086  }
0x1c: {  	p1 =	slt.u32 s9, $0xF7A;
	s5 =	simm.s32 @!p2 $0x0  }
0x1d: {  	s5 =	simm.s32 @p1 $0x1;
	p0 =	seq.s32 s7, s2  }
0x1e: {  	s7 =	smul.u32 @!p0 $0xF7A, s2;
	p2 =	seq.s32 @!p0 s5, $0x0  }
0x1f: {  	s9 =	smul.u32 $0xF7A, s1;
	s8 =	simm.s32 @!p0 $0x1BF5;
	p2 =	por !p2, p0  }
0x20: {  	[sflag:s8] =	ssyncset.s32 @!p0 $0xFFFFF086;
	s6 =	sadd.s32 @!p0 s3, s7;
	s7 =	simm.s32 @!p0 $0x108  }
0x21: {  	s3 =	sadd.s32 s3, s9;
	s6 =	sadd.s32 @!p0 $0x88, s6;
	s7 =	simm.s32 @p2 $0x1082  }
0x22: {  	[simem:s7], [sflag:s8] =	dma.local @!p0 [hbm:s6], $0xF7A  }
0x23: {  	s9 =	sor.u32 $0xD0000000, s2;
	s6 =	simm.s32 $0x108;
	_ =	swait.ge @!p0 [sflag:s8], $0x0  }
0x24: {  	s3 =	sadd.s32 $0x88, s3;
	s6 =	simm.s32 @!p1 $0x1082;
	[sflag:s4] =	ssyncset.s32 $0xFFFFF086  }
0x25: {  	[simem:s6], [sflag:s4] =	dma.local [hbm:s3], $0xF7A  }
0x26: {  	[smem:$0x3F6B] =	sst s1;
	(tag) =	ssettag s2;
	_ =	strace s9  }
0x27: {  	s1 =	sld [smem:$0x3F7B]  }
0x28: {  	s2 =	sld [smem:$0x3F7C]  }
0x29: {  	s4 =	sld [smem:$0x3F7E]  }
0x2a: {  	p0 =	seq.s32 s5, $0x0;
	s5 =	sld [smem:$0x3F7F]  }
0x2b: {  	s6 =	sld [smem:$0x3F80]  }
0x2c: {  	s7 =	sld [smem:$0x3F81]  }
0x2d: {  	s3 =	simm.s32 $0x108;
	s8 =	sld [smem:$0x3F82]  }
0x2e: {  	s3 =	simm.s32 @!p0 $0x1082;
	s9 =	sld [smem:$0x3F83]  }
0x2f: {  	lr =	sadd.s32 s0, s3;
	s0 =	sld [smem:$0x3F7A]  }
0x30: {  	s3 =	sld [smem:$0x3F7D]  }
0x31: {  	[smem:$0x3F86] =	sst s10  }
0x32: {  	s10 =	sld [smem:$0x3F84];
	_ =	sdelay $0x3  }
0x33: {  	p0 =	seq.s32 s10, $0x1;
	s10 =	sld [smem:$0x3F86];
	_ =	sdelay $0x3  }
0x34: {  	[smem:$0x3F86] =	sst s10  }
0x35: {  	s10 =	sld [smem:$0x3F85];
	_ =	sdelay $0x3  }
0x36: {  	p1 =	seq.s32 s10, $0x1;
	s10 =	sld [smem:$0x3F86];
	_ =	sdelay $0x3  }
0x37: {  	[smem:$0x3F86] =	sst s10  }
0x38: {  	s10 =	sld [smem:$0x3F87]  }
0x39: {  	_ = 	snop;
	(pc) =	sbr.ind lr, $3  }
0x3a: {  	_ = 	snop  }
0x3b: {  	_ = 	snop  }
0x3c: {  	p2 =	seq.s32 s10, $0x1;
	s10 =	sld [smem:$0x3F86]  }
0x3d: {  	_ =	shalt  }
0x3e: {  	_ =	shalt  }
0x3f: {  	_ =	shalt  }
0x40: {  	_ =	shalt  }
0x41: {  	_ =	shalt  }
0x42: {  	_ =	shalt  }
0x43: {  	_ =	shalt  }
0x44: {  	_ =	shalt  }
0x45: {  	_ =	shalt  }
0x46: {  	_ =	shalt  }
0x47: {  	_ =	shalt  }
0x48: {  	_ =	shalt  }
0x49: {  	_ =	shalt  }
0x4a: {  	_ =	shalt  }
0x4b: {  	_ =	shalt  }
0x4c: {  	_ =	shalt  }
0x4d: {  	_ =	shalt  }
0x4e: {  	_ =	shalt  }
0x4f: {  	_ =	shalt  }
0x50: {  	_ =	shalt  }
0x51: {  	_ =	shalt  }
0x52: {  	_ =	shalt  }
0x53: {  	_ =	shalt  }
0x54: {  	_ =	shalt  }
0x55: {  	_ =	shalt  }
0x56: {  	_ =	shalt  }
0x57: {  	_ =	shalt  }
0x58: {  	_ =	shalt  }
0x59: {  	_ =	shalt  }
0x5a: {  	_ =	shalt  }
0x5b: {  	_ =	shalt  }
0x5c: {  	_ =	shalt  }
0x5d: {  	_ =	shalt  }
0x5e: {  	_ =	shalt  }
0x5f: {  	_ =	shalt  }
0x60: {  	_ =	shalt  }
0x61: {  	_ =	shalt  }
0x62: {  	_ =	shalt  }
0x63: {  	_ =	shalt  }
0x64: {  	_ =	shalt  }
0x65: {  	_ =	shalt  }
0x66: {  	_ =	shalt  }
0x67: {  	_ =	shalt  }
0x68: {  	_ =	shalt  }
0x69: {  	_ =	shalt  }
0x6a: {  	_ =	shalt  }
0x6b: {  	_ =	shalt  }
0x6c: {  	_ =	shalt  }
0x6d: {  	_ =	shalt  }
0x6e: {  	_ =	shalt  }
0x6f: {  	_ =	shalt  }
0x70: {  	_ =	shalt  }
0x71: {  	_ =	shalt  }
0x72: {  	_ =	shalt  }
0x73: {  	_ =	shalt  }
0x74: {  	_ =	shalt  }
0x75: {  	_ =	shalt  }
0x76: {  	_ =	shalt  }
0x77: {  	_ =	shalt  }
0x78: {  	_ =	shalt  }
0x79: {  	_ =	shalt  }
0x7a: {  	_ =	shalt  }
0x7b: {  	_ =	shalt  }
0x7c: {  	_ =	shalt  }
0x7d: {  	_ =	shalt  }
0x7e: {  	_ =	shalt  }
0x7f: {  	_ =	shalt  }
0x80: {  	_ =	shalt  }
0x81: {  	_ =	shalt  }
0x82: {  	_ =	shalt  }
0x83: {  	_ =	shalt  }
0x84: {  	_ =	shalt  }
0x85: {  	_ =	shalt  }
0x86: {  	_ =	shalt  }
0x87: {  	_ =	shalt  }
.Lfunc_end0:
.L_simem_size_0:
called_computation.6_lowered:
.L_overlay_start_0:
0x88: {  	s2 =	sld [smem:$0x3FD9]  }
0x89: {  	s3 =	sld [smem:$0x3FFE];
	_ =	sdelay $0x1  }
0x8a: {  	s1 =	srdreg.scid  }
0x8b: {  	s0 =	sand.u32 $0x1, s1  }
0x8c: {  	s16 =	sshll.u32 s0, $0xA;
	s2 =	sadd.s32 s3, s2  }
0x8d: {  	s2 =	sadd.s32 s2, s16  }
0x8e: {  	[smem:$0x3F92] =	sst s2  }
0x8f: {  	_ = 	snop  }
0x90: {  	(tm) =	ssettm $0x1  }
0x91: {  	s17 =	sld [smem:$0x3FFB];
	_ =	sdelay $0x3  }
0x92: {  	_ =	strace s17  }
0x93: {  	s2 =	sld [smem:$0x3FFC];
	_ =	sdelay $0x3  }
0x94: {  	_ =	strace s2  }
0x95: {  	s2 =	sld [smem:$0x3FFD];
	_ =	sdelay $0x3  }
0x96: {  	_ =	strace s2  }
0x97: {  	_ =	strace $0x8FFFFFFF  }
0x98: {  	s18 =	sld [smem:$0x3FDB];
	_ =	sdelay $0x1  }
0x99: {  	s19 =	simm.s32 $_scs_section_size  }
0x9a: {  	s4 =	simm.s32 $_size__tile_overlayer_lowered;
	s5 =	simm.s32 $_tile_overlayer_lowered  }
0x9b: {  	s22 =	simm.s32 $0x1BFF;
	s21 =	sshll.u32 s5, $0x1;
	s2 =	sadd.s32 s19, s18  }
0x9c: {  	s6 =	simm.s32 $0x0;
	s20 =	sshll.u32 s4, $0x1;
	s4 =	sadd.s32 s21, s2  }
0x9d: {  	[timem:s6], [sflag:s22] =	dma.local [hbm:s4], s20  }
0x9e: {  	_ =	swait.ge [sflag:s22], s20  }
0x9f: {  	s3 =	ssub.s32 $0x0, s20;
	[sflag:s22] =	ssyncset.done $0x0  }
0xa0: {  	[sflag:s22] =	ssyncadd.s32 s3;
	_ =	sdelay $0x1  }
0xa1: {  	s23 =	simm.s32 $0x1B8B  }
0xa2: {  	_ =	swait.ge [sflag:s23], $0x1  }
0xa3: {  	[sflag:s23] =	ssyncset.done $0x0  }
0xa4: {  	s25 =	simm.s32 $0x1B8E;
	s24 =	sld [smem:$0x3FFE];
	[sflag:s23] =	ssyncadd.s32 $0xFFFFFFFF  }
0xa5: {  	s26 =	simm.s32 $execute0_lowered;
	[smem:$0x3FD2] =	sst s25  }
0xa6: {  	s4 =	sshll.u32 s26, $0x1;
	_ =	strace $0x80000058;
	[dreg:$0x1] =	wrdreg $0xFFFFFFFF  }
0xa7: {  	s28 =	simm.s32 $_size_execute0_lowered;
	s2 =	sadd.s32 s2, s4;
	[dreg:$0x0] =	wrdreg $0x0  }
0xa8: {  	s4 =	sshll.u32 s28, $0x1;
	[dreg:$0x2] =	wrdreg s2  }
0xa9: {  	[dreg:$0x3] =	wrdreg s4  }
0xaa: {  	[dreg:$0x4] =	wrdreg $0xC0  }
0xab: {  	_ =	task [dreg:s6], $0x5FFFF  }
0xac: {  	[dreg:$0x1] =	wrdreg $0xFFFFFFFF  }
0xad: {  	[dreg:$0x0] =	wrdreg $0x60  }
0xae: {  	[dreg:$0x2] =	wrdreg s24  }
0xaf: {  	[dreg:$0x3] =	wrdreg $0x0  }
0xb0: {  	[dreg:$0x4] =	wrdreg $0x9  }
0xb1: {  	_ =	task.clear_ibuf [dreg:s6], $0x5FFFF;
	_ =	strace $0x90000058  }
0xb2: {  	s29 =	simm.s32 $0x9;
	_ =	strace $0x8000005A  }
0xb3: {  	_ =	swait.ge [sflag:s29], $0x1  }
0xb4: {  	[sflag:s29] =	ssyncadd.s32 $0xFFFFFFFF  }
0xb5: {  	_ =	strace $0x9000005A  }
0xb6: {  	_ =	sfence  }
0xb7: {  	s30 =	sld [smem:$0x0];
	_ =	sdelay $0x2  }
0xb8: {  	s31 =	sshll.u32 s1, $0xD;
	s1 =	sshrl.u32 s1, $0x2  }
0xb9: {  	s3 =	sand.u32 $0x4000, s31;
	s1 =	sadd.s32 s1, s30  }
0xba: {  	s0 =	sor.u32 s3, s0;
	s1 =	sshll.u32 s1, $0x11  }
0xbb: {  	s0 =	sor.u32 s1, s0  }
0xbc: {  	s0 =	sadd.s32 $0x8F2B, s0  }
0xbd: {  	[sflag:s0] =	ssyncadd.remote.s32 $0x1  }
0xbe: {  	_ =	sfence.sel $0xFFFF  }
0xbf: {  	[dreg:$0x0] =	wrdreg $0xFFFFFFFF;
	(pc) =	sbr.abs _section_cstart, $3  }
0xc0: {  	[dreg:$0x1] =	wrdreg $0xFFFFFFFF  }
0xc1: {  	_ =	task.clear_ibuf [dreg:s6], $0x2FFFF;
	_ =	strace $0x9FFFFFFF  }
0xc2: {  	(tm) =	ssettm $0x7FFFFFFF  }
0xc3: {  	_ =	shalt  }
tec
execute0_lowered:
.L_overlay_start_1:
0x0: {  	(tag) =	ssettag $0x1  }
0x1: {  	s1 =	srdreg.scid;
	s4 =	rddreg [dreg:$0x0]  }
0x2: {  	s0 =	stileid.u32;
	s2 =	rddreg [dreg:$0x1];
	s3 =	simm.s32 $0x0  }
0x3: {  	s15 =	simm.s32 $0x16800;
	s16 =	simm.s32 $0x1A800;
	s17 =	simm.s32 $0x1  }
0x4: {  	s18 =	simm.s32 $0x80;
	s19 =	simm.s32 $0x2;
	s20 =	simm.s32 $0x16700  }
0x5: {  	s21 =	simm.s32 $0x16780;
	s22 =	simm.s32 $0x0;
	s8 =	smul.u32 $0x14000, s0  }
0x6: {  	s5 =	sand.u32 $0x1, s1;
	s1 =	rddreg [dreg:$0x2];
	s25 =	smul.u32 $0x50000, s0  }
0x7: {  	s24 =	sshll.u32 s0, $0x1;
	[smem:$0x7FF] =	sst s3;
	s13 =	smul.u32 $0xA0, s0  }
0x8: {  	s10 =	sadd.s32 $0x61CA00, s4;
	s31 =	sshll.u32 s0, $0x6;
	s9 =	smul.u32 $0x140000, s5  }
0x9: {  	s6 =	sor.u32 s5, s24;
	s12 =	ssub.s32 $0x2, s5;
	s5 =	smul.u32 $0x50, s5  }
0xa: {  	_ =	strace $0x80000059;
	s7 =	smul.u32 $0x500, s6;
	s11 =	sshrl.u32 s8, $0x3  }
0xb: {  	s26 =	sshrl.u32 s12, $0x1;
	s6 =	smul.u32 $0x28000, s6;
	s11 =	sadd.s32 s11, s4  }
0xc: {  	s8 =	sadd.s32 s8, s9;
	s12 =	ssub.s32 s12, s26;
	s9 =	sshrl.u32 s25, $0x2  }
0xd: {  	s28 =	sadd.s32 s5, s13;
	s13 =	sor.u32 $0x1C03, s31;
	s7 =	sadd.s32 s7, s4  }
0xe: {  	s8 =	sshrl.u32 s8, $0x3;
	s14 =	sadd.s32 s9, s2;
	s5 =	sadd.s32 $0x5A4A00, s11  }
0xf: {  	s6 =	sadd.s32 s10, s6;
	s29 =	sshll.u32 s28, $0xB;
	s8 =	sadd.s32 s8, s4  }
0x10: {  	s4 =	sadd.s32 $0x20200, s7;
	s30 =	sadd.s32 s29, s10;
	s9 =	sadd.s32 $0x27800, s6  }
0x11: {  	s14 =	sshrl.u32 s14, $0x3;
	s7 =	sadd.s32 $0x54A00, s8;
	s8 =	smax.u32 s12, $0x1  }
0x12: {  	s10 =	sadd.s32 $0x1000, s30;
	s11 =	sadd.s32 $0x800, s30;
	s12 =	simm.s32 $0x3  }
.LBB2_1:
0x13: {  	s23 =	simm.s32 $0x14000  }
0x14: {  	[tilespmem:s23], [sflag:$0x3] =	stream.linear.gather [hbm4b:s4+s3], $0x2800, $0x38;
	[tilespmem:$0x1E800] =	vst v63  }
0x15: {  	_ =	swait.ge [sflag:s12], $0x2800  }
0x16: {  	[sflag:s12] =	ssyncset.done $0x0  }
0x17: {  	[sflag:s12] =	ssyncadd.s32 $0xFFFFD800  }
0x18: {  	[spmem:s14], [sflag:s13] =	dma.local [hbm:s5], $0x2800  }
0x19: {  	_ =	swait.ge [sflag:s12], $0x2800  }
0x1a: {  	[sflag:s12] =	ssyncset.done $0x0  }
0x1b: {  	[sflag:s12] =	ssyncadd.s32 $0xFFFFD800  }
0x1c: {  	[bflag:$0x0] =	sbarrier.arrive $0xFFFF  }
0x1d: {  	[tilespmem:s15], [sflag:$0x1] =	stream.linear.gather [hbm4b:s6+s3], $0x4000, $0x38;
	[tilespmem:$0x1E800] =	vst v63  }
0x1e: {  	s24 =	sadd.s32 $0x0, s11  }
0x1f: {  	[tilespmem:s16], [sflag:$0x2] =	stream.linear.gather [hbm4b:s24+s3], $0x4000, $0x38;
	[tilespmem:$0x1E800] =	vst v63  }
0x20: {  	_ =	swait.ge [sflag:s17], $0x4000  }
0x21: {  	[sflag:s17] =	ssyncset.done $0x0  }
0x22: {  	[sflag:s17] =	ssyncadd.s32 $0xFFFFC000  }
0x23: {  	[spmem:s2] =	stream.indirect.scatter.add.f32 [tilespmem:s15], [sflag:$0x3], $0x80, s23, s18, $0xb8;
	[tilespmem:$0x1E800] =	vst v63  }
0x24: {  	_ =	swait.ge [sflag:s12], $0x4000  }
0x25: {  	[sflag:s12] =	ssyncset.done $0x0  }
0x26: {  	s30 =	sadd.s32 $0x0, s10;
	[sflag:s12] =	ssyncadd.s32 $0xFFFFC000  }
0x27: {  	[tilespmem:s15], [sflag:$0x1] =	stream.linear.gather [hbm4b:s30+s3], $0x4000, $0x38;
	[tilespmem:$0x1E800] =	vst v63  }
0x28: {  	_ =	swait.ge [sflag:s19], $0x4000  }
0x29: {  	[sflag:s19] =	ssyncset.done $0x0  }
0x2a: {  	s31 =	simm.s32 $0x14080;
	[sflag:s19] =	ssyncadd.s32 $0xFFFFC000  }
0x2b: {  	[spmem:s2] =	stream.indirect.scatter.add.f32 [tilespmem:s16], [sflag:$0x3], $0x80, s31, s18, $0xb8;
	[tilespmem:$0x1E800] =	vst v63  }
0x2c: {  	s25 =	simm.s32 $0x2000;
	_ =	swait.ge [sflag:s12], $0x4000  }
0x2d: {  	s24 =	simm.s32 $0x1000;
	s23 =	simm.s32 $0x14100;
	[sflag:s12] =	ssyncset.done $0x0  }
.LBB2_2:
0x2e: {  	s26 =	sadd.s32 s24, s11  }
0x2f: {  	[sflag:s12] =	ssyncadd.s32 $0xFFFFC000;
	s28 =	smov.u32 s25;
	s29 =	sadd.s32 $0x1000, s25  }
0x30: {  	[tilespmem:s16], [sflag:$0x2] =	stream.linear.gather [hbm4b:s26+s3], $0x4000, $0x38;
	[tilespmem:$0x1E800] =	vst v63  }
0x31: {  	p0 =	sne.s32 s25, $0x26000;
	_ =	swait.ge [sflag:s17], $0x4000  }
0x32: {  	[sflag:s17] =	ssyncset.done $0x0  }
0x33: {  	[sflag:s17] =	ssyncadd.s32 $0xFFFFC000  }
0x34: {  	[spmem:s2] =	stream.indirect.scatter.add.f32 [tilespmem:s15], [sflag:$0x3], $0x80, s23, s18, $0xb8;
	[tilespmem:$0x1E800] =	vst v63  }
0x35: {  	_ =	swait.ge [sflag:s12], $0x4000  }
0x36: {  	[sflag:s12] =	ssyncset.done $0x0  }
0x37: {  	s25 =	sadd.s32 s24, s10;
	s24 =	smov.u32 s28;
	[sflag:s12] =	ssyncadd.s32 $0xFFFFC000  }
0x38: {  	[tilespmem:s15], [sflag:$0x1] =	stream.linear.gather [hbm4b:s25+s3], $0x4000, $0x38;
	[tilespmem:$0x1E800] =	vst v63  }
0x39: {  	_ =	swait.ge [sflag:s19], $0x4000  }
.Ltmp0:
0x3a: {  	[sflag:s19] =	ssyncset.done $0x0;
	(pc) =	sbr.rel @p0 .LBB2_2-.Ltmp0, $4  }
0x3b: {  	s25 =	sadd.s32 $0x80, s23;
	[sflag:s19] =	ssyncadd.s32 $0xFFFFC000  }
0x3c: {  	[spmem:s2] =	stream.indirect.scatter.add.f32 [tilespmem:s16], [sflag:$0x3], $0x80, s25, s18, $0xb8;
	[tilespmem:$0x1E800] =	vst v63  }
0x3d: {  	_ =	swait.ge [sflag:s12], $0x4000  }
0x3e: {  	s23 =	sadd.s32 $0x100, s23;
	s25 =	smov.u32 s29;
	[sflag:s12] =	ssyncset.done $0x0  }
0x3f: {  	s25 =	sadd.s32 s24, s11;
	[sflag:s12] =	ssyncadd.s32 $0xFFFFC000  }
0x40: {  	[tilespmem:s16], [sflag:$0x2] =	stream.linear.gather [hbm4b:s25+s3], $0x4000, $0x38;
	[tilespmem:$0x1E800] =	vst v63  }
0x41: {  	_ =	swait.ge [sflag:s17], $0x4000  }
0x42: {  	[sflag:s17] =	ssyncset.done $0x0  }
0x43: {  	[sflag:s17] =	ssyncadd.s32 $0xFFFFC000  }
0x44: {  	[spmem:s2] =	stream.indirect.scatter.add.f32 [tilespmem:s15], [sflag:$0x3], $0x80, s23, s18, $0xb8;
	[tilespmem:$0x1E800] =	vst v63  }
0x45: {  	_ =	swait.ge [sflag:s12], $0x4000  }
0x46: {  	[sflag:s12] =	ssyncset.done $0x0  }
0x47: {  	s30 =	sadd.s32 s24, s10;
	[sflag:s12] =	ssyncadd.s32 $0xFFFFC000  }
0x48: {  	[tilespmem:s15], [sflag:$0x1] =	stream.linear.gather [hbm4b:s30+s3], $0x4000, $0x38;
	[tilespmem:$0x1E800] =	vst v63  }
0x49: {  	_ =	swait.ge [sflag:s19], $0x4000  }
0x4a: {  	[sflag:s19] =	ssyncset.done $0x0  }
0x4b: {  	s31 =	sadd.s32 $0x80, s23;
	[sflag:s19] =	ssyncadd.s32 $0xFFFFC000  }
0x4c: {  	[spmem:s2] =	stream.indirect.scatter.add.f32 [tilespmem:s16], [sflag:$0x3], $0x80, s31, s18, $0xb8;
	[tilespmem:$0x1E800] =	vst v63  }
0x4d: {  	_ =	swait.ge [sflag:s12], $0x4000  }
0x4e: {  	[sflag:s12] =	ssyncset.done $0x0  }
0x4f: {  	[sflag:s12] =	ssyncadd.s32 $0xFFFFC000  }
0x50: {  	[tilespmem:s16], [sflag:$0x2] =	stream.linear.gather [hbm4b:s9+s3], $0x4000, $0x38;
	[tilespmem:$0x1E800] =	vst v63  }
0x51: {  	_ =	swait.ge [sflag:s17], $0x4000  }
0x52: {  	[sflag:s17] =	ssyncset.done $0x0  }
0x53: {  	[sflag:s17] =	ssyncadd.s32 $0xFFFFC000  }
0x54: {  	[spmem:s2] =	stream.indirect.scatter.add.f32 [tilespmem:s15], [sflag:$0x3], $0x80, s20, s18, $0xb8;
	[tilespmem:$0x1E800] =	vst v63  }
0x55: {  	_ =	swait.ge [sflag:s12], $0x4000  }
0x56: {  	[sflag:s12] =	ssyncset.done $0x0  }
0x57: {  	[sflag:s12] =	ssyncadd.s32 $0xFFFFC000  }
0x58: {  	_ =	swait.ge [sflag:s19], $0x4000  }
0x59: {  	[sflag:s19] =	ssyncset.done $0x0  }
0x5a: {  	[sflag:s19] =	ssyncadd.s32 $0xFFFFC000  }
0x5b: {  	[spmem:s2] =	stream.indirect.scatter.add.f32 [tilespmem:s16], [sflag:$0x3], $0x80, s21, s18, $0xb8;
	[tilespmem:$0x1E800] =	vst v63  }
0x5c: {  	_ =	swait.ge [sflag:s12], $0x4000  }
0x5d: {  	s22 =	sadd.s32 $0x1, s22;
	[sflag:s12] =	ssyncset.done $0x0  }
0x5e: {  	p0 =	sne.s32 s22, s8;
	[sflag:s12] =	ssyncadd.s32 $0xFFFFC000  }
.Ltmp1:
0x5f: {  	[bflag:$0x0] =	sbarrier.arrive $0xFFFF;
	(pc) =	sbr.rel @p0 .LBB2_1-.Ltmp1, $4  }
0x60: {  	[hbm:s7], [sflag:s13] =	dma.local [spmem:s14], $0x2800  }
0x61: {  	_ =	swait.ge [sflag:s12], $0x2800  }
0x62: {  	[sflag:s12] =	ssyncset.done $0x0  }
0x63: {  	[sflag:s12] =	ssyncadd.s32 $0xFFFFD800  }
0x64: {  	_ =	sfence.sel $0x180000  }
0x65: {  	[bflag:$0x0] =	sbarrier.arrive $0xFFFF  }
0x66: {  	p0 =	sne.s32 s0, $0x0;
	_ =	strace $0x90000059  }
0x67: {  	s0 =	sadd.s32 @!p0 $0x100000, s1;
	[bflag:$0x2] =	sbarrier.arrive $0xFFFF  }
0x68: {  	[sflag:s0] =	ssyncadd.tile.s32 @!p0 $0x1;
	_ =	shalt  }
.Lfunc_end2:
_tile_overlayer_lowered:
.L_overlay_start_2:
0x69: {  	(tag) =	ssettag $0x2  }
0x6a: {  	s0 =	rddreg [dreg:$0x0];
	s2 =	stileid.u32  }
0x6b: {  	s1 =	rddreg [dreg:$0x1];
	p0 =	sne.s32 s2, $0x0  }
0x6c: {  	s3 =	rddreg [dreg:$0x2];
	[bflag:$0x3] =	sbarrier.arrive $0xFFFF;
	s2 =	simm.s32 @!p0 $0x1C03  }
0x6d: {  	[timem:s3], [sflag:s2] =	dma.local @!p0 [hbm:s0], s1  }
0x6e: {  	s0 =	simm.s32 @!p0 $0x3  }
0x6f: {  	_ =	swait.ge @!p0 [sflag:s0], s1  }
0x70: {  	s1 =	ssub.s32 @!p0 $0x0, s1;
	[sflag:s0] =	ssyncset.done @!p0 $0x0  }
0x71: {  	[sflag:s0] =	ssyncadd.s32 @!p0 s1  }
0x72: {  	[bflag:$0x3] =	sbarrier.arrive $0xFFFF  }
0x73: {  	_ =	shalt  }

</sc_bundles>
